<compile_context>
chip_gen: v7x
topology: tpu7x:2x2x1
jax: 0.10.2.dev20260603
libtpu: 0.0.44.dev20260713+nightly
codegen_flags: <defaults>
</compile_context>

<pallas_src>
import functools

import jax
import jax.numpy as jnp
from jax import lax
from jax.experimental import pallas as pl
from jax.experimental.pallas import tpu as pltpu
from jax.experimental.pallas import tpu_sc as plsc

N = 10000
D = 128
E = 320000
EL = 32768

NC = 2
NS = 16
BATCH = 80
M = 260
EPW = BATCH * M
EPAD = EPW * NS
C = 4

ACC_R = N + 8
RPS = 624
TAIL_OFF = RPS * NS
TAIL = N - TAIL_OFF

ELW = EL // (NC * NS)

_f32 = jnp.float32


def _seg_sum_body(with_deg, y_t, y_m, ps0, pd0, ps1, pd1, zeros_nd, zeros_n,
                  out_sum, out_deg,
                  src_c, dst_c, dstp_v, rows_v, ones_v, deg_c,
                  acc_sh, deg_sh, sem, ssem):
    cid = lax.axis_index("c")
    sid = lax.axis_index("s")
    ebase = sid * EPW

    if with_deg:
        for i in range(BATCH // 16):
            ones_v[pl.ds(i * 16, 16)] = jnp.ones((16,), _f32)

    pltpu.sync_copy(zeros_nd.at[pl.ds(sid * RPS, RPS), :],
                    acc_sh.at[pl.ds(sid * RPS, RPS), :])
    if with_deg:
        pltpu.sync_copy(zeros_n.at[pl.ds(0, RPS)], deg_c)
        pltpu.sync_copy(deg_c, deg_sh.at[pl.ds(sid * RPS, RPS)])

    @pl.when(sid == 0)
    def _():
        pltpu.sync_copy(zeros_nd.at[pl.ds(TAIL_OFF, TAIL), :],
                        acc_sh.at[pl.ds(TAIL_OFF, TAIL), :])
        if with_deg:
            pltpu.sync_copy(deg_c.at[pl.ds(0, TAIL)],
                            deg_sh.at[pl.ds(TAIL_OFF, TAIL)])

    plsc.subcore_barrier()

    def run_dir(y_ref, src_e, dst_e):
        def wait_scatter(s):
            pltpu.make_async_copy(rows_v.at[s], acc_sh.at[dstp_v.at[s]],
                                  ssem.at[s]).wait()
            if with_deg:
                pltpu.make_async_copy(ones_v, deg_sh.at[dstp_v.at[s]],
                                      ssem.at[s]).wait()

        def body(k, carry):
            base = ebase + k * C * BATCH

            @pl.when(k > 0)
            def _():
                for j in range(C):
                    wait_scatter(j)

            pltpu.sync_copy(src_e.at[pl.ds(base, C * BATCH)], src_c)
            pltpu.sync_copy(dst_e.at[pl.ds(base, C * BATCH)], dst_c)
            for j in range(C):
                pltpu.async_copy(y_ref.at[src_c.at[pl.ds(j * BATCH, BATCH)]],
                                 rows_v.at[j], sem.at[j])

            for j in range(C):
                pltpu.make_async_copy(
                    y_ref.at[src_c.at[pl.ds(j * BATCH, BATCH)]],
                    rows_v.at[j], sem.at[j]).wait()
                for i in range(BATCH // 16):
                    dstp_v[j, pl.ds(i * 16, 16)] = dst_c[
                        pl.ds(j * BATCH + i * 16, 16)]
                pltpu.async_copy(rows_v.at[j], acc_sh.at[dstp_v.at[j]],
                                 ssem.at[j], add=True)
                if with_deg:
                    pltpu.async_copy(ones_v, deg_sh.at[dstp_v.at[j]],
                                     ssem.at[j], add=True)
            return carry

        lax.fori_loop(0, M // C, body, 0)
        for j in range(C):
            wait_scatter(j)

    @pl.when(cid == 0)
    def _():
        run_dir(y_t, ps0, pd0)

    @pl.when(cid == 1)
    def _():
        run_dir(y_m, ps1, pd1)

    plsc.subcore_barrier()

    r0 = cid * N
    pltpu.sync_copy(acc_sh.at[pl.ds(sid * RPS, RPS), :],
                    out_sum.at[pl.ds(r0 + sid * RPS, RPS), :])
    if with_deg:
        pltpu.sync_copy(deg_sh.at[pl.ds(sid * RPS, RPS)], deg_c)
        pltpu.sync_copy(deg_c, out_deg.at[pl.ds(r0 + sid * RPS, RPS)])

    @pl.when(sid == 0)
    def _():
        pltpu.sync_copy(acc_sh.at[pl.ds(TAIL_OFF, TAIL), :],
                        out_sum.at[pl.ds(r0 + TAIL_OFF, TAIL), :])
        if with_deg:
            pltpu.sync_copy(deg_sh.at[pl.ds(TAIL_OFF, TAIL)],
                            deg_c.at[pl.ds(0, TAIL)])
            pltpu.sync_copy(deg_c.at[pl.ds(0, TAIL)],
                            out_deg.at[pl.ds(r0 + TAIL_OFF, TAIL)])


_mesh = plsc.VectorSubcoreMesh(core_axis_name="c", subcore_axis_name="s")

_seg_sum_kernel = functools.partial(
    pl.kernel,
    mesh=_mesh,
    out_type=[
        jax.ShapeDtypeStruct((2 * N, D), _f32),
        jax.ShapeDtypeStruct((2 * N,), _f32),
    ],
    scratch_types=[
        pltpu.VMEM((C * BATCH,), jnp.int32),
        pltpu.VMEM((C * BATCH,), jnp.int32),
        pltpu.VMEM((C, BATCH), jnp.int32),
        pltpu.VMEM((C, BATCH, D), _f32),
        pltpu.VMEM((BATCH,), _f32),
        pltpu.VMEM((RPS,), _f32),
        pltpu.VMEM_SHARED((ACC_R, D), _f32),
        pltpu.VMEM_SHARED((ACC_R,), _f32),
        pltpu.SemaphoreType.DMA((C,)),
        pltpu.SemaphoreType.DMA((C,)),
    ],
)

_seg_sum = _seg_sum_kernel(functools.partial(_seg_sum_body, True))
_seg_sum_nd = _seg_sum_kernel(functools.partial(_seg_sum_body, False))


GB = 128
GCH = ELW // GB


@functools.partial(
    pl.kernel,
    mesh=_mesh,
    out_type=jax.ShapeDtypeStruct((EL,), _f32),
    scratch_types=[
        pltpu.VMEM((ELW,), jnp.int32),
        pltpu.VMEM((ELW,), jnp.int32),
        pltpu.VMEM((ELW,), _f32),
        pltpu.VMEM((ELW,), _f32),
        pltpu.VMEM_SHARED((2 * N,), _f32),
    ],
)
def _pair_gather(ucat, eli0, eli1p, out, i0_v, i1_v, a_v, b_v, u_sh):
    cid = lax.axis_index("c")
    sid = lax.axis_index("s")
    base = (sid * NC + cid) * ELW

    @pl.when(sid == 0)
    def _():
        pltpu.sync_copy(ucat, u_sh)

    pltpu.sync_copy(eli0.at[pl.ds(base, ELW)], i0_v)
    pltpu.sync_copy(eli1p.at[pl.ds(base, ELW)], i1_v)
    plsc.subcore_barrier()

    for j in range(GCH):
        pltpu.sync_copy(u_sh.at[i0_v.at[pl.ds(j * GB, GB)]],
                        a_v.at[pl.ds(j * GB, GB)])
        pltpu.sync_copy(u_sh.at[i1_v.at[pl.ds(j * GB, GB)]],
                        b_v.at[pl.ds(j * GB, GB)])

    def body(k, carry):
        a_v[pl.ds(k * 16, 16)] = (a_v[pl.ds(k * 16, 16)]
                                  + b_v[pl.ds(k * 16, 16)])
        return carry

    lax.fori_loop(0, ELW // 16, body, 0)
    pltpu.sync_copy(a_v, out.at[pl.ds(base, ELW)])


_R = 1000
_G = N // _R


def _dot(a, b):
    return jnp.dot(a, b, preferred_element_type=_f32)


def _tc1_body(x_ref, emb_ref, wtT, bt_ref, wl1tmT, wl1mtT,
              ht_ref, yt_ref, ym_ref):
    h = _dot(x_ref[...], wtT[...]) + bt_ref[...]
    ht_ref[...] = h
    yt_ref[...] = _dot(h, wl1tmT[...])
    ym_ref[...] = _dot(emb_ref[...], wl1mtT[...])


def _tc2_body(sm_ref, st_ref, dm_ref, dt_ref, hm_ref, ht_ref,
              wr1tmT, wr1mtT, wl2tmT, wl2mtT, b1tm_ref, b1mt_ref,
              hm1_ref, ht1_ref, yt2_ref, ym2_ref):
    dm = jnp.maximum(dm_ref[...], 1.0)
    dt = jnp.maximum(dt_ref[...], 1.0)
    hm1 = jax.nn.relu(sm_ref[...] / dm + b1tm_ref[...]
                      + _dot(hm_ref[...], wr1tmT[...]))
    ht1 = jax.nn.relu(st_ref[...] / dt + b1mt_ref[...]
                      + _dot(ht_ref[...], wr1mtT[...]))
    hm1_ref[...] = hm1
    ht1_ref[...] = ht1
    yt2_ref[...] = _dot(ht1, wl2tmT[...])
    ym2_ref[...] = _dot(hm1, wl2mtT[...])


def _tc3_body(sm_ref, st_ref, dm_ref, dt_ref, hm1_ref, ht1_ref,
              wr2tmT, wr2mtT, b2tm_ref, b2mt_ref, wct_ref, wcm_ref, bc_ref,
              ut_ref, um_ref):
    dm = jnp.maximum(dm_ref[...], 1.0)
    dt = jnp.maximum(dt_ref[...], 1.0)
    hm2 = sm_ref[...] / dm + b2tm_ref[...] + _dot(hm1_ref[...], wr2tmT[...])
    ht2 = st_ref[...] / dt + b2mt_ref[...] + _dot(ht1_ref[...], wr2mtT[...])
    ut_ref[...] = _dot(ht2, wct_ref[...]) + bc_ref[...]
    um_ref[...] = _dot(hm2, wcm_ref[...])


def _blk(shape, imap):
    return pl.BlockSpec(shape, imap)


_FULL_W = _blk((D, D), lambda b: (0, 0))
_ROW = _blk((_R, D), lambda b: (b, 0))
_BIAS = _blk((1, D), lambda b: (0, 0))
_COL = _blk((_R, 1), lambda b: (b, 0))
_ROW_M = _blk((_R, D), lambda b: (b, 0))
_ROW_T = _blk((_R, D), lambda b: (b + _G, 0))
_COL_M = _blk((_R, 1), lambda b: (b, 0))
_COL_T = _blk((_R, 1), lambda b: (b + _G, 0))


def kernel(thesis_x, mentor_node_id, edge_index, edge_label_index,
           Wt, bt, emb,
           Wl1_tm, bl1_tm, Wr1_tm, Wl1_mt, bl1_mt, Wr1_mt,
           Wl2_tm, bl2_tm, Wr2_tm, Wl2_mt, bl2_mt, Wr2_mt,
           Wc, bc):
    ei0 = edge_index[0].astype(jnp.int32)
    ei1 = edge_index[1].astype(jnp.int32)
    pad_src = jnp.zeros((EPAD - E,), jnp.int32)
    pad_dst = N + (jnp.arange(EPAD - E, dtype=jnp.int32) % 8)
    ps0 = jnp.concatenate([ei0, pad_src])
    pd0 = jnp.concatenate([ei1, pad_dst])
    ps1 = jnp.concatenate([ei1, pad_src])
    pd1 = jnp.concatenate([ei0, pad_dst])
    zeros_nd = jnp.zeros((N, D), _f32)
    zeros_n = jnp.zeros((N,), _f32)

    bt2 = bt.reshape(1, D)
    b1tm = bl1_tm.reshape(1, D)
    b1mt = bl1_mt.reshape(1, D)
    b2tm = bl2_tm.reshape(1, D)
    b2mt = bl2_mt.reshape(1, D)
    bc2 = bc.reshape(1, 1)

    h_t, y_t1, y_m1 = pl.pallas_call(
        _tc1_body,
        grid=(_G,),
        in_specs=[_ROW, _ROW, _FULL_W, _BIAS, _FULL_W, _FULL_W],
        out_specs=[_ROW, _ROW, _ROW],
        out_shape=[jax.ShapeDtypeStruct((N, D), _f32)] * 3,
    )(thesis_x, emb, Wt.T, bt2, Wl1_tm.T, Wl1_mt.T)

    sum1, deg = _seg_sum(y_t1, y_m1, ps0, pd0, ps1, pd1, zeros_nd, zeros_n)
    deg2 = deg.reshape(2 * N, 1)

    h_m1, h_t1, y_t2, y_m2 = pl.pallas_call(
        _tc2_body,
        grid=(_G,),
        in_specs=[_ROW_M, _ROW_T, _COL_M, _COL_T, _ROW, _ROW,
                  _FULL_W, _FULL_W, _FULL_W, _FULL_W, _BIAS, _BIAS],
        out_specs=[_ROW, _ROW, _ROW, _ROW],
        out_shape=[jax.ShapeDtypeStruct((N, D), _f32)] * 4,
    )(sum1, sum1, deg2, deg2, emb, h_t,
      Wr1_tm.T, Wr1_mt.T, Wl2_tm.T, Wl2_mt.T, b1tm, b1mt)

    sum2, _unused_deg = _seg_sum_nd(y_t2, y_m2, ps0, pd0, ps1, pd1,
                                    zeros_nd, zeros_n)

    u_t, u_m = pl.pallas_call(
        _tc3_body,
        grid=(_G,),
        in_specs=[_ROW_M, _ROW_T, _COL_M, _COL_T, _ROW, _ROW,
                  _FULL_W, _FULL_W, _BIAS, _BIAS,
                  _blk((D, 1), lambda b: (0, 0)), _blk((D, 1), lambda b: (0, 0)),
                  _blk((1, 1), lambda b: (0, 0))],
        out_specs=[_COL, _COL],
        out_shape=[jax.ShapeDtypeStruct((N, 1), _f32)] * 2,
    )(sum2, sum2, deg2, deg2, h_m1, h_t1,
      Wr2_tm.T, Wr2_mt.T, b2tm, b2mt,
      Wc[0, :D].reshape(D, 1), Wc[0, D:].reshape(D, 1), bc2)

    ucat = jnp.concatenate([u_t[:, 0], u_m[:, 0]])
    eli0 = edge_label_index[0].astype(jnp.int32)
    eli1p = edge_label_index[1].astype(jnp.int32) + N

    return _pair_gather(ucat, eli0, eli1p)

# --- scband reference (transcript-rebuilt; emitter-appended) ---
"""Pipeline reference for scband-model-91010357002433 (READ-ONLY COPY).

The authoritative reference and input builder live on the scoring server;
editing this copy changes nothing except your own understanding.
"""

import jax, jax.numpy as jnp
import numpy as np

N_THESIS = 10000
N_MENTOR = 10000
E = 320000
E_LBL = 32768
D = 128  # node_embedding_channels == hidden_channels == thesis_features_dim


def sage_conv(x_src, x_dst, src, dst, Wl, bl, Wr, num_dst):
    # SAGEConv with mean aggregation: out = lin_l(mean_j x_src[j]) + lin_r(x_dst)
    msg = x_src[src]
    summ = jax.ops.segment_sum(msg, dst, num_segments=num_dst)
    deg = jax.ops.segment_sum(jnp.ones((src.shape[0],), dtype=msg.dtype), dst, num_segments=num_dst)
    agg = summ / jnp.maximum(deg, 1.0)[:, None]
    return agg @ Wl.T + bl + x_dst @ Wr.T


def setup_inputs(seed: int = 0) -> dict:
    key = jax.random.key(seed)
    ks = jax.random.split(key, 24)
    s = 1.0 / np.sqrt(D)
    inp = {
        "thesis_x": jax.random.normal(ks[0], (N_THESIS, D), dtype=jnp.float32),
        "mentor_node_id": jnp.arange(N_MENTOR, dtype=jnp.int64 if jax.config.jax_enable_x64 else jnp.int32),
        "edge_index": jax.random.randint(ks[1], (2, E), 0, N_THESIS),
        "edge_label_index": jax.random.randint(ks[2], (2, E_LBL), 0, N_THESIS),
        # thesis input projection
        "Wt": jax.random.uniform(ks[3], (D, D), minval=-s, maxval=s, dtype=jnp.float32),
        "bt": jax.random.uniform(ks[4], (D,), minval=-s, maxval=s, dtype=jnp.float32),
        # mentor embedding table
        "emb": jax.random.normal(ks[5], (N_MENTOR, D), dtype=jnp.float32),
        # layer 1 convs (thesis->mentor and mentor->thesis)
        "Wl1_tm": jax.random.uniform(ks[6], (D, D), minval=-s, maxval=s, dtype=jnp.float32),
        "bl1_tm": jnp.zeros((D,), dtype=jnp.float32),
        "Wr1_tm": jax.random.uniform(ks[7], (D, D), minval=-s, maxval=s, dtype=jnp.float32),
        "Wl1_mt": jax.random.uniform(ks[8], (D, D), minval=-s, maxval=s, dtype=jnp.float32),
        "bl1_mt": jnp.zeros((D,), dtype=jnp.float32),
        "Wr1_mt": jax.random.uniform(ks[9], (D, D), minval=-s, maxval=s, dtype=jnp.float32),
        # layer 2 convs
        "Wl2_tm": jax.random.uniform(ks[10], (D, D), minval=-s, maxval=s, dtype=jnp.float32),
        "bl2_tm": jnp.zeros((D,), dtype=jnp.float32),
        "Wr2_tm": jax.random.uniform(ks[11], (D, D), minval=-s, maxval=s, dtype=jnp.float32),
        "Wl2_mt": jax.random.uniform(ks[12], (D, D), minval=-s, maxval=s, dtype=jnp.float32),
        "bl2_mt": jnp.zeros((D,), dtype=jnp.float32),
        "Wr2_mt": jax.random.uniform(ks[13], (D, D), minval=-s, maxval=s, dtype=jnp.float32),
        # classifier: Linear(2D -> 1)
        "Wc": jax.random.uniform(ks[14], (1, 2 * D), minval=-1.0 / np.sqrt(2 * D), maxval=1.0 / np.sqrt(2 * D), dtype=jnp.float32),
        "bc": jax.random.uniform(ks[15], (1,), minval=-1.0 / np.sqrt(2 * D), maxval=1.0 / np.sqrt(2 * D), dtype=jnp.float32),
    }
    return inp


def reference(thesis_x, mentor_node_id, edge_index, edge_label_index,
              Wt, bt, emb,
              Wl1_tm, bl1_tm, Wr1_tm, Wl1_mt, bl1_mt, Wr1_mt,
              Wl2_tm, bl2_tm, Wr2_tm, Wl2_mt, bl2_mt, Wr2_mt,
              Wc, bc):
    # input encoders
    h_t = thesis_x @ Wt.T + bt
    h_m = jnp.take(emb, mentor_node_id, axis=0)

    src_t, dst_m = edge_index[0], edge_index[1]  # thesis -> mentor
    # reverse edges: mentor -> thesis
    src_m, dst_t = edge_index[1], edge_index[0]

    # hetero GraphSAGE layer 1 (+ relu)
    out_m = sage_conv(h_t, h_m, src_t, dst_m, Wl1_tm, bl1_tm, Wr1_tm, N_MENTOR)
    out_t = sage_conv(h_m, h_t, src_m, dst_t, Wl1_mt, bl1_mt, Wr1_mt, N_THESIS)
    h_m = jax.nn.relu(out_m)
    h_t = jax.nn.relu(out_t)

    # hetero GraphSAGE layer 2 (no activation on last layer)
    out_m = sage_conv(h_t, h_m, src_t, dst_m, Wl2_tm, bl2_tm, Wr2_tm, N_MENTOR)
    out_t = sage_conv(h_m, h_t, src_m, dst_t, Wl2_mt, bl2_mt, Wr2_mt, N_THESIS)
    h_m, h_t = out_m, out_t

    # classifier on edge_label_index pairs
    x_pair = jnp.concatenate([h_t[edge_label_index[0]], h_m[edge_label_index[1]]], axis=-1)
    pred = (x_pair @ Wc.T + bc).reshape(-1)
    return pred

if __name__ == "__main__":
    import jax
    _d = setup_inputs()
    print(jax.jit(kernel)(*tuple(_d.values())))

</pallas_src>

<mosaic_0001>
#map = affine_map<(d0, d1) -> (0, 0)>
#map1 = affine_map<(d0, d1) -> (0)>
module attributes {stable_mosaic.version = 14 : i64} {
  func.func @_seg_sum_body(%arg0: i32, %arg1: i32, %arg2: memref<10000x128xf32, #tpu.memory_space<hbm>>, %arg3: memref<10000x128xf32, #tpu.memory_space<hbm>>, %arg4: memref<332800xi32, #tpu.memory_space<hbm>>, %arg5: memref<332800xi32, #tpu.memory_space<hbm>>, %arg6: memref<332800xi32, #tpu.memory_space<hbm>>, %arg7: memref<332800xi32, #tpu.memory_space<hbm>>, %arg8: memref<10000x128xf32, #tpu.memory_space<hbm>>, %arg9: memref<10000xf32, #tpu.memory_space<hbm>>, %arg10: memref<20000x128xf32, #tpu.memory_space<hbm>>, %arg11: memref<20000xf32, #tpu.memory_space<hbm>>, %arg12: memref<320xi32, #tpu.memory_space<vmem>>, %arg13: memref<320xi32, #tpu.memory_space<vmem>>, %arg14: memref<4x80xi32, #tpu.memory_space<vmem>>, %arg15: memref<4x80x128xf32, #tpu.memory_space<vmem>>, %arg16: memref<80xf32, #tpu.memory_space<vmem>>, %arg17: memref<624xf32, #tpu.memory_space<vmem>>, %arg18: memref<10008x128xf32, #tpu.memory_space<vmem_shared>>, %arg19: memref<10008xf32, #tpu.memory_space<vmem_shared>>, %arg20: memref<4x!tpu.dma_semaphore, #tpu.memory_space<semaphore_mem>>, %arg21: memref<4x!tpu.dma_semaphore, #tpu.memory_space<semaphore_mem>>) attributes {dimension_semantics = [#tpu.dimension_semantics<core_parallel>, #tpu.dimension_semantics<subcore_parallel>], iteration_bounds = array<i64: 2, 16>, scalar_prefetch = 0 : i64, scratch_operands = 10 : i64, tpu.core_type = #tpu.core_type<sc_vector_subcore>, window_params = [{transform_indices = #map}, {transform_indices = #map}, {transform_indices = #map1}, {transform_indices = #map1}, {transform_indices = #map1}, {transform_indices = #map1}, {transform_indices = #map}, {transform_indices = #map1}, {transform_indices = #map}, {transform_indices = #map1}]} {
    %mul3A = arith.constant 20800 : i32
    %mul3A_0 = arith.muli %arg1, %mul3A : i32
    %broadcast_in_dim3A = arith.constant 1.000000e+00 : f32
    %broadcast_in_dim3A_1 = vector.broadcast %broadcast_in_dim3A : f32 to vector<16xf32>
    %swap3A = arith.constant 0 : index
    %swap3A_2 = tpu.vector_load %arg16[%swap3A] {strides = array<i32>} : memref<80xf32, #tpu.memory_space<vmem>>, vector<16xf32>,
    %swap3A_3 = vector.shape_cast %swap3A_2 : vector<16xf32> to vector<16xf32>
    %swap3A_4 = vector.shape_cast %broadcast_in_dim3A_1 : vector<16xf32> to vector<16xf32>
    tpu.vector_store %arg16[%swap3A], %swap3A_4 {strides = array<i32>} : memref<80xf32, #tpu.memory_space<vmem>>, vector<16xf32>,
    %broadcast_in_dim3A_5 = arith.constant 1.000000e+00 : f32
    %broadcast_in_dim3A_6 = vector.broadcast %broadcast_in_dim3A_5 : f32 to vector<16xf32>
    %swap3A_7 = arith.constant 16 : index
    %swap3A_8 = tpu.vector_load %arg16[%swap3A_7] {strides = array<i32>} : memref<80xf32, #tpu.memory_space<vmem>>, vector<16xf32>,
    %swap3A_9 = vector.shape_cast %swap3A_8 : vector<16xf32> to vector<16xf32>
    %swap3A_10 = vector.shape_cast %broadcast_in_dim3A_6 : vector<16xf32> to vector<16xf32>
    tpu.vector_store %arg16[%swap3A_7], %swap3A_10 {strides = array<i32>} : memref<80xf32, #tpu.memory_space<vmem>>, vector<16xf32>,
    %broadcast_in_dim3A_11 = arith.constant 1.000000e+00 : f32
    %broadcast_in_dim3A_12 = vector.broadcast %broadcast_in_dim3A_11 : f32 to vector<16xf32>
    %swap3A_13 = arith.constant 32 : index
    %swap3A_14 = tpu.vector_load %arg16[%swap3A_13] {strides = array<i32>} : memref<80xf32, #tpu.memory_space<vmem>>, vector<16xf32>,
    %swap3A_15 = vector.shape_cast %swap3A_14 : vector<16xf32> to vector<16xf32>
    %swap3A_16 = vector.shape_cast %broadcast_in_dim3A_12 : vector<16xf32> to vector<16xf32>
    tpu.vector_store %arg16[%swap3A_13], %swap3A_16 {strides = array<i32>} : memref<80xf32, #tpu.memory_space<vmem>>, vector<16xf32>,
    %broadcast_in_dim3A_17 = arith.constant 1.000000e+00 : f32
    %broadcast_in_dim3A_18 = vector.broadcast %broadcast_in_dim3A_17 : f32 to vector<16xf32>
    %swap3A_19 = arith.constant 48 : index
    %swap3A_20 = tpu.vector_load %arg16[%swap3A_19] {strides = array<i32>} : memref<80xf32, #tpu.memory_space<vmem>>, vector<16xf32>,
    %swap3A_21 = vector.shape_cast %swap3A_20 : vector<16xf32> to vector<16xf32>
    %swap3A_22 = vector.shape_cast %broadcast_in_dim3A_18 : vector<16xf32> to vector<16xf32>
    tpu.vector_store %arg16[%swap3A_19], %swap3A_22 {strides = array<i32>} : memref<80xf32, #tpu.memory_space<vmem>>, vector<16xf32>,
    %broadcast_in_dim3A_23 = arith.constant 1.000000e+00 : f32
    %broadcast_in_dim3A_24 = vector.broadcast %broadcast_in_dim3A_23 : f32 to vector<16xf32>
    %swap3A_25 = arith.constant 64 : index
    %swap3A_26 = tpu.vector_load %arg16[%swap3A_25] {strides = array<i32>} : memref<80xf32, #tpu.memory_space<vmem>>, vector<16xf32>,
    %swap3A_27 = vector.shape_cast %swap3A_26 : vector<16xf32> to vector<16xf32>
    %swap3A_28 = vector.shape_cast %broadcast_in_dim3A_24 : vector<16xf32> to vector<16xf32>
    tpu.vector_store %arg16[%swap3A_25], %swap3A_28 {strides = array<i32>} : memref<80xf32, #tpu.memory_space<vmem>>, vector<16xf32>,
    %mul3A_29 = arith.constant 624 : i32
    %mul3A_30 = arith.muli %arg1, %mul3A_29 : i32
    %mul3A_31 = arith.constant 624 : i32
    %mul3A_32 = arith.muli %arg1, %mul3A_31 : i32
    "tpu.region"() ({
      %run_scoped3A = tpu.sem_alloc : memref<!tpu.dma_semaphore, #tpu.memory_space<semaphore_mem>>
      %dma_start3A = arith.constant 0 : i32
      %dma_start3A_64 = tpu.memref_slice %arg18[%mul3A_32, %dma_start3A] : memref<10008x128xf32, #tpu.memory_space<vmem_shared>> -> memref<624x128xf32, #tpu.memory_space<vmem_shared>>
      %dma_start3A_65 = arith.constant 0 : i32
      %dma_start3A_66 = tpu.memref_slice %arg8[%mul3A_30, %dma_start3A_65] : memref<10000x128xf32, #tpu.memory_space<hbm>> -> memref<624x128xf32, #tpu.memory_space<hbm>>
      tpu.enqueue_dma source(%dma_start3A_66 : memref<624x128xf32, #tpu.memory_space<hbm>>) target(%dma_start3A_64 : memref<624x128xf32, #tpu.memory_space<vmem_shared>>) target_semaphore(%run_scoped3A : memref<!tpu.dma_semaphore, #tpu.memory_space<semaphore_mem>>)
      %dma_wait3A = arith.constant 0 : i32
      %dma_wait3A_67 = tpu.memref_slice %arg18[%mul3A_32, %dma_wait3A] : memref<10008x128xf32, #tpu.memory_space<vmem_shared>> -> memref<624x128xf32, #tpu.memory_space<vmem_shared>>
      %dma_wait3A_68 = arith.constant 0 : i32
      %dma_wait3A_69 = tpu.memref_slice %arg8[%mul3A_30, %dma_wait3A_68] : memref<10000x128xf32, #tpu.memory_space<hbm>> -> memref<624x128xf32, #tpu.memory_space<hbm>>
      tpu.wait_dma2 semaphore(%run_scoped3A : memref<!tpu.dma_semaphore, #tpu.memory_space<semaphore_mem>>) src(%dma_wait3A_69 : memref<624x128xf32, #tpu.memory_space<hbm>>) dst(%dma_wait3A_67 : memref<624x128xf32, #tpu.memory_space<vmem_shared>>)
      tpu.yield
    }) : () -> ()
    "tpu.region"() ({
      %run_scoped3A = tpu.sem_alloc : memref<!tpu.dma_semaphore, #tpu.memory_space<semaphore_mem>>
      %dma_start3A = arith.constant 0 : i32
      %dma_start3A_64 = tpu.memref_slice %arg9[%dma_start3A] : memref<10000xf32, #tpu.memory_space<hbm>> -> memref<624xf32, #tpu.memory_space<hbm>>
      %dma_start3A_65 = arith.constant 0 : i32
      %dma_start3A_66 = tpu.memref_slice %arg9[%dma_start3A_65] : memref<10000xf32, #tpu.memory_space<hbm>> -> memref<624xf32, #tpu.memory_space<hbm>>
      tpu.enqueue_dma source(%dma_start3A_66 : memref<624xf32, #tpu.memory_space<hbm>>) target(%arg17 : memref<624xf32, #tpu.memory_space<vmem>>) target_semaphore(%run_scoped3A : memref<!tpu.dma_semaphore, #tpu.memory_space<semaphore_mem>>)
      %dma_wait3A = arith.constant 0 : i32
      %dma_wait3A_67 = tpu.memref_slice %arg9[%dma_wait3A] : memref<10000xf32, #tpu.memory_space<hbm>> -> memref<624xf32, #tpu.memory_space<hbm>>
      %dma_wait3A_68 = arith.constant 0 : i32
      %dma_wait3A_69 = tpu.memref_slice %arg9[%dma_wait3A_68] : memref<10000xf32, #tpu.memory_space<hbm>> -> memref<624xf32, #tpu.memory_space<hbm>>
      tpu.wait_dma2 semaphore(%run_scoped3A : memref<!tpu.dma_semaphore, #tpu.memory_space<semaphore_mem>>) src(%dma_wait3A_69 : memref<624xf32, #tpu.memory_space<hbm>>) dst(%arg17 : memref<624xf32, #tpu.memory_space<vmem>>)
      tpu.yield
    }) : () -> ()
    %mul3A_33 = arith.constant 624 : i32
    %mul3A_34 = arith.muli %arg1, %mul3A_33 : i32
    "tpu.region"() ({
      %run_scoped3A = tpu.sem_alloc : memref<!tpu.dma_semaphore, #tpu.memory_space<semaphore_mem>>
      %dma_start3A = tpu.memref_slice %arg19[%mul3A_34] : memref<10008xf32, #tpu.memory_space<vmem_shared>> -> memref<624xf32, #tpu.memory_space<vmem_shared>>
      %dma_start3A_64 = tpu.memref_slice %arg19[%mul3A_34] : memref<10008xf32, #tpu.memory_space<vmem_shared>> -> memref<624xf32, #tpu.memory_space<vmem_shared>>
      tpu.enqueue_dma source(%arg17 : memref<624xf32, #tpu.memory_space<vmem>>) target(%dma_start3A_64 : memref<624xf32, #tpu.memory_space<vmem_shared>>) target_semaphore(%run_scoped3A : memref<!tpu.dma_semaphore, #tpu.memory_space<semaphore_mem>>)
      %dma_wait3A = tpu.memref_slice %arg19[%mul3A_34] : memref<10008xf32, #tpu.memory_space<vmem_shared>> -> memref<624xf32, #tpu.memory_space<vmem_shared>>
      %dma_wait3A_65 = tpu.memref_slice %arg19[%mul3A_34] : memref<10008xf32, #tpu.memory_space<vmem_shared>> -> memref<624xf32, #tpu.memory_space<vmem_shared>>
      tpu.wait_dma2 semaphore(%run_scoped3A : memref<!tpu.dma_semaphore, #tpu.memory_space<semaphore_mem>>) src(%arg17 : memref<624xf32, #tpu.memory_space<vmem>>) dst(%dma_wait3A_65 : memref<624xf32, #tpu.memory_space<vmem_shared>>)
      tpu.yield
    }) : () -> ()
    %eq3A = arith.constant 0 : i32
    %eq3A_35 = arith.cmpi eq, %arg1, %eq3A : i32
    %convert_element_type3A = arith.extui %eq3A_35 : i1 to i32
    %cond3A = arith.constant 0 : i32
    %cond3A_36 = arith.cmpi ne, %convert_element_type3A, %cond3A : i32
    scf.if %cond3A_36 {
      "tpu.region"() ({
        %run_scoped3A = tpu.sem_alloc : memref<!tpu.dma_semaphore, #tpu.memory_space<semaphore_mem>>
        %dma_start3A = arith.constant 9984 : i32
        %dma_start3A_64 = arith.constant 0 : i32
        %dma_start3A_65 = tpu.memref_slice %arg18[%dma_start3A, %dma_start3A_64] : memref<10008x128xf32, #tpu.memory_space<vmem_shared>> -> memref<16x128xf32, #tpu.memory_space<vmem_shared>>
        %dma_start3A_66 = arith.constant 9984 : i32
        %dma_start3A_67 = arith.constant 0 : i32
        %dma_start3A_68 = tpu.memref_slice %arg8[%dma_start3A_66, %dma_start3A_67] : memref<10000x128xf32, #tpu.memory_space<hbm>> -> memref<16x128xf32, #tpu.memory_space<hbm>>
        tpu.enqueue_dma source(%dma_start3A_68 : memref<16x128xf32, #tpu.memory_space<hbm>>) target(%dma_start3A_65 : memref<16x128xf32, #tpu.memory_space<vmem_shared>>) target_semaphore(%run_scoped3A : memref<!tpu.dma_semaphore, #tpu.memory_space<semaphore_mem>>)
        %dma_wait3A = arith.constant 9984 : i32
        %dma_wait3A_69 = arith.constant 0 : i32
        %dma_wait3A_70 = tpu.memref_slice %arg18[%dma_wait3A, %dma_wait3A_69] : memref<10008x128xf32, #tpu.memory_space<vmem_shared>> -> memref<16x128xf32, #tpu.memory_space<vmem_shared>>
        %dma_wait3A_71 = arith.constant 9984 : i32
        %dma_wait3A_72 = arith.constant 0 : i32
        %dma_wait3A_73 = tpu.memref_slice %arg8[%dma_wait3A_71, %dma_wait3A_72] : memref<10000x128xf32, #tpu.memory_space<hbm>> -> memref<16x128xf32, #tpu.memory_space<hbm>>
        tpu.wait_dma2 semaphore(%run_scoped3A : memref<!tpu.dma_semaphore, #tpu.memory_space<semaphore_mem>>) src(%dma_wait3A_73 : memref<16x128xf32, #tpu.memory_space<hbm>>) dst(%dma_wait3A_70 : memref<16x128xf32, #tpu.memory_space<vmem_shared>>)
        tpu.yield
      }) : () -> ()
      "tpu.region"() ({
        %run_scoped3A = tpu.sem_alloc : memref<!tpu.dma_semaphore, #tpu.memory_space<semaphore_mem>>
        %dma_start3A = arith.constant 0 : i32
        %dma_start3A_64 = tpu.memref_slice %arg17[%dma_start3A] : memref<624xf32, #tpu.memory_space<vmem>> -> memref<16xf32, #tpu.memory_space<vmem>>
        %dma_start3A_65 = arith.constant 9984 : i32
        %dma_start3A_66 = tpu.memref_slice %arg19[%dma_start3A_65] : memref<10008xf32, #tpu.memory_space<vmem_shared>> -> memref<16xf32, #tpu.memory_space<vmem_shared>>
        %dma_start3A_67 = arith.constant 9984 : i32
        %dma_start3A_68 = tpu.memref_slice %arg19[%dma_start3A_67] : memref<10008xf32, #tpu.memory_space<vmem_shared>> -> memref<16xf32, #tpu.memory_space<vmem_shared>>
        %dma_start3A_69 = arith.constant 0 : i32
        %dma_start3A_70 = tpu.memref_slice %arg17[%dma_start3A_69] : memref<624xf32, #tpu.memory_space<vmem>> -> memref<16xf32, #tpu.memory_space<vmem>>
        tpu.enqueue_dma source(%dma_start3A_70 : memref<16xf32, #tpu.memory_space<vmem>>) target(%dma_start3A_68 : memref<16xf32, #tpu.memory_space<vmem_shared>>) target_semaphore(%run_scoped3A : memref<!tpu.dma_semaphore, #tpu.memory_space<semaphore_mem>>)
        %dma_wait3A = arith.constant 0 : i32
        %dma_wait3A_71 = tpu.memref_slice %arg17[%dma_wait3A] : memref<624xf32, #tpu.memory_space<vmem>> -> memref<16xf32, #tpu.memory_space<vmem>>
        %dma_wait3A_72 = arith.constant 9984 : i32
        %dma_wait3A_73 = tpu.memref_slice %arg19[%dma_wait3A_72] : memref<10008xf32, #tpu.memory_space<vmem_shared>> -> memref<16xf32, #tpu.memory_space<vmem_shared>>
        %dma_wait3A_74 = arith.constant 9984 : i32
        %dma_wait3A_75 = tpu.memref_slice %arg19[%dma_wait3A_74] : memref<10008xf32, #tpu.memory_space<vmem_shared>> -> memref<16xf32, #tpu.memory_space<vmem_shared>>
        %dma_wait3A_76 = arith.constant 0 : i32
        %dma_wait3A_77 = tpu.memref_slice %arg17[%dma_wait3A_76] : memref<624xf32, #tpu.memory_space<vmem>> -> memref<16xf32, #tpu.memory_space<vmem>>
        tpu.wait_dma2 semaphore(%run_scoped3A : memref<!tpu.dma_semaphore, #tpu.memory_space<semaphore_mem>>) src(%dma_wait3A_77 : memref<16xf32, #tpu.memory_space<vmem>>) dst(%dma_wait3A_75 : memref<16xf32, #tpu.memory_space<vmem_shared>>)
        tpu.yield
      }) : () -> ()
    } else {
    }
    %barrier3A = arith.constant 0 : index
    tpu.barrier barrier_id(%barrier3A)
    %eq3A_37 = arith.constant 0 : i32
    %eq3A_38 = arith.cmpi eq, %arg0, %eq3A_37 : i32
    %convert_element_type3A_39 = arith.extui %eq3A_38 : i1 to i32
    %cond3A_40 = arith.constant 0 : i32
    %cond3A_41 = arith.cmpi ne, %convert_element_type3A_39, %cond3A_40 : i32
    scf.if %cond3A_41 {
      %scan3A = arith.constant 0 : i32
      %scan3A_64 = arith.constant 0 : i32
      %scan3A_65 = arith.constant 65 : i32
      %scan3A_66 = arith.addi %scan3A_64, %scan3A_65 : i32
      %scan3A_67 = arith.constant 1 : i32
      scf.for %scan3A_164 = %scan3A_64 to %scan3A_66 step %scan3A_67  : i32 {
        %mul3A_165 = arith.constant 4 : i32
        %mul3A_166 = arith.muli %scan3A_164, %mul3A_165 : i32
        %mul3A_167 = arith.constant 80 : i32
        %mul3A_168 = arith.muli %mul3A_166, %mul3A_167 : i32
        %add3A_169 = arith.addi %mul3A_0, %mul3A_168 : i32
        %gt3A = arith.constant 0 : i32
        %gt3A_170 = arith.cmpi sgt, %scan3A_164, %gt3A : i32
        %convert_element_type3A_171 = arith.extui %gt3A_170 : i1 to i32
        %cond3A_172 = arith.constant 0 : i32
        %cond3A_173 = arith.cmpi ne, %convert_element_type3A_171, %cond3A_172 : i32
        scf.if %cond3A_173 {
          %dma_wait3A_552 = arith.constant 0 : i32
          %dma_wait3A_553 = arith.constant 0 : i32
          %dma_wait3A_554 = arith.constant 0 : i32
          %dma_wait3A_555 = arith.constant 0 : i32
          %dma_wait3A_556 = arith.constant 0 : i32
          %dma_wait3A_557 = tpu.memref_slice %arg15[%dma_wait3A_552, %dma_wait3A_555, %dma_wait3A_556] : memref<4x80x128xf32, #tpu.memory_space<vmem>> -> memref<1x80x128xf32, #tpu.memory_space<vmem>>
          %dma_wait3A_558 = tpu.memref_squeeze %dma_wait3A_557 : memref<1x80x128xf32, #tpu.memory_space<vmem>> -> memref<80x128xf32, #tpu.memory_space<vmem>>
          %dma_wait3A_559 = arith.constant 0 : i32
          %dma_wait3A_560 = tpu.memref_slice %arg14[%dma_wait3A_553, %dma_wait3A_559] : memref<4x80xi32, #tpu.memory_space<vmem>> -> memref<1x80xi32, #tpu.memory_space<vmem>>
          %dma_wait3A_561 = tpu.memref_squeeze %dma_wait3A_560 : memref<1x80xi32, #tpu.memory_space<vmem>> -> memref<80xi32, #tpu.memory_space<vmem>>
          %dma_wait3A_562 = arith.constant 0 : i32
          %dma_wait3A_563 = arith.constant 0 : i32
          %dma_wait3A_564 = tpu.memref_slice %arg18[%dma_wait3A_562, %dma_wait3A_563] : memref<10008x128xf32, #tpu.memory_space<vmem_shared>> -> memref<10008x128xf32, #tpu.memory_space<vmem_shared>>
          %dma_wait3A_565 = tpu.memref_slice %arg21[%dma_wait3A_554] : memref<4x!tpu.dma_semaphore, #tpu.memory_space<semaphore_mem>> -> memref<1x!tpu.dma_semaphore, #tpu.memory_space<semaphore_mem>>
          %dma_wait3A_566 = tpu.memref_squeeze %dma_wait3A_565 : memref<1x!tpu.dma_semaphore, #tpu.memory_space<semaphore_mem>> -> memref<!tpu.dma_semaphore, #tpu.memory_space<semaphore_mem>>
          tpu.wait_indirect_dma semaphore(%dma_wait3A_566 : memref<!tpu.dma_semaphore, #tpu.memory_space<semaphore_mem>>) src(%dma_wait3A_558 : memref<80x128xf32, #tpu.memory_space<vmem>>) dst(%dma_wait3A_564 : memref<10008x128xf32, #tpu.memory_space<vmem_shared>>)
          %dma_wait3A_567 = arith.constant 0 : i32
          %dma_wait3A_568 = arith.constant 0 : i32
          %dma_wait3A_569 = arith.constant 0 : i32
          %dma_wait3A_570 = tpu.memref_slice %arg14[%dma_wait3A_567, %dma_wait3A_569] : memref<4x80xi32, #tpu.memory_space<vmem>> -> memref<1x80xi32, #tpu.memory_space<vmem>>
          %dma_wait3A_571 = tpu.memref_squeeze %dma_wait3A_570 : memref<1x80xi32, #tpu.memory_space<vmem>> -> memref<80xi32, #tpu.memory_space<vmem>>
          %dma_wait3A_572 = arith.constant 0 : i32
          %dma_wait3A_573 = tpu.memref_slice %arg19[%dma_wait3A_572] : memref<10008xf32, #tpu.memory_space<vmem_shared>> -> memref<10008xf32, #tpu.memory_space<vmem_shared>>
          %dma_wait3A_574 = tpu.memref_slice %arg21[%dma_wait3A_568] : memref<4x!tpu.dma_semaphore, #tpu.memory_space<semaphore_mem>> -> memref<1x!tpu.dma_semaphore, #tpu.memory_space<semaphore_mem>>
          %dma_wait3A_575 = tpu.memref_squeeze %dma_wait3A_574 : memref<1x!tpu.dma_semaphore, #tpu.memory_space<semaphore_mem>> -> memref<!tpu.dma_semaphore, #tpu.memory_space<semaphore_mem>>
          tpu.wait_indirect_dma semaphore(%dma_wait3A_575 : memref<!tpu.dma_semaphore, #tpu.memory_space<semaphore_mem>>) src(%arg16 : memref<80xf32, #tpu.memory_space<vmem>>) dst(%dma_wait3A_573 : memref<10008xf32, #tpu.memory_space<vmem_shared>>)
          %dma_wait3A_576 = arith.constant 1 : i32
          %dma_wait3A_577 = arith.constant 1 : i32
          %dma_wait3A_578 = arith.constant 1 : i32
          %dma_wait3A_579 = arith.constant 0 : i32
          %dma_wait3A_580 = arith.constant 0 : i32
          %dma_wait3A_581 = tpu.memref_slice %arg15[%dma_wait3A_576, %dma_wait3A_579, %dma_wait3A_580] : memref<4x80x128xf32, #tpu.memory_space<vmem>> -> memref<1x80x128xf32, #tpu.memory_space<vmem>>
          %dma_wait3A_582 = tpu.memref_squeeze %dma_wait3A_581 : memref<1x80x128xf32, #tpu.memory_space<vmem>> -> memref<80x128xf32, #tpu.memory_space<vmem>>
          %dma_wait3A_583 = arith.constant 0 : i32
          %dma_wait3A_584 = tpu.memref_slice %arg14[%dma_wait3A_577, %dma_wait3A_583] : memref<4x80xi32, #tpu.memory_space<vmem>> -> memref<1x80xi32, #tpu.memory_space<vmem>>
          %dma_wait3A_585 = tpu.memref_squeeze %dma_wait3A_584 : memref<1x80xi32, #tpu.memory_space<vmem>> -> memref<80xi32, #tpu.memory_space<vmem>>
          %dma_wait3A_586 = arith.constant 0 : i32
          %dma_wait3A_587 = arith.constant 0 : i32
          %dma_wait3A_588 = tpu.memref_slice %arg18[%dma_wait3A_586, %dma_wait3A_587] : memref<10008x128xf32, #tpu.memory_space<vmem_shared>> -> memref<10008x128xf32, #tpu.memory_space<vmem_shared>>
          %dma_wait3A_589 = tpu.memref_slice %arg21[%dma_wait3A_578] : memref<4x!tpu.dma_semaphore, #tpu.memory_space<semaphore_mem>> -> memref<1x!tpu.dma_semaphore, #tpu.memory_space<semaphore_mem>>
          %dma_wait3A_590 = tpu.memref_squeeze %dma_wait3A_589 : memref<1x!tpu.dma_semaphore, #tpu.memory_space<semaphore_mem>> -> memref<!tpu.dma_semaphore, #tpu.memory_space<semaphore_mem>>
          tpu.wait_indirect_dma semaphore(%dma_wait3A_590 : memref<!tpu.dma_semaphore, #tpu.memory_space<semaphore_mem>>) src(%dma_wait3A_582 : memref<80x128xf32, #tpu.memory_space<vmem>>) dst(%dma_wait3A_588 : memref<10008x128xf32, #tpu.memory_space<vmem_shared>>)
          %dma_wait3A_591 = arith.constant 1 : i32
          %dma_wait3A_592 = arith.constant 1 : i32
          %dma_wait3A_593 = arith.constant 0 : i32
          %dma_wait3A_594 = tpu.memref_slice %arg14[%dma_wait3A_591, %dma_wait3A_593] : memref<4x80xi32, #tpu.memory_space<vmem>> -> memref<1x80xi32, #tpu.memory_space<vmem>>
          %dma_wait3A_595 = tpu.memref_squeeze %dma_wait3A_594 : memref<1x80xi32, #tpu.memory_space<vmem>> -> memref<80xi32, #tpu.memory_space<vmem>>
          %dma_wait3A_596 = arith.constant 0 : i32
          %dma_wait3A_597 = tpu.memref_slice %arg19[%dma_wait3A_596] : memref<10008xf32, #tpu.memory_space<vmem_shared>> -> memref<10008xf32, #tpu.memory_space<vmem_shared>>
          %dma_wait3A_598 = tpu.memref_slice %arg21[%dma_wait3A_592] : memref<4x!tpu.dma_semaphore, #tpu.memory_space<semaphore_mem>> -> memref<1x!tpu.dma_semaphore, #tpu.memory_space<semaphore_mem>>
          %dma_wait3A_599 = tpu.memref_squeeze %dma_wait3A_598 : memref<1x!tpu.dma_semaphore, #tpu.memory_space<semaphore_mem>> -> memref<!tpu.dma_semaphore, #tpu.memory_space<semaphore_mem>>
          tpu.wait_indirect_dma semaphore(%dma_wait3A_599 : memref<!tpu.dma_semaphore, #tpu.memory_space<semaphore_mem>>) src(%arg16 : memref<80xf32, #tpu.memory_space<vmem>>) dst(%dma_wait3A_597 : memref<10008xf32, #tpu.memory_space<vmem_shared>>)
          %dma_wait3A_600 = arith.constant 2 : i32
          %dma_wait3A_601 = arith.constant 2 : i32
          %dma_wait3A_602 = arith.constant 2 : i32
          %dma_wait3A_603 = arith.constant 0 : i32
          %dma_wait3A_604 = arith.constant 0 : i32
          %dma_wait3A_605 = tpu.memref_slice %arg15[%dma_wait3A_600, %dma_wait3A_603, %dma_wait3A_604] : memref<4x80x128xf32, #tpu.memory_space<vmem>> -> memref<1x80x128xf32, #tpu.memory_space<vmem>>
          %dma_wait3A_606 = tpu.memref_squeeze %dma_wait3A_605 : memref<1x80x128xf32, #tpu.memory_space<vmem>> -> memref<80x128xf32, #tpu.memory_space<vmem>>
          %dma_wait3A_607 = arith.constant 0 : i32
          %dma_wait3A_608 = tpu.memref_slice %arg14[%dma_wait3A_601, %dma_wait3A_607] : memref<4x80xi32, #tpu.memory_space<vmem>> -> memref<1x80xi32, #tpu.memory_space<vmem>>
          %dma_wait3A_609 = tpu.memref_squeeze %dma_wait3A_608 : memref<1x80xi32, #tpu.memory_space<vmem>> -> memref<80xi32, #tpu.memory_space<vmem>>
          %dma_wait3A_610 = arith.constant 0 : i32
          %dma_wait3A_611 = arith.constant 0 : i32
          %dma_wait3A_612 = tpu.memref_slice %arg18[%dma_wait3A_610, %dma_wait3A_611] : memref<10008x128xf32, #tpu.memory_space<vmem_shared>> -> memref<10008x128xf32, #tpu.memory_space<vmem_shared>>
          %dma_wait3A_613 = tpu.memref_slice %arg21[%dma_wait3A_602] : memref<4x!tpu.dma_semaphore, #tpu.memory_space<semaphore_mem>> -> memref<1x!tpu.dma_semaphore, #tpu.memory_space<semaphore_mem>>
          %dma_wait3A_614 = tpu.memref_squeeze %dma_wait3A_613 : memref<1x!tpu.dma_semaphore, #tpu.memory_space<semaphore_mem>> -> memref<!tpu.dma_semaphore, #tpu.memory_space<semaphore_mem>>
          tpu.wait_indirect_dma semaphore(%dma_wait3A_614 : memref<!tpu.dma_semaphore, #tpu.memory_space<semaphore_mem>>) src(%dma_wait3A_606 : memref<80x128xf32, #tpu.memory_space<vmem>>) dst(%dma_wait3A_612 : memref<10008x128xf32, #tpu.memory_space<vmem_shared>>)
          %dma_wait3A_615 = arith.constant 2 : i32
          %dma_wait3A_616 = arith.constant 2 : i32
          %dma_wait3A_617 = arith.constant 0 : i32
          %dma_wait3A_618 = tpu.memref_slice %arg14[%dma_wait3A_615, %dma_wait3A_617] : memref<4x80xi32, #tpu.memory_space<vmem>> -> memref<1x80xi32, #tpu.memory_space<vmem>>
          %dma_wait3A_619 = tpu.memref_squeeze %dma_wait3A_618 : memref<1x80xi32, #tpu.memory_space<vmem>> -> memref<80xi32, #tpu.memory_space<vmem>>
          %dma_wait3A_620 = arith.constant 0 : i32
          %dma_wait3A_621 = tpu.memref_slice %arg19[%dma_wait3A_620] : memref<10008xf32, #tpu.memory_space<vmem_shared>> -> memref<10008xf32, #tpu.memory_space<vmem_shared>>
          %dma_wait3A_622 = tpu.memref_slice %arg21[%dma_wait3A_616] : memref<4x!tpu.dma_semaphore, #tpu.memory_space<semaphore_mem>> -> memref<1x!tpu.dma_semaphore, #tpu.memory_space<semaphore_mem>>
          %dma_wait3A_623 = tpu.memref_squeeze %dma_wait3A_622 : memref<1x!tpu.dma_semaphore, #tpu.memory_space<semaphore_mem>> -> memref<!tpu.dma_semaphore, #tpu.memory_space<semaphore_mem>>
          tpu.wait_indirect_dma semaphore(%dma_wait3A_623 : memref<!tpu.dma_semaphore, #tpu.memory_space<semaphore_mem>>) src(%arg16 : memref<80xf32, #tpu.memory_space<vmem>>) dst(%dma_wait3A_621 : memref<10008xf32, #tpu.memory_space<vmem_shared>>)
          %dma_wait3A_624 = arith.constant 3 : i32
          %dma_wait3A_625 = arith.constant 3 : i32
          %dma_wait3A_626 = arith.constant 3 : i32
          %dma_wait3A_627 = arith.constant 0 : i32
          %dma_wait3A_628 = arith.constant 0 : i32
          %dma_wait3A_629 = tpu.memref_slice %arg15[%dma_wait3A_624, %dma_wait3A_627, %dma_wait3A_628] : memref<4x80x128xf32, #tpu.memory_space<vmem>> -> memref<1x80x128xf32, #tpu.memory_space<vmem>>
          %dma_wait3A_630 = tpu.memref_squeeze %dma_wait3A_629 : memref<1x80x128xf32, #tpu.memory_space<vmem>> -> memref<80x128xf32, #tpu.memory_space<vmem>>
          %dma_wait3A_631 = arith.constant 0 : i32
          %dma_wait3A_632 = tpu.memref_slice %arg14[%dma_wait3A_625, %dma_wait3A_631] : memref<4x80xi32, #tpu.memory_space<vmem>> -> memref<1x80xi32, #tpu.memory_space<vmem>>
          %dma_wait3A_633 = tpu.memref_squeeze %dma_wait3A_632 : memref<1x80xi32, #tpu.memory_space<vmem>> -> memref<80xi32, #tpu.memory_space<vmem>>
          %dma_wait3A_634 = arith.constant 0 : i32
          %dma_wait3A_635 = arith.constant 0 : i32
          %dma_wait3A_636 = tpu.memref_slice %arg18[%dma_wait3A_634, %dma_wait3A_635] : memref<10008x128xf32, #tpu.memory_space<vmem_shared>> -> memref<10008x128xf32, #tpu.memory_space<vmem_shared>>
          %dma_wait3A_637 = tpu.memref_slice %arg21[%dma_wait3A_626] : memref<4x!tpu.dma_semaphore, #tpu.memory_space<semaphore_mem>> -> memref<1x!tpu.dma_semaphore, #tpu.memory_space<semaphore_mem>>
          %dma_wait3A_638 = tpu.memref_squeeze %dma_wait3A_637 : memref<1x!tpu.dma_semaphore, #tpu.memory_space<semaphore_mem>> -> memref<!tpu.dma_semaphore, #tpu.memory_space<semaphore_mem>>
          tpu.wait_indirect_dma semaphore(%dma_wait3A_638 : memref<!tpu.dma_semaphore, #tpu.memory_space<semaphore_mem>>) src(%dma_wait3A_630 : memref<80x128xf32, #tpu.memory_space<vmem>>) dst(%dma_wait3A_636 : memref<10008x128xf32, #tpu.memory_space<vmem_shared>>)
          %dma_wait3A_639 = arith.constant 3 : i32
          %dma_wait3A_640 = arith.constant 3 : i32
          %dma_wait3A_641 = arith.constant 0 : i32
          %dma_wait3A_642 = tpu.memref_slice %arg14[%dma_wait3A_639, %dma_wait3A_641] : memref<4x80xi32, #tpu.memory_space<vmem>> -> memref<1x80xi32, #tpu.memory_space<vmem>>
          %dma_wait3A_643 = tpu.memref_squeeze %dma_wait3A_642 : memref<1x80xi32, #tpu.memory_space<vmem>> -> memref<80xi32, #tpu.memory_space<vmem>>
          %dma_wait3A_644 = arith.constant 0 : i32
          %dma_wait3A_645 = tpu.memref_slice %arg19[%dma_wait3A_644] : memref<10008xf32, #tpu.memory_space<vmem_shared>> -> memref<10008xf32, #tpu.memory_space<vmem_shared>>
          %dma_wait3A_646 = tpu.memref_slice %arg21[%dma_wait3A_640] : memref<4x!tpu.dma_semaphore, #tpu.memory_space<semaphore_mem>> -> memref<1x!tpu.dma_semaphore, #tpu.memory_space<semaphore_mem>>
          %dma_wait3A_647 = tpu.memref_squeeze %dma_wait3A_646 : memref<1x!tpu.dma_semaphore, #tpu.memory_space<semaphore_mem>> -> memref<!tpu.dma_semaphore, #tpu.memory_space<semaphore_mem>>
          tpu.wait_indirect_dma semaphore(%dma_wait3A_647 : memref<!tpu.dma_semaphore, #tpu.memory_space<semaphore_mem>>) src(%arg16 : memref<80xf32, #tpu.memory_space<vmem>>) dst(%dma_wait3A_645 : memref<10008xf32, #tpu.memory_space<vmem_shared>>)
        } else {
        }
        "tpu.region"() ({
          %run_scoped3A = tpu.sem_alloc : memref<!tpu.dma_semaphore, #tpu.memory_space<semaphore_mem>>
          %dma_start3A_552 = tpu.memref_slice %arg4[%add3A_169] : memref<332800xi32, #tpu.memory_space<hbm>> -> memref<320xi32, #tpu.memory_space<hbm>>
          %dma_start3A_553 = tpu.memref_slice %arg4[%add3A_169] : memref<332800xi32, #tpu.memory_space<hbm>> -> memref<320xi32, #tpu.memory_space<hbm>>
          tpu.enqueue_dma source(%dma_start3A_553 : memref<320xi32, #tpu.memory_space<hbm>>) target(%arg12 : memref<320xi32, #tpu.memory_space<vmem>>) target_semaphore(%run_scoped3A : memref<!tpu.dma_semaphore, #tpu.memory_space<semaphore_mem>>)
          %dma_wait3A_554 = tpu.memref_slice %arg4[%add3A_169] : memref<332800xi32, #tpu.memory_space<hbm>> -> memref<320xi32, #tpu.memory_space<hbm>>
          %dma_wait3A_555 = tpu.memref_slice %arg4[%add3A_169] : memref<332800xi32, #tpu.memory_space<hbm>> -> memref<320xi32, #tpu.memory_space<hbm>>
          tpu.wait_dma2 semaphore(%run_scoped3A : memref<!tpu.dma_semaphore, #tpu.memory_space<semaphore_mem>>) src(%dma_wait3A_555 : memref<320xi32, #tpu.memory_space<hbm>>) dst(%arg12 : memref<320xi32, #tpu.memory_space<vmem>>)
          tpu.yield
        }) : () -> ()
        "tpu.region"() ({
          %run_scoped3A = tpu.sem_alloc : memref<!tpu.dma_semaphore, #tpu.memory_space<semaphore_mem>>
          %dma_start3A_552 = tpu.memref_slice %arg5[%add3A_169] : memref<332800xi32, #tpu.memory_space<hbm>> -> memref<320xi32, #tpu.memory_space<hbm>>
          %dma_start3A_553 = tpu.memref_slice %arg5[%add3A_169] : memref<332800xi32, #tpu.memory_space<hbm>> -> memref<320xi32, #tpu.memory_space<hbm>>
          tpu.enqueue_dma source(%dma_start3A_553 : memref<320xi32, #tpu.memory_space<hbm>>) target(%arg13 : memref<320xi32, #tpu.memory_space<vmem>>) target_semaphore(%run_scoped3A : memref<!tpu.dma_semaphore, #tpu.memory_space<semaphore_mem>>)
          %dma_wait3A_554 = tpu.memref_slice %arg5[%add3A_169] : memref<332800xi32, #tpu.memory_space<hbm>> -> memref<320xi32, #tpu.memory_space<hbm>>
          %dma_wait3A_555 = tpu.memref_slice %arg5[%add3A_169] : memref<332800xi32, #tpu.memory_space<hbm>> -> memref<320xi32, #tpu.memory_space<hbm>>
          tpu.wait_dma2 semaphore(%run_scoped3A : memref<!tpu.dma_semaphore, #tpu.memory_space<semaphore_mem>>) src(%dma_wait3A_555 : memref<320xi32, #tpu.memory_space<hbm>>) dst(%arg13 : memref<320xi32, #tpu.memory_space<vmem>>)
          tpu.yield
        }) : () -> ()
        %dma_start3A = arith.constant 0 : i32
        %dma_start3A_174 = arith.constant 0 : i32
        %dma_start3A_175 = arith.constant 0 : i32
        %dma_start3A_176 = arith.constant 0 : i32
        %dma_start3A_177 = tpu.memref_slice %arg15[%dma_start3A, %dma_start3A_175, %dma_start3A_176] : memref<4x80x128xf32, #tpu.memory_space<vmem>> -> memref<1x80x128xf32, #tpu.memory_space<vmem>>
        %dma_start3A_178 = tpu.memref_squeeze %dma_start3A_177 : memref<1x80x128xf32, #tpu.memory_space<vmem>> -> memref<80x128xf32, #tpu.memory_space<vmem>>
        %dma_start3A_179 = arith.constant 0 : i32
        %dma_start3A_180 = tpu.memref_slice %arg12[%dma_start3A_179] : memref<320xi32, #tpu.memory_space<vmem>> -> memref<80xi32, #tpu.memory_space<vmem>>
        %dma_start3A_181 = arith.constant 0 : i32
        %dma_start3A_182 = arith.constant 0 : i32
        %dma_start3A_183 = tpu.memref_slice %arg2[%dma_start3A_181, %dma_start3A_182] : memref<10000x128xf32, #tpu.memory_space<hbm>> -> memref<10000x128xf32, #tpu.memory_space<hbm>>
        %dma_start3A_184 = tpu.memref_slice %arg20[%dma_start3A_174] : memref<4x!tpu.dma_semaphore, #tpu.memory_space<semaphore_mem>> -> memref<1x!tpu.dma_semaphore, #tpu.memory_space<semaphore_mem>>
        %dma_start3A_185 = tpu.memref_squeeze %dma_start3A_184 : memref<1x!tpu.dma_semaphore, #tpu.memory_space<semaphore_mem>> -> memref<!tpu.dma_semaphore, #tpu.memory_space<semaphore_mem>>
        tpu.enqueue_indirect_dma source(%dma_start3A_183 : memref<10000x128xf32, #tpu.memory_space<hbm>>) target(%dma_start3A_178 : memref<80x128xf32, #tpu.memory_space<vmem>>) offsets(%dma_start3A_180 : memref<80xi32, #tpu.memory_space<vmem>>) semaphore(%dma_start3A_185 : memref<!tpu.dma_semaphore, #tpu.memory_space<semaphore_mem>>)
        %dma_start3A_186 = arith.constant 1 : i32
        %dma_start3A_187 = arith.constant 1 : i32
        %dma_start3A_188 = arith.constant 0 : i32
        %dma_start3A_189 = arith.constant 0 : i32
        %dma_start3A_190 = tpu.memref_slice %arg15[%dma_start3A_186, %dma_start3A_188, %dma_start3A_189] : memref<4x80x128xf32, #tpu.memory_space<vmem>> -> memref<1x80x128xf32, #tpu.memory_space<vmem>>
        %dma_start3A_191 = tpu.memref_squeeze %dma_start3A_190 : memref<1x80x128xf32, #tpu.memory_space<vmem>> -> memref<80x128xf32, #tpu.memory_space<vmem>>
        %dma_start3A_192 = arith.constant 80 : i32
        %dma_start3A_193 = tpu.memref_slice %arg12[%dma_start3A_192] : memref<320xi32, #tpu.memory_space<vmem>> -> memref<80xi32, #tpu.memory_space<vmem>>
        %dma_start3A_194 = arith.constant 0 : i32
        %dma_start3A_195 = arith.constant 0 : i32
        %dma_start3A_196 = tpu.memref_slice %arg2[%dma_start3A_194, %dma_start3A_195] : memref<10000x128xf32, #tpu.memory_space<hbm>> -> memref<10000x128xf32, #tpu.memory_space<hbm>>
        %dma_start3A_197 = tpu.memref_slice %arg20[%dma_start3A_187] : memref<4x!tpu.dma_semaphore, #tpu.memory_space<semaphore_mem>> -> memref<1x!tpu.dma_semaphore, #tpu.memory_space<semaphore_mem>>
        %dma_start3A_198 = tpu.memref_squeeze %dma_start3A_197 : memref<1x!tpu.dma_semaphore, #tpu.memory_space<semaphore_mem>> -> memref<!tpu.dma_semaphore, #tpu.memory_space<semaphore_mem>>
        tpu.enqueue_indirect_dma source(%dma_start3A_196 : memref<10000x128xf32, #tpu.memory_space<hbm>>) target(%dma_start3A_191 : memref<80x128xf32, #tpu.memory_space<vmem>>) offsets(%dma_start3A_193 : memref<80xi32, #tpu.memory_space<vmem>>) semaphore(%dma_start3A_198 : memref<!tpu.dma_semaphore, #tpu.memory_space<semaphore_mem>>)
        %dma_start3A_199 = arith.constant 2 : i32
        %dma_start3A_200 = arith.constant 2 : i32
        %dma_start3A_201 = arith.constant 0 : i32
        %dma_start3A_202 = arith.constant 0 : i32
        %dma_start3A_203 = tpu.memref_slice %arg15[%dma_start3A_199, %dma_start3A_201, %dma_start3A_202] : memref<4x80x128xf32, #tpu.memory_space<vmem>> -> memref<1x80x128xf32, #tpu.memory_space<vmem>>
        %dma_start3A_204 = tpu.memref_squeeze %dma_start3A_203 : memref<1x80x128xf32, #tpu.memory_space<vmem>> -> memref<80x128xf32, #tpu.memory_space<vmem>>
        %dma_start3A_205 = arith.constant 160 : i32
        %dma_start3A_206 = tpu.memref_slice %arg12[%dma_start3A_205] : memref<320xi32, #tpu.memory_space<vmem>> -> memref<80xi32, #tpu.memory_space<vmem>>
        %dma_start3A_207 = arith.constant 0 : i32
        %dma_start3A_208 = arith.constant 0 : i32
        %dma_start3A_209 = tpu.memref_slice %arg2[%dma_start3A_207, %dma_start3A_208] : memref<10000x128xf32, #tpu.memory_space<hbm>> -> memref<10000x128xf32, #tpu.memory_space<hbm>>
        %dma_start3A_210 = tpu.memref_slice %arg20[%dma_start3A_200] : memref<4x!tpu.dma_semaphore, #tpu.memory_space<semaphore_mem>> -> memref<1x!tpu.dma_semaphore, #tpu.memory_space<semaphore_mem>>
        %dma_start3A_211 = tpu.memref_squeeze %dma_start3A_210 : memref<1x!tpu.dma_semaphore, #tpu.memory_space<semaphore_mem>> -> memref<!tpu.dma_semaphore, #tpu.memory_space<semaphore_mem>>
        tpu.enqueue_indirect_dma source(%dma_start3A_209 : memref<10000x128xf32, #tpu.memory_space<hbm>>) target(%dma_start3A_204 : memref<80x128xf32, #tpu.memory_space<vmem>>) offsets(%dma_start3A_206 : memref<80xi32, #tpu.memory_space<vmem>>) semaphore(%dma_start3A_211 : memref<!tpu.dma_semaphore, #tpu.memory_space<semaphore_mem>>)
        %dma_start3A_212 = arith.constant 3 : i32
        %dma_start3A_213 = arith.constant 3 : i32
        %dma_start3A_214 = arith.constant 0 : i32
        %dma_start3A_215 = arith.constant 0 : i32
        %dma_start3A_216 = tpu.memref_slice %arg15[%dma_start3A_212, %dma_start3A_214, %dma_start3A_215] : memref<4x80x128xf32, #tpu.memory_space<vmem>> -> memref<1x80x128xf32, #tpu.memory_space<vmem>>
        %dma_start3A_217 = tpu.memref_squeeze %dma_start3A_216 : memref<1x80x128xf32, #tpu.memory_space<vmem>> -> memref<80x128xf32, #tpu.memory_space<vmem>>
        %dma_start3A_218 = arith.constant 240 : i32
        %dma_start3A_219 = tpu.memref_slice %arg12[%dma_start3A_218] : memref<320xi32, #tpu.memory_space<vmem>> -> memref<80xi32, #tpu.memory_space<vmem>>
        %dma_start3A_220 = arith.constant 0 : i32
        %dma_start3A_221 = arith.constant 0 : i32
        %dma_start3A_222 = tpu.memref_slice %arg2[%dma_start3A_220, %dma_start3A_221] : memref<10000x128xf32, #tpu.memory_space<hbm>> -> memref<10000x128xf32, #tpu.memory_space<hbm>>
        %dma_start3A_223 = tpu.memref_slice %arg20[%dma_start3A_213] : memref<4x!tpu.dma_semaphore, #tpu.memory_space<semaphore_mem>> -> memref<1x!tpu.dma_semaphore, #tpu.memory_space<semaphore_mem>>
        %dma_start3A_224 = tpu.memref_squeeze %dma_start3A_223 : memref<1x!tpu.dma_semaphore, #tpu.memory_space<semaphore_mem>> -> memref<!tpu.dma_semaphore, #tpu.memory_space<semaphore_mem>>
        tpu.enqueue_indirect_dma source(%dma_start3A_222 : memref<10000x128xf32, #tpu.memory_space<hbm>>) target(%dma_start3A_217 : memref<80x128xf32, #tpu.memory_space<vmem>>) offsets(%dma_start3A_219 : memref<80xi32, #tpu.memory_space<vmem>>) semaphore(%dma_start3A_224 : memref<!tpu.dma_semaphore, #tpu.memory_space<semaphore_mem>>)
        %dma_wait3A_225 = arith.constant 0 : i32
        %dma_wait3A_226 = arith.constant 0 : i32
        %dma_wait3A_227 = arith.constant 0 : i32
        %dma_wait3A_228 = arith.constant 0 : i32
        %dma_wait3A_229 = tpu.memref_slice %arg15[%dma_wait3A_225, %dma_wait3A_227, %dma_wait3A_228] : memref<4x80x128xf32, #tpu.memory_space<vmem>> -> memref<1x80x128xf32, #tpu.memory_space<vmem>>
        %dma_wait3A_230 = tpu.memref_squeeze %dma_wait3A_229 : memref<1x80x128xf32, #tpu.memory_space<vmem>> -> memref<80x128xf32, #tpu.memory_space<vmem>>
        %dma_wait3A_231 = arith.constant 0 : i32
        %dma_wait3A_232 = tpu.memref_slice %arg12[%dma_wait3A_231] : memref<320xi32, #tpu.memory_space<vmem>> -> memref<80xi32, #tpu.memory_space<vmem>>
        %dma_wait3A_233 = arith.constant 0 : i32
        %dma_wait3A_234 = arith.constant 0 : i32
        %dma_wait3A_235 = tpu.memref_slice %arg2[%dma_wait3A_233, %dma_wait3A_234] : memref<10000x128xf32, #tpu.memory_space<hbm>> -> memref<10000x128xf32, #tpu.memory_space<hbm>>
        %dma_wait3A_236 = tpu.memref_slice %arg20[%dma_wait3A_226] : memref<4x!tpu.dma_semaphore, #tpu.memory_space<semaphore_mem>> -> memref<1x!tpu.dma_semaphore, #tpu.memory_space<semaphore_mem>>
        %dma_wait3A_237 = tpu.memref_squeeze %dma_wait3A_236 : memref<1x!tpu.dma_semaphore, #tpu.memory_space<semaphore_mem>> -> memref<!tpu.dma_semaphore, #tpu.memory_space<semaphore_mem>>
        tpu.wait_indirect_dma semaphore(%dma_wait3A_237 : memref<!tpu.dma_semaphore, #tpu.memory_space<semaphore_mem>>) src(%dma_wait3A_235 : memref<10000x128xf32, #tpu.memory_space<hbm>>) dst(%dma_wait3A_230 : memref<80x128xf32, #tpu.memory_space<vmem>>)
        %get3A = arith.constant 0 : index
        %get3A_238 = tpu.vector_load %arg13[%get3A] {strides = array<i32>} : memref<320xi32, #tpu.memory_space<vmem>>, vector<16xi32>,
        %get3A_239 = vector.shape_cast %get3A_238 : vector<16xi32> to vector<16xi32>
        %swap3A_240 = arith.constant 0 : i32
        %swap3A_241 = arith.index_cast %swap3A_240 : i32 to index
        %swap3A_242 = arith.constant 0 : index
        %swap3A_243 = tpu.vector_load %arg14[%swap3A_241, %swap3A_242] {strides = array<i32>} : memref<4x80xi32, #tpu.memory_space<vmem>>, vector<1x16xi32>,
        %swap3A_244 = vector.shape_cast %swap3A_243 : vector<1x16xi32> to vector<16xi32>
        %swap3A_245 = vector.shape_cast %get3A_239 : vector<16xi32> to vector<1x16xi32>
        tpu.vector_store %arg14[%swap3A_241, %swap3A_242], %swap3A_245 {strides = array<i32>} : memref<4x80xi32, #tpu.memory_space<vmem>>, vector<1x16xi32>,
        %get3A_246 = arith.constant 16 : index
        %get3A_247 = tpu.vector_load %arg13[%get3A_246] {strides = array<i32>} : memref<320xi32, #tpu.memory_space<vmem>>, vector<16xi32>,
        %get3A_248 = vector.shape_cast %get3A_247 : vector<16xi32> to vector<16xi32>
        %swap3A_249 = arith.constant 0 : i32
        %swap3A_250 = arith.index_cast %swap3A_249 : i32 to index
        %swap3A_251 = arith.constant 16 : index
        %swap3A_252 = tpu.vector_load %arg14[%swap3A_250, %swap3A_251] {strides = array<i32>} : memref<4x80xi32, #tpu.memory_space<vmem>>, vector<1x16xi32>,
        %swap3A_253 = vector.shape_cast %swap3A_252 : vector<1x16xi32> to vector<16xi32>
        %swap3A_254 = vector.shape_cast %get3A_248 : vector<16xi32> to vector<1x16xi32>
        tpu.vector_store %arg14[%swap3A_250, %swap3A_251], %swap3A_254 {strides = array<i32>} : memref<4x80xi32, #tpu.memory_space<vmem>>, vector<1x16xi32>,
        %get3A_255 = arith.constant 32 : index
        %get3A_256 = tpu.vector_load %arg13[%get3A_255] {strides = array<i32>} : memref<320xi32, #tpu.memory_space<vmem>>, vector<16xi32>,
        %get3A_257 = vector.shape_cast %get3A_256 : vector<16xi32> to vector<16xi32>
        %swap3A_258 = arith.constant 0 : i32
        %swap3A_259 = arith.index_cast %swap3A_258 : i32 to index
        %swap3A_260 = arith.constant 32 : index
        %swap3A_261 = tpu.vector_load %arg14[%swap3A_259, %swap3A_260] {strides = array<i32>} : memref<4x80xi32, #tpu.memory_space<vmem>>, vector<1x16xi32>,
        %swap3A_262 = vector.shape_cast %swap3A_261 : vector<1x16xi32> to vector<16xi32>
        %swap3A_263 = vector.shape_cast %get3A_257 : vector<16xi32> to vector<1x16xi32>
        tpu.vector_store %arg14[%swap3A_259, %swap3A_260], %swap3A_263 {strides = array<i32>} : memref<4x80xi32, #tpu.memory_space<vmem>>, vector<1x16xi32>,
        %get3A_264 = arith.constant 48 : index
        %get3A_265 = tpu.vector_load %arg13[%get3A_264] {strides = array<i32>} : memref<320xi32, #tpu.memory_space<vmem>>, vector<16xi32>,
        %get3A_266 = vector.shape_cast %get3A_265 : vector<16xi32> to vector<16xi32>
        %swap3A_267 = arith.constant 0 : i32
        %swap3A_268 = arith.index_cast %swap3A_267 : i32 to index
        %swap3A_269 = arith.constant 48 : index
        %swap3A_270 = tpu.vector_load %arg14[%swap3A_268, %swap3A_269] {strides = array<i32>} : memref<4x80xi32, #tpu.memory_space<vmem>>, vector<1x16xi32>,
        %swap3A_271 = vector.shape_cast %swap3A_270 : vector<1x16xi32> to vector<16xi32>
        %swap3A_272 = vector.shape_cast %get3A_266 : vector<16xi32> to vector<1x16xi32>
        tpu.vector_store %arg14[%swap3A_268, %swap3A_269], %swap3A_272 {strides = array<i32>} : memref<4x80xi32, #tpu.memory_space<vmem>>, vector<1x16xi32>,
        %get3A_273 = arith.constant 64 : index
        %get3A_274 = tpu.vector_load %arg13[%get3A_273] {strides = array<i32>} : memref<320xi32, #tpu.memory_space<vmem>>, vector<16xi32>,
        %get3A_275 = vector.shape_cast %get3A_274 : vector<16xi32> to vector<16xi32>
        %swap3A_276 = arith.constant 0 : i32
        %swap3A_277 = arith.index_cast %swap3A_276 : i32 to index
        %swap3A_278 = arith.constant 64 : index
        %swap3A_279 = tpu.vector_load %arg14[%swap3A_277, %swap3A_278] {strides = array<i32>} : memref<4x80xi32, #tpu.memory_space<vmem>>, vector<1x16xi32>,
        %swap3A_280 = vector.shape_cast %swap3A_279 : vector<1x16xi32> to vector<16xi32>
        %swap3A_281 = vector.shape_cast %get3A_275 : vector<16xi32> to vector<1x16xi32>
        tpu.vector_store %arg14[%swap3A_277, %swap3A_278], %swap3A_281 {strides = array<i32>} : memref<4x80xi32, #tpu.memory_space<vmem>>, vector<1x16xi32>,
        %dma_start3A_282 = arith.constant 0 : i32
        %dma_start3A_283 = arith.constant 0 : i32
        %dma_start3A_284 = arith.constant 0 : i32
        %dma_start3A_285 = arith.constant 0 : i32
        %dma_start3A_286 = arith.constant 0 : i32
        %dma_start3A_287 = tpu.memref_slice %arg15[%dma_start3A_282, %dma_start3A_285, %dma_start3A_286] : memref<4x80x128xf32, #tpu.memory_space<vmem>> -> memref<1x80x128xf32, #tpu.memory_space<vmem>>
        %dma_start3A_288 = tpu.memref_squeeze %dma_start3A_287 : memref<1x80x128xf32, #tpu.memory_space<vmem>> -> memref<80x128xf32, #tpu.memory_space<vmem>>
        %dma_start3A_289 = arith.constant 0 : i32
        %dma_start3A_290 = tpu.memref_slice %arg14[%dma_start3A_283, %dma_start3A_289] : memref<4x80xi32, #tpu.memory_space<vmem>> -> memref<1x80xi32, #tpu.memory_space<vmem>>
        %dma_start3A_291 = tpu.memref_squeeze %dma_start3A_290 : memref<1x80xi32, #tpu.memory_space<vmem>> -> memref<80xi32, #tpu.memory_space<vmem>>
        %dma_start3A_292 = arith.constant 0 : i32
        %dma_start3A_293 = arith.constant 0 : i32
        %dma_start3A_294 = tpu.memref_slice %arg18[%dma_start3A_292, %dma_start3A_293] : memref<10008x128xf32, #tpu.memory_space<vmem_shared>> -> memref<10008x128xf32, #tpu.memory_space<vmem_shared>>
        %dma_start3A_295 = tpu.memref_slice %arg21[%dma_start3A_284] : memref<4x!tpu.dma_semaphore, #tpu.memory_space<semaphore_mem>> -> memref<1x!tpu.dma_semaphore, #tpu.memory_space<semaphore_mem>>
        %dma_start3A_296 = tpu.memref_squeeze %dma_start3A_295 : memref<1x!tpu.dma_semaphore, #tpu.memory_space<semaphore_mem>> -> memref<!tpu.dma_semaphore, #tpu.memory_space<semaphore_mem>>
        tpu.enqueue_indirect_dma source(%dma_start3A_288 : memref<80x128xf32, #tpu.memory_space<vmem>>) target(%dma_start3A_294 : memref<10008x128xf32, #tpu.memory_space<vmem_shared>>) offsets(%dma_start3A_291 : memref<80xi32, #tpu.memory_space<vmem>>) semaphore(%dma_start3A_296 : memref<!tpu.dma_semaphore, #tpu.memory_space<semaphore_mem>>) {add = true}
        %dma_start3A_297 = arith.constant 0 : i32
        %dma_start3A_298 = arith.constant 0 : i32
        %dma_start3A_299 = arith.constant 0 : i32
        %dma_start3A_300 = tpu.memref_slice %arg14[%dma_start3A_297, %dma_start3A_299] : memref<4x80xi32, #tpu.memory_space<vmem>> -> memref<1x80xi32, #tpu.memory_space<vmem>>
        %dma_start3A_301 = tpu.memref_squeeze %dma_start3A_300 : memref<1x80xi32, #tpu.memory_space<vmem>> -> memref<80xi32, #tpu.memory_space<vmem>>
        %dma_start3A_302 = arith.constant 0 : i32
        %dma_start3A_303 = tpu.memref_slice %arg19[%dma_start3A_302] : memref<10008xf32, #tpu.memory_space<vmem_shared>> -> memref<10008xf32, #tpu.memory_space<vmem_shared>>
        %dma_start3A_304 = tpu.memref_slice %arg21[%dma_start3A_298] : memref<4x!tpu.dma_semaphore, #tpu.memory_space<semaphore_mem>> -> memref<1x!tpu.dma_semaphore, #tpu.memory_space<semaphore_mem>>
        %dma_start3A_305 = tpu.memref_squeeze %dma_start3A_304 : memref<1x!tpu.dma_semaphore, #tpu.memory_space<semaphore_mem>> -> memref<!tpu.dma_semaphore, #tpu.memory_space<semaphore_mem>>
        tpu.enqueue_indirect_dma source(%arg16 : memref<80xf32, #tpu.memory_space<vmem>>) target(%dma_start3A_303 : memref<10008xf32, #tpu.memory_space<vmem_shared>>) offsets(%dma_start3A_301 : memref<80xi32, #tpu.memory_space<vmem>>) semaphore(%dma_start3A_305 : memref<!tpu.dma_semaphore, #tpu.memory_space<semaphore_mem>>) {add = true}
        %dma_wait3A_306 = arith.constant 1 : i32
        %dma_wait3A_307 = arith.constant 1 : i32
        %dma_wait3A_308 = arith.constant 0 : i32
        %dma_wait3A_309 = arith.constant 0 : i32
        %dma_wait3A_310 = tpu.memref_slice %arg15[%dma_wait3A_306, %dma_wait3A_308, %dma_wait3A_309] : memref<4x80x128xf32, #tpu.memory_space<vmem>> -> memref<1x80x128xf32, #tpu.memory_space<vmem>>
        %dma_wait3A_311 = tpu.memref_squeeze %dma_wait3A_310 : memref<1x80x128xf32, #tpu.memory_space<vmem>> -> memref<80x128xf32, #tpu.memory_space<vmem>>
        %dma_wait3A_312 = arith.constant 80 : i32
        %dma_wait3A_313 = tpu.memref_slice %arg12[%dma_wait3A_312] : memref<320xi32, #tpu.memory_space<vmem>> -> memref<80xi32, #tpu.memory_space<vmem>>
        %dma_wait3A_314 = arith.constant 0 : i32
        %dma_wait3A_315 = arith.constant 0 : i32
        %dma_wait3A_316 = tpu.memref_slice %arg2[%dma_wait3A_314, %dma_wait3A_315] : memref<10000x128xf32, #tpu.memory_space<hbm>> -> memref<10000x128xf32, #tpu.memory_space<hbm>>
        %dma_wait3A_317 = tpu.memref_slice %arg20[%dma_wait3A_307] : memref<4x!tpu.dma_semaphore, #tpu.memory_space<semaphore_mem>> -> memref<1x!tpu.dma_semaphore, #tpu.memory_space<semaphore_mem>>
        %dma_wait3A_318 = tpu.memref_squeeze %dma_wait3A_317 : memref<1x!tpu.dma_semaphore, #tpu.memory_space<semaphore_mem>> -> memref<!tpu.dma_semaphore, #tpu.memory_space<semaphore_mem>>
        tpu.wait_indirect_dma semaphore(%dma_wait3A_318 : memref<!tpu.dma_semaphore, #tpu.memory_space<semaphore_mem>>) src(%dma_wait3A_316 : memref<10000x128xf32, #tpu.memory_space<hbm>>) dst(%dma_wait3A_311 : memref<80x128xf32, #tpu.memory_space<vmem>>)
        %get3A_319 = arith.constant 80 : index
        %get3A_320 = tpu.vector_load %arg13[%get3A_319] {strides = array<i32>} : memref<320xi32, #tpu.memory_space<vmem>>, vector<16xi32>,
        %get3A_321 = vector.shape_cast %get3A_320 : vector<16xi32> to vector<16xi32>
        %swap3A_322 = arith.constant 1 : i32
        %swap3A_323 = arith.index_cast %swap3A_322 : i32 to index
        %swap3A_324 = arith.constant 0 : index
        %swap3A_325 = tpu.vector_load %arg14[%swap3A_323, %swap3A_324] {strides = array<i32>} : memref<4x80xi32, #tpu.memory_space<vmem>>, vector<1x16xi32>,
        %swap3A_326 = vector.shape_cast %swap3A_325 : vector<1x16xi32> to vector<16xi32>
        %swap3A_327 = vector.shape_cast %get3A_321 : vector<16xi32> to vector<1x16xi32>
        tpu.vector_store %arg14[%swap3A_323, %swap3A_324], %swap3A_327 {strides = array<i32>} : memref<4x80xi32, #tpu.memory_space<vmem>>, vector<1x16xi32>,
        %get3A_328 = arith.constant 96 : index
        %get3A_329 = tpu.vector_load %arg13[%get3A_328] {strides = array<i32>} : memref<320xi32, #tpu.memory_space<vmem>>, vector<16xi32>,
        %get3A_330 = vector.shape_cast %get3A_329 : vector<16xi32> to vector<16xi32>
        %swap3A_331 = arith.constant 1 : i32
        %swap3A_332 = arith.index_cast %swap3A_331 : i32 to index
        %swap3A_333 = arith.constant 16 : index
        %swap3A_334 = tpu.vector_load %arg14[%swap3A_332, %swap3A_333] {strides = array<i32>} : memref<4x80xi32, #tpu.memory_space<vmem>>, vector<1x16xi32>,
        %swap3A_335 = vector.shape_cast %swap3A_334 : vector<1x16xi32> to vector<16xi32>
        %swap3A_336 = vector.shape_cast %get3A_330 : vector<16xi32> to vector<1x16xi32>
        tpu.vector_store %arg14[%swap3A_332, %swap3A_333], %swap3A_336 {strides = array<i32>} : memref<4x80xi32, #tpu.memory_space<vmem>>, vector<1x16xi32>,
        %get3A_337 = arith.constant 112 : index
        %get3A_338 = tpu.vector_load %arg13[%get3A_337] {strides = array<i32>} : memref<320xi32, #tpu.memory_space<vmem>>, vector<16xi32>,
        %get3A_339 = vector.shape_cast %get3A_338 : vector<16xi32> to vector<16xi32>
        %swap3A_340 = arith.constant 1 : i32
        %swap3A_341 = arith.index_cast %swap3A_340 : i32 to index
        %swap3A_342 = arith.constant 32 : index
        %swap3A_343 = tpu.vector_load %arg14[%swap3A_341, %swap3A_342] {strides = array<i32>} : memref<4x80xi32, #tpu.memory_space<vmem>>, vector<1x16xi32>,
        %swap3A_344 = vector.shape_cast %swap3A_343 : vector<1x16xi32> to vector<16xi32>
        %swap3A_345 = vector.shape_cast %get3A_339 : vector<16xi32> to vector<1x16xi32>
        tpu.vector_store %arg14[%swap3A_341, %swap3A_342], %swap3A_345 {strides = array<i32>} : memref<4x80xi32, #tpu.memory_space<vmem>>, vector<1x16xi32>,
        %get3A_346 = arith.constant 128 : index
        %get3A_347 = tpu.vector_load %arg13[%get3A_346] {strides = array<i32>} : memref<320xi32, #tpu.memory_space<vmem>>, vector<16xi32>,
        %get3A_348 = vector.shape_cast %get3A_347 : vector<16xi32> to vector<16xi32>
        %swap3A_349 = arith.constant 1 : i32
        %swap3A_350 = arith.index_cast %swap3A_349 : i32 to index
        %swap3A_351 = arith.constant 48 : index
        %swap3A_352 = tpu.vector_load %arg14[%swap3A_350, %swap3A_351] {strides = array<i32>} : memref<4x80xi32, #tpu.memory_space<vmem>>, vector<1x16xi32>,
        %swap3A_353 = vector.shape_cast %swap3A_352 : vector<1x16xi32> to vector<16xi32>
        %swap3A_354 = vector.shape_cast %get3A_348 : vector<16xi32> to vector<1x16xi32>
        tpu.vector_store %arg14[%swap3A_350, %swap3A_351], %swap3A_354 {strides = array<i32>} : memref<4x80xi32, #tpu.memory_space<vmem>>, vector<1x16xi32>,
        %get3A_355 = arith.constant 144 : index
        %get3A_356 = tpu.vector_load %arg13[%get3A_355] {strides = array<i32>} : memref<320xi32, #tpu.memory_space<vmem>>, vector<16xi32>,
        %get3A_357 = vector.shape_cast %get3A_356 : vector<16xi32> to vector<16xi32>
        %swap3A_358 = arith.constant 1 : i32
        %swap3A_359 = arith.index_cast %swap3A_358 : i32 to index
        %swap3A_360 = arith.constant 64 : index
        %swap3A_361 = tpu.vector_load %arg14[%swap3A_359, %swap3A_360] {strides = array<i32>} : memref<4x80xi32, #tpu.memory_space<vmem>>, vector<1x16xi32>,
        %swap3A_362 = vector.shape_cast %swap3A_361 : vector<1x16xi32> to vector<16xi32>
        %swap3A_363 = vector.shape_cast %get3A_357 : vector<16xi32> to vector<1x16xi32>
        tpu.vector_store %arg14[%swap3A_359, %swap3A_360], %swap3A_363 {strides = array<i32>} : memref<4x80xi32, #tpu.memory_space<vmem>>, vector<1x16xi32>,
        %dma_start3A_364 = arith.constant 1 : i32
        %dma_start3A_365 = arith.constant 1 : i32
        %dma_start3A_366 = arith.constant 1 : i32
        %dma_start3A_367 = arith.constant 0 : i32
        %dma_start3A_368 = arith.constant 0 : i32
        %dma_start3A_369 = tpu.memref_slice %arg15[%dma_start3A_364, %dma_start3A_367, %dma_start3A_368] : memref<4x80x128xf32, #tpu.memory_space<vmem>> -> memref<1x80x128xf32, #tpu.memory_space<vmem>>
        %dma_start3A_370 = tpu.memref_squeeze %dma_start3A_369 : memref<1x80x128xf32, #tpu.memory_space<vmem>> -> memref<80x128xf32, #tpu.memory_space<vmem>>
        %dma_start3A_371 = arith.constant 0 : i32
        %dma_start3A_372 = tpu.memref_slice %arg14[%dma_start3A_365, %dma_start3A_371] : memref<4x80xi32, #tpu.memory_space<vmem>> -> memref<1x80xi32, #tpu.memory_space<vmem>>
        %dma_start3A_373 = tpu.memref_squeeze %dma_start3A_372 : memref<1x80xi32, #tpu.memory_space<vmem>> -> memref<80xi32, #tpu.memory_space<vmem>>
        %dma_start3A_374 = arith.constant 0 : i32
        %dma_start3A_375 = arith.constant 0 : i32
        %dma_start3A_376 = tpu.memref_slice %arg18[%dma_start3A_374, %dma_start3A_375] : memref<10008x128xf32, #tpu.memory_space<vmem_shared>> -> memref<10008x128xf32, #tpu.memory_space<vmem_shared>>
        %dma_start3A_377 = tpu.memref_slice %arg21[%dma_start3A_366] : memref<4x!tpu.dma_semaphore, #tpu.memory_space<semaphore_mem>> -> memref<1x!tpu.dma_semaphore, #tpu.memory_space<semaphore_mem>>
        %dma_start3A_378 = tpu.memref_squeeze %dma_start3A_377 : memref<1x!tpu.dma_semaphore, #tpu.memory_space<semaphore_mem>> -> memref<!tpu.dma_semaphore, #tpu.memory_space<semaphore_mem>>
        tpu.enqueue_indirect_dma source(%dma_start3A_370 : memref<80x128xf32, #tpu.memory_space<vmem>>) target(%dma_start3A_376 : memref<10008x128xf32, #tpu.memory_space<vmem_shared>>) offsets(%dma_start3A_373 : memref<80xi32, #tpu.memory_space<vmem>>) semaphore(%dma_start3A_378 : memref<!tpu.dma_semaphore, #tpu.memory_space<semaphore_mem>>) {add = true}
        %dma_start3A_379 = arith.constant 1 : i32
        %dma_start3A_380 = arith.constant 1 : i32
        %dma_start3A_381 = arith.constant 0 : i32
        %dma_start3A_382 = tpu.memref_slice %arg14[%dma_start3A_379, %dma_start3A_381] : memref<4x80xi32, #tpu.memory_space<vmem>> -> memref<1x80xi32, #tpu.memory_space<vmem>>
        %dma_start3A_383 = tpu.memref_squeeze %dma_start3A_382 : memref<1x80xi32, #tpu.memory_space<vmem>> -> memref<80xi32, #tpu.memory_space<vmem>>
        %dma_start3A_384 = arith.constant 0 : i32
        %dma_start3A_385 = tpu.memref_slice %arg19[%dma_start3A_384] : memref<10008xf32, #tpu.memory_space<vmem_shared>> -> memref<10008xf32, #tpu.memory_space<vmem_shared>>
        %dma_start3A_386 = tpu.memref_slice %arg21[%dma_start3A_380] : memref<4x!tpu.dma_semaphore, #tpu.memory_space<semaphore_mem>> -> memref<1x!tpu.dma_semaphore, #tpu.memory_space<semaphore_mem>>
        %dma_start3A_387 = tpu.memref_squeeze %dma_start3A_386 : memref<1x!tpu.dma_semaphore, #tpu.memory_space<semaphore_mem>> -> memref<!tpu.dma_semaphore, #tpu.memory_space<semaphore_mem>>
        tpu.enqueue_indirect_dma source(%arg16 : memref<80xf32, #tpu.memory_space<vmem>>) target(%dma_start3A_385 : memref<10008xf32, #tpu.memory_space<vmem_shared>>) offsets(%dma_start3A_383 : memref<80xi32, #tpu.memory_space<vmem>>) semaphore(%dma_start3A_387 : memref<!tpu.dma_semaphore, #tpu.memory_space<semaphore_mem>>) {add = true}
        %dma_wait3A_388 = arith.constant 2 : i32
        %dma_wait3A_389 = arith.constant 2 : i32
        %dma_wait3A_390 = arith.constant 0 : i32
        %dma_wait3A_391 = arith.constant 0 : i32
        %dma_wait3A_392 = tpu.memref_slice %arg15[%dma_wait3A_388, %dma_wait3A_390, %dma_wait3A_391] : memref<4x80x128xf32, #tpu.memory_space<vmem>> -> memref<1x80x128xf32, #tpu.memory_space<vmem>>
        %dma_wait3A_393 = tpu.memref_squeeze %dma_wait3A_392 : memref<1x80x128xf32, #tpu.memory_space<vmem>> -> memref<80x128xf32, #tpu.memory_space<vmem>>
        %dma_wait3A_394 = arith.constant 160 : i32
        %dma_wait3A_395 = tpu.memref_slice %arg12[%dma_wait3A_394] : memref<320xi32, #tpu.memory_space<vmem>> -> memref<80xi32, #tpu.memory_space<vmem>>
        %dma_wait3A_396 = arith.constant 0 : i32
        %dma_wait3A_397 = arith.constant 0 : i32
        %dma_wait3A_398 = tpu.memref_slice %arg2[%dma_wait3A_396, %dma_wait3A_397] : memref<10000x128xf32, #tpu.memory_space<hbm>> -> memref<10000x128xf32, #tpu.memory_space<hbm>>
        %dma_wait3A_399 = tpu.memref_slice %arg20[%dma_wait3A_389] : memref<4x!tpu.dma_semaphore, #tpu.memory_space<semaphore_mem>> -> memref<1x!tpu.dma_semaphore, #tpu.memory_space<semaphore_mem>>
        %dma_wait3A_400 = tpu.memref_squeeze %dma_wait3A_399 : memref<1x!tpu.dma_semaphore, #tpu.memory_space<semaphore_mem>> -> memref<!tpu.dma_semaphore, #tpu.memory_space<semaphore_mem>>
        tpu.wait_indirect_dma semaphore(%dma_wait3A_400 : memref<!tpu.dma_semaphore, #tpu.memory_space<semaphore_mem>>) src(%dma_wait3A_398 : memref<10000x128xf32, #tpu.memory_space<hbm>>) dst(%dma_wait3A_393 : memref<80x128xf32, #tpu.memory_space<vmem>>)
        %get3A_401 = arith.constant 160 : index
        %get3A_402 = tpu.vector_load %arg13[%get3A_401] {strides = array<i32>} : memref<320xi32, #tpu.memory_space<vmem>>, vector<16xi32>,
        %get3A_403 = vector.shape_cast %get3A_402 : vector<16xi32> to vector<16xi32>
        %swap3A_404 = arith.constant 2 : i32
        %swap3A_405 = arith.index_cast %swap3A_404 : i32 to index
        %swap3A_406 = arith.constant 0 : index
        %swap3A_407 = tpu.vector_load %arg14[%swap3A_405, %swap3A_406] {strides = array<i32>} : memref<4x80xi32, #tpu.memory_space<vmem>>, vector<1x16xi32>,
        %swap3A_408 = vector.shape_cast %swap3A_407 : vector<1x16xi32> to vector<16xi32>
        %swap3A_409 = vector.shape_cast %get3A_403 : vector<16xi32> to vector<1x16xi32>
        tpu.vector_store %arg14[%swap3A_405, %swap3A_406], %swap3A_409 {strides = array<i32>} : memref<4x80xi32, #tpu.memory_space<vmem>>, vector<1x16xi32>,
        %get3A_410 = arith.constant 176 : index
        %get3A_411 = tpu.vector_load %arg13[%get3A_410] {strides = array<i32>} : memref<320xi32, #tpu.memory_space<vmem>>, vector<16xi32>,
        %get3A_412 = vector.shape_cast %get3A_411 : vector<16xi32> to vector<16xi32>
        %swap3A_413 = arith.constant 2 : i32
        %swap3A_414 = arith.index_cast %swap3A_413 : i32 to index
        %swap3A_415 = arith.constant 16 : index
        %swap3A_416 = tpu.vector_load %arg14[%swap3A_414, %swap3A_415] {strides = array<i32>} : memref<4x80xi32, #tpu.memory_space<vmem>>, vector<1x16xi32>,
        %swap3A_417 = vector.shape_cast %swap3A_416 : vector<1x16xi32> to vector<16xi32>
        %swap3A_418 = vector.shape_cast %get3A_412 : vector<16xi32> to vector<1x16xi32>
        tpu.vector_store %arg14[%swap3A_414, %swap3A_415], %swap3A_418 {strides = array<i32>} : memref<4x80xi32, #tpu.memory_space<vmem>>, vector<1x16xi32>,
        %get3A_419 = arith.constant 192 : index
        %get3A_420 = tpu.vector_load %arg13[%get3A_419] {strides = array<i32>} : memref<320xi32, #tpu.memory_space<vmem>>, vector<16xi32>,
        %get3A_421 = vector.shape_cast %get3A_420 : vector<16xi32> to vector<16xi32>
        %swap3A_422 = arith.constant 2 : i32
        %swap3A_423 = arith.index_cast %swap3A_422 : i32 to index
        %swap3A_424 = arith.constant 32 : index
        %swap3A_425 = tpu.vector_load %arg14[%swap3A_423, %swap3A_424] {strides = array<i32>} : memref<4x80xi32, #tpu.memory_space<vmem>>, vector<1x16xi32>,
        %swap3A_426 = vector.shape_cast %swap3A_425 : vector<1x16xi32> to vector<16xi32>
        %swap3A_427 = vector.shape_cast %get3A_421 : vector<16xi32> to vector<1x16xi32>
        tpu.vector_store %arg14[%swap3A_423, %swap3A_424], %swap3A_427 {strides = array<i32>} : memref<4x80xi32, #tpu.memory_space<vmem>>, vector<1x16xi32>,
        %get3A_428 = arith.constant 208 : index
        %get3A_429 = tpu.vector_load %arg13[%get3A_428] {strides = array<i32>} : memref<320xi32, #tpu.memory_space<vmem>>, vector<16xi32>,
        %get3A_430 = vector.shape_cast %get3A_429 : vector<16xi32> to vector<16xi32>
        %swap3A_431 = arith.constant 2 : i32
        %swap3A_432 = arith.index_cast %swap3A_431 : i32 to index
        %swap3A_433 = arith.constant 48 : index
        %swap3A_434 = tpu.vector_load %arg14[%swap3A_432, %swap3A_433] {strides = array<i32>} : memref<4x80xi32, #tpu.memory_space<vmem>>, vector<1x16xi32>,
        %swap3A_435 = vector.shape_cast %swap3A_434 : vector<1x16xi32> to vector<16xi32>
        %swap3A_436 = vector.shape_cast %get3A_430 : vector<16xi32> to vector<1x16xi32>
        tpu.vector_store %arg14[%swap3A_432, %swap3A_433], %swap3A_436 {strides = array<i32>} : memref<4x80xi32, #tpu.memory_space<vmem>>, vector<1x16xi32>,
        %get3A_437 = arith.constant 224 : index
        %get3A_438 = tpu.vector_load %arg13[%get3A_437] {strides = array<i32>} : memref<320xi32, #tpu.memory_space<vmem>>, vector<16xi32>,
        %get3A_439 = vector.shape_cast %get3A_438 : vector<16xi32> to vector<16xi32>
        %swap3A_440 = arith.constant 2 : i32
        %swap3A_441 = arith.index_cast %swap3A_440 : i32 to index
        %swap3A_442 = arith.constant 64 : index
        %swap3A_443 = tpu.vector_load %arg14[%swap3A_441, %swap3A_442] {strides = array<i32>} : memref<4x80xi32, #tpu.memory_space<vmem>>, vector<1x16xi32>,
        %swap3A_444 = vector.shape_cast %swap3A_443 : vector<1x16xi32> to vector<16xi32>
        %swap3A_445 = vector.shape_cast %get3A_439 : vector<16xi32> to vector<1x16xi32>
        tpu.vector_store %arg14[%swap3A_441, %swap3A_442], %swap3A_445 {strides = array<i32>} : memref<4x80xi32, #tpu.memory_space<vmem>>, vector<1x16xi32>,
        %dma_start3A_446 = arith.constant 2 : i32
        %dma_start3A_447 = arith.constant 2 : i32
        %dma_start3A_448 = arith.constant 2 : i32
        %dma_start3A_449 = arith.constant 0 : i32
        %dma_start3A_450 = arith.constant 0 : i32
        %dma_start3A_451 = tpu.memref_slice %arg15[%dma_start3A_446, %dma_start3A_449, %dma_start3A_450] : memref<4x80x128xf32, #tpu.memory_space<vmem>> -> memref<1x80x128xf32, #tpu.memory_space<vmem>>
        %dma_start3A_452 = tpu.memref_squeeze %dma_start3A_451 : memref<1x80x128xf32, #tpu.memory_space<vmem>> -> memref<80x128xf32, #tpu.memory_space<vmem>>
        %dma_start3A_453 = arith.constant 0 : i32
        %dma_start3A_454 = tpu.memref_slice %arg14[%dma_start3A_447, %dma_start3A_453] : memref<4x80xi32, #tpu.memory_space<vmem>> -> memref<1x80xi32, #tpu.memory_space<vmem>>
        %dma_start3A_455 = tpu.memref_squeeze %dma_start3A_454 : memref<1x80xi32, #tpu.memory_space<vmem>> -> memref<80xi32, #tpu.memory_space<vmem>>
        %dma_start3A_456 = arith.constant 0 : i32
        %dma_start3A_457 = arith.constant 0 : i32
        %dma_start3A_458 = tpu.memref_slice %arg18[%dma_start3A_456, %dma_start3A_457] : memref<10008x128xf32, #tpu.memory_space<vmem_shared>> -> memref<10008x128xf32, #tpu.memory_space<vmem_shared>>
        %dma_start3A_459 = tpu.memref_slice %arg21[%dma_start3A_448] : memref<4x!tpu.dma_semaphore, #tpu.memory_space<semaphore_mem>> -> memref<1x!tpu.dma_semaphore, #tpu.memory_space<semaphore_mem>>
        %dma_start3A_460 = tpu.memref_squeeze %dma_start3A_459 : memref<1x!tpu.dma_semaphore, #tpu.memory_space<semaphore_mem>> -> memref<!tpu.dma_semaphore, #tpu.memory_space<semaphore_mem>>
        tpu.enqueue_indirect_dma source(%dma_start3A_452 : memref<80x128xf32, #tpu.memory_space<vmem>>) target(%dma_start3A_458 : memref<10008x128xf32, #tpu.memory_space<vmem_shared>>) offsets(%dma_start3A_455 : memref<80xi32, #tpu.memory_space<vmem>>) semaphore(%dma_start3A_460 : memref<!tpu.dma_semaphore, #tpu.memory_space<semaphore_mem>>) {add = true}
        %dma_start3A_461 = arith.constant 2 : i32
        %dma_start3A_462 = arith.constant 2 : i32
        %dma_start3A_463 = arith.constant 0 : i32
        %dma_start3A_464 = tpu.memref_slice %arg14[%dma_start3A_461, %dma_start3A_463] : memref<4x80xi32, #tpu.memory_space<vmem>> -> memref<1x80xi32, #tpu.memory_space<vmem>>
        %dma_start3A_465 = tpu.memref_squeeze %dma_start3A_464 : memref<1x80xi32, #tpu.memory_space<vmem>> -> memref<80xi32, #tpu.memory_space<vmem>>
        %dma_start3A_466 = arith.constant 0 : i32
        %dma_start3A_467 = tpu.memref_slice %arg19[%dma_start3A_466] : memref<10008xf32, #tpu.memory_space<vmem_shared>> -> memref<10008xf32, #tpu.memory_space<vmem_shared>>
        %dma_start3A_468 = tpu.memref_slice %arg21[%dma_start3A_462] : memref<4x!tpu.dma_semaphore, #tpu.memory_space<semaphore_mem>> -> memref<1x!tpu.dma_semaphore, #tpu.memory_space<semaphore_mem>>
        %dma_start3A_469 = tpu.memref_squeeze %dma_start3A_468 : memref<1x!tpu.dma_semaphore, #tpu.memory_space<semaphore_mem>> -> memref<!tpu.dma_semaphore, #tpu.memory_space<semaphore_mem>>
        tpu.enqueue_indirect_dma source(%arg16 : memref<80xf32, #tpu.memory_space<vmem>>) target(%dma_start3A_467 : memref<10008xf32, #tpu.memory_space<vmem_shared>>) offsets(%dma_start3A_465 : memref<80xi32, #tpu.memory_space<vmem>>) semaphore(%dma_start3A_469 : memref<!tpu.dma_semaphore, #tpu.memory_space<semaphore_mem>>) {add = true}
        %dma_wait3A_470 = arith.constant 3 : i32
        %dma_wait3A_471 = arith.constant 3 : i32
        %dma_wait3A_472 = arith.constant 0 : i32
        %dma_wait3A_473 = arith.constant 0 : i32
        %dma_wait3A_474 = tpu.memref_slice %arg15[%dma_wait3A_470, %dma_wait3A_472, %dma_wait3A_473] : memref<4x80x128xf32, #tpu.memory_space<vmem>> -> memref<1x80x128xf32, #tpu.memory_space<vmem>>
        %dma_wait3A_475 = tpu.memref_squeeze %dma_wait3A_474 : memref<1x80x128xf32, #tpu.memory_space<vmem>> -> memref<80x128xf32, #tpu.memory_space<vmem>>
        %dma_wait3A_476 = arith.constant 240 : i32
        %dma_wait3A_477 = tpu.memref_slice %arg12[%dma_wait3A_476] : memref<320xi32, #tpu.memory_space<vmem>> -> memref<80xi32, #tpu.memory_space<vmem>>
        %dma_wait3A_478 = arith.constant 0 : i32
        %dma_wait3A_479 = arith.constant 0 : i32
        %dma_wait3A_480 = tpu.memref_slice %arg2[%dma_wait3A_478, %dma_wait3A_479] : memref<10000x128xf32, #tpu.memory_space<hbm>> -> memref<10000x128xf32, #tpu.memory_space<hbm>>
        %dma_wait3A_481 = tpu.memref_slice %arg20[%dma_wait3A_471] : memref<4x!tpu.dma_semaphore, #tpu.memory_space<semaphore_mem>> -> memref<1x!tpu.dma_semaphore, #tpu.memory_space<semaphore_mem>>
        %dma_wait3A_482 = tpu.memref_squeeze %dma_wait3A_481 : memref<1x!tpu.dma_semaphore, #tpu.memory_space<semaphore_mem>> -> memref<!tpu.dma_semaphore, #tpu.memory_space<semaphore_mem>>
        tpu.wait_indirect_dma semaphore(%dma_wait3A_482 : memref<!tpu.dma_semaphore, #tpu.memory_space<semaphore_mem>>) src(%dma_wait3A_480 : memref<10000x128xf32, #tpu.memory_space<hbm>>) dst(%dma_wait3A_475 : memref<80x128xf32, #tpu.memory_space<vmem>>)
        %get3A_483 = arith.constant 240 : index
        %get3A_484 = tpu.vector_load %arg13[%get3A_483] {strides = array<i32>} : memref<320xi32, #tpu.memory_space<vmem>>, vector<16xi32>,
        %get3A_485 = vector.shape_cast %get3A_484 : vector<16xi32> to vector<16xi32>
        %swap3A_486 = arith.constant 3 : i32
        %swap3A_487 = arith.index_cast %swap3A_486 : i32 to index
        %swap3A_488 = arith.constant 0 : index
        %swap3A_489 = tpu.vector_load %arg14[%swap3A_487, %swap3A_488] {strides = array<i32>} : memref<4x80xi32, #tpu.memory_space<vmem>>, vector<1x16xi32>,
        %swap3A_490 = vector.shape_cast %swap3A_489 : vector<1x16xi32> to vector<16xi32>
        %swap3A_491 = vector.shape_cast %get3A_485 : vector<16xi32> to vector<1x16xi32>
        tpu.vector_store %arg14[%swap3A_487, %swap3A_488], %swap3A_491 {strides = array<i32>} : memref<4x80xi32, #tpu.memory_space<vmem>>, vector<1x16xi32>,
        %get3A_492 = arith.constant 256 : index
        %get3A_493 = tpu.vector_load %arg13[%get3A_492] {strides = array<i32>} : memref<320xi32, #tpu.memory_space<vmem>>, vector<16xi32>,
        %get3A_494 = vector.shape_cast %get3A_493 : vector<16xi32> to vector<16xi32>
        %swap3A_495 = arith.constant 3 : i32
        %swap3A_496 = arith.index_cast %swap3A_495 : i32 to index
        %swap3A_497 = arith.constant 16 : index
        %swap3A_498 = tpu.vector_load %arg14[%swap3A_496, %swap3A_497] {strides = array<i32>} : memref<4x80xi32, #tpu.memory_space<vmem>>, vector<1x16xi32>,
        %swap3A_499 = vector.shape_cast %swap3A_498 : vector<1x16xi32> to vector<16xi32>
        %swap3A_500 = vector.shape_cast %get3A_494 : vector<16xi32> to vector<1x16xi32>
        tpu.vector_store %arg14[%swap3A_496, %swap3A_497], %swap3A_500 {strides = array<i32>} : memref<4x80xi32, #tpu.memory_space<vmem>>, vector<1x16xi32>,
        %get3A_501 = arith.constant 272 : index
        %get3A_502 = tpu.vector_load %arg13[%get3A_501] {strides = array<i32>} : memref<320xi32, #tpu.memory_space<vmem>>, vector<16xi32>,
        %get3A_503 = vector.shape_cast %get3A_502 : vector<16xi32> to vector<16xi32>
        %swap3A_504 = arith.constant 3 : i32
        %swap3A_505 = arith.index_cast %swap3A_504 : i32 to index
        %swap3A_506 = arith.constant 32 : index
        %swap3A_507 = tpu.vector_load %arg14[%swap3A_505, %swap3A_506] {strides = array<i32>} : memref<4x80xi32, #tpu.memory_space<vmem>>, vector<1x16xi32>,
        %swap3A_508 = vector.shape_cast %swap3A_507 : vector<1x16xi32> to vector<16xi32>
        %swap3A_509 = vector.shape_cast %get3A_503 : vector<16xi32> to vector<1x16xi32>
        tpu.vector_store %arg14[%swap3A_505, %swap3A_506], %swap3A_509 {strides = array<i32>} : memref<4x80xi32, #tpu.memory_space<vmem>>, vector<1x16xi32>,
        %get3A_510 = arith.constant 288 : index
        %get3A_511 = tpu.vector_load %arg13[%get3A_510] {strides = array<i32>} : memref<320xi32, #tpu.memory_space<vmem>>, vector<16xi32>,
        %get3A_512 = vector.shape_cast %get3A_511 : vector<16xi32> to vector<16xi32>
        %swap3A_513 = arith.constant 3 : i32
        %swap3A_514 = arith.index_cast %swap3A_513 : i32 to index
        %swap3A_515 = arith.constant 48 : index
        %swap3A_516 = tpu.vector_load %arg14[%swap3A_514, %swap3A_515] {strides = array<i32>} : memref<4x80xi32, #tpu.memory_space<vmem>>, vector<1x16xi32>,
        %swap3A_517 = vector.shape_cast %swap3A_516 : vector<1x16xi32> to vector<16xi32>
        %swap3A_518 = vector.shape_cast %get3A_512 : vector<16xi32> to vector<1x16xi32>
        tpu.vector_store %arg14[%swap3A_514, %swap3A_515], %swap3A_518 {strides = array<i32>} : memref<4x80xi32, #tpu.memory_space<vmem>>, vector<1x16xi32>,
        %get3A_519 = arith.constant 304 : index
        %get3A_520 = tpu.vector_load %arg13[%get3A_519] {strides = array<i32>} : memref<320xi32, #tpu.memory_space<vmem>>, vector<16xi32>,
        %get3A_521 = vector.shape_cast %get3A_520 : vector<16xi32> to vector<16xi32>
        %swap3A_522 = arith.constant 3 : i32
        %swap3A_523 = arith.index_cast %swap3A_522 : i32 to index
        %swap3A_524 = arith.constant 64 : index
        %swap3A_525 = tpu.vector_load %arg14[%swap3A_523, %swap3A_524] {strides = array<i32>} : memref<4x80xi32, #tpu.memory_space<vmem>>, vector<1x16xi32>,
        %swap3A_526 = vector.shape_cast %swap3A_525 : vector<1x16xi32> to vector<16xi32>
        %swap3A_527 = vector.shape_cast %get3A_521 : vector<16xi32> to vector<1x16xi32>
        tpu.vector_store %arg14[%swap3A_523, %swap3A_524], %swap3A_527 {strides = array<i32>} : memref<4x80xi32, #tpu.memory_space<vmem>>, vector<1x16xi32>,
        %dma_start3A_528 = arith.constant 3 : i32
        %dma_start3A_529 = arith.constant 3 : i32
        %dma_start3A_530 = arith.constant 3 : i32
        %dma_start3A_531 = arith.constant 0 : i32
        %dma_start3A_532 = arith.constant 0 : i32
        %dma_start3A_533 = tpu.memref_slice %arg15[%dma_start3A_528, %dma_start3A_531, %dma_start3A_532] : memref<4x80x128xf32, #tpu.memory_space<vmem>> -> memref<1x80x128xf32, #tpu.memory_space<vmem>>
        %dma_start3A_534 = tpu.memref_squeeze %dma_start3A_533 : memref<1x80x128xf32, #tpu.memory_space<vmem>> -> memref<80x128xf32, #tpu.memory_space<vmem>>
        %dma_start3A_535 = arith.constant 0 : i32
        %dma_start3A_536 = tpu.memref_slice %arg14[%dma_start3A_529, %dma_start3A_535] : memref<4x80xi32, #tpu.memory_space<vmem>> -> memref<1x80xi32, #tpu.memory_space<vmem>>
        %dma_start3A_537 = tpu.memref_squeeze %dma_start3A_536 : memref<1x80xi32, #tpu.memory_space<vmem>> -> memref<80xi32, #tpu.memory_space<vmem>>
        %dma_start3A_538 = arith.constant 0 : i32
        %dma_start3A_539 = arith.constant 0 : i32
        %dma_start3A_540 = tpu.memref_slice %arg18[%dma_start3A_538, %dma_start3A_539] : memref<10008x128xf32, #tpu.memory_space<vmem_shared>> -> memref<10008x128xf32, #tpu.memory_space<vmem_shared>>
        %dma_start3A_541 = tpu.memref_slice %arg21[%dma_start3A_530] : memref<4x!tpu.dma_semaphore, #tpu.memory_space<semaphore_mem>> -> memref<1x!tpu.dma_semaphore, #tpu.memory_space<semaphore_mem>>
        %dma_start3A_542 = tpu.memref_squeeze %dma_start3A_541 : memref<1x!tpu.dma_semaphore, #tpu.memory_space<semaphore_mem>> -> memref<!tpu.dma_semaphore, #tpu.memory_space<semaphore_mem>>
        tpu.enqueue_indirect_dma source(%dma_start3A_534 : memref<80x128xf32, #tpu.memory_space<vmem>>) target(%dma_start3A_540 : memref<10008x128xf32, #tpu.memory_space<vmem_shared>>) offsets(%dma_start3A_537 : memref<80xi32, #tpu.memory_space<vmem>>) semaphore(%dma_start3A_542 : memref<!tpu.dma_semaphore, #tpu.memory_space<semaphore_mem>>) {add = true}
        %dma_start3A_543 = arith.constant 3 : i32
        %dma_start3A_544 = arith.constant 3 : i32
        %dma_start3A_545 = arith.constant 0 : i32
        %dma_start3A_546 = tpu.memref_slice %arg14[%dma_start3A_543, %dma_start3A_545] : memref<4x80xi32, #tpu.memory_space<vmem>> -> memref<1x80xi32, #tpu.memory_space<vmem>>
        %dma_start3A_547 = tpu.memref_squeeze %dma_start3A_546 : memref<1x80xi32, #tpu.memory_space<vmem>> -> memref<80xi32, #tpu.memory_space<vmem>>
        %dma_start3A_548 = arith.constant 0 : i32
        %dma_start3A_549 = tpu.memref_slice %arg19[%dma_start3A_548] : memref<10008xf32, #tpu.memory_space<vmem_shared>> -> memref<10008xf32, #tpu.memory_space<vmem_shared>>
        %dma_start3A_550 = tpu.memref_slice %arg21[%dma_start3A_544] : memref<4x!tpu.dma_semaphore, #tpu.memory_space<semaphore_mem>> -> memref<1x!tpu.dma_semaphore, #tpu.memory_space<semaphore_mem>>
        %dma_start3A_551 = tpu.memref_squeeze %dma_start3A_550 : memref<1x!tpu.dma_semaphore, #tpu.memory_space<semaphore_mem>> -> memref<!tpu.dma_semaphore, #tpu.memory_space<semaphore_mem>>
        tpu.enqueue_indirect_dma source(%arg16 : memref<80xf32, #tpu.memory_space<vmem>>) target(%dma_start3A_549 : memref<10008xf32, #tpu.memory_space<vmem_shared>>) offsets(%dma_start3A_547 : memref<80xi32, #tpu.memory_space<vmem>>) semaphore(%dma_start3A_551 : memref<!tpu.dma_semaphore, #tpu.memory_space<semaphore_mem>>) {add = true}
      }
      %scan3A_68 = arith.constant 65 : i32
      %dma_wait3A = arith.constant 0 : i32
      %dma_wait3A_69 = arith.constant 0 : i32
      %dma_wait3A_70 = arith.constant 0 : i32
      %dma_wait3A_71 = arith.constant 0 : i32
      %dma_wait3A_72 = arith.constant 0 : i32
      %dma_wait3A_73 = tpu.memref_slice %arg15[%dma_wait3A, %dma_wait3A_71, %dma_wait3A_72] : memref<4x80x128xf32, #tpu.memory_space<vmem>> -> memref<1x80x128xf32, #tpu.memory_space<vmem>>
      %dma_wait3A_74 = tpu.memref_squeeze %dma_wait3A_73 : memref<1x80x128xf32, #tpu.memory_space<vmem>> -> memref<80x128xf32, #tpu.memory_space<vmem>>
      %dma_wait3A_75 = arith.constant 0 : i32
      %dma_wait3A_76 = tpu.memref_slice %arg14[%dma_wait3A_69, %dma_wait3A_75] : memref<4x80xi32, #tpu.memory_space<vmem>> -> memref<1x80xi32, #tpu.memory_space<vmem>>
      %dma_wait3A_77 = tpu.memref_squeeze %dma_wait3A_76 : memref<1x80xi32, #tpu.memory_space<vmem>> -> memref<80xi32, #tpu.memory_space<vmem>>
      %dma_wait3A_78 = arith.constant 0 : i32
      %dma_wait3A_79 = arith.constant 0 : i32
      %dma_wait3A_80 = tpu.memref_slice %arg18[%dma_wait3A_78, %dma_wait3A_79] : memref<10008x128xf32, #tpu.memory_space<vmem_shared>> -> memref<10008x128xf32, #tpu.memory_space<vmem_shared>>
      %dma_wait3A_81 = tpu.memref_slice %arg21[%dma_wait3A_70] : memref<4x!tpu.dma_semaphore, #tpu.memory_space<semaphore_mem>> -> memref<1x!tpu.dma_semaphore, #tpu.memory_space<semaphore_mem>>
      %dma_wait3A_82 = tpu.memref_squeeze %dma_wait3A_81 : memref<1x!tpu.dma_semaphore, #tpu.memory_space<semaphore_mem>> -> memref<!tpu.dma_semaphore, #tpu.memory_space<semaphore_mem>>
      tpu.wait_indirect_dma semaphore(%dma_wait3A_82 : memref<!tpu.dma_semaphore, #tpu.memory_space<semaphore_mem>>) src(%dma_wait3A_74 : memref<80x128xf32, #tpu.memory_space<vmem>>) dst(%dma_wait3A_80 : memref<10008x128xf32, #tpu.memory_space<vmem_shared>>)
      %dma_wait3A_83 = arith.constant 0 : i32
      %dma_wait3A_84 = arith.constant 0 : i32
      %dma_wait3A_85 = arith.constant 0 : i32
      %dma_wait3A_86 = tpu.memref_slice %arg14[%dma_wait3A_83, %dma_wait3A_85] : memref<4x80xi32, #tpu.memory_space<vmem>> -> memref<1x80xi32, #tpu.memory_space<vmem>>
      %dma_wait3A_87 = tpu.memref_squeeze %dma_wait3A_86 : memref<1x80xi32, #tpu.memory_space<vmem>> -> memref<80xi32, #tpu.memory_space<vmem>>
      %dma_wait3A_88 = arith.constant 0 : i32
      %dma_wait3A_89 = tpu.memref_slice %arg19[%dma_wait3A_88] : memref<10008xf32, #tpu.memory_space<vmem_shared>> -> memref<10008xf32, #tpu.memory_space<vmem_shared>>
      %dma_wait3A_90 = tpu.memref_slice %arg21[%dma_wait3A_84] : memref<4x!tpu.dma_semaphore, #tpu.memory_space<semaphore_mem>> -> memref<1x!tpu.dma_semaphore, #tpu.memory_space<semaphore_mem>>
      %dma_wait3A_91 = tpu.memref_squeeze %dma_wait3A_90 : memref<1x!tpu.dma_semaphore, #tpu.memory_space<semaphore_mem>> -> memref<!tpu.dma_semaphore, #tpu.memory_space<semaphore_mem>>
      tpu.wait_indirect_dma semaphore(%dma_wait3A_91 : memref<!tpu.dma_semaphore, #tpu.memory_space<semaphore_mem>>) src(%arg16 : memref<80xf32, #tpu.memory_space<vmem>>) dst(%dma_wait3A_89 : memref<10008xf32, #tpu.memory_space<vmem_shared>>)
      %dma_wait3A_92 = arith.constant 1 : i32
      %dma_wait3A_93 = arith.constant 1 : i32
      %dma_wait3A_94 = arith.constant 1 : i32
      %dma_wait3A_95 = arith.constant 0 : i32
      %dma_wait3A_96 = arith.constant 0 : i32
      %dma_wait3A_97 = tpu.memref_slice %arg15[%dma_wait3A_92, %dma_wait3A_95, %dma_wait3A_96] : memref<4x80x128xf32, #tpu.memory_space<vmem>> -> memref<1x80x128xf32, #tpu.memory_space<vmem>>
      %dma_wait3A_98 = tpu.memref_squeeze %dma_wait3A_97 : memref<1x80x128xf32, #tpu.memory_space<vmem>> -> memref<80x128xf32, #tpu.memory_space<vmem>>
      %dma_wait3A_99 = arith.constant 0 : i32
      %dma_wait3A_100 = tpu.memref_slice %arg14[%dma_wait3A_93, %dma_wait3A_99] : memref<4x80xi32, #tpu.memory_space<vmem>> -> memref<1x80xi32, #tpu.memory_space<vmem>>
      %dma_wait3A_101 = tpu.memref_squeeze %dma_wait3A_100 : memref<1x80xi32, #tpu.memory_space<vmem>> -> memref<80xi32, #tpu.memory_space<vmem>>
      %dma_wait3A_102 = arith.constant 0 : i32
      %dma_wait3A_103 = arith.constant 0 : i32
      %dma_wait3A_104 = tpu.memref_slice %arg18[%dma_wait3A_102, %dma_wait3A_103] : memref<10008x128xf32, #tpu.memory_space<vmem_shared>> -> memref<10008x128xf32, #tpu.memory_space<vmem_shared>>
      %dma_wait3A_105 = tpu.memref_slice %arg21[%dma_wait3A_94] : memref<4x!tpu.dma_semaphore, #tpu.memory_space<semaphore_mem>> -> memref<1x!tpu.dma_semaphore, #tpu.memory_space<semaphore_mem>>
      %dma_wait3A_106 = tpu.memref_squeeze %dma_wait3A_105 : memref<1x!tpu.dma_semaphore, #tpu.memory_space<semaphore_mem>> -> memref<!tpu.dma_semaphore, #tpu.memory_space<semaphore_mem>>
      tpu.wait_indirect_dma semaphore(%dma_wait3A_106 : memref<!tpu.dma_semaphore, #tpu.memory_space<semaphore_mem>>) src(%dma_wait3A_98 : memref<80x128xf32, #tpu.memory_space<vmem>>) dst(%dma_wait3A_104 : memref<10008x128xf32, #tpu.memory_space<vmem_shared>>)
      %dma_wait3A_107 = arith.constant 1 : i32
      %dma_wait3A_108 = arith.constant 1 : i32
      %dma_wait3A_109 = arith.constant 0 : i32
      %dma_wait3A_110 = tpu.memref_slice %arg14[%dma_wait3A_107, %dma_wait3A_109] : memref<4x80xi32, #tpu.memory_space<vmem>> -> memref<1x80xi32, #tpu.memory_space<vmem>>
      %dma_wait3A_111 = tpu.memref_squeeze %dma_wait3A_110 : memref<1x80xi32, #tpu.memory_space<vmem>> -> memref<80xi32, #tpu.memory_space<vmem>>
      %dma_wait3A_112 = arith.constant 0 : i32
      %dma_wait3A_113 = tpu.memref_slice %arg19[%dma_wait3A_112] : memref<10008xf32, #tpu.memory_space<vmem_shared>> -> memref<10008xf32, #tpu.memory_space<vmem_shared>>
      %dma_wait3A_114 = tpu.memref_slice %arg21[%dma_wait3A_108] : memref<4x!tpu.dma_semaphore, #tpu.memory_space<semaphore_mem>> -> memref<1x!tpu.dma_semaphore, #tpu.memory_space<semaphore_mem>>
      %dma_wait3A_115 = tpu.memref_squeeze %dma_wait3A_114 : memref<1x!tpu.dma_semaphore, #tpu.memory_space<semaphore_mem>> -> memref<!tpu.dma_semaphore, #tpu.memory_space<semaphore_mem>>
      tpu.wait_indirect_dma semaphore(%dma_wait3A_115 : memref<!tpu.dma_semaphore, #tpu.memory_space<semaphore_mem>>) src(%arg16 : memref<80xf32, #tpu.memory_space<vmem>>) dst(%dma_wait3A_113 : memref<10008xf32, #tpu.memory_space<vmem_shared>>)
      %dma_wait3A_116 = arith.constant 2 : i32
      %dma_wait3A_117 = arith.constant 2 : i32
      %dma_wait3A_118 = arith.constant 2 : i32
      %dma_wait3A_119 = arith.constant 0 : i32
      %dma_wait3A_120 = arith.constant 0 : i32
      %dma_wait3A_121 = tpu.memref_slice %arg15[%dma_wait3A_116, %dma_wait3A_119, %dma_wait3A_120] : memref<4x80x128xf32, #tpu.memory_space<vmem>> -> memref<1x80x128xf32, #tpu.memory_space<vmem>>
      %dma_wait3A_122 = tpu.memref_squeeze %dma_wait3A_121 : memref<1x80x128xf32, #tpu.memory_space<vmem>> -> memref<80x128xf32, #tpu.memory_space<vmem>>
      %dma_wait3A_123 = arith.constant 0 : i32
      %dma_wait3A_124 = tpu.memref_slice %arg14[%dma_wait3A_117, %dma_wait3A_123] : memref<4x80xi32, #tpu.memory_space<vmem>> -> memref<1x80xi32, #tpu.memory_space<vmem>>
      %dma_wait3A_125 = tpu.memref_squeeze %dma_wait3A_124 : memref<1x80xi32, #tpu.memory_space<vmem>> -> memref<80xi32, #tpu.memory_space<vmem>>
      %dma_wait3A_126 = arith.constant 0 : i32
      %dma_wait3A_127 = arith.constant 0 : i32
      %dma_wait3A_128 = tpu.memref_slice %arg18[%dma_wait3A_126, %dma_wait3A_127] : memref<10008x128xf32, #tpu.memory_space<vmem_shared>> -> memref<10008x128xf32, #tpu.memory_space<vmem_shared>>
      %dma_wait3A_129 = tpu.memref_slice %arg21[%dma_wait3A_118] : memref<4x!tpu.dma_semaphore, #tpu.memory_space<semaphore_mem>> -> memref<1x!tpu.dma_semaphore, #tpu.memory_space<semaphore_mem>>
      %dma_wait3A_130 = tpu.memref_squeeze %dma_wait3A_129 : memref<1x!tpu.dma_semaphore, #tpu.memory_space<semaphore_mem>> -> memref<!tpu.dma_semaphore, #tpu.memory_space<semaphore_mem>>
      tpu.wait_indirect_dma semaphore(%dma_wait3A_130 : memref<!tpu.dma_semaphore, #tpu.memory_space<semaphore_mem>>) src(%dma_wait3A_122 : memref<80x128xf32, #tpu.memory_space<vmem>>) dst(%dma_wait3A_128 : memref<10008x128xf32, #tpu.memory_space<vmem_shared>>)
      %dma_wait3A_131 = arith.constant 2 : i32
      %dma_wait3A_132 = arith.constant 2 : i32
      %dma_wait3A_133 = arith.constant 0 : i32
      %dma_wait3A_134 = tpu.memref_slice %arg14[%dma_wait3A_131, %dma_wait3A_133] : memref<4x80xi32, #tpu.memory_space<vmem>> -> memref<1x80xi32, #tpu.memory_space<vmem>>
      %dma_wait3A_135 = tpu.memref_squeeze %dma_wait3A_134 : memref<1x80xi32, #tpu.memory_space<vmem>> -> memref<80xi32, #tpu.memory_space<vmem>>
      %dma_wait3A_136 = arith.constant 0 : i32
      %dma_wait3A_137 = tpu.memref_slice %arg19[%dma_wait3A_136] : memref<10008xf32, #tpu.memory_space<vmem_shared>> -> memref<10008xf32, #tpu.memory_space<vmem_shared>>
      %dma_wait3A_138 = tpu.memref_slice %arg21[%dma_wait3A_132] : memref<4x!tpu.dma_semaphore, #tpu.memory_space<semaphore_mem>> -> memref<1x!tpu.dma_semaphore, #tpu.memory_space<semaphore_mem>>
      %dma_wait3A_139 = tpu.memref_squeeze %dma_wait3A_138 : memref<1x!tpu.dma_semaphore, #tpu.memory_space<semaphore_mem>> -> memref<!tpu.dma_semaphore, #tpu.memory_space<semaphore_mem>>
      tpu.wait_indirect_dma semaphore(%dma_wait3A_139 : memref<!tpu.dma_semaphore, #tpu.memory_space<semaphore_mem>>) src(%arg16 : memref<80xf32, #tpu.memory_space<vmem>>) dst(%dma_wait3A_137 : memref<10008xf32, #tpu.memory_space<vmem_shared>>)
      %dma_wait3A_140 = arith.constant 3 : i32
      %dma_wait3A_141 = arith.constant 3 : i32
      %dma_wait3A_142 = arith.constant 3 : i32
      %dma_wait3A_143 = arith.constant 0 : i32
      %dma_wait3A_144 = arith.constant 0 : i32
      %dma_wait3A_145 = tpu.memref_slice %arg15[%dma_wait3A_140, %dma_wait3A_143, %dma_wait3A_144] : memref<4x80x128xf32, #tpu.memory_space<vmem>> -> memref<1x80x128xf32, #tpu.memory_space<vmem>>
      %dma_wait3A_146 = tpu.memref_squeeze %dma_wait3A_145 : memref<1x80x128xf32, #tpu.memory_space<vmem>> -> memref<80x128xf32, #tpu.memory_space<vmem>>
      %dma_wait3A_147 = arith.constant 0 : i32
      %dma_wait3A_148 = tpu.memref_slice %arg14[%dma_wait3A_141, %dma_wait3A_147] : memref<4x80xi32, #tpu.memory_space<vmem>> -> memref<1x80xi32, #tpu.memory_space<vmem>>
      %dma_wait3A_149 = tpu.memref_squeeze %dma_wait3A_148 : memref<1x80xi32, #tpu.memory_space<vmem>> -> memref<80xi32, #tpu.memory_space<vmem>>
      %dma_wait3A_150 = arith.constant 0 : i32
      %dma_wait3A_151 = arith.constant 0 : i32
      %dma_wait3A_152 = tpu.memref_slice %arg18[%dma_wait3A_150, %dma_wait3A_151] : memref<10008x128xf32, #tpu.memory_space<vmem_shared>> -> memref<10008x128xf32, #tpu.memory_space<vmem_shared>>
      %dma_wait3A_153 = tpu.memref_slice %arg21[%dma_wait3A_142] : memref<4x!tpu.dma_semaphore, #tpu.memory_space<semaphore_mem>> -> memref<1x!tpu.dma_semaphore, #tpu.memory_space<semaphore_mem>>
      %dma_wait3A_154 = tpu.memref_squeeze %dma_wait3A_153 : memref<1x!tpu.dma_semaphore, #tpu.memory_space<semaphore_mem>> -> memref<!tpu.dma_semaphore, #tpu.memory_space<semaphore_mem>>
      tpu.wait_indirect_dma semaphore(%dma_wait3A_154 : memref<!tpu.dma_semaphore, #tpu.memory_space<semaphore_mem>>) src(%dma_wait3A_146 : memref<80x128xf32, #tpu.memory_space<vmem>>) dst(%dma_wait3A_152 : memref<10008x128xf32, #tpu.memory_space<vmem_shared>>)
      %dma_wait3A_155 = arith.constant 3 : i32
      %dma_wait3A_156 = arith.constant 3 : i32
      %dma_wait3A_157 = arith.constant 0 : i32
      %dma_wait3A_158 = tpu.memref_slice %arg14[%dma_wait3A_155, %dma_wait3A_157] : memref<4x80xi32, #tpu.memory_space<vmem>> -> memref<1x80xi32, #tpu.memory_space<vmem>>
      %dma_wait3A_159 = tpu.memref_squeeze %dma_wait3A_158 : memref<1x80xi32, #tpu.memory_space<vmem>> -> memref<80xi32, #tpu.memory_space<vmem>>
      %dma_wait3A_160 = arith.constant 0 : i32
      %dma_wait3A_161 = tpu.memref_slice %arg19[%dma_wait3A_160] : memref<10008xf32, #tpu.memory_space<vmem_shared>> -> memref<10008xf32, #tpu.memory_space<vmem_shared>>
      %dma_wait3A_162 = tpu.memref_slice %arg21[%dma_wait3A_156] : memref<4x!tpu.dma_semaphore, #tpu.memory_space<semaphore_mem>> -> memref<1x!tpu.dma_semaphore, #tpu.memory_space<semaphore_mem>>
      %dma_wait3A_163 = tpu.memref_squeeze %dma_wait3A_162 : memref<1x!tpu.dma_semaphore, #tpu.memory_space<semaphore_mem>> -> memref<!tpu.dma_semaphore, #tpu.memory_space<semaphore_mem>>
      tpu.wait_indirect_dma semaphore(%dma_wait3A_163 : memref<!tpu.dma_semaphore, #tpu.memory_space<semaphore_mem>>) src(%arg16 : memref<80xf32, #tpu.memory_space<vmem>>) dst(%dma_wait3A_161 : memref<10008xf32, #tpu.memory_space<vmem_shared>>)
    } else {
    }
    %eq3A_42 = arith.constant 1 : i32
    %eq3A_43 = arith.cmpi eq, %arg0, %eq3A_42 : i32
    %convert_element_type3A_44 = arith.extui %eq3A_43 : i1 to i32
    %cond3A_45 = arith.constant 0 : i32
    %cond3A_46 = arith.cmpi ne, %convert_element_type3A_44, %cond3A_45 : i32
    scf.if %cond3A_46 {
      %scan3A = arith.constant 0 : i32
      %scan3A_64 = arith.constant 0 : i32
      %scan3A_65 = arith.constant 65 : i32
      %scan3A_66 = arith.addi %scan3A_64, %scan3A_65 : i32
      %scan3A_67 = arith.constant 1 : i32
      scf.for %scan3A_164 = %scan3A_64 to %scan3A_66 step %scan3A_67  : i32 {
        %mul3A_165 = arith.constant 4 : i32
        %mul3A_166 = arith.muli %scan3A_164, %mul3A_165 : i32
        %mul3A_167 = arith.constant 80 : i32
        %mul3A_168 = arith.muli %mul3A_166, %mul3A_167 : i32
        %add3A_169 = arith.addi %mul3A_0, %mul3A_168 : i32
        %gt3A = arith.constant 0 : i32
        %gt3A_170 = arith.cmpi sgt, %scan3A_164, %gt3A : i32
        %convert_element_type3A_171 = arith.extui %gt3A_170 : i1 to i32
        %cond3A_172 = arith.constant 0 : i32
        %cond3A_173 = arith.cmpi ne, %convert_element_type3A_171, %cond3A_172 : i32
        scf.if %cond3A_173 {
          %dma_wait3A_552 = arith.constant 0 : i32
          %dma_wait3A_553 = arith.constant 0 : i32
          %dma_wait3A_554 = arith.constant 0 : i32
          %dma_wait3A_555 = arith.constant 0 : i32
          %dma_wait3A_556 = arith.constant 0 : i32
          %dma_wait3A_557 = tpu.memref_slice %arg15[%dma_wait3A_552, %dma_wait3A_555, %dma_wait3A_556] : memref<4x80x128xf32, #tpu.memory_space<vmem>> -> memref<1x80x128xf32, #tpu.memory_space<vmem>>
          %dma_wait3A_558 = tpu.memref_squeeze %dma_wait3A_557 : memref<1x80x128xf32, #tpu.memory_space<vmem>> -> memref<80x128xf32, #tpu.memory_space<vmem>>
          %dma_wait3A_559 = arith.constant 0 : i32
          %dma_wait3A_560 = tpu.memref_slice %arg14[%dma_wait3A_553, %dma_wait3A_559] : memref<4x80xi32, #tpu.memory_space<vmem>> -> memref<1x80xi32, #tpu.memory_space<vmem>>
          %dma_wait3A_561 = tpu.memref_squeeze %dma_wait3A_560 : memref<1x80xi32, #tpu.memory_space<vmem>> -> memref<80xi32, #tpu.memory_space<vmem>>
          %dma_wait3A_562 = arith.constant 0 : i32
          %dma_wait3A_563 = arith.constant 0 : i32
          %dma_wait3A_564 = tpu.memref_slice %arg18[%dma_wait3A_562, %dma_wait3A_563] : memref<10008x128xf32, #tpu.memory_space<vmem_shared>> -> memref<10008x128xf32, #tpu.memory_space<vmem_shared>>
          %dma_wait3A_565 = tpu.memref_slice %arg21[%dma_wait3A_554] : memref<4x!tpu.dma_semaphore, #tpu.memory_space<semaphore_mem>> -> memref<1x!tpu.dma_semaphore, #tpu.memory_space<semaphore_mem>>
          %dma_wait3A_566 = tpu.memref_squeeze %dma_wait3A_565 : memref<1x!tpu.dma_semaphore, #tpu.memory_space<semaphore_mem>> -> memref<!tpu.dma_semaphore, #tpu.memory_space<semaphore_mem>>
          tpu.wait_indirect_dma semaphore(%dma_wait3A_566 : memref<!tpu.dma_semaphore, #tpu.memory_space<semaphore_mem>>) src(%dma_wait3A_558 : memref<80x128xf32, #tpu.memory_space<vmem>>) dst(%dma_wait3A_564 : memref<10008x128xf32, #tpu.memory_space<vmem_shared>>)
          %dma_wait3A_567 = arith.constant 0 : i32
          %dma_wait3A_568 = arith.constant 0 : i32
          %dma_wait3A_569 = arith.constant 0 : i32
          %dma_wait3A_570 = tpu.memref_slice %arg14[%dma_wait3A_567, %dma_wait3A_569] : memref<4x80xi32, #tpu.memory_space<vmem>> -> memref<1x80xi32, #tpu.memory_space<vmem>>
          %dma_wait3A_571 = tpu.memref_squeeze %dma_wait3A_570 : memref<1x80xi32, #tpu.memory_space<vmem>> -> memref<80xi32, #tpu.memory_space<vmem>>
          %dma_wait3A_572 = arith.constant 0 : i32
          %dma_wait3A_573 = tpu.memref_slice %arg19[%dma_wait3A_572] : memref<10008xf32, #tpu.memory_space<vmem_shared>> -> memref<10008xf32, #tpu.memory_space<vmem_shared>>
          %dma_wait3A_574 = tpu.memref_slice %arg21[%dma_wait3A_568] : memref<4x!tpu.dma_semaphore, #tpu.memory_space<semaphore_mem>> -> memref<1x!tpu.dma_semaphore, #tpu.memory_space<semaphore_mem>>
          %dma_wait3A_575 = tpu.memref_squeeze %dma_wait3A_574 : memref<1x!tpu.dma_semaphore, #tpu.memory_space<semaphore_mem>> -> memref<!tpu.dma_semaphore, #tpu.memory_space<semaphore_mem>>
          tpu.wait_indirect_dma semaphore(%dma_wait3A_575 : memref<!tpu.dma_semaphore, #tpu.memory_space<semaphore_mem>>) src(%arg16 : memref<80xf32, #tpu.memory_space<vmem>>) dst(%dma_wait3A_573 : memref<10008xf32, #tpu.memory_space<vmem_shared>>)
          %dma_wait3A_576 = arith.constant 1 : i32
          %dma_wait3A_577 = arith.constant 1 : i32
          %dma_wait3A_578 = arith.constant 1 : i32
          %dma_wait3A_579 = arith.constant 0 : i32
          %dma_wait3A_580 = arith.constant 0 : i32
          %dma_wait3A_581 = tpu.memref_slice %arg15[%dma_wait3A_576, %dma_wait3A_579, %dma_wait3A_580] : memref<4x80x128xf32, #tpu.memory_space<vmem>> -> memref<1x80x128xf32, #tpu.memory_space<vmem>>
          %dma_wait3A_582 = tpu.memref_squeeze %dma_wait3A_581 : memref<1x80x128xf32, #tpu.memory_space<vmem>> -> memref<80x128xf32, #tpu.memory_space<vmem>>
          %dma_wait3A_583 = arith.constant 0 : i32
          %dma_wait3A_584 = tpu.memref_slice %arg14[%dma_wait3A_577, %dma_wait3A_583] : memref<4x80xi32, #tpu.memory_space<vmem>> -> memref<1x80xi32, #tpu.memory_space<vmem>>
          %dma_wait3A_585 = tpu.memref_squeeze %dma_wait3A_584 : memref<1x80xi32, #tpu.memory_space<vmem>> -> memref<80xi32, #tpu.memory_space<vmem>>
          %dma_wait3A_586 = arith.constant 0 : i32
          %dma_wait3A_587 = arith.constant 0 : i32
          %dma_wait3A_588 = tpu.memref_slice %arg18[%dma_wait3A_586, %dma_wait3A_587] : memref<10008x128xf32, #tpu.memory_space<vmem_shared>> -> memref<10008x128xf32, #tpu.memory_space<vmem_shared>>
          %dma_wait3A_589 = tpu.memref_slice %arg21[%dma_wait3A_578] : memref<4x!tpu.dma_semaphore, #tpu.memory_space<semaphore_mem>> -> memref<1x!tpu.dma_semaphore, #tpu.memory_space<semaphore_mem>>
          %dma_wait3A_590 = tpu.memref_squeeze %dma_wait3A_589 : memref<1x!tpu.dma_semaphore, #tpu.memory_space<semaphore_mem>> -> memref<!tpu.dma_semaphore, #tpu.memory_space<semaphore_mem>>
          tpu.wait_indirect_dma semaphore(%dma_wait3A_590 : memref<!tpu.dma_semaphore, #tpu.memory_space<semaphore_mem>>) src(%dma_wait3A_582 : memref<80x128xf32, #tpu.memory_space<vmem>>) dst(%dma_wait3A_588 : memref<10008x128xf32, #tpu.memory_space<vmem_shared>>)
          %dma_wait3A_591 = arith.constant 1 : i32
          %dma_wait3A_592 = arith.constant 1 : i32
          %dma_wait3A_593 = arith.constant 0 : i32
          %dma_wait3A_594 = tpu.memref_slice %arg14[%dma_wait3A_591, %dma_wait3A_593] : memref<4x80xi32, #tpu.memory_space<vmem>> -> memref<1x80xi32, #tpu.memory_space<vmem>>
          %dma_wait3A_595 = tpu.memref_squeeze %dma_wait3A_594 : memref<1x80xi32, #tpu.memory_space<vmem>> -> memref<80xi32, #tpu.memory_space<vmem>>
          %dma_wait3A_596 = arith.constant 0 : i32
          %dma_wait3A_597 = tpu.memref_slice %arg19[%dma_wait3A_596] : memref<10008xf32, #tpu.memory_space<vmem_shared>> -> memref<10008xf32, #tpu.memory_space<vmem_shared>>
          %dma_wait3A_598 = tpu.memref_slice %arg21[%dma_wait3A_592] : memref<4x!tpu.dma_semaphore, #tpu.memory_space<semaphore_mem>> -> memref<1x!tpu.dma_semaphore, #tpu.memory_space<semaphore_mem>>
          %dma_wait3A_599 = tpu.memref_squeeze %dma_wait3A_598 : memref<1x!tpu.dma_semaphore, #tpu.memory_space<semaphore_mem>> -> memref<!tpu.dma_semaphore, #tpu.memory_space<semaphore_mem>>
          tpu.wait_indirect_dma semaphore(%dma_wait3A_599 : memref<!tpu.dma_semaphore, #tpu.memory_space<semaphore_mem>>) src(%arg16 : memref<80xf32, #tpu.memory_space<vmem>>) dst(%dma_wait3A_597 : memref<10008xf32, #tpu.memory_space<vmem_shared>>)
          %dma_wait3A_600 = arith.constant 2 : i32
          %dma_wait3A_601 = arith.constant 2 : i32
          %dma_wait3A_602 = arith.constant 2 : i32
          %dma_wait3A_603 = arith.constant 0 : i32
          %dma_wait3A_604 = arith.constant 0 : i32
          %dma_wait3A_605 = tpu.memref_slice %arg15[%dma_wait3A_600, %dma_wait3A_603, %dma_wait3A_604] : memref<4x80x128xf32, #tpu.memory_space<vmem>> -> memref<1x80x128xf32, #tpu.memory_space<vmem>>
          %dma_wait3A_606 = tpu.memref_squeeze %dma_wait3A_605 : memref<1x80x128xf32, #tpu.memory_space<vmem>> -> memref<80x128xf32, #tpu.memory_space<vmem>>
          %dma_wait3A_607 = arith.constant 0 : i32
          %dma_wait3A_608 = tpu.memref_slice %arg14[%dma_wait3A_601, %dma_wait3A_607] : memref<4x80xi32, #tpu.memory_space<vmem>> -> memref<1x80xi32, #tpu.memory_space<vmem>>
          %dma_wait3A_609 = tpu.memref_squeeze %dma_wait3A_608 : memref<1x80xi32, #tpu.memory_space<vmem>> -> memref<80xi32, #tpu.memory_space<vmem>>
          %dma_wait3A_610 = arith.constant 0 : i32
          %dma_wait3A_611 = arith.constant 0 : i32
          %dma_wait3A_612 = tpu.memref_slice %arg18[%dma_wait3A_610, %dma_wait3A_611] : memref<10008x128xf32, #tpu.memory_space<vmem_shared>> -> memref<10008x128xf32, #tpu.memory_space<vmem_shared>>
          %dma_wait3A_613 = tpu.memref_slice %arg21[%dma_wait3A_602] : memref<4x!tpu.dma_semaphore, #tpu.memory_space<semaphore_mem>> -> memref<1x!tpu.dma_semaphore, #tpu.memory_space<semaphore_mem>>
          %dma_wait3A_614 = tpu.memref_squeeze %dma_wait3A_613 : memref<1x!tpu.dma_semaphore, #tpu.memory_space<semaphore_mem>> -> memref<!tpu.dma_semaphore, #tpu.memory_space<semaphore_mem>>
          tpu.wait_indirect_dma semaphore(%dma_wait3A_614 : memref<!tpu.dma_semaphore, #tpu.memory_space<semaphore_mem>>) src(%dma_wait3A_606 : memref<80x128xf32, #tpu.memory_space<vmem>>) dst(%dma_wait3A_612 : memref<10008x128xf32, #tpu.memory_space<vmem_shared>>)
          %dma_wait3A_615 = arith.constant 2 : i32
          %dma_wait3A_616 = arith.constant 2 : i32
          %dma_wait3A_617 = arith.constant 0 : i32
          %dma_wait3A_618 = tpu.memref_slice %arg14[%dma_wait3A_615, %dma_wait3A_617] : memref<4x80xi32, #tpu.memory_space<vmem>> -> memref<1x80xi32, #tpu.memory_space<vmem>>
          %dma_wait3A_619 = tpu.memref_squeeze %dma_wait3A_618 : memref<1x80xi32, #tpu.memory_space<vmem>> -> memref<80xi32, #tpu.memory_space<vmem>>
          %dma_wait3A_620 = arith.constant 0 : i32
          %dma_wait3A_621 = tpu.memref_slice %arg19[%dma_wait3A_620] : memref<10008xf32, #tpu.memory_space<vmem_shared>> -> memref<10008xf32, #tpu.memory_space<vmem_shared>>
          %dma_wait3A_622 = tpu.memref_slice %arg21[%dma_wait3A_616] : memref<4x!tpu.dma_semaphore, #tpu.memory_space<semaphore_mem>> -> memref<1x!tpu.dma_semaphore, #tpu.memory_space<semaphore_mem>>
          %dma_wait3A_623 = tpu.memref_squeeze %dma_wait3A_622 : memref<1x!tpu.dma_semaphore, #tpu.memory_space<semaphore_mem>> -> memref<!tpu.dma_semaphore, #tpu.memory_space<semaphore_mem>>
          tpu.wait_indirect_dma semaphore(%dma_wait3A_623 : memref<!tpu.dma_semaphore, #tpu.memory_space<semaphore_mem>>) src(%arg16 : memref<80xf32, #tpu.memory_space<vmem>>) dst(%dma_wait3A_621 : memref<10008xf32, #tpu.memory_space<vmem_shared>>)
          %dma_wait3A_624 = arith.constant 3 : i32
          %dma_wait3A_625 = arith.constant 3 : i32
          %dma_wait3A_626 = arith.constant 3 : i32
          %dma_wait3A_627 = arith.constant 0 : i32
          %dma_wait3A_628 = arith.constant 0 : i32
          %dma_wait3A_629 = tpu.memref_slice %arg15[%dma_wait3A_624, %dma_wait3A_627, %dma_wait3A_628] : memref<4x80x128xf32, #tpu.memory_space<vmem>> -> memref<1x80x128xf32, #tpu.memory_space<vmem>>
          %dma_wait3A_630 = tpu.memref_squeeze %dma_wait3A_629 : memref<1x80x128xf32, #tpu.memory_space<vmem>> -> memref<80x128xf32, #tpu.memory_space<vmem>>
          %dma_wait3A_631 = arith.constant 0 : i32
          %dma_wait3A_632 = tpu.memref_slice %arg14[%dma_wait3A_625, %dma_wait3A_631] : memref<4x80xi32, #tpu.memory_space<vmem>> -> memref<1x80xi32, #tpu.memory_space<vmem>>
          %dma_wait3A_633 = tpu.memref_squeeze %dma_wait3A_632 : memref<1x80xi32, #tpu.memory_space<vmem>> -> memref<80xi32, #tpu.memory_space<vmem>>
          %dma_wait3A_634 = arith.constant 0 : i32
          %dma_wait3A_635 = arith.constant 0 : i32
          %dma_wait3A_636 = tpu.memref_slice %arg18[%dma_wait3A_634, %dma_wait3A_635] : memref<10008x128xf32, #tpu.memory_space<vmem_shared>> -> memref<10008x128xf32, #tpu.memory_space<vmem_shared>>
          %dma_wait3A_637 = tpu.memref_slice %arg21[%dma_wait3A_626] : memref<4x!tpu.dma_semaphore, #tpu.memory_space<semaphore_mem>> -> memref<1x!tpu.dma_semaphore, #tpu.memory_space<semaphore_mem>>
          %dma_wait3A_638 = tpu.memref_squeeze %dma_wait3A_637 : memref<1x!tpu.dma_semaphore, #tpu.memory_space<semaphore_mem>> -> memref<!tpu.dma_semaphore, #tpu.memory_space<semaphore_mem>>
          tpu.wait_indirect_dma semaphore(%dma_wait3A_638 : memref<!tpu.dma_semaphore, #tpu.memory_space<semaphore_mem>>) src(%dma_wait3A_630 : memref<80x128xf32, #tpu.memory_space<vmem>>) dst(%dma_wait3A_636 : memref<10008x128xf32, #tpu.memory_space<vmem_shared>>)
          %dma_wait3A_639 = arith.constant 3 : i32
          %dma_wait3A_640 = arith.constant 3 : i32
          %dma_wait3A_641 = arith.constant 0 : i32
          %dma_wait3A_642 = tpu.memref_slice %arg14[%dma_wait3A_639, %dma_wait3A_641] : memref<4x80xi32, #tpu.memory_space<vmem>> -> memref<1x80xi32, #tpu.memory_space<vmem>>
          %dma_wait3A_643 = tpu.memref_squeeze %dma_wait3A_642 : memref<1x80xi32, #tpu.memory_space<vmem>> -> memref<80xi32, #tpu.memory_space<vmem>>
          %dma_wait3A_644 = arith.constant 0 : i32
          %dma_wait3A_645 = tpu.memref_slice %arg19[%dma_wait3A_644] : memref<10008xf32, #tpu.memory_space<vmem_shared>> -> memref<10008xf32, #tpu.memory_space<vmem_shared>>
          %dma_wait3A_646 = tpu.memref_slice %arg21[%dma_wait3A_640] : memref<4x!tpu.dma_semaphore, #tpu.memory_space<semaphore_mem>> -> memref<1x!tpu.dma_semaphore, #tpu.memory_space<semaphore_mem>>
          %dma_wait3A_647 = tpu.memref_squeeze %dma_wait3A_646 : memref<1x!tpu.dma_semaphore, #tpu.memory_space<semaphore_mem>> -> memref<!tpu.dma_semaphore, #tpu.memory_space<semaphore_mem>>
          tpu.wait_indirect_dma semaphore(%dma_wait3A_647 : memref<!tpu.dma_semaphore, #tpu.memory_space<semaphore_mem>>) src(%arg16 : memref<80xf32, #tpu.memory_space<vmem>>) dst(%dma_wait3A_645 : memref<10008xf32, #tpu.memory_space<vmem_shared>>)
        } else {
        }
        "tpu.region"() ({
          %run_scoped3A = tpu.sem_alloc : memref<!tpu.dma_semaphore, #tpu.memory_space<semaphore_mem>>
          %dma_start3A_552 = tpu.memref_slice %arg6[%add3A_169] : memref<332800xi32, #tpu.memory_space<hbm>> -> memref<320xi32, #tpu.memory_space<hbm>>
          %dma_start3A_553 = tpu.memref_slice %arg6[%add3A_169] : memref<332800xi32, #tpu.memory_space<hbm>> -> memref<320xi32, #tpu.memory_space<hbm>>
          tpu.enqueue_dma source(%dma_start3A_553 : memref<320xi32, #tpu.memory_space<hbm>>) target(%arg12 : memref<320xi32, #tpu.memory_space<vmem>>) target_semaphore(%run_scoped3A : memref<!tpu.dma_semaphore, #tpu.memory_space<semaphore_mem>>)
          %dma_wait3A_554 = tpu.memref_slice %arg6[%add3A_169] : memref<332800xi32, #tpu.memory_space<hbm>> -> memref<320xi32, #tpu.memory_space<hbm>>
          %dma_wait3A_555 = tpu.memref_slice %arg6[%add3A_169] : memref<332800xi32, #tpu.memory_space<hbm>> -> memref<320xi32, #tpu.memory_space<hbm>>
          tpu.wait_dma2 semaphore(%run_scoped3A : memref<!tpu.dma_semaphore, #tpu.memory_space<semaphore_mem>>) src(%dma_wait3A_555 : memref<320xi32, #tpu.memory_space<hbm>>) dst(%arg12 : memref<320xi32, #tpu.memory_space<vmem>>)
          tpu.yield
        }) : () -> ()
        "tpu.region"() ({
          %run_scoped3A = tpu.sem_alloc : memref<!tpu.dma_semaphore, #tpu.memory_space<semaphore_mem>>
          %dma_start3A_552 = tpu.memref_slice %arg7[%add3A_169] : memref<332800xi32, #tpu.memory_space<hbm>> -> memref<320xi32, #tpu.memory_space<hbm>>
          %dma_start3A_553 = tpu.memref_slice %arg7[%add3A_169] : memref<332800xi32, #tpu.memory_space<hbm>> -> memref<320xi32, #tpu.memory_space<hbm>>
          tpu.enqueue_dma source(%dma_start3A_553 : memref<320xi32, #tpu.memory_space<hbm>>) target(%arg13 : memref<320xi32, #tpu.memory_space<vmem>>) target_semaphore(%run_scoped3A : memref<!tpu.dma_semaphore, #tpu.memory_space<semaphore_mem>>)
          %dma_wait3A_554 = tpu.memref_slice %arg7[%add3A_169] : memref<332800xi32, #tpu.memory_space<hbm>> -> memref<320xi32, #tpu.memory_space<hbm>>
          %dma_wait3A_555 = tpu.memref_slice %arg7[%add3A_169] : memref<332800xi32, #tpu.memory_space<hbm>> -> memref<320xi32, #tpu.memory_space<hbm>>
          tpu.wait_dma2 semaphore(%run_scoped3A : memref<!tpu.dma_semaphore, #tpu.memory_space<semaphore_mem>>) src(%dma_wait3A_555 : memref<320xi32, #tpu.memory_space<hbm>>) dst(%arg13 : memref<320xi32, #tpu.memory_space<vmem>>)
          tpu.yield
        }) : () -> ()
        %dma_start3A = arith.constant 0 : i32
        %dma_start3A_174 = arith.constant 0 : i32
        %dma_start3A_175 = arith.constant 0 : i32
        %dma_start3A_176 = arith.constant 0 : i32
        %dma_start3A_177 = tpu.memref_slice %arg15[%dma_start3A, %dma_start3A_175, %dma_start3A_176] : memref<4x80x128xf32, #tpu.memory_space<vmem>> -> memref<1x80x128xf32, #tpu.memory_space<vmem>>
        %dma_start3A_178 = tpu.memref_squeeze %dma_start3A_177 : memref<1x80x128xf32, #tpu.memory_space<vmem>> -> memref<80x128xf32, #tpu.memory_space<vmem>>
        %dma_start3A_179 = arith.constant 0 : i32
        %dma_start3A_180 = tpu.memref_slice %arg12[%dma_start3A_179] : memref<320xi32, #tpu.memory_space<vmem>> -> memref<80xi32, #tpu.memory_space<vmem>>
        %dma_start3A_181 = arith.constant 0 : i32
        %dma_start3A_182 = arith.constant 0 : i32
        %dma_start3A_183 = tpu.memref_slice %arg3[%dma_start3A_181, %dma_start3A_182] : memref<10000x128xf32, #tpu.memory_space<hbm>> -> memref<10000x128xf32, #tpu.memory_space<hbm>>
        %dma_start3A_184 = tpu.memref_slice %arg20[%dma_start3A_174] : memref<4x!tpu.dma_semaphore, #tpu.memory_space<semaphore_mem>> -> memref<1x!tpu.dma_semaphore, #tpu.memory_space<semaphore_mem>>
        %dma_start3A_185 = tpu.memref_squeeze %dma_start3A_184 : memref<1x!tpu.dma_semaphore, #tpu.memory_space<semaphore_mem>> -> memref<!tpu.dma_semaphore, #tpu.memory_space<semaphore_mem>>
        tpu.enqueue_indirect_dma source(%dma_start3A_183 : memref<10000x128xf32, #tpu.memory_space<hbm>>) target(%dma_start3A_178 : memref<80x128xf32, #tpu.memory_space<vmem>>) offsets(%dma_start3A_180 : memref<80xi32, #tpu.memory_space<vmem>>) semaphore(%dma_start3A_185 : memref<!tpu.dma_semaphore, #tpu.memory_space<semaphore_mem>>)
        %dma_start3A_186 = arith.constant 1 : i32
        %dma_start3A_187 = arith.constant 1 : i32
        %dma_start3A_188 = arith.constant 0 : i32
        %dma_start3A_189 = arith.constant 0 : i32
        %dma_start3A_190 = tpu.memref_slice %arg15[%dma_start3A_186, %dma_start3A_188, %dma_start3A_189] : memref<4x80x128xf32, #tpu.memory_space<vmem>> -> memref<1x80x128xf32, #tpu.memory_space<vmem>>
        %dma_start3A_191 = tpu.memref_squeeze %dma_start3A_190 : memref<1x80x128xf32, #tpu.memory_space<vmem>> -> memref<80x128xf32, #tpu.memory_space<vmem>>
        %dma_start3A_192 = arith.constant 80 : i32
        %dma_start3A_193 = tpu.memref_slice %arg12[%dma_start3A_192] : memref<320xi32, #tpu.memory_space<vmem>> -> memref<80xi32, #tpu.memory_space<vmem>>
        %dma_start3A_194 = arith.constant 0 : i32
        %dma_start3A_195 = arith.constant 0 : i32
        %dma_start3A_196 = tpu.memref_slice %arg3[%dma_start3A_194, %dma_start3A_195] : memref<10000x128xf32, #tpu.memory_space<hbm>> -> memref<10000x128xf32, #tpu.memory_space<hbm>>
        %dma_start3A_197 = tpu.memref_slice %arg20[%dma_start3A_187] : memref<4x!tpu.dma_semaphore, #tpu.memory_space<semaphore_mem>> -> memref<1x!tpu.dma_semaphore, #tpu.memory_space<semaphore_mem>>
        %dma_start3A_198 = tpu.memref_squeeze %dma_start3A_197 : memref<1x!tpu.dma_semaphore, #tpu.memory_space<semaphore_mem>> -> memref<!tpu.dma_semaphore, #tpu.memory_space<semaphore_mem>>
        tpu.enqueue_indirect_dma source(%dma_start3A_196 : memref<10000x128xf32, #tpu.memory_space<hbm>>) target(%dma_start3A_191 : memref<80x128xf32, #tpu.memory_space<vmem>>) offsets(%dma_start3A_193 : memref<80xi32, #tpu.memory_space<vmem>>) semaphore(%dma_start3A_198 : memref<!tpu.dma_semaphore, #tpu.memory_space<semaphore_mem>>)
        %dma_start3A_199 = arith.constant 2 : i32
        %dma_start3A_200 = arith.constant 2 : i32
        %dma_start3A_201 = arith.constant 0 : i32
        %dma_start3A_202 = arith.constant 0 : i32
        %dma_start3A_203 = tpu.memref_slice %arg15[%dma_start3A_199, %dma_start3A_201, %dma_start3A_202] : memref<4x80x128xf32, #tpu.memory_space<vmem>> -> memref<1x80x128xf32, #tpu.memory_space<vmem>>
        %dma_start3A_204 = tpu.memref_squeeze %dma_start3A_203 : memref<1x80x128xf32, #tpu.memory_space<vmem>> -> memref<80x128xf32, #tpu.memory_space<vmem>>
        %dma_start3A_205 = arith.constant 160 : i32
        %dma_start3A_206 = tpu.memref_slice %arg12[%dma_start3A_205] : memref<320xi32, #tpu.memory_space<vmem>> -> memref<80xi32, #tpu.memory_space<vmem>>
        %dma_start3A_207 = arith.constant 0 : i32
        %dma_start3A_208 = arith.constant 0 : i32
        %dma_start3A_209 = tpu.memref_slice %arg3[%dma_start3A_207, %dma_start3A_208] : memref<10000x128xf32, #tpu.memory_space<hbm>> -> memref<10000x128xf32, #tpu.memory_space<hbm>>
        %dma_start3A_210 = tpu.memref_slice %arg20[%dma_start3A_200] : memref<4x!tpu.dma_semaphore, #tpu.memory_space<semaphore_mem>> -> memref<1x!tpu.dma_semaphore, #tpu.memory_space<semaphore_mem>>
        %dma_start3A_211 = tpu.memref_squeeze %dma_start3A_210 : memref<1x!tpu.dma_semaphore, #tpu.memory_space<semaphore_mem>> -> memref<!tpu.dma_semaphore, #tpu.memory_space<semaphore_mem>>
        tpu.enqueue_indirect_dma source(%dma_start3A_209 : memref<10000x128xf32, #tpu.memory_space<hbm>>) target(%dma_start3A_204 : memref<80x128xf32, #tpu.memory_space<vmem>>) offsets(%dma_start3A_206 : memref<80xi32, #tpu.memory_space<vmem>>) semaphore(%dma_start3A_211 : memref<!tpu.dma_semaphore, #tpu.memory_space<semaphore_mem>>)
        %dma_start3A_212 = arith.constant 3 : i32
        %dma_start3A_213 = arith.constant 3 : i32
        %dma_start3A_214 = arith.constant 0 : i32
        %dma_start3A_215 = arith.constant 0 : i32
        %dma_start3A_216 = tpu.memref_slice %arg15[%dma_start3A_212, %dma_start3A_214, %dma_start3A_215] : memref<4x80x128xf32, #tpu.memory_space<vmem>> -> memref<1x80x128xf32, #tpu.memory_space<vmem>>
        %dma_start3A_217 = tpu.memref_squeeze %dma_start3A_216 : memref<1x80x128xf32, #tpu.memory_space<vmem>> -> memref<80x128xf32, #tpu.memory_space<vmem>>
        %dma_start3A_218 = arith.constant 240 : i32
        %dma_start3A_219 = tpu.memref_slice %arg12[%dma_start3A_218] : memref<320xi32, #tpu.memory_space<vmem>> -> memref<80xi32, #tpu.memory_space<vmem>>
        %dma_start3A_220 = arith.constant 0 : i32
        %dma_start3A_221 = arith.constant 0 : i32
        %dma_start3A_222 = tpu.memref_slice %arg3[%dma_start3A_220, %dma_start3A_221] : memref<10000x128xf32, #tpu.memory_space<hbm>> -> memref<10000x128xf32, #tpu.memory_space<hbm>>
        %dma_start3A_223 = tpu.memref_slice %arg20[%dma_start3A_213] : memref<4x!tpu.dma_semaphore, #tpu.memory_space<semaphore_mem>> -> memref<1x!tpu.dma_semaphore, #tpu.memory_space<semaphore_mem>>
        %dma_start3A_224 = tpu.memref_squeeze %dma_start3A_223 : memref<1x!tpu.dma_semaphore, #tpu.memory_space<semaphore_mem>> -> memref<!tpu.dma_semaphore, #tpu.memory_space<semaphore_mem>>
        tpu.enqueue_indirect_dma source(%dma_start3A_222 : memref<10000x128xf32, #tpu.memory_space<hbm>>) target(%dma_start3A_217 : memref<80x128xf32, #tpu.memory_space<vmem>>) offsets(%dma_start3A_219 : memref<80xi32, #tpu.memory_space<vmem>>) semaphore(%dma_start3A_224 : memref<!tpu.dma_semaphore, #tpu.memory_space<semaphore_mem>>)
        %dma_wait3A_225 = arith.constant 0 : i32
        %dma_wait3A_226 = arith.constant 0 : i32
        %dma_wait3A_227 = arith.constant 0 : i32
        %dma_wait3A_228 = arith.constant 0 : i32
        %dma_wait3A_229 = tpu.memref_slice %arg15[%dma_wait3A_225, %dma_wait3A_227, %dma_wait3A_228] : memref<4x80x128xf32, #tpu.memory_space<vmem>> -> memref<1x80x128xf32, #tpu.memory_space<vmem>>
        %dma_wait3A_230 = tpu.memref_squeeze %dma_wait3A_229 : memref<1x80x128xf32, #tpu.memory_space<vmem>> -> memref<80x128xf32, #tpu.memory_space<vmem>>
        %dma_wait3A_231 = arith.constant 0 : i32
        %dma_wait3A_232 = tpu.memref_slice %arg12[%dma_wait3A_231] : memref<320xi32, #tpu.memory_space<vmem>> -> memref<80xi32, #tpu.memory_space<vmem>>
        %dma_wait3A_233 = arith.constant 0 : i32
        %dma_wait3A_234 = arith.constant 0 : i32
        %dma_wait3A_235 = tpu.memref_slice %arg3[%dma_wait3A_233, %dma_wait3A_234] : memref<10000x128xf32, #tpu.memory_space<hbm>> -> memref<10000x128xf32, #tpu.memory_space<hbm>>
        %dma_wait3A_236 = tpu.memref_slice %arg20[%dma_wait3A_226] : memref<4x!tpu.dma_semaphore, #tpu.memory_space<semaphore_mem>> -> memref<1x!tpu.dma_semaphore, #tpu.memory_space<semaphore_mem>>
        %dma_wait3A_237 = tpu.memref_squeeze %dma_wait3A_236 : memref<1x!tpu.dma_semaphore, #tpu.memory_space<semaphore_mem>> -> memref<!tpu.dma_semaphore, #tpu.memory_space<semaphore_mem>>
        tpu.wait_indirect_dma semaphore(%dma_wait3A_237 : memref<!tpu.dma_semaphore, #tpu.memory_space<semaphore_mem>>) src(%dma_wait3A_235 : memref<10000x128xf32, #tpu.memory_space<hbm>>) dst(%dma_wait3A_230 : memref<80x128xf32, #tpu.memory_space<vmem>>)
        %get3A = arith.constant 0 : index
        %get3A_238 = tpu.vector_load %arg13[%get3A] {strides = array<i32>} : memref<320xi32, #tpu.memory_space<vmem>>, vector<16xi32>,
        %get3A_239 = vector.shape_cast %get3A_238 : vector<16xi32> to vector<16xi32>
        %swap3A_240 = arith.constant 0 : i32
        %swap3A_241 = arith.index_cast %swap3A_240 : i32 to index
        %swap3A_242 = arith.constant 0 : index
        %swap3A_243 = tpu.vector_load %arg14[%swap3A_241, %swap3A_242] {strides = array<i32>} : memref<4x80xi32, #tpu.memory_space<vmem>>, vector<1x16xi32>,
        %swap3A_244 = vector.shape_cast %swap3A_243 : vector<1x16xi32> to vector<16xi32>
        %swap3A_245 = vector.shape_cast %get3A_239 : vector<16xi32> to vector<1x16xi32>
        tpu.vector_store %arg14[%swap3A_241, %swap3A_242], %swap3A_245 {strides = array<i32>} : memref<4x80xi32, #tpu.memory_space<vmem>>, vector<1x16xi32>,
        %get3A_246 = arith.constant 16 : index
        %get3A_247 = tpu.vector_load %arg13[%get3A_246] {strides = array<i32>} : memref<320xi32, #tpu.memory_space<vmem>>, vector<16xi32>,
        %get3A_248 = vector.shape_cast %get3A_247 : vector<16xi32> to vector<16xi32>
        %swap3A_249 = arith.constant 0 : i32
        %swap3A_250 = arith.index_cast %swap3A_249 : i32 to index
        %swap3A_251 = arith.constant 16 : index
        %swap3A_252 = tpu.vector_load %arg14[%swap3A_250, %swap3A_251] {strides = array<i32>} : memref<4x80xi32, #tpu.memory_space<vmem>>, vector<1x16xi32>,
        %swap3A_253 = vector.shape_cast %swap3A_252 : vector<1x16xi32> to vector<16xi32>
        %swap3A_254 = vector.shape_cast %get3A_248 : vector<16xi32> to vector<1x16xi32>
        tpu.vector_store %arg14[%swap3A_250, %swap3A_251], %swap3A_254 {strides = array<i32>} : memref<4x80xi32, #tpu.memory_space<vmem>>, vector<1x16xi32>,
        %get3A_255 = arith.constant 32 : index
        %get3A_256 = tpu.vector_load %arg13[%get3A_255] {strides = array<i32>} : memref<320xi32, #tpu.memory_space<vmem>>, vector<16xi32>,
        %get3A_257 = vector.shape_cast %get3A_256 : vector<16xi32> to vector<16xi32>
        %swap3A_258 = arith.constant 0 : i32
        %swap3A_259 = arith.index_cast %swap3A_258 : i32 to index
        %swap3A_260 = arith.constant 32 : index
        %swap3A_261 = tpu.vector_load %arg14[%swap3A_259, %swap3A_260] {strides = array<i32>} : memref<4x80xi32, #tpu.memory_space<vmem>>, vector<1x16xi32>,
        %swap3A_262 = vector.shape_cast %swap3A_261 : vector<1x16xi32> to vector<16xi32>
        %swap3A_263 = vector.shape_cast %get3A_257 : vector<16xi32> to vector<1x16xi32>
        tpu.vector_store %arg14[%swap3A_259, %swap3A_260], %swap3A_263 {strides = array<i32>} : memref<4x80xi32, #tpu.memory_space<vmem>>, vector<1x16xi32>,
        %get3A_264 = arith.constant 48 : index
        %get3A_265 = tpu.vector_load %arg13[%get3A_264] {strides = array<i32>} : memref<320xi32, #tpu.memory_space<vmem>>, vector<16xi32>,
        %get3A_266 = vector.shape_cast %get3A_265 : vector<16xi32> to vector<16xi32>
        %swap3A_267 = arith.constant 0 : i32
        %swap3A_268 = arith.index_cast %swap3A_267 : i32 to index
        %swap3A_269 = arith.constant 48 : index
        %swap3A_270 = tpu.vector_load %arg14[%swap3A_268, %swap3A_269] {strides = array<i32>} : memref<4x80xi32, #tpu.memory_space<vmem>>, vector<1x16xi32>,
        %swap3A_271 = vector.shape_cast %swap3A_270 : vector<1x16xi32> to vector<16xi32>
        %swap3A_272 = vector.shape_cast %get3A_266 : vector<16xi32> to vector<1x16xi32>
        tpu.vector_store %arg14[%swap3A_268, %swap3A_269], %swap3A_272 {strides = array<i32>} : memref<4x80xi32, #tpu.memory_space<vmem>>, vector<1x16xi32>,
        %get3A_273 = arith.constant 64 : index
        %get3A_274 = tpu.vector_load %arg13[%get3A_273] {strides = array<i32>} : memref<320xi32, #tpu.memory_space<vmem>>, vector<16xi32>,
        %get3A_275 = vector.shape_cast %get3A_274 : vector<16xi32> to vector<16xi32>
        %swap3A_276 = arith.constant 0 : i32
        %swap3A_277 = arith.index_cast %swap3A_276 : i32 to index
        %swap3A_278 = arith.constant 64 : index
        %swap3A_279 = tpu.vector_load %arg14[%swap3A_277, %swap3A_278] {strides = array<i32>} : memref<4x80xi32, #tpu.memory_space<vmem>>, vector<1x16xi32>,
        %swap3A_280 = vector.shape_cast %swap3A_279 : vector<1x16xi32> to vector<16xi32>
        %swap3A_281 = vector.shape_cast %get3A_275 : vector<16xi32> to vector<1x16xi32>
        tpu.vector_store %arg14[%swap3A_277, %swap3A_278], %swap3A_281 {strides = array<i32>} : memref<4x80xi32, #tpu.memory_space<vmem>>, vector<1x16xi32>,
        %dma_start3A_282 = arith.constant 0 : i32
        %dma_start3A_283 = arith.constant 0 : i32
        %dma_start3A_284 = arith.constant 0 : i32
        %dma_start3A_285 = arith.constant 0 : i32
        %dma_start3A_286 = arith.constant 0 : i32
        %dma_start3A_287 = tpu.memref_slice %arg15[%dma_start3A_282, %dma_start3A_285, %dma_start3A_286] : memref<4x80x128xf32, #tpu.memory_space<vmem>> -> memref<1x80x128xf32, #tpu.memory_space<vmem>>
        %dma_start3A_288 = tpu.memref_squeeze %dma_start3A_287 : memref<1x80x128xf32, #tpu.memory_space<vmem>> -> memref<80x128xf32, #tpu.memory_space<vmem>>
        %dma_start3A_289 = arith.constant 0 : i32
        %dma_start3A_290 = tpu.memref_slice %arg14[%dma_start3A_283, %dma_start3A_289] : memref<4x80xi32, #tpu.memory_space<vmem>> -> memref<1x80xi32, #tpu.memory_space<vmem>>
        %dma_start3A_291 = tpu.memref_squeeze %dma_start3A_290 : memref<1x80xi32, #tpu.memory_space<vmem>> -> memref<80xi32, #tpu.memory_space<vmem>>
        %dma_start3A_292 = arith.constant 0 : i32
        %dma_start3A_293 = arith.constant 0 : i32
        %dma_start3A_294 = tpu.memref_slice %arg18[%dma_start3A_292, %dma_start3A_293] : memref<10008x128xf32, #tpu.memory_space<vmem_shared>> -> memref<10008x128xf32, #tpu.memory_space<vmem_shared>>
        %dma_start3A_295 = tpu.memref_slice %arg21[%dma_start3A_284] : memref<4x!tpu.dma_semaphore, #tpu.memory_space<semaphore_mem>> -> memref<1x!tpu.dma_semaphore, #tpu.memory_space<semaphore_mem>>
        %dma_start3A_296 = tpu.memref_squeeze %dma_start3A_295 : memref<1x!tpu.dma_semaphore, #tpu.memory_space<semaphore_mem>> -> memref<!tpu.dma_semaphore, #tpu.memory_space<semaphore_mem>>
        tpu.enqueue_indirect_dma source(%dma_start3A_288 : memref<80x128xf32, #tpu.memory_space<vmem>>) target(%dma_start3A_294 : memref<10008x128xf32, #tpu.memory_space<vmem_shared>>) offsets(%dma_start3A_291 : memref<80xi32, #tpu.memory_space<vmem>>) semaphore(%dma_start3A_296 : memref<!tpu.dma_semaphore, #tpu.memory_space<semaphore_mem>>) {add = true}
        %dma_start3A_297 = arith.constant 0 : i32
        %dma_start3A_298 = arith.constant 0 : i32
        %dma_start3A_299 = arith.constant 0 : i32
        %dma_start3A_300 = tpu.memref_slice %arg14[%dma_start3A_297, %dma_start3A_299] : memref<4x80xi32, #tpu.memory_space<vmem>> -> memref<1x80xi32, #tpu.memory_space<vmem>>
        %dma_start3A_301 = tpu.memref_squeeze %dma_start3A_300 : memref<1x80xi32, #tpu.memory_space<vmem>> -> memref<80xi32, #tpu.memory_space<vmem>>
        %dma_start3A_302 = arith.constant 0 : i32
        %dma_start3A_303 = tpu.memref_slice %arg19[%dma_start3A_302] : memref<10008xf32, #tpu.memory_space<vmem_shared>> -> memref<10008xf32, #tpu.memory_space<vmem_shared>>
        %dma_start3A_304 = tpu.memref_slice %arg21[%dma_start3A_298] : memref<4x!tpu.dma_semaphore, #tpu.memory_space<semaphore_mem>> -> memref<1x!tpu.dma_semaphore, #tpu.memory_space<semaphore_mem>>
        %dma_start3A_305 = tpu.memref_squeeze %dma_start3A_304 : memref<1x!tpu.dma_semaphore, #tpu.memory_space<semaphore_mem>> -> memref<!tpu.dma_semaphore, #tpu.memory_space<semaphore_mem>>
        tpu.enqueue_indirect_dma source(%arg16 : memref<80xf32, #tpu.memory_space<vmem>>) target(%dma_start3A_303 : memref<10008xf32, #tpu.memory_space<vmem_shared>>) offsets(%dma_start3A_301 : memref<80xi32, #tpu.memory_space<vmem>>) semaphore(%dma_start3A_305 : memref<!tpu.dma_semaphore, #tpu.memory_space<semaphore_mem>>) {add = true}
        %dma_wait3A_306 = arith.constant 1 : i32
        %dma_wait3A_307 = arith.constant 1 : i32
        %dma_wait3A_308 = arith.constant 0 : i32
        %dma_wait3A_309 = arith.constant 0 : i32
        %dma_wait3A_310 = tpu.memref_slice %arg15[%dma_wait3A_306, %dma_wait3A_308, %dma_wait3A_309] : memref<4x80x128xf32, #tpu.memory_space<vmem>> -> memref<1x80x128xf32, #tpu.memory_space<vmem>>
        %dma_wait3A_311 = tpu.memref_squeeze %dma_wait3A_310 : memref<1x80x128xf32, #tpu.memory_space<vmem>> -> memref<80x128xf32, #tpu.memory_space<vmem>>
        %dma_wait3A_312 = arith.constant 80 : i32
        %dma_wait3A_313 = tpu.memref_slice %arg12[%dma_wait3A_312] : memref<320xi32, #tpu.memory_space<vmem>> -> memref<80xi32, #tpu.memory_space<vmem>>
        %dma_wait3A_314 = arith.constant 0 : i32
        %dma_wait3A_315 = arith.constant 0 : i32
        %dma_wait3A_316 = tpu.memref_slice %arg3[%dma_wait3A_314, %dma_wait3A_315] : memref<10000x128xf32, #tpu.memory_space<hbm>> -> memref<10000x128xf32, #tpu.memory_space<hbm>>
        %dma_wait3A_317 = tpu.memref_slice %arg20[%dma_wait3A_307] : memref<4x!tpu.dma_semaphore, #tpu.memory_space<semaphore_mem>> -> memref<1x!tpu.dma_semaphore, #tpu.memory_space<semaphore_mem>>
        %dma_wait3A_318 = tpu.memref_squeeze %dma_wait3A_317 : memref<1x!tpu.dma_semaphore, #tpu.memory_space<semaphore_mem>> -> memref<!tpu.dma_semaphore, #tpu.memory_space<semaphore_mem>>
        tpu.wait_indirect_dma semaphore(%dma_wait3A_318 : memref<!tpu.dma_semaphore, #tpu.memory_space<semaphore_mem>>) src(%dma_wait3A_316 : memref<10000x128xf32, #tpu.memory_space<hbm>>) dst(%dma_wait3A_311 : memref<80x128xf32, #tpu.memory_space<vmem>>)
        %get3A_319 = arith.constant 80 : index
        %get3A_320 = tpu.vector_load %arg13[%get3A_319] {strides = array<i32>} : memref<320xi32, #tpu.memory_space<vmem>>, vector<16xi32>,
        %get3A_321 = vector.shape_cast %get3A_320 : vector<16xi32> to vector<16xi32>
        %swap3A_322 = arith.constant 1 : i32
        %swap3A_323 = arith.index_cast %swap3A_322 : i32 to index
        %swap3A_324 = arith.constant 0 : index
        %swap3A_325 = tpu.vector_load %arg14[%swap3A_323, %swap3A_324] {strides = array<i32>} : memref<4x80xi32, #tpu.memory_space<vmem>>, vector<1x16xi32>,
        %swap3A_326 = vector.shape_cast %swap3A_325 : vector<1x16xi32> to vector<16xi32>
        %swap3A_327 = vector.shape_cast %get3A_321 : vector<16xi32> to vector<1x16xi32>
        tpu.vector_store %arg14[%swap3A_323, %swap3A_324], %swap3A_327 {strides = array<i32>} : memref<4x80xi32, #tpu.memory_space<vmem>>, vector<1x16xi32>,
        %get3A_328 = arith.constant 96 : index
        %get3A_329 = tpu.vector_load %arg13[%get3A_328] {strides = array<i32>} : memref<320xi32, #tpu.memory_space<vmem>>, vector<16xi32>,
        %get3A_330 = vector.shape_cast %get3A_329 : vector<16xi32> to vector<16xi32>
        %swap3A_331 = arith.constant 1 : i32
        %swap3A_332 = arith.index_cast %swap3A_331 : i32 to index
        %swap3A_333 = arith.constant 16 : index
        %swap3A_334 = tpu.vector_load %arg14[%swap3A_332, %swap3A_333] {strides = array<i32>} : memref<4x80xi32, #tpu.memory_space<vmem>>, vector<1x16xi32>,
        %swap3A_335 = vector.shape_cast %swap3A_334 : vector<1x16xi32> to vector<16xi32>
        %swap3A_336 = vector.shape_cast %get3A_330 : vector<16xi32> to vector<1x16xi32>
        tpu.vector_store %arg14[%swap3A_332, %swap3A_333], %swap3A_336 {strides = array<i32>} : memref<4x80xi32, #tpu.memory_space<vmem>>, vector<1x16xi32>,
        %get3A_337 = arith.constant 112 : index
        %get3A_338 = tpu.vector_load %arg13[%get3A_337] {strides = array<i32>} : memref<320xi32, #tpu.memory_space<vmem>>, vector<16xi32>,
        %get3A_339 = vector.shape_cast %get3A_338 : vector<16xi32> to vector<16xi32>
        %swap3A_340 = arith.constant 1 : i32
        %swap3A_341 = arith.index_cast %swap3A_340 : i32 to index
        %swap3A_342 = arith.constant 32 : index
        %swap3A_343 = tpu.vector_load %arg14[%swap3A_341, %swap3A_342] {strides = array<i32>} : memref<4x80xi32, #tpu.memory_space<vmem>>, vector<1x16xi32>,
        %swap3A_344 = vector.shape_cast %swap3A_343 : vector<1x16xi32> to vector<16xi32>
        %swap3A_345 = vector.shape_cast %get3A_339 : vector<16xi32> to vector<1x16xi32>
        tpu.vector_store %arg14[%swap3A_341, %swap3A_342], %swap3A_345 {strides = array<i32>} : memref<4x80xi32, #tpu.memory_space<vmem>>, vector<1x16xi32>,
        %get3A_346 = arith.constant 128 : index
        %get3A_347 = tpu.vector_load %arg13[%get3A_346] {strides = array<i32>} : memref<320xi32, #tpu.memory_space<vmem>>, vector<16xi32>,
        %get3A_348 = vector.shape_cast %get3A_347 : vector<16xi32> to vector<16xi32>
        %swap3A_349 = arith.constant 1 : i32
        %swap3A_350 = arith.index_cast %swap3A_349 : i32 to index
        %swap3A_351 = arith.constant 48 : index
        %swap3A_352 = tpu.vector_load %arg14[%swap3A_350, %swap3A_351] {strides = array<i32>} : memref<4x80xi32, #tpu.memory_space<vmem>>, vector<1x16xi32>,
        %swap3A_353 = vector.shape_cast %swap3A_352 : vector<1x16xi32> to vector<16xi32>
        %swap3A_354 = vector.shape_cast %get3A_348 : vector<16xi32> to vector<1x16xi32>
        tpu.vector_store %arg14[%swap3A_350, %swap3A_351], %swap3A_354 {strides = array<i32>} : memref<4x80xi32, #tpu.memory_space<vmem>>, vector<1x16xi32>,
        %get3A_355 = arith.constant 144 : index
        %get3A_356 = tpu.vector_load %arg13[%get3A_355] {strides = array<i32>} : memref<320xi32, #tpu.memory_space<vmem>>, vector<16xi32>,
        %get3A_357 = vector.shape_cast %get3A_356 : vector<16xi32> to vector<16xi32>
        %swap3A_358 = arith.constant 1 : i32
        %swap3A_359 = arith.index_cast %swap3A_358 : i32 to index
        %swap3A_360 = arith.constant 64 : index
        %swap3A_361 = tpu.vector_load %arg14[%swap3A_359, %swap3A_360] {strides = array<i32>} : memref<4x80xi32, #tpu.memory_space<vmem>>, vector<1x16xi32>,
        %swap3A_362 = vector.shape_cast %swap3A_361 : vector<1x16xi32> to vector<16xi32>
        %swap3A_363 = vector.shape_cast %get3A_357 : vector<16xi32> to vector<1x16xi32>
        tpu.vector_store %arg14[%swap3A_359, %swap3A_360], %swap3A_363 {strides = array<i32>} : memref<4x80xi32, #tpu.memory_space<vmem>>, vector<1x16xi32>,
        %dma_start3A_364 = arith.constant 1 : i32
        %dma_start3A_365 = arith.constant 1 : i32
        %dma_start3A_366 = arith.constant 1 : i32
        %dma_start3A_367 = arith.constant 0 : i32
        %dma_start3A_368 = arith.constant 0 : i32
        %dma_start3A_369 = tpu.memref_slice %arg15[%dma_start3A_364, %dma_start3A_367, %dma_start3A_368] : memref<4x80x128xf32, #tpu.memory_space<vmem>> -> memref<1x80x128xf32, #tpu.memory_space<vmem>>
        %dma_start3A_370 = tpu.memref_squeeze %dma_start3A_369 : memref<1x80x128xf32, #tpu.memory_space<vmem>> -> memref<80x128xf32, #tpu.memory_space<vmem>>
        %dma_start3A_371 = arith.constant 0 : i32
        %dma_start3A_372 = tpu.memref_slice %arg14[%dma_start3A_365, %dma_start3A_371] : memref<4x80xi32, #tpu.memory_space<vmem>> -> memref<1x80xi32, #tpu.memory_space<vmem>>
        %dma_start3A_373 = tpu.memref_squeeze %dma_start3A_372 : memref<1x80xi32, #tpu.memory_space<vmem>> -> memref<80xi32, #tpu.memory_space<vmem>>
        %dma_start3A_374 = arith.constant 0 : i32
        %dma_start3A_375 = arith.constant 0 : i32
        %dma_start3A_376 = tpu.memref_slice %arg18[%dma_start3A_374, %dma_start3A_375] : memref<10008x128xf32, #tpu.memory_space<vmem_shared>> -> memref<10008x128xf32, #tpu.memory_space<vmem_shared>>
        %dma_start3A_377 = tpu.memref_slice %arg21[%dma_start3A_366] : memref<4x!tpu.dma_semaphore, #tpu.memory_space<semaphore_mem>> -> memref<1x!tpu.dma_semaphore, #tpu.memory_space<semaphore_mem>>
        %dma_start3A_378 = tpu.memref_squeeze %dma_start3A_377 : memref<1x!tpu.dma_semaphore, #tpu.memory_space<semaphore_mem>> -> memref<!tpu.dma_semaphore, #tpu.memory_space<semaphore_mem>>
        tpu.enqueue_indirect_dma source(%dma_start3A_370 : memref<80x128xf32, #tpu.memory_space<vmem>>) target(%dma_start3A_376 : memref<10008x128xf32, #tpu.memory_space<vmem_shared>>) offsets(%dma_start3A_373 : memref<80xi32, #tpu.memory_space<vmem>>) semaphore(%dma_start3A_378 : memref<!tpu.dma_semaphore, #tpu.memory_space<semaphore_mem>>) {add = true}
        %dma_start3A_379 = arith.constant 1 : i32
        %dma_start3A_380 = arith.constant 1 : i32
        %dma_start3A_381 = arith.constant 0 : i32
        %dma_start3A_382 = tpu.memref_slice %arg14[%dma_start3A_379, %dma_start3A_381] : memref<4x80xi32, #tpu.memory_space<vmem>> -> memref<1x80xi32, #tpu.memory_space<vmem>>
        %dma_start3A_383 = tpu.memref_squeeze %dma_start3A_382 : memref<1x80xi32, #tpu.memory_space<vmem>> -> memref<80xi32, #tpu.memory_space<vmem>>
        %dma_start3A_384 = arith.constant 0 : i32
        %dma_start3A_385 = tpu.memref_slice %arg19[%dma_start3A_384] : memref<10008xf32, #tpu.memory_space<vmem_shared>> -> memref<10008xf32, #tpu.memory_space<vmem_shared>>
        %dma_start3A_386 = tpu.memref_slice %arg21[%dma_start3A_380] : memref<4x!tpu.dma_semaphore, #tpu.memory_space<semaphore_mem>> -> memref<1x!tpu.dma_semaphore, #tpu.memory_space<semaphore_mem>>
        %dma_start3A_387 = tpu.memref_squeeze %dma_start3A_386 : memref<1x!tpu.dma_semaphore, #tpu.memory_space<semaphore_mem>> -> memref<!tpu.dma_semaphore, #tpu.memory_space<semaphore_mem>>
        tpu.enqueue_indirect_dma source(%arg16 : memref<80xf32, #tpu.memory_space<vmem>>) target(%dma_start3A_385 : memref<10008xf32, #tpu.memory_space<vmem_shared>>) offsets(%dma_start3A_383 : memref<80xi32, #tpu.memory_space<vmem>>) semaphore(%dma_start3A_387 : memref<!tpu.dma_semaphore, #tpu.memory_space<semaphore_mem>>) {add = true}
        %dma_wait3A_388 = arith.constant 2 : i32
        %dma_wait3A_389 = arith.constant 2 : i32
        %dma_wait3A_390 = arith.constant 0 : i32
        %dma_wait3A_391 = arith.constant 0 : i32
        %dma_wait3A_392 = tpu.memref_slice %arg15[%dma_wait3A_388, %dma_wait3A_390, %dma_wait3A_391] : memref<4x80x128xf32, #tpu.memory_space<vmem>> -> memref<1x80x128xf32, #tpu.memory_space<vmem>>
        %dma_wait3A_393 = tpu.memref_squeeze %dma_wait3A_392 : memref<1x80x128xf32, #tpu.memory_space<vmem>> -> memref<80x128xf32, #tpu.memory_space<vmem>>
        %dma_wait3A_394 = arith.constant 160 : i32
        %dma_wait3A_395 = tpu.memref_slice %arg12[%dma_wait3A_394] : memref<320xi32, #tpu.memory_space<vmem>> -> memref<80xi32, #tpu.memory_space<vmem>>
        %dma_wait3A_396 = arith.constant 0 : i32
        %dma_wait3A_397 = arith.constant 0 : i32
        %dma_wait3A_398 = tpu.memref_slice %arg3[%dma_wait3A_396, %dma_wait3A_397] : memref<10000x128xf32, #tpu.memory_space<hbm>> -> memref<10000x128xf32, #tpu.memory_space<hbm>>
        %dma_wait3A_399 = tpu.memref_slice %arg20[%dma_wait3A_389] : memref<4x!tpu.dma_semaphore, #tpu.memory_space<semaphore_mem>> -> memref<1x!tpu.dma_semaphore, #tpu.memory_space<semaphore_mem>>
        %dma_wait3A_400 = tpu.memref_squeeze %dma_wait3A_399 : memref<1x!tpu.dma_semaphore, #tpu.memory_space<semaphore_mem>> -> memref<!tpu.dma_semaphore, #tpu.memory_space<semaphore_mem>>
        tpu.wait_indirect_dma semaphore(%dma_wait3A_400 : memref<!tpu.dma_semaphore, #tpu.memory_space<semaphore_mem>>) src(%dma_wait3A_398 : memref<10000x128xf32, #tpu.memory_space<hbm>>) dst(%dma_wait3A_393 : memref<80x128xf32, #tpu.memory_space<vmem>>)
        %get3A_401 = arith.constant 160 : index
        %get3A_402 = tpu.vector_load %arg13[%get3A_401] {strides = array<i32>} : memref<320xi32, #tpu.memory_space<vmem>>, vector<16xi32>,
        %get3A_403 = vector.shape_cast %get3A_402 : vector<16xi32> to vector<16xi32>
        %swap3A_404 = arith.constant 2 : i32
        %swap3A_405 = arith.index_cast %swap3A_404 : i32 to index
        %swap3A_406 = arith.constant 0 : index
        %swap3A_407 = tpu.vector_load %arg14[%swap3A_405, %swap3A_406] {strides = array<i32>} : memref<4x80xi32, #tpu.memory_space<vmem>>, vector<1x16xi32>,
        %swap3A_408 = vector.shape_cast %swap3A_407 : vector<1x16xi32> to vector<16xi32>
        %swap3A_409 = vector.shape_cast %get3A_403 : vector<16xi32> to vector<1x16xi32>
        tpu.vector_store %arg14[%swap3A_405, %swap3A_406], %swap3A_409 {strides = array<i32>} : memref<4x80xi32, #tpu.memory_space<vmem>>, vector<1x16xi32>,
        %get3A_410 = arith.constant 176 : index
        %get3A_411 = tpu.vector_load %arg13[%get3A_410] {strides = array<i32>} : memref<320xi32, #tpu.memory_space<vmem>>, vector<16xi32>,
        %get3A_412 = vector.shape_cast %get3A_411 : vector<16xi32> to vector<16xi32>
        %swap3A_413 = arith.constant 2 : i32
        %swap3A_414 = arith.index_cast %swap3A_413 : i32 to index
        %swap3A_415 = arith.constant 16 : index
        %swap3A_416 = tpu.vector_load %arg14[%swap3A_414, %swap3A_415] {strides = array<i32>} : memref<4x80xi32, #tpu.memory_space<vmem>>, vector<1x16xi32>,
        %swap3A_417 = vector.shape_cast %swap3A_416 : vector<1x16xi32> to vector<16xi32>
        %swap3A_418 = vector.shape_cast %get3A_412 : vector<16xi32> to vector<1x16xi32>
        tpu.vector_store %arg14[%swap3A_414, %swap3A_415], %swap3A_418 {strides = array<i32>} : memref<4x80xi32, #tpu.memory_space<vmem>>, vector<1x16xi32>,
        %get3A_419 = arith.constant 192 : index
        %get3A_420 = tpu.vector_load %arg13[%get3A_419] {strides = array<i32>} : memref<320xi32, #tpu.memory_space<vmem>>, vector<16xi32>,
        %get3A_421 = vector.shape_cast %get3A_420 : vector<16xi32> to vector<16xi32>
        %swap3A_422 = arith.constant 2 : i32
        %swap3A_423 = arith.index_cast %swap3A_422 : i32 to index
        %swap3A_424 = arith.constant 32 : index
        %swap3A_425 = tpu.vector_load %arg14[%swap3A_423, %swap3A_424] {strides = array<i32>} : memref<4x80xi32, #tpu.memory_space<vmem>>, vector<1x16xi32>,
        %swap3A_426 = vector.shape_cast %swap3A_425 : vector<1x16xi32> to vector<16xi32>
        %swap3A_427 = vector.shape_cast %get3A_421 : vector<16xi32> to vector<1x16xi32>
        tpu.vector_store %arg14[%swap3A_423, %swap3A_424], %swap3A_427 {strides = array<i32>} : memref<4x80xi32, #tpu.memory_space<vmem>>, vector<1x16xi32>,
        %get3A_428 = arith.constant 208 : index
        %get3A_429 = tpu.vector_load %arg13[%get3A_428] {strides = array<i32>} : memref<320xi32, #tpu.memory_space<vmem>>, vector<16xi32>,
        %get3A_430 = vector.shape_cast %get3A_429 : vector<16xi32> to vector<16xi32>
        %swap3A_431 = arith.constant 2 : i32
        %swap3A_432 = arith.index_cast %swap3A_431 : i32 to index
        %swap3A_433 = arith.constant 48 : index
        %swap3A_434 = tpu.vector_load %arg14[%swap3A_432, %swap3A_433] {strides = array<i32>} : memref<4x80xi32, #tpu.memory_space<vmem>>, vector<1x16xi32>,
        %swap3A_435 = vector.shape_cast %swap3A_434 : vector<1x16xi32> to vector<16xi32>
        %swap3A_436 = vector.shape_cast %get3A_430 : vector<16xi32> to vector<1x16xi32>
        tpu.vector_store %arg14[%swap3A_432, %swap3A_433], %swap3A_436 {strides = array<i32>} : memref<4x80xi32, #tpu.memory_space<vmem>>, vector<1x16xi32>,
        %get3A_437 = arith.constant 224 : index
        %get3A_438 = tpu.vector_load %arg13[%get3A_437] {strides = array<i32>} : memref<320xi32, #tpu.memory_space<vmem>>, vector<16xi32>,
        %get3A_439 = vector.shape_cast %get3A_438 : vector<16xi32> to vector<16xi32>
        %swap3A_440 = arith.constant 2 : i32
        %swap3A_441 = arith.index_cast %swap3A_440 : i32 to index
        %swap3A_442 = arith.constant 64 : index
        %swap3A_443 = tpu.vector_load %arg14[%swap3A_441, %swap3A_442] {strides = array<i32>} : memref<4x80xi32, #tpu.memory_space<vmem>>, vector<1x16xi32>,
        %swap3A_444 = vector.shape_cast %swap3A_443 : vector<1x16xi32> to vector<16xi32>
        %swap3A_445 = vector.shape_cast %get3A_439 : vector<16xi32> to vector<1x16xi32>
        tpu.vector_store %arg14[%swap3A_441, %swap3A_442], %swap3A_445 {strides = array<i32>} : memref<4x80xi32, #tpu.memory_space<vmem>>, vector<1x16xi32>,
        %dma_start3A_446 = arith.constant 2 : i32
        %dma_start3A_447 = arith.constant 2 : i32
        %dma_start3A_448 = arith.constant 2 : i32
        %dma_start3A_449 = arith.constant 0 : i32
        %dma_start3A_450 = arith.constant 0 : i32
        %dma_start3A_451 = tpu.memref_slice %arg15[%dma_start3A_446, %dma_start3A_449, %dma_start3A_450] : memref<4x80x128xf32, #tpu.memory_space<vmem>> -> memref<1x80x128xf32, #tpu.memory_space<vmem>>
        %dma_start3A_452 = tpu.memref_squeeze %dma_start3A_451 : memref<1x80x128xf32, #tpu.memory_space<vmem>> -> memref<80x128xf32, #tpu.memory_space<vmem>>
        %dma_start3A_453 = arith.constant 0 : i32
        %dma_start3A_454 = tpu.memref_slice %arg14[%dma_start3A_447, %dma_start3A_453] : memref<4x80xi32, #tpu.memory_space<vmem>> -> memref<1x80xi32, #tpu.memory_space<vmem>>
        %dma_start3A_455 = tpu.memref_squeeze %dma_start3A_454 : memref<1x80xi32, #tpu.memory_space<vmem>> -> memref<80xi32, #tpu.memory_space<vmem>>
        %dma_start3A_456 = arith.constant 0 : i32
        %dma_start3A_457 = arith.constant 0 : i32
        %dma_start3A_458 = tpu.memref_slice %arg18[%dma_start3A_456, %dma_start3A_457] : memref<10008x128xf32, #tpu.memory_space<vmem_shared>> -> memref<10008x128xf32, #tpu.memory_space<vmem_shared>>
        %dma_start3A_459 = tpu.memref_slice %arg21[%dma_start3A_448] : memref<4x!tpu.dma_semaphore, #tpu.memory_space<semaphore_mem>> -> memref<1x!tpu.dma_semaphore, #tpu.memory_space<semaphore_mem>>
        %dma_start3A_460 = tpu.memref_squeeze %dma_start3A_459 : memref<1x!tpu.dma_semaphore, #tpu.memory_space<semaphore_mem>> -> memref<!tpu.dma_semaphore, #tpu.memory_space<semaphore_mem>>
        tpu.enqueue_indirect_dma source(%dma_start3A_452 : memref<80x128xf32, #tpu.memory_space<vmem>>) target(%dma_start3A_458 : memref<10008x128xf32, #tpu.memory_space<vmem_shared>>) offsets(%dma_start3A_455 : memref<80xi32, #tpu.memory_space<vmem>>) semaphore(%dma_start3A_460 : memref<!tpu.dma_semaphore, #tpu.memory_space<semaphore_mem>>) {add = true}
        %dma_start3A_461 = arith.constant 2 : i32
        %dma_start3A_462 = arith.constant 2 : i32
        %dma_start3A_463 = arith.constant 0 : i32
        %dma_start3A_464 = tpu.memref_slice %arg14[%dma_start3A_461, %dma_start3A_463] : memref<4x80xi32, #tpu.memory_space<vmem>> -> memref<1x80xi32, #tpu.memory_space<vmem>>
        %dma_start3A_465 = tpu.memref_squeeze %dma_start3A_464 : memref<1x80xi32, #tpu.memory_space<vmem>> -> memref<80xi32, #tpu.memory_space<vmem>>
        %dma_start3A_466 = arith.constant 0 : i32
        %dma_start3A_467 = tpu.memref_slice %arg19[%dma_start3A_466] : memref<10008xf32, #tpu.memory_space<vmem_shared>> -> memref<10008xf32, #tpu.memory_space<vmem_shared>>
        %dma_start3A_468 = tpu.memref_slice %arg21[%dma_start3A_462] : memref<4x!tpu.dma_semaphore, #tpu.memory_space<semaphore_mem>> -> memref<1x!tpu.dma_semaphore, #tpu.memory_space<semaphore_mem>>
        %dma_start3A_469 = tpu.memref_squeeze %dma_start3A_468 : memref<1x!tpu.dma_semaphore, #tpu.memory_space<semaphore_mem>> -> memref<!tpu.dma_semaphore, #tpu.memory_space<semaphore_mem>>
        tpu.enqueue_indirect_dma source(%arg16 : memref<80xf32, #tpu.memory_space<vmem>>) target(%dma_start3A_467 : memref<10008xf32, #tpu.memory_space<vmem_shared>>) offsets(%dma_start3A_465 : memref<80xi32, #tpu.memory_space<vmem>>) semaphore(%dma_start3A_469 : memref<!tpu.dma_semaphore, #tpu.memory_space<semaphore_mem>>) {add = true}
        %dma_wait3A_470 = arith.constant 3 : i32
        %dma_wait3A_471 = arith.constant 3 : i32
        %dma_wait3A_472 = arith.constant 0 : i32
        %dma_wait3A_473 = arith.constant 0 : i32
        %dma_wait3A_474 = tpu.memref_slice %arg15[%dma_wait3A_470, %dma_wait3A_472, %dma_wait3A_473] : memref<4x80x128xf32, #tpu.memory_space<vmem>> -> memref<1x80x128xf32, #tpu.memory_space<vmem>>
        %dma_wait3A_475 = tpu.memref_squeeze %dma_wait3A_474 : memref<1x80x128xf32, #tpu.memory_space<vmem>> -> memref<80x128xf32, #tpu.memory_space<vmem>>
        %dma_wait3A_476 = arith.constant 240 : i32
        %dma_wait3A_477 = tpu.memref_slice %arg12[%dma_wait3A_476] : memref<320xi32, #tpu.memory_space<vmem>> -> memref<80xi32, #tpu.memory_space<vmem>>
        %dma_wait3A_478 = arith.constant 0 : i32
        %dma_wait3A_479 = arith.constant 0 : i32
        %dma_wait3A_480 = tpu.memref_slice %arg3[%dma_wait3A_478, %dma_wait3A_479] : memref<10000x128xf32, #tpu.memory_space<hbm>> -> memref<10000x128xf32, #tpu.memory_space<hbm>>
        %dma_wait3A_481 = tpu.memref_slice %arg20[%dma_wait3A_471] : memref<4x!tpu.dma_semaphore, #tpu.memory_space<semaphore_mem>> -> memref<1x!tpu.dma_semaphore, #tpu.memory_space<semaphore_mem>>
        %dma_wait3A_482 = tpu.memref_squeeze %dma_wait3A_481 : memref<1x!tpu.dma_semaphore, #tpu.memory_space<semaphore_mem>> -> memref<!tpu.dma_semaphore, #tpu.memory_space<semaphore_mem>>
        tpu.wait_indirect_dma semaphore(%dma_wait3A_482 : memref<!tpu.dma_semaphore, #tpu.memory_space<semaphore_mem>>) src(%dma_wait3A_480 : memref<10000x128xf32, #tpu.memory_space<hbm>>) dst(%dma_wait3A_475 : memref<80x128xf32, #tpu.memory_space<vmem>>)
        %get3A_483 = arith.constant 240 : index
        %get3A_484 = tpu.vector_load %arg13[%get3A_483] {strides = array<i32>} : memref<320xi32, #tpu.memory_space<vmem>>, vector<16xi32>,
        %get3A_485 = vector.shape_cast %get3A_484 : vector<16xi32> to vector<16xi32>
        %swap3A_486 = arith.constant 3 : i32
        %swap3A_487 = arith.index_cast %swap3A_486 : i32 to index
        %swap3A_488 = arith.constant 0 : index
        %swap3A_489 = tpu.vector_load %arg14[%swap3A_487, %swap3A_488] {strides = array<i32>} : memref<4x80xi32, #tpu.memory_space<vmem>>, vector<1x16xi32>,
        %swap3A_490 = vector.shape_cast %swap3A_489 : vector<1x16xi32> to vector<16xi32>
        %swap3A_491 = vector.shape_cast %get3A_485 : vector<16xi32> to vector<1x16xi32>
        tpu.vector_store %arg14[%swap3A_487, %swap3A_488], %swap3A_491 {strides = array<i32>} : memref<4x80xi32, #tpu.memory_space<vmem>>, vector<1x16xi32>,
        %get3A_492 = arith.constant 256 : index
        %get3A_493 = tpu.vector_load %arg13[%get3A_492] {strides = array<i32>} : memref<320xi32, #tpu.memory_space<vmem>>, vector<16xi32>,
        %get3A_494 = vector.shape_cast %get3A_493 : vector<16xi32> to vector<16xi32>
        %swap3A_495 = arith.constant 3 : i32
        %swap3A_496 = arith.index_cast %swap3A_495 : i32 to index
        %swap3A_497 = arith.constant 16 : index
        %swap3A_498 = tpu.vector_load %arg14[%swap3A_496, %swap3A_497] {strides = array<i32>} : memref<4x80xi32, #tpu.memory_space<vmem>>, vector<1x16xi32>,
        %swap3A_499 = vector.shape_cast %swap3A_498 : vector<1x16xi32> to vector<16xi32>
        %swap3A_500 = vector.shape_cast %get3A_494 : vector<16xi32> to vector<1x16xi32>
        tpu.vector_store %arg14[%swap3A_496, %swap3A_497], %swap3A_500 {strides = array<i32>} : memref<4x80xi32, #tpu.memory_space<vmem>>, vector<1x16xi32>,
        %get3A_501 = arith.constant 272 : index
        %get3A_502 = tpu.vector_load %arg13[%get3A_501] {strides = array<i32>} : memref<320xi32, #tpu.memory_space<vmem>>, vector<16xi32>,
        %get3A_503 = vector.shape_cast %get3A_502 : vector<16xi32> to vector<16xi32>
        %swap3A_504 = arith.constant 3 : i32
        %swap3A_505 = arith.index_cast %swap3A_504 : i32 to index
        %swap3A_506 = arith.constant 32 : index
        %swap3A_507 = tpu.vector_load %arg14[%swap3A_505, %swap3A_506] {strides = array<i32>} : memref<4x80xi32, #tpu.memory_space<vmem>>, vector<1x16xi32>,
        %swap3A_508 = vector.shape_cast %swap3A_507 : vector<1x16xi32> to vector<16xi32>
        %swap3A_509 = vector.shape_cast %get3A_503 : vector<16xi32> to vector<1x16xi32>
        tpu.vector_store %arg14[%swap3A_505, %swap3A_506], %swap3A_509 {strides = array<i32>} : memref<4x80xi32, #tpu.memory_space<vmem>>, vector<1x16xi32>,
        %get3A_510 = arith.constant 288 : index
        %get3A_511 = tpu.vector_load %arg13[%get3A_510] {strides = array<i32>} : memref<320xi32, #tpu.memory_space<vmem>>, vector<16xi32>,
        %get3A_512 = vector.shape_cast %get3A_511 : vector<16xi32> to vector<16xi32>
        %swap3A_513 = arith.constant 3 : i32
        %swap3A_514 = arith.index_cast %swap3A_513 : i32 to index
        %swap3A_515 = arith.constant 48 : index
        %swap3A_516 = tpu.vector_load %arg14[%swap3A_514, %swap3A_515] {strides = array<i32>} : memref<4x80xi32, #tpu.memory_space<vmem>>, vector<1x16xi32>,
        %swap3A_517 = vector.shape_cast %swap3A_516 : vector<1x16xi32> to vector<16xi32>
        %swap3A_518 = vector.shape_cast %get3A_512 : vector<16xi32> to vector<1x16xi32>
        tpu.vector_store %arg14[%swap3A_514, %swap3A_515], %swap3A_518 {strides = array<i32>} : memref<4x80xi32, #tpu.memory_space<vmem>>, vector<1x16xi32>,
        %get3A_519 = arith.constant 304 : index
        %get3A_520 = tpu.vector_load %arg13[%get3A_519] {strides = array<i32>} : memref<320xi32, #tpu.memory_space<vmem>>, vector<16xi32>,
        %get3A_521 = vector.shape_cast %get3A_520 : vector<16xi32> to vector<16xi32>
        %swap3A_522 = arith.constant 3 : i32
        %swap3A_523 = arith.index_cast %swap3A_522 : i32 to index
        %swap3A_524 = arith.constant 64 : index
        %swap3A_525 = tpu.vector_load %arg14[%swap3A_523, %swap3A_524] {strides = array<i32>} : memref<4x80xi32, #tpu.memory_space<vmem>>, vector<1x16xi32>,
        %swap3A_526 = vector.shape_cast %swap3A_525 : vector<1x16xi32> to vector<16xi32>
        %swap3A_527 = vector.shape_cast %get3A_521 : vector<16xi32> to vector<1x16xi32>
        tpu.vector_store %arg14[%swap3A_523, %swap3A_524], %swap3A_527 {strides = array<i32>} : memref<4x80xi32, #tpu.memory_space<vmem>>, vector<1x16xi32>,
        %dma_start3A_528 = arith.constant 3 : i32
        %dma_start3A_529 = arith.constant 3 : i32
        %dma_start3A_530 = arith.constant 3 : i32
        %dma_start3A_531 = arith.constant 0 : i32
        %dma_start3A_532 = arith.constant 0 : i32
        %dma_start3A_533 = tpu.memref_slice %arg15[%dma_start3A_528, %dma_start3A_531, %dma_start3A_532] : memref<4x80x128xf32, #tpu.memory_space<vmem>> -> memref<1x80x128xf32, #tpu.memory_space<vmem>>
        %dma_start3A_534 = tpu.memref_squeeze %dma_start3A_533 : memref<1x80x128xf32, #tpu.memory_space<vmem>> -> memref<80x128xf32, #tpu.memory_space<vmem>>
        %dma_start3A_535 = arith.constant 0 : i32
        %dma_start3A_536 = tpu.memref_slice %arg14[%dma_start3A_529, %dma_start3A_535] : memref<4x80xi32, #tpu.memory_space<vmem>> -> memref<1x80xi32, #tpu.memory_space<vmem>>
        %dma_start3A_537 = tpu.memref_squeeze %dma_start3A_536 : memref<1x80xi32, #tpu.memory_space<vmem>> -> memref<80xi32, #tpu.memory_space<vmem>>
        %dma_start3A_538 = arith.constant 0 : i32
        %dma_start3A_539 = arith.constant 0 : i32
        %dma_start3A_540 = tpu.memref_slice %arg18[%dma_start3A_538, %dma_start3A_539] : memref<10008x128xf32, #tpu.memory_space<vmem_shared>> -> memref<10008x128xf32, #tpu.memory_space<vmem_shared>>
        %dma_start3A_541 = tpu.memref_slice %arg21[%dma_start3A_530] : memref<4x!tpu.dma_semaphore, #tpu.memory_space<semaphore_mem>> -> memref<1x!tpu.dma_semaphore, #tpu.memory_space<semaphore_mem>>
        %dma_start3A_542 = tpu.memref_squeeze %dma_start3A_541 : memref<1x!tpu.dma_semaphore, #tpu.memory_space<semaphore_mem>> -> memref<!tpu.dma_semaphore, #tpu.memory_space<semaphore_mem>>
        tpu.enqueue_indirect_dma source(%dma_start3A_534 : memref<80x128xf32, #tpu.memory_space<vmem>>) target(%dma_start3A_540 : memref<10008x128xf32, #tpu.memory_space<vmem_shared>>) offsets(%dma_start3A_537 : memref<80xi32, #tpu.memory_space<vmem>>) semaphore(%dma_start3A_542 : memref<!tpu.dma_semaphore, #tpu.memory_space<semaphore_mem>>) {add = true}
        %dma_start3A_543 = arith.constant 3 : i32
        %dma_start3A_544 = arith.constant 3 : i32
        %dma_start3A_545 = arith.constant 0 : i32
        %dma_start3A_546 = tpu.memref_slice %arg14[%dma_start3A_543, %dma_start3A_545] : memref<4x80xi32, #tpu.memory_space<vmem>> -> memref<1x80xi32, #tpu.memory_space<vmem>>
        %dma_start3A_547 = tpu.memref_squeeze %dma_start3A_546 : memref<1x80xi32, #tpu.memory_space<vmem>> -> memref<80xi32, #tpu.memory_space<vmem>>
        %dma_start3A_548 = arith.constant 0 : i32
        %dma_start3A_549 = tpu.memref_slice %arg19[%dma_start3A_548] : memref<10008xf32, #tpu.memory_space<vmem_shared>> -> memref<10008xf32, #tpu.memory_space<vmem_shared>>
        %dma_start3A_550 = tpu.memref_slice %arg21[%dma_start3A_544] : memref<4x!tpu.dma_semaphore, #tpu.memory_space<semaphore_mem>> -> memref<1x!tpu.dma_semaphore, #tpu.memory_space<semaphore_mem>>
        %dma_start3A_551 = tpu.memref_squeeze %dma_start3A_550 : memref<1x!tpu.dma_semaphore, #tpu.memory_space<semaphore_mem>> -> memref<!tpu.dma_semaphore, #tpu.memory_space<semaphore_mem>>
        tpu.enqueue_indirect_dma source(%arg16 : memref<80xf32, #tpu.memory_space<vmem>>) target(%dma_start3A_549 : memref<10008xf32, #tpu.memory_space<vmem_shared>>) offsets(%dma_start3A_547 : memref<80xi32, #tpu.memory_space<vmem>>) semaphore(%dma_start3A_551 : memref<!tpu.dma_semaphore, #tpu.memory_space<semaphore_mem>>) {add = true}
      }
      %scan3A_68 = arith.constant 65 : i32
      %dma_wait3A = arith.constant 0 : i32
      %dma_wait3A_69 = arith.constant 0 : i32
      %dma_wait3A_70 = arith.constant 0 : i32
      %dma_wait3A_71 = arith.constant 0 : i32
      %dma_wait3A_72 = arith.constant 0 : i32
      %dma_wait3A_73 = tpu.memref_slice %arg15[%dma_wait3A, %dma_wait3A_71, %dma_wait3A_72] : memref<4x80x128xf32, #tpu.memory_space<vmem>> -> memref<1x80x128xf32, #tpu.memory_space<vmem>>
      %dma_wait3A_74 = tpu.memref_squeeze %dma_wait3A_73 : memref<1x80x128xf32, #tpu.memory_space<vmem>> -> memref<80x128xf32, #tpu.memory_space<vmem>>
      %dma_wait3A_75 = arith.constant 0 : i32
      %dma_wait3A_76 = tpu.memref_slice %arg14[%dma_wait3A_69, %dma_wait3A_75] : memref<4x80xi32, #tpu.memory_space<vmem>> -> memref<1x80xi32, #tpu.memory_space<vmem>>
      %dma_wait3A_77 = tpu.memref_squeeze %dma_wait3A_76 : memref<1x80xi32, #tpu.memory_space<vmem>> -> memref<80xi32, #tpu.memory_space<vmem>>
      %dma_wait3A_78 = arith.constant 0 : i32
      %dma_wait3A_79 = arith.constant 0 : i32
      %dma_wait3A_80 = tpu.memref_slice %arg18[%dma_wait3A_78, %dma_wait3A_79] : memref<10008x128xf32, #tpu.memory_space<vmem_shared>> -> memref<10008x128xf32, #tpu.memory_space<vmem_shared>>
      %dma_wait3A_81 = tpu.memref_slice %arg21[%dma_wait3A_70] : memref<4x!tpu.dma_semaphore, #tpu.memory_space<semaphore_mem>> -> memref<1x!tpu.dma_semaphore, #tpu.memory_space<semaphore_mem>>
      %dma_wait3A_82 = tpu.memref_squeeze %dma_wait3A_81 : memref<1x!tpu.dma_semaphore, #tpu.memory_space<semaphore_mem>> -> memref<!tpu.dma_semaphore, #tpu.memory_space<semaphore_mem>>
      tpu.wait_indirect_dma semaphore(%dma_wait3A_82 : memref<!tpu.dma_semaphore, #tpu.memory_space<semaphore_mem>>) src(%dma_wait3A_74 : memref<80x128xf32, #tpu.memory_space<vmem>>) dst(%dma_wait3A_80 : memref<10008x128xf32, #tpu.memory_space<vmem_shared>>)
      %dma_wait3A_83 = arith.constant 0 : i32
      %dma_wait3A_84 = arith.constant 0 : i32
      %dma_wait3A_85 = arith.constant 0 : i32
      %dma_wait3A_86 = tpu.memref_slice %arg14[%dma_wait3A_83, %dma_wait3A_85] : memref<4x80xi32, #tpu.memory_space<vmem>> -> memref<1x80xi32, #tpu.memory_space<vmem>>
      %dma_wait3A_87 = tpu.memref_squeeze %dma_wait3A_86 : memref<1x80xi32, #tpu.memory_space<vmem>> -> memref<80xi32, #tpu.memory_space<vmem>>
      %dma_wait3A_88 = arith.constant 0 : i32
      %dma_wait3A_89 = tpu.memref_slice %arg19[%dma_wait3A_88] : memref<10008xf32, #tpu.memory_space<vmem_shared>> -> memref<10008xf32, #tpu.memory_space<vmem_shared>>
      %dma_wait3A_90 = tpu.memref_slice %arg21[%dma_wait3A_84] : memref<4x!tpu.dma_semaphore, #tpu.memory_space<semaphore_mem>> -> memref<1x!tpu.dma_semaphore, #tpu.memory_space<semaphore_mem>>
      %dma_wait3A_91 = tpu.memref_squeeze %dma_wait3A_90 : memref<1x!tpu.dma_semaphore, #tpu.memory_space<semaphore_mem>> -> memref<!tpu.dma_semaphore, #tpu.memory_space<semaphore_mem>>
      tpu.wait_indirect_dma semaphore(%dma_wait3A_91 : memref<!tpu.dma_semaphore, #tpu.memory_space<semaphore_mem>>) src(%arg16 : memref<80xf32, #tpu.memory_space<vmem>>) dst(%dma_wait3A_89 : memref<10008xf32, #tpu.memory_space<vmem_shared>>)
      %dma_wait3A_92 = arith.constant 1 : i32
      %dma_wait3A_93 = arith.constant 1 : i32
      %dma_wait3A_94 = arith.constant 1 : i32
      %dma_wait3A_95 = arith.constant 0 : i32
      %dma_wait3A_96 = arith.constant 0 : i32
      %dma_wait3A_97 = tpu.memref_slice %arg15[%dma_wait3A_92, %dma_wait3A_95, %dma_wait3A_96] : memref<4x80x128xf32, #tpu.memory_space<vmem>> -> memref<1x80x128xf32, #tpu.memory_space<vmem>>
      %dma_wait3A_98 = tpu.memref_squeeze %dma_wait3A_97 : memref<1x80x128xf32, #tpu.memory_space<vmem>> -> memref<80x128xf32, #tpu.memory_space<vmem>>
      %dma_wait3A_99 = arith.constant 0 : i32
      %dma_wait3A_100 = tpu.memref_slice %arg14[%dma_wait3A_93, %dma_wait3A_99] : memref<4x80xi32, #tpu.memory_space<vmem>> -> memref<1x80xi32, #tpu.memory_space<vmem>>
      %dma_wait3A_101 = tpu.memref_squeeze %dma_wait3A_100 : memref<1x80xi32, #tpu.memory_space<vmem>> -> memref<80xi32, #tpu.memory_space<vmem>>
      %dma_wait3A_102 = arith.constant 0 : i32
      %dma_wait3A_103 = arith.constant 0 : i32
      %dma_wait3A_104 = tpu.memref_slice %arg18[%dma_wait3A_102, %dma_wait3A_103] : memref<10008x128xf32, #tpu.memory_space<vmem_shared>> -> memref<10008x128xf32, #tpu.memory_space<vmem_shared>>
      %dma_wait3A_105 = tpu.memref_slice %arg21[%dma_wait3A_94] : memref<4x!tpu.dma_semaphore, #tpu.memory_space<semaphore_mem>> -> memref<1x!tpu.dma_semaphore, #tpu.memory_space<semaphore_mem>>
      %dma_wait3A_106 = tpu.memref_squeeze %dma_wait3A_105 : memref<1x!tpu.dma_semaphore, #tpu.memory_space<semaphore_mem>> -> memref<!tpu.dma_semaphore, #tpu.memory_space<semaphore_mem>>
      tpu.wait_indirect_dma semaphore(%dma_wait3A_106 : memref<!tpu.dma_semaphore, #tpu.memory_space<semaphore_mem>>) src(%dma_wait3A_98 : memref<80x128xf32, #tpu.memory_space<vmem>>) dst(%dma_wait3A_104 : memref<10008x128xf32, #tpu.memory_space<vmem_shared>>)
      %dma_wait3A_107 = arith.constant 1 : i32
      %dma_wait3A_108 = arith.constant 1 : i32
      %dma_wait3A_109 = arith.constant 0 : i32
      %dma_wait3A_110 = tpu.memref_slice %arg14[%dma_wait3A_107, %dma_wait3A_109] : memref<4x80xi32, #tpu.memory_space<vmem>> -> memref<1x80xi32, #tpu.memory_space<vmem>>
      %dma_wait3A_111 = tpu.memref_squeeze %dma_wait3A_110 : memref<1x80xi32, #tpu.memory_space<vmem>> -> memref<80xi32, #tpu.memory_space<vmem>>
      %dma_wait3A_112 = arith.constant 0 : i32
      %dma_wait3A_113 = tpu.memref_slice %arg19[%dma_wait3A_112] : memref<10008xf32, #tpu.memory_space<vmem_shared>> -> memref<10008xf32, #tpu.memory_space<vmem_shared>>
      %dma_wait3A_114 = tpu.memref_slice %arg21[%dma_wait3A_108] : memref<4x!tpu.dma_semaphore, #tpu.memory_space<semaphore_mem>> -> memref<1x!tpu.dma_semaphore, #tpu.memory_space<semaphore_mem>>
      %dma_wait3A_115 = tpu.memref_squeeze %dma_wait3A_114 : memref<1x!tpu.dma_semaphore, #tpu.memory_space<semaphore_mem>> -> memref<!tpu.dma_semaphore, #tpu.memory_space<semaphore_mem>>
      tpu.wait_indirect_dma semaphore(%dma_wait3A_115 : memref<!tpu.dma_semaphore, #tpu.memory_space<semaphore_mem>>) src(%arg16 : memref<80xf32, #tpu.memory_space<vmem>>) dst(%dma_wait3A_113 : memref<10008xf32, #tpu.memory_space<vmem_shared>>)
      %dma_wait3A_116 = arith.constant 2 : i32
      %dma_wait3A_117 = arith.constant 2 : i32
      %dma_wait3A_118 = arith.constant 2 : i32
      %dma_wait3A_119 = arith.constant 0 : i32
      %dma_wait3A_120 = arith.constant 0 : i32
      %dma_wait3A_121 = tpu.memref_slice %arg15[%dma_wait3A_116, %dma_wait3A_119, %dma_wait3A_120] : memref<4x80x128xf32, #tpu.memory_space<vmem>> -> memref<1x80x128xf32, #tpu.memory_space<vmem>>
      %dma_wait3A_122 = tpu.memref_squeeze %dma_wait3A_121 : memref<1x80x128xf32, #tpu.memory_space<vmem>> -> memref<80x128xf32, #tpu.memory_space<vmem>>
      %dma_wait3A_123 = arith.constant 0 : i32
      %dma_wait3A_124 = tpu.memref_slice %arg14[%dma_wait3A_117, %dma_wait3A_123] : memref<4x80xi32, #tpu.memory_space<vmem>> -> memref<1x80xi32, #tpu.memory_space<vmem>>
      %dma_wait3A_125 = tpu.memref_squeeze %dma_wait3A_124 : memref<1x80xi32, #tpu.memory_space<vmem>> -> memref<80xi32, #tpu.memory_space<vmem>>
      %dma_wait3A_126 = arith.constant 0 : i32
      %dma_wait3A_127 = arith.constant 0 : i32
      %dma_wait3A_128 = tpu.memref_slice %arg18[%dma_wait3A_126, %dma_wait3A_127] : memref<10008x128xf32, #tpu.memory_space<vmem_shared>> -> memref<10008x128xf32, #tpu.memory_space<vmem_shared>>
      %dma_wait3A_129 = tpu.memref_slice %arg21[%dma_wait3A_118] : memref<4x!tpu.dma_semaphore, #tpu.memory_space<semaphore_mem>> -> memref<1x!tpu.dma_semaphore, #tpu.memory_space<semaphore_mem>>
      %dma_wait3A_130 = tpu.memref_squeeze %dma_wait3A_129 : memref<1x!tpu.dma_semaphore, #tpu.memory_space<semaphore_mem>> -> memref<!tpu.dma_semaphore, #tpu.memory_space<semaphore_mem>>
      tpu.wait_indirect_dma semaphore(%dma_wait3A_130 : memref<!tpu.dma_semaphore, #tpu.memory_space<semaphore_mem>>) src(%dma_wait3A_122 : memref<80x128xf32, #tpu.memory_space<vmem>>) dst(%dma_wait3A_128 : memref<10008x128xf32, #tpu.memory_space<vmem_shared>>)
      %dma_wait3A_131 = arith.constant 2 : i32
      %dma_wait3A_132 = arith.constant 2 : i32
      %dma_wait3A_133 = arith.constant 0 : i32
      %dma_wait3A_134 = tpu.memref_slice %arg14[%dma_wait3A_131, %dma_wait3A_133] : memref<4x80xi32, #tpu.memory_space<vmem>> -> memref<1x80xi32, #tpu.memory_space<vmem>>
      %dma_wait3A_135 = tpu.memref_squeeze %dma_wait3A_134 : memref<1x80xi32, #tpu.memory_space<vmem>> -> memref<80xi32, #tpu.memory_space<vmem>>
      %dma_wait3A_136 = arith.constant 0 : i32
      %dma_wait3A_137 = tpu.memref_slice %arg19[%dma_wait3A_136] : memref<10008xf32, #tpu.memory_space<vmem_shared>> -> memref<10008xf32, #tpu.memory_space<vmem_shared>>
      %dma_wait3A_138 = tpu.memref_slice %arg21[%dma_wait3A_132] : memref<4x!tpu.dma_semaphore, #tpu.memory_space<semaphore_mem>> -> memref<1x!tpu.dma_semaphore, #tpu.memory_space<semaphore_mem>>
      %dma_wait3A_139 = tpu.memref_squeeze %dma_wait3A_138 : memref<1x!tpu.dma_semaphore, #tpu.memory_space<semaphore_mem>> -> memref<!tpu.dma_semaphore, #tpu.memory_space<semaphore_mem>>
      tpu.wait_indirect_dma semaphore(%dma_wait3A_139 : memref<!tpu.dma_semaphore, #tpu.memory_space<semaphore_mem>>) src(%arg16 : memref<80xf32, #tpu.memory_space<vmem>>) dst(%dma_wait3A_137 : memref<10008xf32, #tpu.memory_space<vmem_shared>>)
      %dma_wait3A_140 = arith.constant 3 : i32
      %dma_wait3A_141 = arith.constant 3 : i32
      %dma_wait3A_142 = arith.constant 3 : i32
      %dma_wait3A_143 = arith.constant 0 : i32
      %dma_wait3A_144 = arith.constant 0 : i32
      %dma_wait3A_145 = tpu.memref_slice %arg15[%dma_wait3A_140, %dma_wait3A_143, %dma_wait3A_144] : memref<4x80x128xf32, #tpu.memory_space<vmem>> -> memref<1x80x128xf32, #tpu.memory_space<vmem>>
      %dma_wait3A_146 = tpu.memref_squeeze %dma_wait3A_145 : memref<1x80x128xf32, #tpu.memory_space<vmem>> -> memref<80x128xf32, #tpu.memory_space<vmem>>
      %dma_wait3A_147 = arith.constant 0 : i32
      %dma_wait3A_148 = tpu.memref_slice %arg14[%dma_wait3A_141, %dma_wait3A_147] : memref<4x80xi32, #tpu.memory_space<vmem>> -> memref<1x80xi32, #tpu.memory_space<vmem>>
      %dma_wait3A_149 = tpu.memref_squeeze %dma_wait3A_148 : memref<1x80xi32, #tpu.memory_space<vmem>> -> memref<80xi32, #tpu.memory_space<vmem>>
      %dma_wait3A_150 = arith.constant 0 : i32
      %dma_wait3A_151 = arith.constant 0 : i32
      %dma_wait3A_152 = tpu.memref_slice %arg18[%dma_wait3A_150, %dma_wait3A_151] : memref<10008x128xf32, #tpu.memory_space<vmem_shared>> -> memref<10008x128xf32, #tpu.memory_space<vmem_shared>>
      %dma_wait3A_153 = tpu.memref_slice %arg21[%dma_wait3A_142] : memref<4x!tpu.dma_semaphore, #tpu.memory_space<semaphore_mem>> -> memref<1x!tpu.dma_semaphore, #tpu.memory_space<semaphore_mem>>
      %dma_wait3A_154 = tpu.memref_squeeze %dma_wait3A_153 : memref<1x!tpu.dma_semaphore, #tpu.memory_space<semaphore_mem>> -> memref<!tpu.dma_semaphore, #tpu.memory_space<semaphore_mem>>
      tpu.wait_indirect_dma semaphore(%dma_wait3A_154 : memref<!tpu.dma_semaphore, #tpu.memory_space<semaphore_mem>>) src(%dma_wait3A_146 : memref<80x128xf32, #tpu.memory_space<vmem>>) dst(%dma_wait3A_152 : memref<10008x128xf32, #tpu.memory_space<vmem_shared>>)
      %dma_wait3A_155 = arith.constant 3 : i32
      %dma_wait3A_156 = arith.constant 3 : i32
      %dma_wait3A_157 = arith.constant 0 : i32
      %dma_wait3A_158 = tpu.memref_slice %arg14[%dma_wait3A_155, %dma_wait3A_157] : memref<4x80xi32, #tpu.memory_space<vmem>> -> memref<1x80xi32, #tpu.memory_space<vmem>>
      %dma_wait3A_159 = tpu.memref_squeeze %dma_wait3A_158 : memref<1x80xi32, #tpu.memory_space<vmem>> -> memref<80xi32, #tpu.memory_space<vmem>>
      %dma_wait3A_160 = arith.constant 0 : i32
      %dma_wait3A_161 = tpu.memref_slice %arg19[%dma_wait3A_160] : memref<10008xf32, #tpu.memory_space<vmem_shared>> -> memref<10008xf32, #tpu.memory_space<vmem_shared>>
      %dma_wait3A_162 = tpu.memref_slice %arg21[%dma_wait3A_156] : memref<4x!tpu.dma_semaphore, #tpu.memory_space<semaphore_mem>> -> memref<1x!tpu.dma_semaphore, #tpu.memory_space<semaphore_mem>>
      %dma_wait3A_163 = tpu.memref_squeeze %dma_wait3A_162 : memref<1x!tpu.dma_semaphore, #tpu.memory_space<semaphore_mem>> -> memref<!tpu.dma_semaphore, #tpu.memory_space<semaphore_mem>>
      tpu.wait_indirect_dma semaphore(%dma_wait3A_163 : memref<!tpu.dma_semaphore, #tpu.memory_space<semaphore_mem>>) src(%arg16 : memref<80xf32, #tpu.memory_space<vmem>>) dst(%dma_wait3A_161 : memref<10008xf32, #tpu.memory_space<vmem_shared>>)
    } else {
    }
    %barrier3A_47 = arith.constant 0 : index
    tpu.barrier barrier_id(%barrier3A_47)
    %mul3A_48 = arith.constant 10000 : i32
    %mul3A_49 = arith.muli %arg0, %mul3A_48 : i32
    %mul3A_50 = arith.constant 624 : i32
    %mul3A_51 = arith.muli %arg1, %mul3A_50 : i32
    %mul3A_52 = arith.constant 624 : i32
    %mul3A_53 = arith.muli %arg1, %mul3A_52 : i32
    %add3A = arith.addi %mul3A_49, %mul3A_53 : i32
    "tpu.region"() ({
      %run_scoped3A = tpu.sem_alloc : memref<!tpu.dma_semaphore, #tpu.memory_space<semaphore_mem>>
      %dma_start3A = arith.constant 0 : i32
      %dma_start3A_64 = tpu.memref_slice %arg10[%add3A, %dma_start3A] : memref<20000x128xf32, #tpu.memory_space<hbm>> -> memref<624x128xf32, #tpu.memory_space<hbm>>
      %dma_start3A_65 = arith.constant 0 : i32
      %dma_start3A_66 = tpu.memref_slice %arg18[%mul3A_51, %dma_start3A_65] : memref<10008x128xf32, #tpu.memory_space<vmem_shared>> -> memref<624x128xf32, #tpu.memory_space<vmem_shared>>
      tpu.enqueue_dma source(%dma_start3A_66 : memref<624x128xf32, #tpu.memory_space<vmem_shared>>) target(%dma_start3A_64 : memref<624x128xf32, #tpu.memory_space<hbm>>) target_semaphore(%run_scoped3A : memref<!tpu.dma_semaphore, #tpu.memory_space<semaphore_mem>>)
      %dma_wait3A = arith.constant 0 : i32
      %dma_wait3A_67 = tpu.memref_slice %arg10[%add3A, %dma_wait3A] : memref<20000x128xf32, #tpu.memory_space<hbm>> -> memref<624x128xf32, #tpu.memory_space<hbm>>
      %dma_wait3A_68 = arith.constant 0 : i32
      %dma_wait3A_69 = tpu.memref_slice %arg18[%mul3A_51, %dma_wait3A_68] : memref<10008x128xf32, #tpu.memory_space<vmem_shared>> -> memref<624x128xf32, #tpu.memory_space<vmem_shared>>
      tpu.wait_dma2 semaphore(%run_scoped3A : memref<!tpu.dma_semaphore, #tpu.memory_space<semaphore_mem>>) src(%dma_wait3A_69 : memref<624x128xf32, #tpu.memory_space<vmem_shared>>) dst(%dma_wait3A_67 : memref<624x128xf32, #tpu.memory_space<hbm>>)
      tpu.yield
    }) : () -> ()
    %mul3A_54 = arith.constant 624 : i32
    %mul3A_55 = arith.muli %arg1, %mul3A_54 : i32
    "tpu.region"() ({
      %run_scoped3A = tpu.sem_alloc : memref<!tpu.dma_semaphore, #tpu.memory_space<semaphore_mem>>
      %dma_start3A = tpu.memref_slice %arg19[%mul3A_55] : memref<10008xf32, #tpu.memory_space<vmem_shared>> -> memref<624xf32, #tpu.memory_space<vmem_shared>>
      %dma_start3A_64 = tpu.memref_slice %arg19[%mul3A_55] : memref<10008xf32, #tpu.memory_space<vmem_shared>> -> memref<624xf32, #tpu.memory_space<vmem_shared>>
      tpu.enqueue_dma source(%dma_start3A_64 : memref<624xf32, #tpu.memory_space<vmem_shared>>) target(%arg17 : memref<624xf32, #tpu.memory_space<vmem>>) target_semaphore(%run_scoped3A : memref<!tpu.dma_semaphore, #tpu.memory_space<semaphore_mem>>)
      %dma_wait3A = tpu.memref_slice %arg19[%mul3A_55] : memref<10008xf32, #tpu.memory_space<vmem_shared>> -> memref<624xf32, #tpu.memory_space<vmem_shared>>
      %dma_wait3A_65 = tpu.memref_slice %arg19[%mul3A_55] : memref<10008xf32, #tpu.memory_space<vmem_shared>> -> memref<624xf32, #tpu.memory_space<vmem_shared>>
      tpu.wait_dma2 semaphore(%run_scoped3A : memref<!tpu.dma_semaphore, #tpu.memory_space<semaphore_mem>>) src(%dma_wait3A_65 : memref<624xf32, #tpu.memory_space<vmem_shared>>) dst(%arg17 : memref<624xf32, #tpu.memory_space<vmem>>)
      tpu.yield
    }) : () -> ()
    %mul3A_56 = arith.constant 624 : i32
    %mul3A_57 = arith.muli %arg1, %mul3A_56 : i32
    %add3A_58 = arith.addi %mul3A_49, %mul3A_57 : i32
    "tpu.region"() ({
      %run_scoped3A = tpu.sem_alloc : memref<!tpu.dma_semaphore, #tpu.memory_space<semaphore_mem>>
      %dma_start3A = tpu.memref_slice %arg11[%add3A_58] : memref<20000xf32, #tpu.memory_space<hbm>> -> memref<624xf32, #tpu.memory_space<hbm>>
      %dma_start3A_64 = tpu.memref_slice %arg11[%add3A_58] : memref<20000xf32, #tpu.memory_space<hbm>> -> memref<624xf32, #tpu.memory_space<hbm>>
      tpu.enqueue_dma source(%arg17 : memref<624xf32, #tpu.memory_space<vmem>>) target(%dma_start3A_64 : memref<624xf32, #tpu.memory_space<hbm>>) target_semaphore(%run_scoped3A : memref<!tpu.dma_semaphore, #tpu.memory_space<semaphore_mem>>)
      %dma_wait3A = tpu.memref_slice %arg11[%add3A_58] : memref<20000xf32, #tpu.memory_space<hbm>> -> memref<624xf32, #tpu.memory_space<hbm>>
      %dma_wait3A_65 = tpu.memref_slice %arg11[%add3A_58] : memref<20000xf32, #tpu.memory_space<hbm>> -> memref<624xf32, #tpu.memory_space<hbm>>
      tpu.wait_dma2 semaphore(%run_scoped3A : memref<!tpu.dma_semaphore, #tpu.memory_space<semaphore_mem>>) src(%arg17 : memref<624xf32, #tpu.memory_space<vmem>>) dst(%dma_wait3A_65 : memref<624xf32, #tpu.memory_space<hbm>>)
      tpu.yield
    }) : () -> ()
    %eq3A_59 = arith.constant 0 : i32
    %eq3A_60 = arith.cmpi eq, %arg1, %eq3A_59 : i32
    %convert_element_type3A_61 = arith.extui %eq3A_60 : i1 to i32
    %cond3A_62 = arith.constant 0 : i32
    %cond3A_63 = arith.cmpi ne, %convert_element_type3A_61, %cond3A_62 : i32
    scf.if %cond3A_63 {
      %add3A_64 = arith.constant 9984 : i32
      %add3A_65 = arith.addi %mul3A_49, %add3A_64 : i32
      "tpu.region"() ({
        %run_scoped3A = tpu.sem_alloc : memref<!tpu.dma_semaphore, #tpu.memory_space<semaphore_mem>>
        %dma_start3A = arith.constant 0 : i32
        %dma_start3A_68 = tpu.memref_slice %arg10[%add3A_65, %dma_start3A] : memref<20000x128xf32, #tpu.memory_space<hbm>> -> memref<16x128xf32, #tpu.memory_space<hbm>>
        %dma_start3A_69 = arith.constant 9984 : i32
        %dma_start3A_70 = arith.constant 0 : i32
        %dma_start3A_71 = tpu.memref_slice %arg18[%dma_start3A_69, %dma_start3A_70] : memref<10008x128xf32, #tpu.memory_space<vmem_shared>> -> memref<16x128xf32, #tpu.memory_space<vmem_shared>>
        tpu.enqueue_dma source(%dma_start3A_71 : memref<16x128xf32, #tpu.memory_space<vmem_shared>>) target(%dma_start3A_68 : memref<16x128xf32, #tpu.memory_space<hbm>>) target_semaphore(%run_scoped3A : memref<!tpu.dma_semaphore, #tpu.memory_space<semaphore_mem>>)
        %dma_wait3A = arith.constant 0 : i32
        %dma_wait3A_72 = tpu.memref_slice %arg10[%add3A_65, %dma_wait3A] : memref<20000x128xf32, #tpu.memory_space<hbm>> -> memref<16x128xf32, #tpu.memory_space<hbm>>
        %dma_wait3A_73 = arith.constant 9984 : i32
        %dma_wait3A_74 = arith.constant 0 : i32
        %dma_wait3A_75 = tpu.memref_slice %arg18[%dma_wait3A_73, %dma_wait3A_74] : memref<10008x128xf32, #tpu.memory_space<vmem_shared>> -> memref<16x128xf32, #tpu.memory_space<vmem_shared>>
        tpu.wait_dma2 semaphore(%run_scoped3A : memref<!tpu.dma_semaphore, #tpu.memory_space<semaphore_mem>>) src(%dma_wait3A_75 : memref<16x128xf32, #tpu.memory_space<vmem_shared>>) dst(%dma_wait3A_72 : memref<16x128xf32, #tpu.memory_space<hbm>>)
        tpu.yield
      }) : () -> ()
      "tpu.region"() ({
        %run_scoped3A = tpu.sem_alloc : memref<!tpu.dma_semaphore, #tpu.memory_space<semaphore_mem>>
        %dma_start3A = arith.constant 0 : i32
        %dma_start3A_68 = tpu.memref_slice %arg17[%dma_start3A] : memref<624xf32, #tpu.memory_space<vmem>> -> memref<16xf32, #tpu.memory_space<vmem>>
        %dma_start3A_69 = arith.constant 9984 : i32
        %dma_start3A_70 = tpu.memref_slice %arg19[%dma_start3A_69] : memref<10008xf32, #tpu.memory_space<vmem_shared>> -> memref<16xf32, #tpu.memory_space<vmem_shared>>
        %dma_start3A_71 = arith.constant 0 : i32
        %dma_start3A_72 = tpu.memref_slice %arg17[%dma_start3A_71] : memref<624xf32, #tpu.memory_space<vmem>> -> memref<16xf32, #tpu.memory_space<vmem>>
        %dma_start3A_73 = arith.constant 9984 : i32
        %dma_start3A_74 = tpu.memref_slice %arg19[%dma_start3A_73] : memref<10008xf32, #tpu.memory_space<vmem_shared>> -> memref<16xf32, #tpu.memory_space<vmem_shared>>
        tpu.enqueue_dma source(%dma_start3A_74 : memref<16xf32, #tpu.memory_space<vmem_shared>>) target(%dma_start3A_72 : memref<16xf32, #tpu.memory_space<vmem>>) target_semaphore(%run_scoped3A : memref<!tpu.dma_semaphore, #tpu.memory_space<semaphore_mem>>)
        %dma_wait3A = arith.constant 0 : i32
        %dma_wait3A_75 = tpu.memref_slice %arg17[%dma_wait3A] : memref<624xf32, #tpu.memory_space<vmem>> -> memref<16xf32, #tpu.memory_space<vmem>>
        %dma_wait3A_76 = arith.constant 9984 : i32
        %dma_wait3A_77 = tpu.memref_slice %arg19[%dma_wait3A_76] : memref<10008xf32, #tpu.memory_space<vmem_shared>> -> memref<16xf32, #tpu.memory_space<vmem_shared>>
        %dma_wait3A_78 = arith.constant 0 : i32
        %dma_wait3A_79 = tpu.memref_slice %arg17[%dma_wait3A_78] : memref<624xf32, #tpu.memory_space<vmem>> -> memref<16xf32, #tpu.memory_space<vmem>>
        %dma_wait3A_80 = arith.constant 9984 : i32
        %dma_wait3A_81 = tpu.memref_slice %arg19[%dma_wait3A_80] : memref<10008xf32, #tpu.memory_space<vmem_shared>> -> memref<16xf32, #tpu.memory_space<vmem_shared>>
        tpu.wait_dma2 semaphore(%run_scoped3A : memref<!tpu.dma_semaphore, #tpu.memory_space<semaphore_mem>>) src(%dma_wait3A_81 : memref<16xf32, #tpu.memory_space<vmem_shared>>) dst(%dma_wait3A_79 : memref<16xf32, #tpu.memory_space<vmem>>)
        tpu.yield
      }) : () -> ()
      %add3A_66 = arith.constant 9984 : i32
      %add3A_67 = arith.addi %mul3A_49, %add3A_66 : i32
      "tpu.region"() ({
        %run_scoped3A = tpu.sem_alloc : memref<!tpu.dma_semaphore, #tpu.memory_space<semaphore_mem>>
        %dma_start3A = arith.constant 0 : i32
        %dma_start3A_68 = tpu.memref_slice %arg17[%dma_start3A] : memref<624xf32, #tpu.memory_space<vmem>> -> memref<16xf32, #tpu.memory_space<vmem>>
        %dma_start3A_69 = tpu.memref_slice %arg11[%add3A_67] : memref<20000xf32, #tpu.memory_space<hbm>> -> memref<16xf32, #tpu.memory_space<hbm>>
        %dma_start3A_70 = tpu.memref_slice %arg11[%add3A_67] : memref<20000xf32, #tpu.memory_space<hbm>> -> memref<16xf32, #tpu.memory_space<hbm>>
        %dma_start3A_71 = arith.constant 0 : i32
        %dma_start3A_72 = tpu.memref_slice %arg17[%dma_start3A_71] : memref<624xf32, #tpu.memory_space<vmem>> -> memref<16xf32, #tpu.memory_space<vmem>>
        tpu.enqueue_dma source(%dma_start3A_72 : memref<16xf32, #tpu.memory_space<vmem>>) target(%dma_start3A_70 : memref<16xf32, #tpu.memory_space<hbm>>) target_semaphore(%run_scoped3A : memref<!tpu.dma_semaphore, #tpu.memory_space<semaphore_mem>>)
        %dma_wait3A = arith.constant 0 : i32
        %dma_wait3A_73 = tpu.memref_slice %arg17[%dma_wait3A] : memref<624xf32, #tpu.memory_space<vmem>> -> memref<16xf32, #tpu.memory_space<vmem>>
        %dma_wait3A_74 = tpu.memref_slice %arg11[%add3A_67] : memref<20000xf32, #tpu.memory_space<hbm>> -> memref<16xf32, #tpu.memory_space<hbm>>
        %dma_wait3A_75 = tpu.memref_slice %arg11[%add3A_67] : memref<20000xf32, #tpu.memory_space<hbm>> -> memref<16xf32, #tpu.memory_space<hbm>>
        %dma_wait3A_76 = arith.constant 0 : i32
        %dma_wait3A_77 = tpu.memref_slice %arg17[%dma_wait3A_76] : memref<624xf32, #tpu.memory_space<vmem>> -> memref<16xf32, #tpu.memory_space<vmem>>
        tpu.wait_dma2 semaphore(%run_scoped3A : memref<!tpu.dma_semaphore, #tpu.memory_space<semaphore_mem>>) src(%dma_wait3A_77 : memref<16xf32, #tpu.memory_space<vmem>>) dst(%dma_wait3A_75 : memref<16xf32, #tpu.memory_space<hbm>>)
        tpu.yield
      }) : () -> ()
    } else {
    }
    return
  }
}

#map = affine_map<(d0, d1) -> (0, 0)>
#map1 = affine_map<(d0, d1) -> (0)>
module attributes {stable_mosaic.version = 14 : i64} {
  func.func @_seg_sum_body(%arg0: i32, %arg1: i32, %arg2: memref<10000x128xf32, #tpu.memory_space<hbm>>, %arg3: memref<10000x128xf32, #tpu.memory_space<hbm>>, %arg4: memref<332800xi32, #tpu.memory_space<hbm>>, %arg5: memref<332800xi32, #tpu.memory_space<hbm>>, %arg6: memref<332800xi32, #tpu.memory_space<hbm>>, %arg7: memref<332800xi32, #tpu.memory_space<hbm>>, %arg8: memref<10000x128xf32, #tpu.memory_space<hbm>>, %arg9: memref<10000xf32, #tpu.memory_space<hbm>>, %arg10: memref<20000x128xf32, #tpu.memory_space<hbm>>, %arg11: memref<20000xf32, #tpu.memory_space<hbm>>, %arg12: memref<320xi32, #tpu.memory_space<vmem>>, %arg13: memref<320xi32, #tpu.memory_space<vmem>>, %arg14: memref<4x80xi32, #tpu.memory_space<vmem>>, %arg15: memref<4x80x128xf32, #tpu.memory_space<vmem>>, %arg16: memref<80xf32, #tpu.memory_space<vmem>>, %arg17: memref<624xf32, #tpu.memory_space<vmem>>, %arg18: memref<10008x128xf32, #tpu.memory_space<vmem_shared>>, %arg19: memref<10008xf32, #tpu.memory_space<vmem_shared>>, %arg20: memref<4x!tpu.dma_semaphore, #tpu.memory_space<semaphore_mem>>, %arg21: memref<4x!tpu.dma_semaphore, #tpu.memory_space<semaphore_mem>>) attributes {dimension_semantics = [#tpu.dimension_semantics<core_parallel>, #tpu.dimension_semantics<subcore_parallel>], iteration_bounds = array<i64: 2, 16>, scalar_prefetch = 0 : i64, scratch_operands = 10 : i64, tpu.core_type = #tpu.core_type<sc_vector_subcore>, window_params = [{transform_indices = #map}, {transform_indices = #map}, {transform_indices = #map1}, {transform_indices = #map1}, {transform_indices = #map1}, {transform_indices = #map1}, {transform_indices = #map}, {transform_indices = #map1}, {transform_indices = #map}, {transform_indices = #map1}]} {
    %mul3A = arith.constant 20800 : i32
    %mul3A_0 = arith.muli %arg1, %mul3A : i32
    %mul3A_1 = arith.constant 624 : i32
    %mul3A_2 = arith.muli %arg1, %mul3A_1 : i32
    %mul3A_3 = arith.constant 624 : i32
    %mul3A_4 = arith.muli %arg1, %mul3A_3 : i32
    "tpu.region"() ({
      %run_scoped3A = tpu.sem_alloc : memref<!tpu.dma_semaphore, #tpu.memory_space<semaphore_mem>>
      %dma_start3A = arith.constant 0 : i32
      %dma_start3A_29 = tpu.memref_slice %arg18[%mul3A_4, %dma_start3A] : memref<10008x128xf32, #tpu.memory_space<vmem_shared>> -> memref<624x128xf32, #tpu.memory_space<vmem_shared>>
      %dma_start3A_30 = arith.constant 0 : i32
      %dma_start3A_31 = tpu.memref_slice %arg8[%mul3A_2, %dma_start3A_30] : memref<10000x128xf32, #tpu.memory_space<hbm>> -> memref<624x128xf32, #tpu.memory_space<hbm>>
      tpu.enqueue_dma source(%dma_start3A_31 : memref<624x128xf32, #tpu.memory_space<hbm>>) target(%dma_start3A_29 : memref<624x128xf32, #tpu.memory_space<vmem_shared>>) target_semaphore(%run_scoped3A : memref<!tpu.dma_semaphore, #tpu.memory_space<semaphore_mem>>)
      %dma_wait3A = arith.constant 0 : i32
      %dma_wait3A_32 = tpu.memref_slice %arg18[%mul3A_4, %dma_wait3A] : memref<10008x128xf32, #tpu.memory_space<vmem_shared>> -> memref<624x128xf32, #tpu.memory_space<vmem_shared>>
      %dma_wait3A_33 = arith.constant 0 : i32
      %dma_wait3A_34 = tpu.memref_slice %arg8[%mul3A_2, %dma_wait3A_33] : memref<10000x128xf32, #tpu.memory_space<hbm>> -> memref<624x128xf32, #tpu.memory_space<hbm>>
      tpu.wait_dma2 semaphore(%run_scoped3A : memref<!tpu.dma_semaphore, #tpu.memory_space<semaphore_mem>>) src(%dma_wait3A_34 : memref<624x128xf32, #tpu.memory_space<hbm>>) dst(%dma_wait3A_32 : memref<624x128xf32, #tpu.memory_space<vmem_shared>>)
      tpu.yield
    }) : () -> ()
    %eq3A = arith.constant 0 : i32
    %eq3A_5 = arith.cmpi eq, %arg1, %eq3A : i32
    %convert_element_type3A = arith.extui %eq3A_5 : i1 to i32
    %cond3A = arith.constant 0 : i32
    %cond3A_6 = arith.cmpi ne, %convert_element_type3A, %cond3A : i32
    scf.if %cond3A_6 {
      "tpu.region"() ({
        %run_scoped3A = tpu.sem_alloc : memref<!tpu.dma_semaphore, #tpu.memory_space<semaphore_mem>>
        %dma_start3A = arith.constant 9984 : i32
        %dma_start3A_29 = arith.constant 0 : i32
        %dma_start3A_30 = tpu.memref_slice %arg18[%dma_start3A, %dma_start3A_29] : memref<10008x128xf32, #tpu.memory_space<vmem_shared>> -> memref<16x128xf32, #tpu.memory_space<vmem_shared>>
        %dma_start3A_31 = arith.constant 9984 : i32
        %dma_start3A_32 = arith.constant 0 : i32
        %dma_start3A_33 = tpu.memref_slice %arg8[%dma_start3A_31, %dma_start3A_32] : memref<10000x128xf32, #tpu.memory_space<hbm>> -> memref<16x128xf32, #tpu.memory_space<hbm>>
        tpu.enqueue_dma source(%dma_start3A_33 : memref<16x128xf32, #tpu.memory_space<hbm>>) target(%dma_start3A_30 : memref<16x128xf32, #tpu.memory_space<vmem_shared>>) target_semaphore(%run_scoped3A : memref<!tpu.dma_semaphore, #tpu.memory_space<semaphore_mem>>)
        %dma_wait3A = arith.constant 9984 : i32
        %dma_wait3A_34 = arith.constant 0 : i32
        %dma_wait3A_35 = tpu.memref_slice %arg18[%dma_wait3A, %dma_wait3A_34] : memref<10008x128xf32, #tpu.memory_space<vmem_shared>> -> memref<16x128xf32, #tpu.memory_space<vmem_shared>>
        %dma_wait3A_36 = arith.constant 9984 : i32
        %dma_wait3A_37 = arith.constant 0 : i32
        %dma_wait3A_38 = tpu.memref_slice %arg8[%dma_wait3A_36, %dma_wait3A_37] : memref<10000x128xf32, #tpu.memory_space<hbm>> -> memref<16x128xf32, #tpu.memory_space<hbm>>
        tpu.wait_dma2 semaphore(%run_scoped3A : memref<!tpu.dma_semaphore, #tpu.memory_space<semaphore_mem>>) src(%dma_wait3A_38 : memref<16x128xf32, #tpu.memory_space<hbm>>) dst(%dma_wait3A_35 : memref<16x128xf32, #tpu.memory_space<vmem_shared>>)
        tpu.yield
      }) : () -> ()
    } else {
    }
    %barrier3A = arith.constant 0 : index
    tpu.barrier barrier_id(%barrier3A)
    %eq3A_7 = arith.constant 0 : i32
    %eq3A_8 = arith.cmpi eq, %arg0, %eq3A_7 : i32
    %convert_element_type3A_9 = arith.extui %eq3A_8 : i1 to i32
    %cond3A_10 = arith.constant 0 : i32
    %cond3A_11 = arith.cmpi ne, %convert_element_type3A_9, %cond3A_10 : i32
    scf.if %cond3A_11 {
      %scan3A = arith.constant 0 : i32
      %scan3A_29 = arith.constant 0 : i32
      %scan3A_30 = arith.constant 65 : i32
      %scan3A_31 = arith.addi %scan3A_29, %scan3A_30 : i32
      %scan3A_32 = arith.constant 1 : i32
      scf.for %scan3A_93 = %scan3A_29 to %scan3A_31 step %scan3A_32  : i32 {
        %mul3A_94 = arith.constant 4 : i32
        %mul3A_95 = arith.muli %scan3A_93, %mul3A_94 : i32
        %mul3A_96 = arith.constant 80 : i32
        %mul3A_97 = arith.muli %mul3A_95, %mul3A_96 : i32
        %add3A_98 = arith.addi %mul3A_0, %mul3A_97 : i32
        %gt3A = arith.constant 0 : i32
        %gt3A_99 = arith.cmpi sgt, %scan3A_93, %gt3A : i32
        %convert_element_type3A_100 = arith.extui %gt3A_99 : i1 to i32
        %cond3A_101 = arith.constant 0 : i32
        %cond3A_102 = arith.cmpi ne, %convert_element_type3A_100, %cond3A_101 : i32
        scf.if %cond3A_102 {
          %dma_wait3A_444 = arith.constant 0 : i32
          %dma_wait3A_445 = arith.constant 0 : i32
          %dma_wait3A_446 = arith.constant 0 : i32
          %dma_wait3A_447 = arith.constant 0 : i32
          %dma_wait3A_448 = arith.constant 0 : i32
          %dma_wait3A_449 = tpu.memref_slice %arg15[%dma_wait3A_444, %dma_wait3A_447, %dma_wait3A_448] : memref<4x80x128xf32, #tpu.memory_space<vmem>> -> memref<1x80x128xf32, #tpu.memory_space<vmem>>
          %dma_wait3A_450 = tpu.memref_squeeze %dma_wait3A_449 : memref<1x80x128xf32, #tpu.memory_space<vmem>> -> memref<80x128xf32, #tpu.memory_space<vmem>>
          %dma_wait3A_451 = arith.constant 0 : i32
          %dma_wait3A_452 = tpu.memref_slice %arg14[%dma_wait3A_445, %dma_wait3A_451] : memref<4x80xi32, #tpu.memory_space<vmem>> -> memref<1x80xi32, #tpu.memory_space<vmem>>
          %dma_wait3A_453 = tpu.memref_squeeze %dma_wait3A_452 : memref<1x80xi32, #tpu.memory_space<vmem>> -> memref<80xi32, #tpu.memory_space<vmem>>
          %dma_wait3A_454 = arith.constant 0 : i32
          %dma_wait3A_455 = arith.constant 0 : i32
          %dma_wait3A_456 = tpu.memref_slice %arg18[%dma_wait3A_454, %dma_wait3A_455] : memref<10008x128xf32, #tpu.memory_space<vmem_shared>> -> memref<10008x128xf32, #tpu.memory_space<vmem_shared>>
          %dma_wait3A_457 = tpu.memref_slice %arg21[%dma_wait3A_446] : memref<4x!tpu.dma_semaphore, #tpu.memory_space<semaphore_mem>> -> memref<1x!tpu.dma_semaphore, #tpu.memory_space<semaphore_mem>>
          %dma_wait3A_458 = tpu.memref_squeeze %dma_wait3A_457 : memref<1x!tpu.dma_semaphore, #tpu.memory_space<semaphore_mem>> -> memref<!tpu.dma_semaphore, #tpu.memory_space<semaphore_mem>>
          tpu.wait_indirect_dma semaphore(%dma_wait3A_458 : memref<!tpu.dma_semaphore, #tpu.memory_space<semaphore_mem>>) src(%dma_wait3A_450 : memref<80x128xf32, #tpu.memory_space<vmem>>) dst(%dma_wait3A_456 : memref<10008x128xf32, #tpu.memory_space<vmem_shared>>)
          %dma_wait3A_459 = arith.constant 1 : i32
          %dma_wait3A_460 = arith.constant 1 : i32
          %dma_wait3A_461 = arith.constant 1 : i32
          %dma_wait3A_462 = arith.constant 0 : i32
          %dma_wait3A_463 = arith.constant 0 : i32
          %dma_wait3A_464 = tpu.memref_slice %arg15[%dma_wait3A_459, %dma_wait3A_462, %dma_wait3A_463] : memref<4x80x128xf32, #tpu.memory_space<vmem>> -> memref<1x80x128xf32, #tpu.memory_space<vmem>>
          %dma_wait3A_465 = tpu.memref_squeeze %dma_wait3A_464 : memref<1x80x128xf32, #tpu.memory_space<vmem>> -> memref<80x128xf32, #tpu.memory_space<vmem>>
          %dma_wait3A_466 = arith.constant 0 : i32
          %dma_wait3A_467 = tpu.memref_slice %arg14[%dma_wait3A_460, %dma_wait3A_466] : memref<4x80xi32, #tpu.memory_space<vmem>> -> memref<1x80xi32, #tpu.memory_space<vmem>>
          %dma_wait3A_468 = tpu.memref_squeeze %dma_wait3A_467 : memref<1x80xi32, #tpu.memory_space<vmem>> -> memref<80xi32, #tpu.memory_space<vmem>>
          %dma_wait3A_469 = arith.constant 0 : i32
          %dma_wait3A_470 = arith.constant 0 : i32
          %dma_wait3A_471 = tpu.memref_slice %arg18[%dma_wait3A_469, %dma_wait3A_470] : memref<10008x128xf32, #tpu.memory_space<vmem_shared>> -> memref<10008x128xf32, #tpu.memory_space<vmem_shared>>
          %dma_wait3A_472 = tpu.memref_slice %arg21[%dma_wait3A_461] : memref<4x!tpu.dma_semaphore, #tpu.memory_space<semaphore_mem>> -> memref<1x!tpu.dma_semaphore, #tpu.memory_space<semaphore_mem>>
          %dma_wait3A_473 = tpu.memref_squeeze %dma_wait3A_472 : memref<1x!tpu.dma_semaphore, #tpu.memory_space<semaphore_mem>> -> memref<!tpu.dma_semaphore, #tpu.memory_space<semaphore_mem>>
          tpu.wait_indirect_dma semaphore(%dma_wait3A_473 : memref<!tpu.dma_semaphore, #tpu.memory_space<semaphore_mem>>) src(%dma_wait3A_465 : memref<80x128xf32, #tpu.memory_space<vmem>>) dst(%dma_wait3A_471 : memref<10008x128xf32, #tpu.memory_space<vmem_shared>>)
          %dma_wait3A_474 = arith.constant 2 : i32
          %dma_wait3A_475 = arith.constant 2 : i32
          %dma_wait3A_476 = arith.constant 2 : i32
          %dma_wait3A_477 = arith.constant 0 : i32
          %dma_wait3A_478 = arith.constant 0 : i32
          %dma_wait3A_479 = tpu.memref_slice %arg15[%dma_wait3A_474, %dma_wait3A_477, %dma_wait3A_478] : memref<4x80x128xf32, #tpu.memory_space<vmem>> -> memref<1x80x128xf32, #tpu.memory_space<vmem>>
          %dma_wait3A_480 = tpu.memref_squeeze %dma_wait3A_479 : memref<1x80x128xf32, #tpu.memory_space<vmem>> -> memref<80x128xf32, #tpu.memory_space<vmem>>
          %dma_wait3A_481 = arith.constant 0 : i32
          %dma_wait3A_482 = tpu.memref_slice %arg14[%dma_wait3A_475, %dma_wait3A_481] : memref<4x80xi32, #tpu.memory_space<vmem>> -> memref<1x80xi32, #tpu.memory_space<vmem>>
          %dma_wait3A_483 = tpu.memref_squeeze %dma_wait3A_482 : memref<1x80xi32, #tpu.memory_space<vmem>> -> memref<80xi32, #tpu.memory_space<vmem>>
          %dma_wait3A_484 = arith.constant 0 : i32
          %dma_wait3A_485 = arith.constant 0 : i32
          %dma_wait3A_486 = tpu.memref_slice %arg18[%dma_wait3A_484, %dma_wait3A_485] : memref<10008x128xf32, #tpu.memory_space<vmem_shared>> -> memref<10008x128xf32, #tpu.memory_space<vmem_shared>>
          %dma_wait3A_487 = tpu.memref_slice %arg21[%dma_wait3A_476] : memref<4x!tpu.dma_semaphore, #tpu.memory_space<semaphore_mem>> -> memref<1x!tpu.dma_semaphore, #tpu.memory_space<semaphore_mem>>
          %dma_wait3A_488 = tpu.memref_squeeze %dma_wait3A_487 : memref<1x!tpu.dma_semaphore, #tpu.memory_space<semaphore_mem>> -> memref<!tpu.dma_semaphore, #tpu.memory_space<semaphore_mem>>
          tpu.wait_indirect_dma semaphore(%dma_wait3A_488 : memref<!tpu.dma_semaphore, #tpu.memory_space<semaphore_mem>>) src(%dma_wait3A_480 : memref<80x128xf32, #tpu.memory_space<vmem>>) dst(%dma_wait3A_486 : memref<10008x128xf32, #tpu.memory_space<vmem_shared>>)
          %dma_wait3A_489 = arith.constant 3 : i32
          %dma_wait3A_490 = arith.constant 3 : i32
          %dma_wait3A_491 = arith.constant 3 : i32
          %dma_wait3A_492 = arith.constant 0 : i32
          %dma_wait3A_493 = arith.constant 0 : i32
          %dma_wait3A_494 = tpu.memref_slice %arg15[%dma_wait3A_489, %dma_wait3A_492, %dma_wait3A_493] : memref<4x80x128xf32, #tpu.memory_space<vmem>> -> memref<1x80x128xf32, #tpu.memory_space<vmem>>
          %dma_wait3A_495 = tpu.memref_squeeze %dma_wait3A_494 : memref<1x80x128xf32, #tpu.memory_space<vmem>> -> memref<80x128xf32, #tpu.memory_space<vmem>>
          %dma_wait3A_496 = arith.constant 0 : i32
          %dma_wait3A_497 = tpu.memref_slice %arg14[%dma_wait3A_490, %dma_wait3A_496] : memref<4x80xi32, #tpu.memory_space<vmem>> -> memref<1x80xi32, #tpu.memory_space<vmem>>
          %dma_wait3A_498 = tpu.memref_squeeze %dma_wait3A_497 : memref<1x80xi32, #tpu.memory_space<vmem>> -> memref<80xi32, #tpu.memory_space<vmem>>
          %dma_wait3A_499 = arith.constant 0 : i32
          %dma_wait3A_500 = arith.constant 0 : i32
          %dma_wait3A_501 = tpu.memref_slice %arg18[%dma_wait3A_499, %dma_wait3A_500] : memref<10008x128xf32, #tpu.memory_space<vmem_shared>> -> memref<10008x128xf32, #tpu.memory_space<vmem_shared>>
          %dma_wait3A_502 = tpu.memref_slice %arg21[%dma_wait3A_491] : memref<4x!tpu.dma_semaphore, #tpu.memory_space<semaphore_mem>> -> memref<1x!tpu.dma_semaphore, #tpu.memory_space<semaphore_mem>>
          %dma_wait3A_503 = tpu.memref_squeeze %dma_wait3A_502 : memref<1x!tpu.dma_semaphore, #tpu.memory_space<semaphore_mem>> -> memref<!tpu.dma_semaphore, #tpu.memory_space<semaphore_mem>>
          tpu.wait_indirect_dma semaphore(%dma_wait3A_503 : memref<!tpu.dma_semaphore, #tpu.memory_space<semaphore_mem>>) src(%dma_wait3A_495 : memref<80x128xf32, #tpu.memory_space<vmem>>) dst(%dma_wait3A_501 : memref<10008x128xf32, #tpu.memory_space<vmem_shared>>)
        } else {
        }
        "tpu.region"() ({
          %run_scoped3A = tpu.sem_alloc : memref<!tpu.dma_semaphore, #tpu.memory_space<semaphore_mem>>
          %dma_start3A_444 = tpu.memref_slice %arg4[%add3A_98] : memref<332800xi32, #tpu.memory_space<hbm>> -> memref<320xi32, #tpu.memory_space<hbm>>
          %dma_start3A_445 = tpu.memref_slice %arg4[%add3A_98] : memref<332800xi32, #tpu.memory_space<hbm>> -> memref<320xi32, #tpu.memory_space<hbm>>
          tpu.enqueue_dma source(%dma_start3A_445 : memref<320xi32, #tpu.memory_space<hbm>>) target(%arg12 : memref<320xi32, #tpu.memory_space<vmem>>) target_semaphore(%run_scoped3A : memref<!tpu.dma_semaphore, #tpu.memory_space<semaphore_mem>>)
          %dma_wait3A_446 = tpu.memref_slice %arg4[%add3A_98] : memref<332800xi32, #tpu.memory_space<hbm>> -> memref<320xi32, #tpu.memory_space<hbm>>
          %dma_wait3A_447 = tpu.memref_slice %arg4[%add3A_98] : memref<332800xi32, #tpu.memory_space<hbm>> -> memref<320xi32, #tpu.memory_space<hbm>>
          tpu.wait_dma2 semaphore(%run_scoped3A : memref<!tpu.dma_semaphore, #tpu.memory_space<semaphore_mem>>) src(%dma_wait3A_447 : memref<320xi32, #tpu.memory_space<hbm>>) dst(%arg12 : memref<320xi32, #tpu.memory_space<vmem>>)
          tpu.yield
        }) : () -> ()
        "tpu.region"() ({
          %run_scoped3A = tpu.sem_alloc : memref<!tpu.dma_semaphore, #tpu.memory_space<semaphore_mem>>
          %dma_start3A_444 = tpu.memref_slice %arg5[%add3A_98] : memref<332800xi32, #tpu.memory_space<hbm>> -> memref<320xi32, #tpu.memory_space<hbm>>
          %dma_start3A_445 = tpu.memref_slice %arg5[%add3A_98] : memref<332800xi32, #tpu.memory_space<hbm>> -> memref<320xi32, #tpu.memory_space<hbm>>
          tpu.enqueue_dma source(%dma_start3A_445 : memref<320xi32, #tpu.memory_space<hbm>>) target(%arg13 : memref<320xi32, #tpu.memory_space<vmem>>) target_semaphore(%run_scoped3A : memref<!tpu.dma_semaphore, #tpu.memory_space<semaphore_mem>>)
          %dma_wait3A_446 = tpu.memref_slice %arg5[%add3A_98] : memref<332800xi32, #tpu.memory_space<hbm>> -> memref<320xi32, #tpu.memory_space<hbm>>
          %dma_wait3A_447 = tpu.memref_slice %arg5[%add3A_98] : memref<332800xi32, #tpu.memory_space<hbm>> -> memref<320xi32, #tpu.memory_space<hbm>>
          tpu.wait_dma2 semaphore(%run_scoped3A : memref<!tpu.dma_semaphore, #tpu.memory_space<semaphore_mem>>) src(%dma_wait3A_447 : memref<320xi32, #tpu.memory_space<hbm>>) dst(%arg13 : memref<320xi32, #tpu.memory_space<vmem>>)
          tpu.yield
        }) : () -> ()
        %dma_start3A = arith.constant 0 : i32
        %dma_start3A_103 = arith.constant 0 : i32
        %dma_start3A_104 = arith.constant 0 : i32
        %dma_start3A_105 = arith.constant 0 : i32
        %dma_start3A_106 = tpu.memref_slice %arg15[%dma_start3A, %dma_start3A_104, %dma_start3A_105] : memref<4x80x128xf32, #tpu.memory_space<vmem>> -> memref<1x80x128xf32, #tpu.memory_space<vmem>>
        %dma_start3A_107 = tpu.memref_squeeze %dma_start3A_106 : memref<1x80x128xf32, #tpu.memory_space<vmem>> -> memref<80x128xf32, #tpu.memory_space<vmem>>
        %dma_start3A_108 = arith.constant 0 : i32
        %dma_start3A_109 = tpu.memref_slice %arg12[%dma_start3A_108] : memref<320xi32, #tpu.memory_space<vmem>> -> memref<80xi32, #tpu.memory_space<vmem>>
        %dma_start3A_110 = arith.constant 0 : i32
        %dma_start3A_111 = arith.constant 0 : i32
        %dma_start3A_112 = tpu.memref_slice %arg2[%dma_start3A_110, %dma_start3A_111] : memref<10000x128xf32, #tpu.memory_space<hbm>> -> memref<10000x128xf32, #tpu.memory_space<hbm>>
        %dma_start3A_113 = tpu.memref_slice %arg20[%dma_start3A_103] : memref<4x!tpu.dma_semaphore, #tpu.memory_space<semaphore_mem>> -> memref<1x!tpu.dma_semaphore, #tpu.memory_space<semaphore_mem>>
        %dma_start3A_114 = tpu.memref_squeeze %dma_start3A_113 : memref<1x!tpu.dma_semaphore, #tpu.memory_space<semaphore_mem>> -> memref<!tpu.dma_semaphore, #tpu.memory_space<semaphore_mem>>
        tpu.enqueue_indirect_dma source(%dma_start3A_112 : memref<10000x128xf32, #tpu.memory_space<hbm>>) target(%dma_start3A_107 : memref<80x128xf32, #tpu.memory_space<vmem>>) offsets(%dma_start3A_109 : memref<80xi32, #tpu.memory_space<vmem>>) semaphore(%dma_start3A_114 : memref<!tpu.dma_semaphore, #tpu.memory_space<semaphore_mem>>)
        %dma_start3A_115 = arith.constant 1 : i32
        %dma_start3A_116 = arith.constant 1 : i32
        %dma_start3A_117 = arith.constant 0 : i32
        %dma_start3A_118 = arith.constant 0 : i32
        %dma_start3A_119 = tpu.memref_slice %arg15[%dma_start3A_115, %dma_start3A_117, %dma_start3A_118] : memref<4x80x128xf32, #tpu.memory_space<vmem>> -> memref<1x80x128xf32, #tpu.memory_space<vmem>>
        %dma_start3A_120 = tpu.memref_squeeze %dma_start3A_119 : memref<1x80x128xf32, #tpu.memory_space<vmem>> -> memref<80x128xf32, #tpu.memory_space<vmem>>
        %dma_start3A_121 = arith.constant 80 : i32
        %dma_start3A_122 = tpu.memref_slice %arg12[%dma_start3A_121] : memref<320xi32, #tpu.memory_space<vmem>> -> memref<80xi32, #tpu.memory_space<vmem>>
        %dma_start3A_123 = arith.constant 0 : i32
        %dma_start3A_124 = arith.constant 0 : i32
        %dma_start3A_125 = tpu.memref_slice %arg2[%dma_start3A_123, %dma_start3A_124] : memref<10000x128xf32, #tpu.memory_space<hbm>> -> memref<10000x128xf32, #tpu.memory_space<hbm>>
        %dma_start3A_126 = tpu.memref_slice %arg20[%dma_start3A_116] : memref<4x!tpu.dma_semaphore, #tpu.memory_space<semaphore_mem>> -> memref<1x!tpu.dma_semaphore, #tpu.memory_space<semaphore_mem>>
        %dma_start3A_127 = tpu.memref_squeeze %dma_start3A_126 : memref<1x!tpu.dma_semaphore, #tpu.memory_space<semaphore_mem>> -> memref<!tpu.dma_semaphore, #tpu.memory_space<semaphore_mem>>
        tpu.enqueue_indirect_dma source(%dma_start3A_125 : memref<10000x128xf32, #tpu.memory_space<hbm>>) target(%dma_start3A_120 : memref<80x128xf32, #tpu.memory_space<vmem>>) offsets(%dma_start3A_122 : memref<80xi32, #tpu.memory_space<vmem>>) semaphore(%dma_start3A_127 : memref<!tpu.dma_semaphore, #tpu.memory_space<semaphore_mem>>)
        %dma_start3A_128 = arith.constant 2 : i32
        %dma_start3A_129 = arith.constant 2 : i32
        %dma_start3A_130 = arith.constant 0 : i32
        %dma_start3A_131 = arith.constant 0 : i32
        %dma_start3A_132 = tpu.memref_slice %arg15[%dma_start3A_128, %dma_start3A_130, %dma_start3A_131] : memref<4x80x128xf32, #tpu.memory_space<vmem>> -> memref<1x80x128xf32, #tpu.memory_space<vmem>>
        %dma_start3A_133 = tpu.memref_squeeze %dma_start3A_132 : memref<1x80x128xf32, #tpu.memory_space<vmem>> -> memref<80x128xf32, #tpu.memory_space<vmem>>
        %dma_start3A_134 = arith.constant 160 : i32
        %dma_start3A_135 = tpu.memref_slice %arg12[%dma_start3A_134] : memref<320xi32, #tpu.memory_space<vmem>> -> memref<80xi32, #tpu.memory_space<vmem>>
        %dma_start3A_136 = arith.constant 0 : i32
        %dma_start3A_137 = arith.constant 0 : i32
        %dma_start3A_138 = tpu.memref_slice %arg2[%dma_start3A_136, %dma_start3A_137] : memref<10000x128xf32, #tpu.memory_space<hbm>> -> memref<10000x128xf32, #tpu.memory_space<hbm>>
        %dma_start3A_139 = tpu.memref_slice %arg20[%dma_start3A_129] : memref<4x!tpu.dma_semaphore, #tpu.memory_space<semaphore_mem>> -> memref<1x!tpu.dma_semaphore, #tpu.memory_space<semaphore_mem>>
        %dma_start3A_140 = tpu.memref_squeeze %dma_start3A_139 : memref<1x!tpu.dma_semaphore, #tpu.memory_space<semaphore_mem>> -> memref<!tpu.dma_semaphore, #tpu.memory_space<semaphore_mem>>
        tpu.enqueue_indirect_dma source(%dma_start3A_138 : memref<10000x128xf32, #tpu.memory_space<hbm>>) target(%dma_start3A_133 : memref<80x128xf32, #tpu.memory_space<vmem>>) offsets(%dma_start3A_135 : memref<80xi32, #tpu.memory_space<vmem>>) semaphore(%dma_start3A_140 : memref<!tpu.dma_semaphore, #tpu.memory_space<semaphore_mem>>)
        %dma_start3A_141 = arith.constant 3 : i32
        %dma_start3A_142 = arith.constant 3 : i32
        %dma_start3A_143 = arith.constant 0 : i32
        %dma_start3A_144 = arith.constant 0 : i32
        %dma_start3A_145 = tpu.memref_slice %arg15[%dma_start3A_141, %dma_start3A_143, %dma_start3A_144] : memref<4x80x128xf32, #tpu.memory_space<vmem>> -> memref<1x80x128xf32, #tpu.memory_space<vmem>>
        %dma_start3A_146 = tpu.memref_squeeze %dma_start3A_145 : memref<1x80x128xf32, #tpu.memory_space<vmem>> -> memref<80x128xf32, #tpu.memory_space<vmem>>
        %dma_start3A_147 = arith.constant 240 : i32
        %dma_start3A_148 = tpu.memref_slice %arg12[%dma_start3A_147] : memref<320xi32, #tpu.memory_space<vmem>> -> memref<80xi32, #tpu.memory_space<vmem>>
        %dma_start3A_149 = arith.constant 0 : i32
        %dma_start3A_150 = arith.constant 0 : i32
        %dma_start3A_151 = tpu.memref_slice %arg2[%dma_start3A_149, %dma_start3A_150] : memref<10000x128xf32, #tpu.memory_space<hbm>> -> memref<10000x128xf32, #tpu.memory_space<hbm>>
        %dma_start3A_152 = tpu.memref_slice %arg20[%dma_start3A_142] : memref<4x!tpu.dma_semaphore, #tpu.memory_space<semaphore_mem>> -> memref<1x!tpu.dma_semaphore, #tpu.memory_space<semaphore_mem>>
        %dma_start3A_153 = tpu.memref_squeeze %dma_start3A_152 : memref<1x!tpu.dma_semaphore, #tpu.memory_space<semaphore_mem>> -> memref<!tpu.dma_semaphore, #tpu.memory_space<semaphore_mem>>
        tpu.enqueue_indirect_dma source(%dma_start3A_151 : memref<10000x128xf32, #tpu.memory_space<hbm>>) target(%dma_start3A_146 : memref<80x128xf32, #tpu.memory_space<vmem>>) offsets(%dma_start3A_148 : memref<80xi32, #tpu.memory_space<vmem>>) semaphore(%dma_start3A_153 : memref<!tpu.dma_semaphore, #tpu.memory_space<semaphore_mem>>)
        %dma_wait3A_154 = arith.constant 0 : i32
        %dma_wait3A_155 = arith.constant 0 : i32
        %dma_wait3A_156 = arith.constant 0 : i32
        %dma_wait3A_157 = arith.constant 0 : i32
        %dma_wait3A_158 = tpu.memref_slice %arg15[%dma_wait3A_154, %dma_wait3A_156, %dma_wait3A_157] : memref<4x80x128xf32, #tpu.memory_space<vmem>> -> memref<1x80x128xf32, #tpu.memory_space<vmem>>
        %dma_wait3A_159 = tpu.memref_squeeze %dma_wait3A_158 : memref<1x80x128xf32, #tpu.memory_space<vmem>> -> memref<80x128xf32, #tpu.memory_space<vmem>>
        %dma_wait3A_160 = arith.constant 0 : i32
        %dma_wait3A_161 = tpu.memref_slice %arg12[%dma_wait3A_160] : memref<320xi32, #tpu.memory_space<vmem>> -> memref<80xi32, #tpu.memory_space<vmem>>
        %dma_wait3A_162 = arith.constant 0 : i32
        %dma_wait3A_163 = arith.constant 0 : i32
        %dma_wait3A_164 = tpu.memref_slice %arg2[%dma_wait3A_162, %dma_wait3A_163] : memref<10000x128xf32, #tpu.memory_space<hbm>> -> memref<10000x128xf32, #tpu.memory_space<hbm>>
        %dma_wait3A_165 = tpu.memref_slice %arg20[%dma_wait3A_155] : memref<4x!tpu.dma_semaphore, #tpu.memory_space<semaphore_mem>> -> memref<1x!tpu.dma_semaphore, #tpu.memory_space<semaphore_mem>>
        %dma_wait3A_166 = tpu.memref_squeeze %dma_wait3A_165 : memref<1x!tpu.dma_semaphore, #tpu.memory_space<semaphore_mem>> -> memref<!tpu.dma_semaphore, #tpu.memory_space<semaphore_mem>>
        tpu.wait_indirect_dma semaphore(%dma_wait3A_166 : memref<!tpu.dma_semaphore, #tpu.memory_space<semaphore_mem>>) src(%dma_wait3A_164 : memref<10000x128xf32, #tpu.memory_space<hbm>>) dst(%dma_wait3A_159 : memref<80x128xf32, #tpu.memory_space<vmem>>)
        %get3A = arith.constant 0 : index
        %get3A_167 = tpu.vector_load %arg13[%get3A] {strides = array<i32>} : memref<320xi32, #tpu.memory_space<vmem>>, vector<16xi32>,
        %get3A_168 = vector.shape_cast %get3A_167 : vector<16xi32> to vector<16xi32>
        %swap3A = arith.constant 0 : i32
        %swap3A_169 = arith.index_cast %swap3A : i32 to index
        %swap3A_170 = arith.constant 0 : index
        %swap3A_171 = tpu.vector_load %arg14[%swap3A_169, %swap3A_170] {strides = array<i32>} : memref<4x80xi32, #tpu.memory_space<vmem>>, vector<1x16xi32>,
        %swap3A_172 = vector.shape_cast %swap3A_171 : vector<1x16xi32> to vector<16xi32>
        %swap3A_173 = vector.shape_cast %get3A_168 : vector<16xi32> to vector<1x16xi32>
        tpu.vector_store %arg14[%swap3A_169, %swap3A_170], %swap3A_173 {strides = array<i32>} : memref<4x80xi32, #tpu.memory_space<vmem>>, vector<1x16xi32>,
        %get3A_174 = arith.constant 16 : index
        %get3A_175 = tpu.vector_load %arg13[%get3A_174] {strides = array<i32>} : memref<320xi32, #tpu.memory_space<vmem>>, vector<16xi32>,
        %get3A_176 = vector.shape_cast %get3A_175 : vector<16xi32> to vector<16xi32>
        %swap3A_177 = arith.constant 0 : i32
        %swap3A_178 = arith.index_cast %swap3A_177 : i32 to index
        %swap3A_179 = arith.constant 16 : index
        %swap3A_180 = tpu.vector_load %arg14[%swap3A_178, %swap3A_179] {strides = array<i32>} : memref<4x80xi32, #tpu.memory_space<vmem>>, vector<1x16xi32>,
        %swap3A_181 = vector.shape_cast %swap3A_180 : vector<1x16xi32> to vector<16xi32>
        %swap3A_182 = vector.shape_cast %get3A_176 : vector<16xi32> to vector<1x16xi32>
        tpu.vector_store %arg14[%swap3A_178, %swap3A_179], %swap3A_182 {strides = array<i32>} : memref<4x80xi32, #tpu.memory_space<vmem>>, vector<1x16xi32>,
        %get3A_183 = arith.constant 32 : index
        %get3A_184 = tpu.vector_load %arg13[%get3A_183] {strides = array<i32>} : memref<320xi32, #tpu.memory_space<vmem>>, vector<16xi32>,
        %get3A_185 = vector.shape_cast %get3A_184 : vector<16xi32> to vector<16xi32>
        %swap3A_186 = arith.constant 0 : i32
        %swap3A_187 = arith.index_cast %swap3A_186 : i32 to index
        %swap3A_188 = arith.constant 32 : index
        %swap3A_189 = tpu.vector_load %arg14[%swap3A_187, %swap3A_188] {strides = array<i32>} : memref<4x80xi32, #tpu.memory_space<vmem>>, vector<1x16xi32>,
        %swap3A_190 = vector.shape_cast %swap3A_189 : vector<1x16xi32> to vector<16xi32>
        %swap3A_191 = vector.shape_cast %get3A_185 : vector<16xi32> to vector<1x16xi32>
        tpu.vector_store %arg14[%swap3A_187, %swap3A_188], %swap3A_191 {strides = array<i32>} : memref<4x80xi32, #tpu.memory_space<vmem>>, vector<1x16xi32>,
        %get3A_192 = arith.constant 48 : index
        %get3A_193 = tpu.vector_load %arg13[%get3A_192] {strides = array<i32>} : memref<320xi32, #tpu.memory_space<vmem>>, vector<16xi32>,
        %get3A_194 = vector.shape_cast %get3A_193 : vector<16xi32> to vector<16xi32>
        %swap3A_195 = arith.constant 0 : i32
        %swap3A_196 = arith.index_cast %swap3A_195 : i32 to index
        %swap3A_197 = arith.constant 48 : index
        %swap3A_198 = tpu.vector_load %arg14[%swap3A_196, %swap3A_197] {strides = array<i32>} : memref<4x80xi32, #tpu.memory_space<vmem>>, vector<1x16xi32>,
        %swap3A_199 = vector.shape_cast %swap3A_198 : vector<1x16xi32> to vector<16xi32>
        %swap3A_200 = vector.shape_cast %get3A_194 : vector<16xi32> to vector<1x16xi32>
        tpu.vector_store %arg14[%swap3A_196, %swap3A_197], %swap3A_200 {strides = array<i32>} : memref<4x80xi32, #tpu.memory_space<vmem>>, vector<1x16xi32>,
        %get3A_201 = arith.constant 64 : index
        %get3A_202 = tpu.vector_load %arg13[%get3A_201] {strides = array<i32>} : memref<320xi32, #tpu.memory_space<vmem>>, vector<16xi32>,
        %get3A_203 = vector.shape_cast %get3A_202 : vector<16xi32> to vector<16xi32>
        %swap3A_204 = arith.constant 0 : i32
        %swap3A_205 = arith.index_cast %swap3A_204 : i32 to index
        %swap3A_206 = arith.constant 64 : index
        %swap3A_207 = tpu.vector_load %arg14[%swap3A_205, %swap3A_206] {strides = array<i32>} : memref<4x80xi32, #tpu.memory_space<vmem>>, vector<1x16xi32>,
        %swap3A_208 = vector.shape_cast %swap3A_207 : vector<1x16xi32> to vector<16xi32>
        %swap3A_209 = vector.shape_cast %get3A_203 : vector<16xi32> to vector<1x16xi32>
        tpu.vector_store %arg14[%swap3A_205, %swap3A_206], %swap3A_209 {strides = array<i32>} : memref<4x80xi32, #tpu.memory_space<vmem>>, vector<1x16xi32>,
        %dma_start3A_210 = arith.constant 0 : i32
        %dma_start3A_211 = arith.constant 0 : i32
        %dma_start3A_212 = arith.constant 0 : i32
        %dma_start3A_213 = arith.constant 0 : i32
        %dma_start3A_214 = arith.constant 0 : i32
        %dma_start3A_215 = tpu.memref_slice %arg15[%dma_start3A_210, %dma_start3A_213, %dma_start3A_214] : memref<4x80x128xf32, #tpu.memory_space<vmem>> -> memref<1x80x128xf32, #tpu.memory_space<vmem>>
        %dma_start3A_216 = tpu.memref_squeeze %dma_start3A_215 : memref<1x80x128xf32, #tpu.memory_space<vmem>> -> memref<80x128xf32, #tpu.memory_space<vmem>>
        %dma_start3A_217 = arith.constant 0 : i32
        %dma_start3A_218 = tpu.memref_slice %arg14[%dma_start3A_211, %dma_start3A_217] : memref<4x80xi32, #tpu.memory_space<vmem>> -> memref<1x80xi32, #tpu.memory_space<vmem>>
        %dma_start3A_219 = tpu.memref_squeeze %dma_start3A_218 : memref<1x80xi32, #tpu.memory_space<vmem>> -> memref<80xi32, #tpu.memory_space<vmem>>
        %dma_start3A_220 = arith.constant 0 : i32
        %dma_start3A_221 = arith.constant 0 : i32
        %dma_start3A_222 = tpu.memref_slice %arg18[%dma_start3A_220, %dma_start3A_221] : memref<10008x128xf32, #tpu.memory_space<vmem_shared>> -> memref<10008x128xf32, #tpu.memory_space<vmem_shared>>
        %dma_start3A_223 = tpu.memref_slice %arg21[%dma_start3A_212] : memref<4x!tpu.dma_semaphore, #tpu.memory_space<semaphore_mem>> -> memref<1x!tpu.dma_semaphore, #tpu.memory_space<semaphore_mem>>
        %dma_start3A_224 = tpu.memref_squeeze %dma_start3A_223 : memref<1x!tpu.dma_semaphore, #tpu.memory_space<semaphore_mem>> -> memref<!tpu.dma_semaphore, #tpu.memory_space<semaphore_mem>>
        tpu.enqueue_indirect_dma source(%dma_start3A_216 : memref<80x128xf32, #tpu.memory_space<vmem>>) target(%dma_start3A_222 : memref<10008x128xf32, #tpu.memory_space<vmem_shared>>) offsets(%dma_start3A_219 : memref<80xi32, #tpu.memory_space<vmem>>) semaphore(%dma_start3A_224 : memref<!tpu.dma_semaphore, #tpu.memory_space<semaphore_mem>>) {add = true}
        %dma_wait3A_225 = arith.constant 1 : i32
        %dma_wait3A_226 = arith.constant 1 : i32
        %dma_wait3A_227 = arith.constant 0 : i32
        %dma_wait3A_228 = arith.constant 0 : i32
        %dma_wait3A_229 = tpu.memref_slice %arg15[%dma_wait3A_225, %dma_wait3A_227, %dma_wait3A_228] : memref<4x80x128xf32, #tpu.memory_space<vmem>> -> memref<1x80x128xf32, #tpu.memory_space<vmem>>
        %dma_wait3A_230 = tpu.memref_squeeze %dma_wait3A_229 : memref<1x80x128xf32, #tpu.memory_space<vmem>> -> memref<80x128xf32, #tpu.memory_space<vmem>>
        %dma_wait3A_231 = arith.constant 80 : i32
        %dma_wait3A_232 = tpu.memref_slice %arg12[%dma_wait3A_231] : memref<320xi32, #tpu.memory_space<vmem>> -> memref<80xi32, #tpu.memory_space<vmem>>
        %dma_wait3A_233 = arith.constant 0 : i32
        %dma_wait3A_234 = arith.constant 0 : i32
        %dma_wait3A_235 = tpu.memref_slice %arg2[%dma_wait3A_233, %dma_wait3A_234] : memref<10000x128xf32, #tpu.memory_space<hbm>> -> memref<10000x128xf32, #tpu.memory_space<hbm>>
        %dma_wait3A_236 = tpu.memref_slice %arg20[%dma_wait3A_226] : memref<4x!tpu.dma_semaphore, #tpu.memory_space<semaphore_mem>> -> memref<1x!tpu.dma_semaphore, #tpu.memory_space<semaphore_mem>>
        %dma_wait3A_237 = tpu.memref_squeeze %dma_wait3A_236 : memref<1x!tpu.dma_semaphore, #tpu.memory_space<semaphore_mem>> -> memref<!tpu.dma_semaphore, #tpu.memory_space<semaphore_mem>>
        tpu.wait_indirect_dma semaphore(%dma_wait3A_237 : memref<!tpu.dma_semaphore, #tpu.memory_space<semaphore_mem>>) src(%dma_wait3A_235 : memref<10000x128xf32, #tpu.memory_space<hbm>>) dst(%dma_wait3A_230 : memref<80x128xf32, #tpu.memory_space<vmem>>)
        %get3A_238 = arith.constant 80 : index
        %get3A_239 = tpu.vector_load %arg13[%get3A_238] {strides = array<i32>} : memref<320xi32, #tpu.memory_space<vmem>>, vector<16xi32>,
        %get3A_240 = vector.shape_cast %get3A_239 : vector<16xi32> to vector<16xi32>
        %swap3A_241 = arith.constant 1 : i32
        %swap3A_242 = arith.index_cast %swap3A_241 : i32 to index
        %swap3A_243 = arith.constant 0 : index
        %swap3A_244 = tpu.vector_load %arg14[%swap3A_242, %swap3A_243] {strides = array<i32>} : memref<4x80xi32, #tpu.memory_space<vmem>>, vector<1x16xi32>,
        %swap3A_245 = vector.shape_cast %swap3A_244 : vector<1x16xi32> to vector<16xi32>
        %swap3A_246 = vector.shape_cast %get3A_240 : vector<16xi32> to vector<1x16xi32>
        tpu.vector_store %arg14[%swap3A_242, %swap3A_243], %swap3A_246 {strides = array<i32>} : memref<4x80xi32, #tpu.memory_space<vmem>>, vector<1x16xi32>,
        %get3A_247 = arith.constant 96 : index
        %get3A_248 = tpu.vector_load %arg13[%get3A_247] {strides = array<i32>} : memref<320xi32, #tpu.memory_space<vmem>>, vector<16xi32>,
        %get3A_249 = vector.shape_cast %get3A_248 : vector<16xi32> to vector<16xi32>
        %swap3A_250 = arith.constant 1 : i32
        %swap3A_251 = arith.index_cast %swap3A_250 : i32 to index
        %swap3A_252 = arith.constant 16 : index
        %swap3A_253 = tpu.vector_load %arg14[%swap3A_251, %swap3A_252] {strides = array<i32>} : memref<4x80xi32, #tpu.memory_space<vmem>>, vector<1x16xi32>,
        %swap3A_254 = vector.shape_cast %swap3A_253 : vector<1x16xi32> to vector<16xi32>
        %swap3A_255 = vector.shape_cast %get3A_249 : vector<16xi32> to vector<1x16xi32>
        tpu.vector_store %arg14[%swap3A_251, %swap3A_252], %swap3A_255 {strides = array<i32>} : memref<4x80xi32, #tpu.memory_space<vmem>>, vector<1x16xi32>,
        %get3A_256 = arith.constant 112 : index
        %get3A_257 = tpu.vector_load %arg13[%get3A_256] {strides = array<i32>} : memref<320xi32, #tpu.memory_space<vmem>>, vector<16xi32>,
        %get3A_258 = vector.shape_cast %get3A_257 : vector<16xi32> to vector<16xi32>
        %swap3A_259 = arith.constant 1 : i32
        %swap3A_260 = arith.index_cast %swap3A_259 : i32 to index
        %swap3A_261 = arith.constant 32 : index
        %swap3A_262 = tpu.vector_load %arg14[%swap3A_260, %swap3A_261] {strides = array<i32>} : memref<4x80xi32, #tpu.memory_space<vmem>>, vector<1x16xi32>,
        %swap3A_263 = vector.shape_cast %swap3A_262 : vector<1x16xi32> to vector<16xi32>
        %swap3A_264 = vector.shape_cast %get3A_258 : vector<16xi32> to vector<1x16xi32>
        tpu.vector_store %arg14[%swap3A_260, %swap3A_261], %swap3A_264 {strides = array<i32>} : memref<4x80xi32, #tpu.memory_space<vmem>>, vector<1x16xi32>,
        %get3A_265 = arith.constant 128 : index
        %get3A_266 = tpu.vector_load %arg13[%get3A_265] {strides = array<i32>} : memref<320xi32, #tpu.memory_space<vmem>>, vector<16xi32>,
        %get3A_267 = vector.shape_cast %get3A_266 : vector<16xi32> to vector<16xi32>
        %swap3A_268 = arith.constant 1 : i32
        %swap3A_269 = arith.index_cast %swap3A_268 : i32 to index
        %swap3A_270 = arith.constant 48 : index
        %swap3A_271 = tpu.vector_load %arg14[%swap3A_269, %swap3A_270] {strides = array<i32>} : memref<4x80xi32, #tpu.memory_space<vmem>>, vector<1x16xi32>,
        %swap3A_272 = vector.shape_cast %swap3A_271 : vector<1x16xi32> to vector<16xi32>
        %swap3A_273 = vector.shape_cast %get3A_267 : vector<16xi32> to vector<1x16xi32>
        tpu.vector_store %arg14[%swap3A_269, %swap3A_270], %swap3A_273 {strides = array<i32>} : memref<4x80xi32, #tpu.memory_space<vmem>>, vector<1x16xi32>,
        %get3A_274 = arith.constant 144 : index
        %get3A_275 = tpu.vector_load %arg13[%get3A_274] {strides = array<i32>} : memref<320xi32, #tpu.memory_space<vmem>>, vector<16xi32>,
        %get3A_276 = vector.shape_cast %get3A_275 : vector<16xi32> to vector<16xi32>
        %swap3A_277 = arith.constant 1 : i32
        %swap3A_278 = arith.index_cast %swap3A_277 : i32 to index
        %swap3A_279 = arith.constant 64 : index
        %swap3A_280 = tpu.vector_load %arg14[%swap3A_278, %swap3A_279] {strides = array<i32>} : memref<4x80xi32, #tpu.memory_space<vmem>>, vector<1x16xi32>,
        %swap3A_281 = vector.shape_cast %swap3A_280 : vector<1x16xi32> to vector<16xi32>
        %swap3A_282 = vector.shape_cast %get3A_276 : vector<16xi32> to vector<1x16xi32>
        tpu.vector_store %arg14[%swap3A_278, %swap3A_279], %swap3A_282 {strides = array<i32>} : memref<4x80xi32, #tpu.memory_space<vmem>>, vector<1x16xi32>,
        %dma_start3A_283 = arith.constant 1 : i32
        %dma_start3A_284 = arith.constant 1 : i32
        %dma_start3A_285 = arith.constant 1 : i32
        %dma_start3A_286 = arith.constant 0 : i32
        %dma_start3A_287 = arith.constant 0 : i32
        %dma_start3A_288 = tpu.memref_slice %arg15[%dma_start3A_283, %dma_start3A_286, %dma_start3A_287] : memref<4x80x128xf32, #tpu.memory_space<vmem>> -> memref<1x80x128xf32, #tpu.memory_space<vmem>>
        %dma_start3A_289 = tpu.memref_squeeze %dma_start3A_288 : memref<1x80x128xf32, #tpu.memory_space<vmem>> -> memref<80x128xf32, #tpu.memory_space<vmem>>
        %dma_start3A_290 = arith.constant 0 : i32
        %dma_start3A_291 = tpu.memref_slice %arg14[%dma_start3A_284, %dma_start3A_290] : memref<4x80xi32, #tpu.memory_space<vmem>> -> memref<1x80xi32, #tpu.memory_space<vmem>>
        %dma_start3A_292 = tpu.memref_squeeze %dma_start3A_291 : memref<1x80xi32, #tpu.memory_space<vmem>> -> memref<80xi32, #tpu.memory_space<vmem>>
        %dma_start3A_293 = arith.constant 0 : i32
        %dma_start3A_294 = arith.constant 0 : i32
        %dma_start3A_295 = tpu.memref_slice %arg18[%dma_start3A_293, %dma_start3A_294] : memref<10008x128xf32, #tpu.memory_space<vmem_shared>> -> memref<10008x128xf32, #tpu.memory_space<vmem_shared>>
        %dma_start3A_296 = tpu.memref_slice %arg21[%dma_start3A_285] : memref<4x!tpu.dma_semaphore, #tpu.memory_space<semaphore_mem>> -> memref<1x!tpu.dma_semaphore, #tpu.memory_space<semaphore_mem>>
        %dma_start3A_297 = tpu.memref_squeeze %dma_start3A_296 : memref<1x!tpu.dma_semaphore, #tpu.memory_space<semaphore_mem>> -> memref<!tpu.dma_semaphore, #tpu.memory_space<semaphore_mem>>
        tpu.enqueue_indirect_dma source(%dma_start3A_289 : memref<80x128xf32, #tpu.memory_space<vmem>>) target(%dma_start3A_295 : memref<10008x128xf32, #tpu.memory_space<vmem_shared>>) offsets(%dma_start3A_292 : memref<80xi32, #tpu.memory_space<vmem>>) semaphore(%dma_start3A_297 : memref<!tpu.dma_semaphore, #tpu.memory_space<semaphore_mem>>) {add = true}
        %dma_wait3A_298 = arith.constant 2 : i32
        %dma_wait3A_299 = arith.constant 2 : i32
        %dma_wait3A_300 = arith.constant 0 : i32
        %dma_wait3A_301 = arith.constant 0 : i32
        %dma_wait3A_302 = tpu.memref_slice %arg15[%dma_wait3A_298, %dma_wait3A_300, %dma_wait3A_301] : memref<4x80x128xf32, #tpu.memory_space<vmem>> -> memref<1x80x128xf32, #tpu.memory_space<vmem>>
        %dma_wait3A_303 = tpu.memref_squeeze %dma_wait3A_302 : memref<1x80x128xf32, #tpu.memory_space<vmem>> -> memref<80x128xf32, #tpu.memory_space<vmem>>
        %dma_wait3A_304 = arith.constant 160 : i32
        %dma_wait3A_305 = tpu.memref_slice %arg12[%dma_wait3A_304] : memref<320xi32, #tpu.memory_space<vmem>> -> memref<80xi32, #tpu.memory_space<vmem>>
        %dma_wait3A_306 = arith.constant 0 : i32
        %dma_wait3A_307 = arith.constant 0 : i32
        %dma_wait3A_308 = tpu.memref_slice %arg2[%dma_wait3A_306, %dma_wait3A_307] : memref<10000x128xf32, #tpu.memory_space<hbm>> -> memref<10000x128xf32, #tpu.memory_space<hbm>>
        %dma_wait3A_309 = tpu.memref_slice %arg20[%dma_wait3A_299] : memref<4x!tpu.dma_semaphore, #tpu.memory_space<semaphore_mem>> -> memref<1x!tpu.dma_semaphore, #tpu.memory_space<semaphore_mem>>
        %dma_wait3A_310 = tpu.memref_squeeze %dma_wait3A_309 : memref<1x!tpu.dma_semaphore, #tpu.memory_space<semaphore_mem>> -> memref<!tpu.dma_semaphore, #tpu.memory_space<semaphore_mem>>
        tpu.wait_indirect_dma semaphore(%dma_wait3A_310 : memref<!tpu.dma_semaphore, #tpu.memory_space<semaphore_mem>>) src(%dma_wait3A_308 : memref<10000x128xf32, #tpu.memory_space<hbm>>) dst(%dma_wait3A_303 : memref<80x128xf32, #tpu.memory_space<vmem>>)
        %get3A_311 = arith.constant 160 : index
        %get3A_312 = tpu.vector_load %arg13[%get3A_311] {strides = array<i32>} : memref<320xi32, #tpu.memory_space<vmem>>, vector<16xi32>,
        %get3A_313 = vector.shape_cast %get3A_312 : vector<16xi32> to vector<16xi32>
        %swap3A_314 = arith.constant 2 : i32
        %swap3A_315 = arith.index_cast %swap3A_314 : i32 to index
        %swap3A_316 = arith.constant 0 : index
        %swap3A_317 = tpu.vector_load %arg14[%swap3A_315, %swap3A_316] {strides = array<i32>} : memref<4x80xi32, #tpu.memory_space<vmem>>, vector<1x16xi32>,
        %swap3A_318 = vector.shape_cast %swap3A_317 : vector<1x16xi32> to vector<16xi32>
        %swap3A_319 = vector.shape_cast %get3A_313 : vector<16xi32> to vector<1x16xi32>
        tpu.vector_store %arg14[%swap3A_315, %swap3A_316], %swap3A_319 {strides = array<i32>} : memref<4x80xi32, #tpu.memory_space<vmem>>, vector<1x16xi32>,
        %get3A_320 = arith.constant 176 : index
        %get3A_321 = tpu.vector_load %arg13[%get3A_320] {strides = array<i32>} : memref<320xi32, #tpu.memory_space<vmem>>, vector<16xi32>,
        %get3A_322 = vector.shape_cast %get3A_321 : vector<16xi32> to vector<16xi32>
        %swap3A_323 = arith.constant 2 : i32
        %swap3A_324 = arith.index_cast %swap3A_323 : i32 to index
        %swap3A_325 = arith.constant 16 : index
        %swap3A_326 = tpu.vector_load %arg14[%swap3A_324, %swap3A_325] {strides = array<i32>} : memref<4x80xi32, #tpu.memory_space<vmem>>, vector<1x16xi32>,
        %swap3A_327 = vector.shape_cast %swap3A_326 : vector<1x16xi32> to vector<16xi32>
        %swap3A_328 = vector.shape_cast %get3A_322 : vector<16xi32> to vector<1x16xi32>
        tpu.vector_store %arg14[%swap3A_324, %swap3A_325], %swap3A_328 {strides = array<i32>} : memref<4x80xi32, #tpu.memory_space<vmem>>, vector<1x16xi32>,
        %get3A_329 = arith.constant 192 : index
        %get3A_330 = tpu.vector_load %arg13[%get3A_329] {strides = array<i32>} : memref<320xi32, #tpu.memory_space<vmem>>, vector<16xi32>,
        %get3A_331 = vector.shape_cast %get3A_330 : vector<16xi32> to vector<16xi32>
        %swap3A_332 = arith.constant 2 : i32
        %swap3A_333 = arith.index_cast %swap3A_332 : i32 to index
        %swap3A_334 = arith.constant 32 : index
        %swap3A_335 = tpu.vector_load %arg14[%swap3A_333, %swap3A_334] {strides = array<i32>} : memref<4x80xi32, #tpu.memory_space<vmem>>, vector<1x16xi32>,
        %swap3A_336 = vector.shape_cast %swap3A_335 : vector<1x16xi32> to vector<16xi32>
        %swap3A_337 = vector.shape_cast %get3A_331 : vector<16xi32> to vector<1x16xi32>
        tpu.vector_store %arg14[%swap3A_333, %swap3A_334], %swap3A_337 {strides = array<i32>} : memref<4x80xi32, #tpu.memory_space<vmem>>, vector<1x16xi32>,
        %get3A_338 = arith.constant 208 : index
        %get3A_339 = tpu.vector_load %arg13[%get3A_338] {strides = array<i32>} : memref<320xi32, #tpu.memory_space<vmem>>, vector<16xi32>,
        %get3A_340 = vector.shape_cast %get3A_339 : vector<16xi32> to vector<16xi32>
        %swap3A_341 = arith.constant 2 : i32
        %swap3A_342 = arith.index_cast %swap3A_341 : i32 to index
        %swap3A_343 = arith.constant 48 : index
        %swap3A_344 = tpu.vector_load %arg14[%swap3A_342, %swap3A_343] {strides = array<i32>} : memref<4x80xi32, #tpu.memory_space<vmem>>, vector<1x16xi32>,
        %swap3A_345 = vector.shape_cast %swap3A_344 : vector<1x16xi32> to vector<16xi32>
        %swap3A_346 = vector.shape_cast %get3A_340 : vector<16xi32> to vector<1x16xi32>
        tpu.vector_store %arg14[%swap3A_342, %swap3A_343], %swap3A_346 {strides = array<i32>} : memref<4x80xi32, #tpu.memory_space<vmem>>, vector<1x16xi32>,
        %get3A_347 = arith.constant 224 : index
        %get3A_348 = tpu.vector_load %arg13[%get3A_347] {strides = array<i32>} : memref<320xi32, #tpu.memory_space<vmem>>, vector<16xi32>,
        %get3A_349 = vector.shape_cast %get3A_348 : vector<16xi32> to vector<16xi32>
        %swap3A_350 = arith.constant 2 : i32
        %swap3A_351 = arith.index_cast %swap3A_350 : i32 to index
        %swap3A_352 = arith.constant 64 : index
        %swap3A_353 = tpu.vector_load %arg14[%swap3A_351, %swap3A_352] {strides = array<i32>} : memref<4x80xi32, #tpu.memory_space<vmem>>, vector<1x16xi32>,
        %swap3A_354 = vector.shape_cast %swap3A_353 : vector<1x16xi32> to vector<16xi32>
        %swap3A_355 = vector.shape_cast %get3A_349 : vector<16xi32> to vector<1x16xi32>
        tpu.vector_store %arg14[%swap3A_351, %swap3A_352], %swap3A_355 {strides = array<i32>} : memref<4x80xi32, #tpu.memory_space<vmem>>, vector<1x16xi32>,
        %dma_start3A_356 = arith.constant 2 : i32
        %dma_start3A_357 = arith.constant 2 : i32
        %dma_start3A_358 = arith.constant 2 : i32
        %dma_start3A_359 = arith.constant 0 : i32
        %dma_start3A_360 = arith.constant 0 : i32
        %dma_start3A_361 = tpu.memref_slice %arg15[%dma_start3A_356, %dma_start3A_359, %dma_start3A_360] : memref<4x80x128xf32, #tpu.memory_space<vmem>> -> memref<1x80x128xf32, #tpu.memory_space<vmem>>
        %dma_start3A_362 = tpu.memref_squeeze %dma_start3A_361 : memref<1x80x128xf32, #tpu.memory_space<vmem>> -> memref<80x128xf32, #tpu.memory_space<vmem>>
        %dma_start3A_363 = arith.constant 0 : i32
        %dma_start3A_364 = tpu.memref_slice %arg14[%dma_start3A_357, %dma_start3A_363] : memref<4x80xi32, #tpu.memory_space<vmem>> -> memref<1x80xi32, #tpu.memory_space<vmem>>
        %dma_start3A_365 = tpu.memref_squeeze %dma_start3A_364 : memref<1x80xi32, #tpu.memory_space<vmem>> -> memref<80xi32, #tpu.memory_space<vmem>>
        %dma_start3A_366 = arith.constant 0 : i32
        %dma_start3A_367 = arith.constant 0 : i32
        %dma_start3A_368 = tpu.memref_slice %arg18[%dma_start3A_366, %dma_start3A_367] : memref<10008x128xf32, #tpu.memory_space<vmem_shared>> -> memref<10008x128xf32, #tpu.memory_space<vmem_shared>>
        %dma_start3A_369 = tpu.memref_slice %arg21[%dma_start3A_358] : memref<4x!tpu.dma_semaphore, #tpu.memory_space<semaphore_mem>> -> memref<1x!tpu.dma_semaphore, #tpu.memory_space<semaphore_mem>>
        %dma_start3A_370 = tpu.memref_squeeze %dma_start3A_369 : memref<1x!tpu.dma_semaphore, #tpu.memory_space<semaphore_mem>> -> memref<!tpu.dma_semaphore, #tpu.memory_space<semaphore_mem>>
        tpu.enqueue_indirect_dma source(%dma_start3A_362 : memref<80x128xf32, #tpu.memory_space<vmem>>) target(%dma_start3A_368 : memref<10008x128xf32, #tpu.memory_space<vmem_shared>>) offsets(%dma_start3A_365 : memref<80xi32, #tpu.memory_space<vmem>>) semaphore(%dma_start3A_370 : memref<!tpu.dma_semaphore, #tpu.memory_space<semaphore_mem>>) {add = true}
        %dma_wait3A_371 = arith.constant 3 : i32
        %dma_wait3A_372 = arith.constant 3 : i32
        %dma_wait3A_373 = arith.constant 0 : i32
        %dma_wait3A_374 = arith.constant 0 : i32
        %dma_wait3A_375 = tpu.memref_slice %arg15[%dma_wait3A_371, %dma_wait3A_373, %dma_wait3A_374] : memref<4x80x128xf32, #tpu.memory_space<vmem>> -> memref<1x80x128xf32, #tpu.memory_space<vmem>>
        %dma_wait3A_376 = tpu.memref_squeeze %dma_wait3A_375 : memref<1x80x128xf32, #tpu.memory_space<vmem>> -> memref<80x128xf32, #tpu.memory_space<vmem>>
        %dma_wait3A_377 = arith.constant 240 : i32
        %dma_wait3A_378 = tpu.memref_slice %arg12[%dma_wait3A_377] : memref<320xi32, #tpu.memory_space<vmem>> -> memref<80xi32, #tpu.memory_space<vmem>>
        %dma_wait3A_379 = arith.constant 0 : i32
        %dma_wait3A_380 = arith.constant 0 : i32
        %dma_wait3A_381 = tpu.memref_slice %arg2[%dma_wait3A_379, %dma_wait3A_380] : memref<10000x128xf32, #tpu.memory_space<hbm>> -> memref<10000x128xf32, #tpu.memory_space<hbm>>
        %dma_wait3A_382 = tpu.memref_slice %arg20[%dma_wait3A_372] : memref<4x!tpu.dma_semaphore, #tpu.memory_space<semaphore_mem>> -> memref<1x!tpu.dma_semaphore, #tpu.memory_space<semaphore_mem>>
        %dma_wait3A_383 = tpu.memref_squeeze %dma_wait3A_382 : memref<1x!tpu.dma_semaphore, #tpu.memory_space<semaphore_mem>> -> memref<!tpu.dma_semaphore, #tpu.memory_space<semaphore_mem>>
        tpu.wait_indirect_dma semaphore(%dma_wait3A_383 : memref<!tpu.dma_semaphore, #tpu.memory_space<semaphore_mem>>) src(%dma_wait3A_381 : memref<10000x128xf32, #tpu.memory_space<hbm>>) dst(%dma_wait3A_376 : memref<80x128xf32, #tpu.memory_space<vmem>>)
        %get3A_384 = arith.constant 240 : index
        %get3A_385 = tpu.vector_load %arg13[%get3A_384] {strides = array<i32>} : memref<320xi32, #tpu.memory_space<vmem>>, vector<16xi32>,
        %get3A_386 = vector.shape_cast %get3A_385 : vector<16xi32> to vector<16xi32>
        %swap3A_387 = arith.constant 3 : i32
        %swap3A_388 = arith.index_cast %swap3A_387 : i32 to index
        %swap3A_389 = arith.constant 0 : index
        %swap3A_390 = tpu.vector_load %arg14[%swap3A_388, %swap3A_389] {strides = array<i32>} : memref<4x80xi32, #tpu.memory_space<vmem>>, vector<1x16xi32>,
        %swap3A_391 = vector.shape_cast %swap3A_390 : vector<1x16xi32> to vector<16xi32>
        %swap3A_392 = vector.shape_cast %get3A_386 : vector<16xi32> to vector<1x16xi32>
        tpu.vector_store %arg14[%swap3A_388, %swap3A_389], %swap3A_392 {strides = array<i32>} : memref<4x80xi32, #tpu.memory_space<vmem>>, vector<1x16xi32>,
        %get3A_393 = arith.constant 256 : index
        %get3A_394 = tpu.vector_load %arg13[%get3A_393] {strides = array<i32>} : memref<320xi32, #tpu.memory_space<vmem>>, vector<16xi32>,
        %get3A_395 = vector.shape_cast %get3A_394 : vector<16xi32> to vector<16xi32>
        %swap3A_396 = arith.constant 3 : i32
        %swap3A_397 = arith.index_cast %swap3A_396 : i32 to index
        %swap3A_398 = arith.constant 16 : index
        %swap3A_399 = tpu.vector_load %arg14[%swap3A_397, %swap3A_398] {strides = array<i32>} : memref<4x80xi32, #tpu.memory_space<vmem>>, vector<1x16xi32>,
        %swap3A_400 = vector.shape_cast %swap3A_399 : vector<1x16xi32> to vector<16xi32>
        %swap3A_401 = vector.shape_cast %get3A_395 : vector<16xi32> to vector<1x16xi32>
        tpu.vector_store %arg14[%swap3A_397, %swap3A_398], %swap3A_401 {strides = array<i32>} : memref<4x80xi32, #tpu.memory_space<vmem>>, vector<1x16xi32>,
        %get3A_402 = arith.constant 272 : index
        %get3A_403 = tpu.vector_load %arg13[%get3A_402] {strides = array<i32>} : memref<320xi32, #tpu.memory_space<vmem>>, vector<16xi32>,
        %get3A_404 = vector.shape_cast %get3A_403 : vector<16xi32> to vector<16xi32>
        %swap3A_405 = arith.constant 3 : i32
        %swap3A_406 = arith.index_cast %swap3A_405 : i32 to index
        %swap3A_407 = arith.constant 32 : index
        %swap3A_408 = tpu.vector_load %arg14[%swap3A_406, %swap3A_407] {strides = array<i32>} : memref<4x80xi32, #tpu.memory_space<vmem>>, vector<1x16xi32>,
        %swap3A_409 = vector.shape_cast %swap3A_408 : vector<1x16xi32> to vector<16xi32>
        %swap3A_410 = vector.shape_cast %get3A_404 : vector<16xi32> to vector<1x16xi32>
        tpu.vector_store %arg14[%swap3A_406, %swap3A_407], %swap3A_410 {strides = array<i32>} : memref<4x80xi32, #tpu.memory_space<vmem>>, vector<1x16xi32>,
        %get3A_411 = arith.constant 288 : index
        %get3A_412 = tpu.vector_load %arg13[%get3A_411] {strides = array<i32>} : memref<320xi32, #tpu.memory_space<vmem>>, vector<16xi32>,
        %get3A_413 = vector.shape_cast %get3A_412 : vector<16xi32> to vector<16xi32>
        %swap3A_414 = arith.constant 3 : i32
        %swap3A_415 = arith.index_cast %swap3A_414 : i32 to index
        %swap3A_416 = arith.constant 48 : index
        %swap3A_417 = tpu.vector_load %arg14[%swap3A_415, %swap3A_416] {strides = array<i32>} : memref<4x80xi32, #tpu.memory_space<vmem>>, vector<1x16xi32>,
        %swap3A_418 = vector.shape_cast %swap3A_417 : vector<1x16xi32> to vector<16xi32>
        %swap3A_419 = vector.shape_cast %get3A_413 : vector<16xi32> to vector<1x16xi32>
        tpu.vector_store %arg14[%swap3A_415, %swap3A_416], %swap3A_419 {strides = array<i32>} : memref<4x80xi32, #tpu.memory_space<vmem>>, vector<1x16xi32>,
        %get3A_420 = arith.constant 304 : index
        %get3A_421 = tpu.vector_load %arg13[%get3A_420] {strides = array<i32>} : memref<320xi32, #tpu.memory_space<vmem>>, vector<16xi32>,
        %get3A_422 = vector.shape_cast %get3A_421 : vector<16xi32> to vector<16xi32>
        %swap3A_423 = arith.constant 3 : i32
        %swap3A_424 = arith.index_cast %swap3A_423 : i32 to index
        %swap3A_425 = arith.constant 64 : index
        %swap3A_426 = tpu.vector_load %arg14[%swap3A_424, %swap3A_425] {strides = array<i32>} : memref<4x80xi32, #tpu.memory_space<vmem>>, vector<1x16xi32>,
        %swap3A_427 = vector.shape_cast %swap3A_426 : vector<1x16xi32> to vector<16xi32>
        %swap3A_428 = vector.shape_cast %get3A_422 : vector<16xi32> to vector<1x16xi32>
        tpu.vector_store %arg14[%swap3A_424, %swap3A_425], %swap3A_428 {strides = array<i32>} : memref<4x80xi32, #tpu.memory_space<vmem>>, vector<1x16xi32>,
        %dma_start3A_429 = arith.constant 3 : i32
        %dma_start3A_430 = arith.constant 3 : i32
        %dma_start3A_431 = arith.constant 3 : i32
        %dma_start3A_432 = arith.constant 0 : i32
        %dma_start3A_433 = arith.constant 0 : i32
        %dma_start3A_434 = tpu.memref_slice %arg15[%dma_start3A_429, %dma_start3A_432, %dma_start3A_433] : memref<4x80x128xf32, #tpu.memory_space<vmem>> -> memref<1x80x128xf32, #tpu.memory_space<vmem>>
        %dma_start3A_435 = tpu.memref_squeeze %dma_start3A_434 : memref<1x80x128xf32, #tpu.memory_space<vmem>> -> memref<80x128xf32, #tpu.memory_space<vmem>>
        %dma_start3A_436 = arith.constant 0 : i32
        %dma_start3A_437 = tpu.memref_slice %arg14[%dma_start3A_430, %dma_start3A_436] : memref<4x80xi32, #tpu.memory_space<vmem>> -> memref<1x80xi32, #tpu.memory_space<vmem>>
        %dma_start3A_438 = tpu.memref_squeeze %dma_start3A_437 : memref<1x80xi32, #tpu.memory_space<vmem>> -> memref<80xi32, #tpu.memory_space<vmem>>
        %dma_start3A_439 = arith.constant 0 : i32
        %dma_start3A_440 = arith.constant 0 : i32
        %dma_start3A_441 = tpu.memref_slice %arg18[%dma_start3A_439, %dma_start3A_440] : memref<10008x128xf32, #tpu.memory_space<vmem_shared>> -> memref<10008x128xf32, #tpu.memory_space<vmem_shared>>
        %dma_start3A_442 = tpu.memref_slice %arg21[%dma_start3A_431] : memref<4x!tpu.dma_semaphore, #tpu.memory_space<semaphore_mem>> -> memref<1x!tpu.dma_semaphore, #tpu.memory_space<semaphore_mem>>
        %dma_start3A_443 = tpu.memref_squeeze %dma_start3A_442 : memref<1x!tpu.dma_semaphore, #tpu.memory_space<semaphore_mem>> -> memref<!tpu.dma_semaphore, #tpu.memory_space<semaphore_mem>>
        tpu.enqueue_indirect_dma source(%dma_start3A_435 : memref<80x128xf32, #tpu.memory_space<vmem>>) target(%dma_start3A_441 : memref<10008x128xf32, #tpu.memory_space<vmem_shared>>) offsets(%dma_start3A_438 : memref<80xi32, #tpu.memory_space<vmem>>) semaphore(%dma_start3A_443 : memref<!tpu.dma_semaphore, #tpu.memory_space<semaphore_mem>>) {add = true}
      }
      %scan3A_33 = arith.constant 65 : i32
      %dma_wait3A = arith.constant 0 : i32
      %dma_wait3A_34 = arith.constant 0 : i32
      %dma_wait3A_35 = arith.constant 0 : i32
      %dma_wait3A_36 = arith.constant 0 : i32
      %dma_wait3A_37 = arith.constant 0 : i32
      %dma_wait3A_38 = tpu.memref_slice %arg15[%dma_wait3A, %dma_wait3A_36, %dma_wait3A_37] : memref<4x80x128xf32, #tpu.memory_space<vmem>> -> memref<1x80x128xf32, #tpu.memory_space<vmem>>
      %dma_wait3A_39 = tpu.memref_squeeze %dma_wait3A_38 : memref<1x80x128xf32, #tpu.memory_space<vmem>> -> memref<80x128xf32, #tpu.memory_space<vmem>>
      %dma_wait3A_40 = arith.constant 0 : i32
      %dma_wait3A_41 = tpu.memref_slice %arg14[%dma_wait3A_34, %dma_wait3A_40] : memref<4x80xi32, #tpu.memory_space<vmem>> -> memref<1x80xi32, #tpu.memory_space<vmem>>
      %dma_wait3A_42 = tpu.memref_squeeze %dma_wait3A_41 : memref<1x80xi32, #tpu.memory_space<vmem>> -> memref<80xi32, #tpu.memory_space<vmem>>
      %dma_wait3A_43 = arith.constant 0 : i32
      %dma_wait3A_44 = arith.constant 0 : i32
      %dma_wait3A_45 = tpu.memref_slice %arg18[%dma_wait3A_43, %dma_wait3A_44] : memref<10008x128xf32, #tpu.memory_space<vmem_shared>> -> memref<10008x128xf32, #tpu.memory_space<vmem_shared>>
      %dma_wait3A_46 = tpu.memref_slice %arg21[%dma_wait3A_35] : memref<4x!tpu.dma_semaphore, #tpu.memory_space<semaphore_mem>> -> memref<1x!tpu.dma_semaphore, #tpu.memory_space<semaphore_mem>>
      %dma_wait3A_47 = tpu.memref_squeeze %dma_wait3A_46 : memref<1x!tpu.dma_semaphore, #tpu.memory_space<semaphore_mem>> -> memref<!tpu.dma_semaphore, #tpu.memory_space<semaphore_mem>>
      tpu.wait_indirect_dma semaphore(%dma_wait3A_47 : memref<!tpu.dma_semaphore, #tpu.memory_space<semaphore_mem>>) src(%dma_wait3A_39 : memref<80x128xf32, #tpu.memory_space<vmem>>) dst(%dma_wait3A_45 : memref<10008x128xf32, #tpu.memory_space<vmem_shared>>)
      %dma_wait3A_48 = arith.constant 1 : i32
      %dma_wait3A_49 = arith.constant 1 : i32
      %dma_wait3A_50 = arith.constant 1 : i32
      %dma_wait3A_51 = arith.constant 0 : i32
      %dma_wait3A_52 = arith.constant 0 : i32
      %dma_wait3A_53 = tpu.memref_slice %arg15[%dma_wait3A_48, %dma_wait3A_51, %dma_wait3A_52] : memref<4x80x128xf32, #tpu.memory_space<vmem>> -> memref<1x80x128xf32, #tpu.memory_space<vmem>>
      %dma_wait3A_54 = tpu.memref_squeeze %dma_wait3A_53 : memref<1x80x128xf32, #tpu.memory_space<vmem>> -> memref<80x128xf32, #tpu.memory_space<vmem>>
      %dma_wait3A_55 = arith.constant 0 : i32
      %dma_wait3A_56 = tpu.memref_slice %arg14[%dma_wait3A_49, %dma_wait3A_55] : memref<4x80xi32, #tpu.memory_space<vmem>> -> memref<1x80xi32, #tpu.memory_space<vmem>>
      %dma_wait3A_57 = tpu.memref_squeeze %dma_wait3A_56 : memref<1x80xi32, #tpu.memory_space<vmem>> -> memref<80xi32, #tpu.memory_space<vmem>>
      %dma_wait3A_58 = arith.constant 0 : i32
      %dma_wait3A_59 = arith.constant 0 : i32
      %dma_wait3A_60 = tpu.memref_slice %arg18[%dma_wait3A_58, %dma_wait3A_59] : memref<10008x128xf32, #tpu.memory_space<vmem_shared>> -> memref<10008x128xf32, #tpu.memory_space<vmem_shared>>
      %dma_wait3A_61 = tpu.memref_slice %arg21[%dma_wait3A_50] : memref<4x!tpu.dma_semaphore, #tpu.memory_space<semaphore_mem>> -> memref<1x!tpu.dma_semaphore, #tpu.memory_space<semaphore_mem>>
      %dma_wait3A_62 = tpu.memref_squeeze %dma_wait3A_61 : memref<1x!tpu.dma_semaphore, #tpu.memory_space<semaphore_mem>> -> memref<!tpu.dma_semaphore, #tpu.memory_space<semaphore_mem>>
      tpu.wait_indirect_dma semaphore(%dma_wait3A_62 : memref<!tpu.dma_semaphore, #tpu.memory_space<semaphore_mem>>) src(%dma_wait3A_54 : memref<80x128xf32, #tpu.memory_space<vmem>>) dst(%dma_wait3A_60 : memref<10008x128xf32, #tpu.memory_space<vmem_shared>>)
      %dma_wait3A_63 = arith.constant 2 : i32
      %dma_wait3A_64 = arith.constant 2 : i32
      %dma_wait3A_65 = arith.constant 2 : i32
      %dma_wait3A_66 = arith.constant 0 : i32
      %dma_wait3A_67 = arith.constant 0 : i32
      %dma_wait3A_68 = tpu.memref_slice %arg15[%dma_wait3A_63, %dma_wait3A_66, %dma_wait3A_67] : memref<4x80x128xf32, #tpu.memory_space<vmem>> -> memref<1x80x128xf32, #tpu.memory_space<vmem>>
      %dma_wait3A_69 = tpu.memref_squeeze %dma_wait3A_68 : memref<1x80x128xf32, #tpu.memory_space<vmem>> -> memref<80x128xf32, #tpu.memory_space<vmem>>
      %dma_wait3A_70 = arith.constant 0 : i32
      %dma_wait3A_71 = tpu.memref_slice %arg14[%dma_wait3A_64, %dma_wait3A_70] : memref<4x80xi32, #tpu.memory_space<vmem>> -> memref<1x80xi32, #tpu.memory_space<vmem>>
      %dma_wait3A_72 = tpu.memref_squeeze %dma_wait3A_71 : memref<1x80xi32, #tpu.memory_space<vmem>> -> memref<80xi32, #tpu.memory_space<vmem>>
      %dma_wait3A_73 = arith.constant 0 : i32
      %dma_wait3A_74 = arith.constant 0 : i32
      %dma_wait3A_75 = tpu.memref_slice %arg18[%dma_wait3A_73, %dma_wait3A_74] : memref<10008x128xf32, #tpu.memory_space<vmem_shared>> -> memref<10008x128xf32, #tpu.memory_space<vmem_shared>>
      %dma_wait3A_76 = tpu.memref_slice %arg21[%dma_wait3A_65] : memref<4x!tpu.dma_semaphore, #tpu.memory_space<semaphore_mem>> -> memref<1x!tpu.dma_semaphore, #tpu.memory_space<semaphore_mem>>
      %dma_wait3A_77 = tpu.memref_squeeze %dma_wait3A_76 : memref<1x!tpu.dma_semaphore, #tpu.memory_space<semaphore_mem>> -> memref<!tpu.dma_semaphore, #tpu.memory_space<semaphore_mem>>
      tpu.wait_indirect_dma semaphore(%dma_wait3A_77 : memref<!tpu.dma_semaphore, #tpu.memory_space<semaphore_mem>>) src(%dma_wait3A_69 : memref<80x128xf32, #tpu.memory_space<vmem>>) dst(%dma_wait3A_75 : memref<10008x128xf32, #tpu.memory_space<vmem_shared>>)
      %dma_wait3A_78 = arith.constant 3 : i32
      %dma_wait3A_79 = arith.constant 3 : i32
      %dma_wait3A_80 = arith.constant 3 : i32
      %dma_wait3A_81 = arith.constant 0 : i32
      %dma_wait3A_82 = arith.constant 0 : i32
      %dma_wait3A_83 = tpu.memref_slice %arg15[%dma_wait3A_78, %dma_wait3A_81, %dma_wait3A_82] : memref<4x80x128xf32, #tpu.memory_space<vmem>> -> memref<1x80x128xf32, #tpu.memory_space<vmem>>
      %dma_wait3A_84 = tpu.memref_squeeze %dma_wait3A_83 : memref<1x80x128xf32, #tpu.memory_space<vmem>> -> memref<80x128xf32, #tpu.memory_space<vmem>>
      %dma_wait3A_85 = arith.constant 0 : i32
      %dma_wait3A_86 = tpu.memref_slice %arg14[%dma_wait3A_79, %dma_wait3A_85] : memref<4x80xi32, #tpu.memory_space<vmem>> -> memref<1x80xi32, #tpu.memory_space<vmem>>
      %dma_wait3A_87 = tpu.memref_squeeze %dma_wait3A_86 : memref<1x80xi32, #tpu.memory_space<vmem>> -> memref<80xi32, #tpu.memory_space<vmem>>
      %dma_wait3A_88 = arith.constant 0 : i32
      %dma_wait3A_89 = arith.constant 0 : i32
      %dma_wait3A_90 = tpu.memref_slice %arg18[%dma_wait3A_88, %dma_wait3A_89] : memref<10008x128xf32, #tpu.memory_space<vmem_shared>> -> memref<10008x128xf32, #tpu.memory_space<vmem_shared>>
      %dma_wait3A_91 = tpu.memref_slice %arg21[%dma_wait3A_80] : memref<4x!tpu.dma_semaphore, #tpu.memory_space<semaphore_mem>> -> memref<1x!tpu.dma_semaphore, #tpu.memory_space<semaphore_mem>>
      %dma_wait3A_92 = tpu.memref_squeeze %dma_wait3A_91 : memref<1x!tpu.dma_semaphore, #tpu.memory_space<semaphore_mem>> -> memref<!tpu.dma_semaphore, #tpu.memory_space<semaphore_mem>>
      tpu.wait_indirect_dma semaphore(%dma_wait3A_92 : memref<!tpu.dma_semaphore, #tpu.memory_space<semaphore_mem>>) src(%dma_wait3A_84 : memref<80x128xf32, #tpu.memory_space<vmem>>) dst(%dma_wait3A_90 : memref<10008x128xf32, #tpu.memory_space<vmem_shared>>)
    } else {
    }
    %eq3A_12 = arith.constant 1 : i32
    %eq3A_13 = arith.cmpi eq, %arg0, %eq3A_12 : i32
    %convert_element_type3A_14 = arith.extui %eq3A_13 : i1 to i32
    %cond3A_15 = arith.constant 0 : i32
    %cond3A_16 = arith.cmpi ne, %convert_element_type3A_14, %cond3A_15 : i32
    scf.if %cond3A_16 {
      %scan3A = arith.constant 0 : i32
      %scan3A_29 = arith.constant 0 : i32
      %scan3A_30 = arith.constant 65 : i32
      %scan3A_31 = arith.addi %scan3A_29, %scan3A_30 : i32
      %scan3A_32 = arith.constant 1 : i32
      scf.for %scan3A_93 = %scan3A_29 to %scan3A_31 step %scan3A_32  : i32 {
        %mul3A_94 = arith.constant 4 : i32
        %mul3A_95 = arith.muli %scan3A_93, %mul3A_94 : i32
        %mul3A_96 = arith.constant 80 : i32
        %mul3A_97 = arith.muli %mul3A_95, %mul3A_96 : i32
        %add3A_98 = arith.addi %mul3A_0, %mul3A_97 : i32
        %gt3A = arith.constant 0 : i32
        %gt3A_99 = arith.cmpi sgt, %scan3A_93, %gt3A : i32
        %convert_element_type3A_100 = arith.extui %gt3A_99 : i1 to i32
        %cond3A_101 = arith.constant 0 : i32
        %cond3A_102 = arith.cmpi ne, %convert_element_type3A_100, %cond3A_101 : i32
        scf.if %cond3A_102 {
          %dma_wait3A_444 = arith.constant 0 : i32
          %dma_wait3A_445 = arith.constant 0 : i32
          %dma_wait3A_446 = arith.constant 0 : i32
          %dma_wait3A_447 = arith.constant 0 : i32
          %dma_wait3A_448 = arith.constant 0 : i32
          %dma_wait3A_449 = tpu.memref_slice %arg15[%dma_wait3A_444, %dma_wait3A_447, %dma_wait3A_448] : memref<4x80x128xf32, #tpu.memory_space<vmem>> -> memref<1x80x128xf32, #tpu.memory_space<vmem>>
          %dma_wait3A_450 = tpu.memref_squeeze %dma_wait3A_449 : memref<1x80x128xf32, #tpu.memory_space<vmem>> -> memref<80x128xf32, #tpu.memory_space<vmem>>
          %dma_wait3A_451 = arith.constant 0 : i32
          %dma_wait3A_452 = tpu.memref_slice %arg14[%dma_wait3A_445, %dma_wait3A_451] : memref<4x80xi32, #tpu.memory_space<vmem>> -> memref<1x80xi32, #tpu.memory_space<vmem>>
          %dma_wait3A_453 = tpu.memref_squeeze %dma_wait3A_452 : memref<1x80xi32, #tpu.memory_space<vmem>> -> memref<80xi32, #tpu.memory_space<vmem>>
          %dma_wait3A_454 = arith.constant 0 : i32
          %dma_wait3A_455 = arith.constant 0 : i32
          %dma_wait3A_456 = tpu.memref_slice %arg18[%dma_wait3A_454, %dma_wait3A_455] : memref<10008x128xf32, #tpu.memory_space<vmem_shared>> -> memref<10008x128xf32, #tpu.memory_space<vmem_shared>>
          %dma_wait3A_457 = tpu.memref_slice %arg21[%dma_wait3A_446] : memref<4x!tpu.dma_semaphore, #tpu.memory_space<semaphore_mem>> -> memref<1x!tpu.dma_semaphore, #tpu.memory_space<semaphore_mem>>
          %dma_wait3A_458 = tpu.memref_squeeze %dma_wait3A_457 : memref<1x!tpu.dma_semaphore, #tpu.memory_space<semaphore_mem>> -> memref<!tpu.dma_semaphore, #tpu.memory_space<semaphore_mem>>
          tpu.wait_indirect_dma semaphore(%dma_wait3A_458 : memref<!tpu.dma_semaphore, #tpu.memory_space<semaphore_mem>>) src(%dma_wait3A_450 : memref<80x128xf32, #tpu.memory_space<vmem>>) dst(%dma_wait3A_456 : memref<10008x128xf32, #tpu.memory_space<vmem_shared>>)
          %dma_wait3A_459 = arith.constant 1 : i32
          %dma_wait3A_460 = arith.constant 1 : i32
          %dma_wait3A_461 = arith.constant 1 : i32
          %dma_wait3A_462 = arith.constant 0 : i32
          %dma_wait3A_463 = arith.constant 0 : i32
          %dma_wait3A_464 = tpu.memref_slice %arg15[%dma_wait3A_459, %dma_wait3A_462, %dma_wait3A_463] : memref<4x80x128xf32, #tpu.memory_space<vmem>> -> memref<1x80x128xf32, #tpu.memory_space<vmem>>
          %dma_wait3A_465 = tpu.memref_squeeze %dma_wait3A_464 : memref<1x80x128xf32, #tpu.memory_space<vmem>> -> memref<80x128xf32, #tpu.memory_space<vmem>>
          %dma_wait3A_466 = arith.constant 0 : i32
          %dma_wait3A_467 = tpu.memref_slice %arg14[%dma_wait3A_460, %dma_wait3A_466] : memref<4x80xi32, #tpu.memory_space<vmem>> -> memref<1x80xi32, #tpu.memory_space<vmem>>
          %dma_wait3A_468 = tpu.memref_squeeze %dma_wait3A_467 : memref<1x80xi32, #tpu.memory_space<vmem>> -> memref<80xi32, #tpu.memory_space<vmem>>
          %dma_wait3A_469 = arith.constant 0 : i32
          %dma_wait3A_470 = arith.constant 0 : i32
          %dma_wait3A_471 = tpu.memref_slice %arg18[%dma_wait3A_469, %dma_wait3A_470] : memref<10008x128xf32, #tpu.memory_space<vmem_shared>> -> memref<10008x128xf32, #tpu.memory_space<vmem_shared>>
          %dma_wait3A_472 = tpu.memref_slice %arg21[%dma_wait3A_461] : memref<4x!tpu.dma_semaphore, #tpu.memory_space<semaphore_mem>> -> memref<1x!tpu.dma_semaphore, #tpu.memory_space<semaphore_mem>>
          %dma_wait3A_473 = tpu.memref_squeeze %dma_wait3A_472 : memref<1x!tpu.dma_semaphore, #tpu.memory_space<semaphore_mem>> -> memref<!tpu.dma_semaphore, #tpu.memory_space<semaphore_mem>>
          tpu.wait_indirect_dma semaphore(%dma_wait3A_473 : memref<!tpu.dma_semaphore, #tpu.memory_space<semaphore_mem>>) src(%dma_wait3A_465 : memref<80x128xf32, #tpu.memory_space<vmem>>) dst(%dma_wait3A_471 : memref<10008x128xf32, #tpu.memory_space<vmem_shared>>)
          %dma_wait3A_474 = arith.constant 2 : i32
          %dma_wait3A_475 = arith.constant 2 : i32
          %dma_wait3A_476 = arith.constant 2 : i32
          %dma_wait3A_477 = arith.constant 0 : i32
          %dma_wait3A_478 = arith.constant 0 : i32
          %dma_wait3A_479 = tpu.memref_slice %arg15[%dma_wait3A_474, %dma_wait3A_477, %dma_wait3A_478] : memref<4x80x128xf32, #tpu.memory_space<vmem>> -> memref<1x80x128xf32, #tpu.memory_space<vmem>>
          %dma_wait3A_480 = tpu.memref_squeeze %dma_wait3A_479 : memref<1x80x128xf32, #tpu.memory_space<vmem>> -> memref<80x128xf32, #tpu.memory_space<vmem>>
          %dma_wait3A_481 = arith.constant 0 : i32
          %dma_wait3A_482 = tpu.memref_slice %arg14[%dma_wait3A_475, %dma_wait3A_481] : memref<4x80xi32, #tpu.memory_space<vmem>> -> memref<1x80xi32, #tpu.memory_space<vmem>>
          %dma_wait3A_483 = tpu.memref_squeeze %dma_wait3A_482 : memref<1x80xi32, #tpu.memory_space<vmem>> -> memref<80xi32, #tpu.memory_space<vmem>>
          %dma_wait3A_484 = arith.constant 0 : i32
          %dma_wait3A_485 = arith.constant 0 : i32
          %dma_wait3A_486 = tpu.memref_slice %arg18[%dma_wait3A_484, %dma_wait3A_485] : memref<10008x128xf32, #tpu.memory_space<vmem_shared>> -> memref<10008x128xf32, #tpu.memory_space<vmem_shared>>
          %dma_wait3A_487 = tpu.memref_slice %arg21[%dma_wait3A_476] : memref<4x!tpu.dma_semaphore, #tpu.memory_space<semaphore_mem>> -> memref<1x!tpu.dma_semaphore, #tpu.memory_space<semaphore_mem>>
          %dma_wait3A_488 = tpu.memref_squeeze %dma_wait3A_487 : memref<1x!tpu.dma_semaphore, #tpu.memory_space<semaphore_mem>> -> memref<!tpu.dma_semaphore, #tpu.memory_space<semaphore_mem>>
          tpu.wait_indirect_dma semaphore(%dma_wait3A_488 : memref<!tpu.dma_semaphore, #tpu.memory_space<semaphore_mem>>) src(%dma_wait3A_480 : memref<80x128xf32, #tpu.memory_space<vmem>>) dst(%dma_wait3A_486 : memref<10008x128xf32, #tpu.memory_space<vmem_shared>>)
          %dma_wait3A_489 = arith.constant 3 : i32
          %dma_wait3A_490 = arith.constant 3 : i32
          %dma_wait3A_491 = arith.constant 3 : i32
          %dma_wait3A_492 = arith.constant 0 : i32
          %dma_wait3A_493 = arith.constant 0 : i32
          %dma_wait3A_494 = tpu.memref_slice %arg15[%dma_wait3A_489, %dma_wait3A_492, %dma_wait3A_493] : memref<4x80x128xf32, #tpu.memory_space<vmem>> -> memref<1x80x128xf32, #tpu.memory_space<vmem>>
          %dma_wait3A_495 = tpu.memref_squeeze %dma_wait3A_494 : memref<1x80x128xf32, #tpu.memory_space<vmem>> -> memref<80x128xf32, #tpu.memory_space<vmem>>
          %dma_wait3A_496 = arith.constant 0 : i32
          %dma_wait3A_497 = tpu.memref_slice %arg14[%dma_wait3A_490, %dma_wait3A_496] : memref<4x80xi32, #tpu.memory_space<vmem>> -> memref<1x80xi32, #tpu.memory_space<vmem>>
          %dma_wait3A_498 = tpu.memref_squeeze %dma_wait3A_497 : memref<1x80xi32, #tpu.memory_space<vmem>> -> memref<80xi32, #tpu.memory_space<vmem>>
          %dma_wait3A_499 = arith.constant 0 : i32
          %dma_wait3A_500 = arith.constant 0 : i32
          %dma_wait3A_501 = tpu.memref_slice %arg18[%dma_wait3A_499, %dma_wait3A_500] : memref<10008x128xf32, #tpu.memory_space<vmem_shared>> -> memref<10008x128xf32, #tpu.memory_space<vmem_shared>>
          %dma_wait3A_502 = tpu.memref_slice %arg21[%dma_wait3A_491] : memref<4x!tpu.dma_semaphore, #tpu.memory_space<semaphore_mem>> -> memref<1x!tpu.dma_semaphore, #tpu.memory_space<semaphore_mem>>
          %dma_wait3A_503 = tpu.memref_squeeze %dma_wait3A_502 : memref<1x!tpu.dma_semaphore, #tpu.memory_space<semaphore_mem>> -> memref<!tpu.dma_semaphore, #tpu.memory_space<semaphore_mem>>
          tpu.wait_indirect_dma semaphore(%dma_wait3A_503 : memref<!tpu.dma_semaphore, #tpu.memory_space<semaphore_mem>>) src(%dma_wait3A_495 : memref<80x128xf32, #tpu.memory_space<vmem>>) dst(%dma_wait3A_501 : memref<10008x128xf32, #tpu.memory_space<vmem_shared>>)
        } else {
        }
        "tpu.region"() ({
          %run_scoped3A = tpu.sem_alloc : memref<!tpu.dma_semaphore, #tpu.memory_space<semaphore_mem>>
          %dma_start3A_444 = tpu.memref_slice %arg6[%add3A_98] : memref<332800xi32, #tpu.memory_space<hbm>> -> memref<320xi32, #tpu.memory_space<hbm>>
          %dma_start3A_445 = tpu.memref_slice %arg6[%add3A_98] : memref<332800xi32, #tpu.memory_space<hbm>> -> memref<320xi32, #tpu.memory_space<hbm>>
          tpu.enqueue_dma source(%dma_start3A_445 : memref<320xi32, #tpu.memory_space<hbm>>) target(%arg12 : memref<320xi32, #tpu.memory_space<vmem>>) target_semaphore(%run_scoped3A : memref<!tpu.dma_semaphore, #tpu.memory_space<semaphore_mem>>)
          %dma_wait3A_446 = tpu.memref_slice %arg6[%add3A_98] : memref<332800xi32, #tpu.memory_space<hbm>> -> memref<320xi32, #tpu.memory_space<hbm>>
          %dma_wait3A_447 = tpu.memref_slice %arg6[%add3A_98] : memref<332800xi32, #tpu.memory_space<hbm>> -> memref<320xi32, #tpu.memory_space<hbm>>
          tpu.wait_dma2 semaphore(%run_scoped3A : memref<!tpu.dma_semaphore, #tpu.memory_space<semaphore_mem>>) src(%dma_wait3A_447 : memref<320xi32, #tpu.memory_space<hbm>>) dst(%arg12 : memref<320xi32, #tpu.memory_space<vmem>>)
          tpu.yield
        }) : () -> ()
        "tpu.region"() ({
          %run_scoped3A = tpu.sem_alloc : memref<!tpu.dma_semaphore, #tpu.memory_space<semaphore_mem>>
          %dma_start3A_444 = tpu.memref_slice %arg7[%add3A_98] : memref<332800xi32, #tpu.memory_space<hbm>> -> memref<320xi32, #tpu.memory_space<hbm>>
          %dma_start3A_445 = tpu.memref_slice %arg7[%add3A_98] : memref<332800xi32, #tpu.memory_space<hbm>> -> memref<320xi32, #tpu.memory_space<hbm>>
          tpu.enqueue_dma source(%dma_start3A_445 : memref<320xi32, #tpu.memory_space<hbm>>) target(%arg13 : memref<320xi32, #tpu.memory_space<vmem>>) target_semaphore(%run_scoped3A : memref<!tpu.dma_semaphore, #tpu.memory_space<semaphore_mem>>)
          %dma_wait3A_446 = tpu.memref_slice %arg7[%add3A_98] : memref<332800xi32, #tpu.memory_space<hbm>> -> memref<320xi32, #tpu.memory_space<hbm>>
          %dma_wait3A_447 = tpu.memref_slice %arg7[%add3A_98] : memref<332800xi32, #tpu.memory_space<hbm>> -> memref<320xi32, #tpu.memory_space<hbm>>
          tpu.wait_dma2 semaphore(%run_scoped3A : memref<!tpu.dma_semaphore, #tpu.memory_space<semaphore_mem>>) src(%dma_wait3A_447 : memref<320xi32, #tpu.memory_space<hbm>>) dst(%arg13 : memref<320xi32, #tpu.memory_space<vmem>>)
          tpu.yield
        }) : () -> ()
        %dma_start3A = arith.constant 0 : i32
        %dma_start3A_103 = arith.constant 0 : i32
        %dma_start3A_104 = arith.constant 0 : i32
        %dma_start3A_105 = arith.constant 0 : i32
        %dma_start3A_106 = tpu.memref_slice %arg15[%dma_start3A, %dma_start3A_104, %dma_start3A_105] : memref<4x80x128xf32, #tpu.memory_space<vmem>> -> memref<1x80x128xf32, #tpu.memory_space<vmem>>
        %dma_start3A_107 = tpu.memref_squeeze %dma_start3A_106 : memref<1x80x128xf32, #tpu.memory_space<vmem>> -> memref<80x128xf32, #tpu.memory_space<vmem>>
        %dma_start3A_108 = arith.constant 0 : i32
        %dma_start3A_109 = tpu.memref_slice %arg12[%dma_start3A_108] : memref<320xi32, #tpu.memory_space<vmem>> -> memref<80xi32, #tpu.memory_space<vmem>>
        %dma_start3A_110 = arith.constant 0 : i32
        %dma_start3A_111 = arith.constant 0 : i32
        %dma_start3A_112 = tpu.memref_slice %arg3[%dma_start3A_110, %dma_start3A_111] : memref<10000x128xf32, #tpu.memory_space<hbm>> -> memref<10000x128xf32, #tpu.memory_space<hbm>>
        %dma_start3A_113 = tpu.memref_slice %arg20[%dma_start3A_103] : memref<4x!tpu.dma_semaphore, #tpu.memory_space<semaphore_mem>> -> memref<1x!tpu.dma_semaphore, #tpu.memory_space<semaphore_mem>>
        %dma_start3A_114 = tpu.memref_squeeze %dma_start3A_113 : memref<1x!tpu.dma_semaphore, #tpu.memory_space<semaphore_mem>> -> memref<!tpu.dma_semaphore, #tpu.memory_space<semaphore_mem>>
        tpu.enqueue_indirect_dma source(%dma_start3A_112 : memref<10000x128xf32, #tpu.memory_space<hbm>>) target(%dma_start3A_107 : memref<80x128xf32, #tpu.memory_space<vmem>>) offsets(%dma_start3A_109 : memref<80xi32, #tpu.memory_space<vmem>>) semaphore(%dma_start3A_114 : memref<!tpu.dma_semaphore, #tpu.memory_space<semaphore_mem>>)
        %dma_start3A_115 = arith.constant 1 : i32
        %dma_start3A_116 = arith.constant 1 : i32
        %dma_start3A_117 = arith.constant 0 : i32
        %dma_start3A_118 = arith.constant 0 : i32
        %dma_start3A_119 = tpu.memref_slice %arg15[%dma_start3A_115, %dma_start3A_117, %dma_start3A_118] : memref<4x80x128xf32, #tpu.memory_space<vmem>> -> memref<1x80x128xf32, #tpu.memory_space<vmem>>
        %dma_start3A_120 = tpu.memref_squeeze %dma_start3A_119 : memref<1x80x128xf32, #tpu.memory_space<vmem>> -> memref<80x128xf32, #tpu.memory_space<vmem>>
        %dma_start3A_121 = arith.constant 80 : i32
        %dma_start3A_122 = tpu.memref_slice %arg12[%dma_start3A_121] : memref<320xi32, #tpu.memory_space<vmem>> -> memref<80xi32, #tpu.memory_space<vmem>>
        %dma_start3A_123 = arith.constant 0 : i32
        %dma_start3A_124 = arith.constant 0 : i32
        %dma_start3A_125 = tpu.memref_slice %arg3[%dma_start3A_123, %dma_start3A_124] : memref<10000x128xf32, #tpu.memory_space<hbm>> -> memref<10000x128xf32, #tpu.memory_space<hbm>>
        %dma_start3A_126 = tpu.memref_slice %arg20[%dma_start3A_116] : memref<4x!tpu.dma_semaphore, #tpu.memory_space<semaphore_mem>> -> memref<1x!tpu.dma_semaphore, #tpu.memory_space<semaphore_mem>>
        %dma_start3A_127 = tpu.memref_squeeze %dma_start3A_126 : memref<1x!tpu.dma_semaphore, #tpu.memory_space<semaphore_mem>> -> memref<!tpu.dma_semaphore, #tpu.memory_space<semaphore_mem>>
        tpu.enqueue_indirect_dma source(%dma_start3A_125 : memref<10000x128xf32, #tpu.memory_space<hbm>>) target(%dma_start3A_120 : memref<80x128xf32, #tpu.memory_space<vmem>>) offsets(%dma_start3A_122 : memref<80xi32, #tpu.memory_space<vmem>>) semaphore(%dma_start3A_127 : memref<!tpu.dma_semaphore, #tpu.memory_space<semaphore_mem>>)
        %dma_start3A_128 = arith.constant 2 : i32
        %dma_start3A_129 = arith.constant 2 : i32
        %dma_start3A_130 = arith.constant 0 : i32
        %dma_start3A_131 = arith.constant 0 : i32
        %dma_start3A_132 = tpu.memref_slice %arg15[%dma_start3A_128, %dma_start3A_130, %dma_start3A_131] : memref<4x80x128xf32, #tpu.memory_space<vmem>> -> memref<1x80x128xf32, #tpu.memory_space<vmem>>
        %dma_start3A_133 = tpu.memref_squeeze %dma_start3A_132 : memref<1x80x128xf32, #tpu.memory_space<vmem>> -> memref<80x128xf32, #tpu.memory_space<vmem>>
        %dma_start3A_134 = arith.constant 160 : i32
        %dma_start3A_135 = tpu.memref_slice %arg12[%dma_start3A_134] : memref<320xi32, #tpu.memory_space<vmem>> -> memref<80xi32, #tpu.memory_space<vmem>>
        %dma_start3A_136 = arith.constant 0 : i32
        %dma_start3A_137 = arith.constant 0 : i32
        %dma_start3A_138 = tpu.memref_slice %arg3[%dma_start3A_136, %dma_start3A_137] : memref<10000x128xf32, #tpu.memory_space<hbm>> -> memref<10000x128xf32, #tpu.memory_space<hbm>>
        %dma_start3A_139 = tpu.memref_slice %arg20[%dma_start3A_129] : memref<4x!tpu.dma_semaphore, #tpu.memory_space<semaphore_mem>> -> memref<1x!tpu.dma_semaphore, #tpu.memory_space<semaphore_mem>>
        %dma_start3A_140 = tpu.memref_squeeze %dma_start3A_139 : memref<1x!tpu.dma_semaphore, #tpu.memory_space<semaphore_mem>> -> memref<!tpu.dma_semaphore, #tpu.memory_space<semaphore_mem>>
        tpu.enqueue_indirect_dma source(%dma_start3A_138 : memref<10000x128xf32, #tpu.memory_space<hbm>>) target(%dma_start3A_133 : memref<80x128xf32, #tpu.memory_space<vmem>>) offsets(%dma_start3A_135 : memref<80xi32, #tpu.memory_space<vmem>>) semaphore(%dma_start3A_140 : memref<!tpu.dma_semaphore, #tpu.memory_space<semaphore_mem>>)
        %dma_start3A_141 = arith.constant 3 : i32
        %dma_start3A_142 = arith.constant 3 : i32
        %dma_start3A_143 = arith.constant 0 : i32
        %dma_start3A_144 = arith.constant 0 : i32
        %dma_start3A_145 = tpu.memref_slice %arg15[%dma_start3A_141, %dma_start3A_143, %dma_start3A_144] : memref<4x80x128xf32, #tpu.memory_space<vmem>> -> memref<1x80x128xf32, #tpu.memory_space<vmem>>
        %dma_start3A_146 = tpu.memref_squeeze %dma_start3A_145 : memref<1x80x128xf32, #tpu.memory_space<vmem>> -> memref<80x128xf32, #tpu.memory_space<vmem>>
        %dma_start3A_147 = arith.constant 240 : i32
        %dma_start3A_148 = tpu.memref_slice %arg12[%dma_start3A_147] : memref<320xi32, #tpu.memory_space<vmem>> -> memref<80xi32, #tpu.memory_space<vmem>>
        %dma_start3A_149 = arith.constant 0 : i32
        %dma_start3A_150 = arith.constant 0 : i32
        %dma_start3A_151 = tpu.memref_slice %arg3[%dma_start3A_149, %dma_start3A_150] : memref<10000x128xf32, #tpu.memory_space<hbm>> -> memref<10000x128xf32, #tpu.memory_space<hbm>>
        %dma_start3A_152 = tpu.memref_slice %arg20[%dma_start3A_142] : memref<4x!tpu.dma_semaphore, #tpu.memory_space<semaphore_mem>> -> memref<1x!tpu.dma_semaphore, #tpu.memory_space<semaphore_mem>>
        %dma_start3A_153 = tpu.memref_squeeze %dma_start3A_152 : memref<1x!tpu.dma_semaphore, #tpu.memory_space<semaphore_mem>> -> memref<!tpu.dma_semaphore, #tpu.memory_space<semaphore_mem>>
        tpu.enqueue_indirect_dma source(%dma_start3A_151 : memref<10000x128xf32, #tpu.memory_space<hbm>>) target(%dma_start3A_146 : memref<80x128xf32, #tpu.memory_space<vmem>>) offsets(%dma_start3A_148 : memref<80xi32, #tpu.memory_space<vmem>>) semaphore(%dma_start3A_153 : memref<!tpu.dma_semaphore, #tpu.memory_space<semaphore_mem>>)
        %dma_wait3A_154 = arith.constant 0 : i32
        %dma_wait3A_155 = arith.constant 0 : i32
        %dma_wait3A_156 = arith.constant 0 : i32
        %dma_wait3A_157 = arith.constant 0 : i32
        %dma_wait3A_158 = tpu.memref_slice %arg15[%dma_wait3A_154, %dma_wait3A_156, %dma_wait3A_157] : memref<4x80x128xf32, #tpu.memory_space<vmem>> -> memref<1x80x128xf32, #tpu.memory_space<vmem>>
        %dma_wait3A_159 = tpu.memref_squeeze %dma_wait3A_158 : memref<1x80x128xf32, #tpu.memory_space<vmem>> -> memref<80x128xf32, #tpu.memory_space<vmem>>
        %dma_wait3A_160 = arith.constant 0 : i32
        %dma_wait3A_161 = tpu.memref_slice %arg12[%dma_wait3A_160] : memref<320xi32, #tpu.memory_space<vmem>> -> memref<80xi32, #tpu.memory_space<vmem>>
        %dma_wait3A_162 = arith.constant 0 : i32
        %dma_wait3A_163 = arith.constant 0 : i32
        %dma_wait3A_164 = tpu.memref_slice %arg3[%dma_wait3A_162, %dma_wait3A_163] : memref<10000x128xf32, #tpu.memory_space<hbm>> -> memref<10000x128xf32, #tpu.memory_space<hbm>>
        %dma_wait3A_165 = tpu.memref_slice %arg20[%dma_wait3A_155] : memref<4x!tpu.dma_semaphore, #tpu.memory_space<semaphore_mem>> -> memref<1x!tpu.dma_semaphore, #tpu.memory_space<semaphore_mem>>
        %dma_wait3A_166 = tpu.memref_squeeze %dma_wait3A_165 : memref<1x!tpu.dma_semaphore, #tpu.memory_space<semaphore_mem>> -> memref<!tpu.dma_semaphore, #tpu.memory_space<semaphore_mem>>
        tpu.wait_indirect_dma semaphore(%dma_wait3A_166 : memref<!tpu.dma_semaphore, #tpu.memory_space<semaphore_mem>>) src(%dma_wait3A_164 : memref<10000x128xf32, #tpu.memory_space<hbm>>) dst(%dma_wait3A_159 : memref<80x128xf32, #tpu.memory_space<vmem>>)
        %get3A = arith.constant 0 : index
        %get3A_167 = tpu.vector_load %arg13[%get3A] {strides = array<i32>} : memref<320xi32, #tpu.memory_space<vmem>>, vector<16xi32>,
        %get3A_168 = vector.shape_cast %get3A_167 : vector<16xi32> to vector<16xi32>
        %swap3A = arith.constant 0 : i32
        %swap3A_169 = arith.index_cast %swap3A : i32 to index
        %swap3A_170 = arith.constant 0 : index
        %swap3A_171 = tpu.vector_load %arg14[%swap3A_169, %swap3A_170] {strides = array<i32>} : memref<4x80xi32, #tpu.memory_space<vmem>>, vector<1x16xi32>,
        %swap3A_172 = vector.shape_cast %swap3A_171 : vector<1x16xi32> to vector<16xi32>
        %swap3A_173 = vector.shape_cast %get3A_168 : vector<16xi32> to vector<1x16xi32>
        tpu.vector_store %arg14[%swap3A_169, %swap3A_170], %swap3A_173 {strides = array<i32>} : memref<4x80xi32, #tpu.memory_space<vmem>>, vector<1x16xi32>,
        %get3A_174 = arith.constant 16 : index
        %get3A_175 = tpu.vector_load %arg13[%get3A_174] {strides = array<i32>} : memref<320xi32, #tpu.memory_space<vmem>>, vector<16xi32>,
        %get3A_176 = vector.shape_cast %get3A_175 : vector<16xi32> to vector<16xi32>
        %swap3A_177 = arith.constant 0 : i32
        %swap3A_178 = arith.index_cast %swap3A_177 : i32 to index
        %swap3A_179 = arith.constant 16 : index
        %swap3A_180 = tpu.vector_load %arg14[%swap3A_178, %swap3A_179] {strides = array<i32>} : memref<4x80xi32, #tpu.memory_space<vmem>>, vector<1x16xi32>,
        %swap3A_181 = vector.shape_cast %swap3A_180 : vector<1x16xi32> to vector<16xi32>
        %swap3A_182 = vector.shape_cast %get3A_176 : vector<16xi32> to vector<1x16xi32>
        tpu.vector_store %arg14[%swap3A_178, %swap3A_179], %swap3A_182 {strides = array<i32>} : memref<4x80xi32, #tpu.memory_space<vmem>>, vector<1x16xi32>,
        %get3A_183 = arith.constant 32 : index
        %get3A_184 = tpu.vector_load %arg13[%get3A_183] {strides = array<i32>} : memref<320xi32, #tpu.memory_space<vmem>>, vector<16xi32>,
        %get3A_185 = vector.shape_cast %get3A_184 : vector<16xi32> to vector<16xi32>
        %swap3A_186 = arith.constant 0 : i32
        %swap3A_187 = arith.index_cast %swap3A_186 : i32 to index
        %swap3A_188 = arith.constant 32 : index
        %swap3A_189 = tpu.vector_load %arg14[%swap3A_187, %swap3A_188] {strides = array<i32>} : memref<4x80xi32, #tpu.memory_space<vmem>>, vector<1x16xi32>,
        %swap3A_190 = vector.shape_cast %swap3A_189 : vector<1x16xi32> to vector<16xi32>
        %swap3A_191 = vector.shape_cast %get3A_185 : vector<16xi32> to vector<1x16xi32>
        tpu.vector_store %arg14[%swap3A_187, %swap3A_188], %swap3A_191 {strides = array<i32>} : memref<4x80xi32, #tpu.memory_space<vmem>>, vector<1x16xi32>,
        %get3A_192 = arith.constant 48 : index
        %get3A_193 = tpu.vector_load %arg13[%get3A_192] {strides = array<i32>} : memref<320xi32, #tpu.memory_space<vmem>>, vector<16xi32>,
        %get3A_194 = vector.shape_cast %get3A_193 : vector<16xi32> to vector<16xi32>
        %swap3A_195 = arith.constant 0 : i32
        %swap3A_196 = arith.index_cast %swap3A_195 : i32 to index
        %swap3A_197 = arith.constant 48 : index
        %swap3A_198 = tpu.vector_load %arg14[%swap3A_196, %swap3A_197] {strides = array<i32>} : memref<4x80xi32, #tpu.memory_space<vmem>>, vector<1x16xi32>,
        %swap3A_199 = vector.shape_cast %swap3A_198 : vector<1x16xi32> to vector<16xi32>
        %swap3A_200 = vector.shape_cast %get3A_194 : vector<16xi32> to vector<1x16xi32>
        tpu.vector_store %arg14[%swap3A_196, %swap3A_197], %swap3A_200 {strides = array<i32>} : memref<4x80xi32, #tpu.memory_space<vmem>>, vector<1x16xi32>,
        %get3A_201 = arith.constant 64 : index
        %get3A_202 = tpu.vector_load %arg13[%get3A_201] {strides = array<i32>} : memref<320xi32, #tpu.memory_space<vmem>>, vector<16xi32>,
        %get3A_203 = vector.shape_cast %get3A_202 : vector<16xi32> to vector<16xi32>
        %swap3A_204 = arith.constant 0 : i32
        %swap3A_205 = arith.index_cast %swap3A_204 : i32 to index
        %swap3A_206 = arith.constant 64 : index
        %swap3A_207 = tpu.vector_load %arg14[%swap3A_205, %swap3A_206] {strides = array<i32>} : memref<4x80xi32, #tpu.memory_space<vmem>>, vector<1x16xi32>,
        %swap3A_208 = vector.shape_cast %swap3A_207 : vector<1x16xi32> to vector<16xi32>
        %swap3A_209 = vector.shape_cast %get3A_203 : vector<16xi32> to vector<1x16xi32>
        tpu.vector_store %arg14[%swap3A_205, %swap3A_206], %swap3A_209 {strides = array<i32>} : memref<4x80xi32, #tpu.memory_space<vmem>>, vector<1x16xi32>,
        %dma_start3A_210 = arith.constant 0 : i32
        %dma_start3A_211 = arith.constant 0 : i32
        %dma_start3A_212 = arith.constant 0 : i32
        %dma_start3A_213 = arith.constant 0 : i32
        %dma_start3A_214 = arith.constant 0 : i32
        %dma_start3A_215 = tpu.memref_slice %arg15[%dma_start3A_210, %dma_start3A_213, %dma_start3A_214] : memref<4x80x128xf32, #tpu.memory_space<vmem>> -> memref<1x80x128xf32, #tpu.memory_space<vmem>>
        %dma_start3A_216 = tpu.memref_squeeze %dma_start3A_215 : memref<1x80x128xf32, #tpu.memory_space<vmem>> -> memref<80x128xf32, #tpu.memory_space<vmem>>
        %dma_start3A_217 = arith.constant 0 : i32
        %dma_start3A_218 = tpu.memref_slice %arg14[%dma_start3A_211, %dma_start3A_217] : memref<4x80xi32, #tpu.memory_space<vmem>> -> memref<1x80xi32, #tpu.memory_space<vmem>>
        %dma_start3A_219 = tpu.memref_squeeze %dma_start3A_218 : memref<1x80xi32, #tpu.memory_space<vmem>> -> memref<80xi32, #tpu.memory_space<vmem>>
        %dma_start3A_220 = arith.constant 0 : i32
        %dma_start3A_221 = arith.constant 0 : i32
        %dma_start3A_222 = tpu.memref_slice %arg18[%dma_start3A_220, %dma_start3A_221] : memref<10008x128xf32, #tpu.memory_space<vmem_shared>> -> memref<10008x128xf32, #tpu.memory_space<vmem_shared>>
        %dma_start3A_223 = tpu.memref_slice %arg21[%dma_start3A_212] : memref<4x!tpu.dma_semaphore, #tpu.memory_space<semaphore_mem>> -> memref<1x!tpu.dma_semaphore, #tpu.memory_space<semaphore_mem>>
        %dma_start3A_224 = tpu.memref_squeeze %dma_start3A_223 : memref<1x!tpu.dma_semaphore, #tpu.memory_space<semaphore_mem>> -> memref<!tpu.dma_semaphore, #tpu.memory_space<semaphore_mem>>
        tpu.enqueue_indirect_dma source(%dma_start3A_216 : memref<80x128xf32, #tpu.memory_space<vmem>>) target(%dma_start3A_222 : memref<10008x128xf32, #tpu.memory_space<vmem_shared>>) offsets(%dma_start3A_219 : memref<80xi32, #tpu.memory_space<vmem>>) semaphore(%dma_start3A_224 : memref<!tpu.dma_semaphore, #tpu.memory_space<semaphore_mem>>) {add = true}
        %dma_wait3A_225 = arith.constant 1 : i32
        %dma_wait3A_226 = arith.constant 1 : i32
        %dma_wait3A_227 = arith.constant 0 : i32
        %dma_wait3A_228 = arith.constant 0 : i32
        %dma_wait3A_229 = tpu.memref_slice %arg15[%dma_wait3A_225, %dma_wait3A_227, %dma_wait3A_228] : memref<4x80x128xf32, #tpu.memory_space<vmem>> -> memref<1x80x128xf32, #tpu.memory_space<vmem>>
        %dma_wait3A_230 = tpu.memref_squeeze %dma_wait3A_229 : memref<1x80x128xf32, #tpu.memory_space<vmem>> -> memref<80x128xf32, #tpu.memory_space<vmem>>
        %dma_wait3A_231 = arith.constant 80 : i32
        %dma_wait3A_232 = tpu.memref_slice %arg12[%dma_wait3A_231] : memref<320xi32, #tpu.memory_space<vmem>> -> memref<80xi32, #tpu.memory_space<vmem>>
        %dma_wait3A_233 = arith.constant 0 : i32
        %dma_wait3A_234 = arith.constant 0 : i32
        %dma_wait3A_235 = tpu.memref_slice %arg3[%dma_wait3A_233, %dma_wait3A_234] : memref<10000x128xf32, #tpu.memory_space<hbm>> -> memref<10000x128xf32, #tpu.memory_space<hbm>>
        %dma_wait3A_236 = tpu.memref_slice %arg20[%dma_wait3A_226] : memref<4x!tpu.dma_semaphore, #tpu.memory_space<semaphore_mem>> -> memref<1x!tpu.dma_semaphore, #tpu.memory_space<semaphore_mem>>
        %dma_wait3A_237 = tpu.memref_squeeze %dma_wait3A_236 : memref<1x!tpu.dma_semaphore, #tpu.memory_space<semaphore_mem>> -> memref<!tpu.dma_semaphore, #tpu.memory_space<semaphore_mem>>
        tpu.wait_indirect_dma semaphore(%dma_wait3A_237 : memref<!tpu.dma_semaphore, #tpu.memory_space<semaphore_mem>>) src(%dma_wait3A_235 : memref<10000x128xf32, #tpu.memory_space<hbm>>) dst(%dma_wait3A_230 : memref<80x128xf32, #tpu.memory_space<vmem>>)
        %get3A_238 = arith.constant 80 : index
        %get3A_239 = tpu.vector_load %arg13[%get3A_238] {strides = array<i32>} : memref<320xi32, #tpu.memory_space<vmem>>, vector<16xi32>,
        %get3A_240 = vector.shape_cast %get3A_239 : vector<16xi32> to vector<16xi32>
        %swap3A_241 = arith.constant 1 : i32
        %swap3A_242 = arith.index_cast %swap3A_241 : i32 to index
        %swap3A_243 = arith.constant 0 : index
        %swap3A_244 = tpu.vector_load %arg14[%swap3A_242, %swap3A_243] {strides = array<i32>} : memref<4x80xi32, #tpu.memory_space<vmem>>, vector<1x16xi32>,
        %swap3A_245 = vector.shape_cast %swap3A_244 : vector<1x16xi32> to vector<16xi32>
        %swap3A_246 = vector.shape_cast %get3A_240 : vector<16xi32> to vector<1x16xi32>
        tpu.vector_store %arg14[%swap3A_242, %swap3A_243], %swap3A_246 {strides = array<i32>} : memref<4x80xi32, #tpu.memory_space<vmem>>, vector<1x16xi32>,
        %get3A_247 = arith.constant 96 : index
        %get3A_248 = tpu.vector_load %arg13[%get3A_247] {strides = array<i32>} : memref<320xi32, #tpu.memory_space<vmem>>, vector<16xi32>,
        %get3A_249 = vector.shape_cast %get3A_248 : vector<16xi32> to vector<16xi32>
        %swap3A_250 = arith.constant 1 : i32
        %swap3A_251 = arith.index_cast %swap3A_250 : i32 to index
        %swap3A_252 = arith.constant 16 : index
        %swap3A_253 = tpu.vector_load %arg14[%swap3A_251, %swap3A_252] {strides = array<i32>} : memref<4x80xi32, #tpu.memory_space<vmem>>, vector<1x16xi32>,
        %swap3A_254 = vector.shape_cast %swap3A_253 : vector<1x16xi32> to vector<16xi32>
        %swap3A_255 = vector.shape_cast %get3A_249 : vector<16xi32> to vector<1x16xi32>
        tpu.vector_store %arg14[%swap3A_251, %swap3A_252], %swap3A_255 {strides = array<i32>} : memref<4x80xi32, #tpu.memory_space<vmem>>, vector<1x16xi32>,
        %get3A_256 = arith.constant 112 : index
        %get3A_257 = tpu.vector_load %arg13[%get3A_256] {strides = array<i32>} : memref<320xi32, #tpu.memory_space<vmem>>, vector<16xi32>,
        %get3A_258 = vector.shape_cast %get3A_257 : vector<16xi32> to vector<16xi32>
        %swap3A_259 = arith.constant 1 : i32
        %swap3A_260 = arith.index_cast %swap3A_259 : i32 to index
        %swap3A_261 = arith.constant 32 : index
        %swap3A_262 = tpu.vector_load %arg14[%swap3A_260, %swap3A_261] {strides = array<i32>} : memref<4x80xi32, #tpu.memory_space<vmem>>, vector<1x16xi32>,
        %swap3A_263 = vector.shape_cast %swap3A_262 : vector<1x16xi32> to vector<16xi32>
        %swap3A_264 = vector.shape_cast %get3A_258 : vector<16xi32> to vector<1x16xi32>
        tpu.vector_store %arg14[%swap3A_260, %swap3A_261], %swap3A_264 {strides = array<i32>} : memref<4x80xi32, #tpu.memory_space<vmem>>, vector<1x16xi32>,
        %get3A_265 = arith.constant 128 : index
        %get3A_266 = tpu.vector_load %arg13[%get3A_265] {strides = array<i32>} : memref<320xi32, #tpu.memory_space<vmem>>, vector<16xi32>,
        %get3A_267 = vector.shape_cast %get3A_266 : vector<16xi32> to vector<16xi32>
        %swap3A_268 = arith.constant 1 : i32
        %swap3A_269 = arith.index_cast %swap3A_268 : i32 to index
        %swap3A_270 = arith.constant 48 : index
        %swap3A_271 = tpu.vector_load %arg14[%swap3A_269, %swap3A_270] {strides = array<i32>} : memref<4x80xi32, #tpu.memory_space<vmem>>, vector<1x16xi32>,
        %swap3A_272 = vector.shape_cast %swap3A_271 : vector<1x16xi32> to vector<16xi32>
        %swap3A_273 = vector.shape_cast %get3A_267 : vector<16xi32> to vector<1x16xi32>
        tpu.vector_store %arg14[%swap3A_269, %swap3A_270], %swap3A_273 {strides = array<i32>} : memref<4x80xi32, #tpu.memory_space<vmem>>, vector<1x16xi32>,
        %get3A_274 = arith.constant 144 : index
        %get3A_275 = tpu.vector_load %arg13[%get3A_274] {strides = array<i32>} : memref<320xi32, #tpu.memory_space<vmem>>, vector<16xi32>,
        %get3A_276 = vector.shape_cast %get3A_275 : vector<16xi32> to vector<16xi32>
        %swap3A_277 = arith.constant 1 : i32
        %swap3A_278 = arith.index_cast %swap3A_277 : i32 to index
        %swap3A_279 = arith.constant 64 : index
        %swap3A_280 = tpu.vector_load %arg14[%swap3A_278, %swap3A_279] {strides = array<i32>} : memref<4x80xi32, #tpu.memory_space<vmem>>, vector<1x16xi32>,
        %swap3A_281 = vector.shape_cast %swap3A_280 : vector<1x16xi32> to vector<16xi32>
        %swap3A_282 = vector.shape_cast %get3A_276 : vector<16xi32> to vector<1x16xi32>
        tpu.vector_store %arg14[%swap3A_278, %swap3A_279], %swap3A_282 {strides = array<i32>} : memref<4x80xi32, #tpu.memory_space<vmem>>, vector<1x16xi32>,
        %dma_start3A_283 = arith.constant 1 : i32
        %dma_start3A_284 = arith.constant 1 : i32
        %dma_start3A_285 = arith.constant 1 : i32
        %dma_start3A_286 = arith.constant 0 : i32
        %dma_start3A_287 = arith.constant 0 : i32
        %dma_start3A_288 = tpu.memref_slice %arg15[%dma_start3A_283, %dma_start3A_286, %dma_start3A_287] : memref<4x80x128xf32, #tpu.memory_space<vmem>> -> memref<1x80x128xf32, #tpu.memory_space<vmem>>
        %dma_start3A_289 = tpu.memref_squeeze %dma_start3A_288 : memref<1x80x128xf32, #tpu.memory_space<vmem>> -> memref<80x128xf32, #tpu.memory_space<vmem>>
        %dma_start3A_290 = arith.constant 0 : i32
        %dma_start3A_291 = tpu.memref_slice %arg14[%dma_start3A_284, %dma_start3A_290] : memref<4x80xi32, #tpu.memory_space<vmem>> -> memref<1x80xi32, #tpu.memory_space<vmem>>
        %dma_start3A_292 = tpu.memref_squeeze %dma_start3A_291 : memref<1x80xi32, #tpu.memory_space<vmem>> -> memref<80xi32, #tpu.memory_space<vmem>>
        %dma_start3A_293 = arith.constant 0 : i32
        %dma_start3A_294 = arith.constant 0 : i32
        %dma_start3A_295 = tpu.memref_slice %arg18[%dma_start3A_293, %dma_start3A_294] : memref<10008x128xf32, #tpu.memory_space<vmem_shared>> -> memref<10008x128xf32, #tpu.memory_space<vmem_shared>>
        %dma_start3A_296 = tpu.memref_slice %arg21[%dma_start3A_285] : memref<4x!tpu.dma_semaphore, #tpu.memory_space<semaphore_mem>> -> memref<1x!tpu.dma_semaphore, #tpu.memory_space<semaphore_mem>>
        %dma_start3A_297 = tpu.memref_squeeze %dma_start3A_296 : memref<1x!tpu.dma_semaphore, #tpu.memory_space<semaphore_mem>> -> memref<!tpu.dma_semaphore, #tpu.memory_space<semaphore_mem>>
        tpu.enqueue_indirect_dma source(%dma_start3A_289 : memref<80x128xf32, #tpu.memory_space<vmem>>) target(%dma_start3A_295 : memref<10008x128xf32, #tpu.memory_space<vmem_shared>>) offsets(%dma_start3A_292 : memref<80xi32, #tpu.memory_space<vmem>>) semaphore(%dma_start3A_297 : memref<!tpu.dma_semaphore, #tpu.memory_space<semaphore_mem>>) {add = true}
        %dma_wait3A_298 = arith.constant 2 : i32
        %dma_wait3A_299 = arith.constant 2 : i32
        %dma_wait3A_300 = arith.constant 0 : i32
        %dma_wait3A_301 = arith.constant 0 : i32
        %dma_wait3A_302 = tpu.memref_slice %arg15[%dma_wait3A_298, %dma_wait3A_300, %dma_wait3A_301] : memref<4x80x128xf32, #tpu.memory_space<vmem>> -> memref<1x80x128xf32, #tpu.memory_space<vmem>>
        %dma_wait3A_303 = tpu.memref_squeeze %dma_wait3A_302 : memref<1x80x128xf32, #tpu.memory_space<vmem>> -> memref<80x128xf32, #tpu.memory_space<vmem>>
        %dma_wait3A_304 = arith.constant 160 : i32
        %dma_wait3A_305 = tpu.memref_slice %arg12[%dma_wait3A_304] : memref<320xi32, #tpu.memory_space<vmem>> -> memref<80xi32, #tpu.memory_space<vmem>>
        %dma_wait3A_306 = arith.constant 0 : i32
        %dma_wait3A_307 = arith.constant 0 : i32
        %dma_wait3A_308 = tpu.memref_slice %arg3[%dma_wait3A_306, %dma_wait3A_307] : memref<10000x128xf32, #tpu.memory_space<hbm>> -> memref<10000x128xf32, #tpu.memory_space<hbm>>
        %dma_wait3A_309 = tpu.memref_slice %arg20[%dma_wait3A_299] : memref<4x!tpu.dma_semaphore, #tpu.memory_space<semaphore_mem>> -> memref<1x!tpu.dma_semaphore, #tpu.memory_space<semaphore_mem>>
        %dma_wait3A_310 = tpu.memref_squeeze %dma_wait3A_309 : memref<1x!tpu.dma_semaphore, #tpu.memory_space<semaphore_mem>> -> memref<!tpu.dma_semaphore, #tpu.memory_space<semaphore_mem>>
        tpu.wait_indirect_dma semaphore(%dma_wait3A_310 : memref<!tpu.dma_semaphore, #tpu.memory_space<semaphore_mem>>) src(%dma_wait3A_308 : memref<10000x128xf32, #tpu.memory_space<hbm>>) dst(%dma_wait3A_303 : memref<80x128xf32, #tpu.memory_space<vmem>>)
        %get3A_311 = arith.constant 160 : index
        %get3A_312 = tpu.vector_load %arg13[%get3A_311] {strides = array<i32>} : memref<320xi32, #tpu.memory_space<vmem>>, vector<16xi32>,
        %get3A_313 = vector.shape_cast %get3A_312 : vector<16xi32> to vector<16xi32>
        %swap3A_314 = arith.constant 2 : i32
        %swap3A_315 = arith.index_cast %swap3A_314 : i32 to index
        %swap3A_316 = arith.constant 0 : index
        %swap3A_317 = tpu.vector_load %arg14[%swap3A_315, %swap3A_316] {strides = array<i32>} : memref<4x80xi32, #tpu.memory_space<vmem>>, vector<1x16xi32>,
        %swap3A_318 = vector.shape_cast %swap3A_317 : vector<1x16xi32> to vector<16xi32>
        %swap3A_319 = vector.shape_cast %get3A_313 : vector<16xi32> to vector<1x16xi32>
        tpu.vector_store %arg14[%swap3A_315, %swap3A_316], %swap3A_319 {strides = array<i32>} : memref<4x80xi32, #tpu.memory_space<vmem>>, vector<1x16xi32>,
        %get3A_320 = arith.constant 176 : index
        %get3A_321 = tpu.vector_load %arg13[%get3A_320] {strides = array<i32>} : memref<320xi32, #tpu.memory_space<vmem>>, vector<16xi32>,
        %get3A_322 = vector.shape_cast %get3A_321 : vector<16xi32> to vector<16xi32>
        %swap3A_323 = arith.constant 2 : i32
        %swap3A_324 = arith.index_cast %swap3A_323 : i32 to index
        %swap3A_325 = arith.constant 16 : index
        %swap3A_326 = tpu.vector_load %arg14[%swap3A_324, %swap3A_325] {strides = array<i32>} : memref<4x80xi32, #tpu.memory_space<vmem>>, vector<1x16xi32>,
        %swap3A_327 = vector.shape_cast %swap3A_326 : vector<1x16xi32> to vector<16xi32>
        %swap3A_328 = vector.shape_cast %get3A_322 : vector<16xi32> to vector<1x16xi32>
        tpu.vector_store %arg14[%swap3A_324, %swap3A_325], %swap3A_328 {strides = array<i32>} : memref<4x80xi32, #tpu.memory_space<vmem>>, vector<1x16xi32>,
        %get3A_329 = arith.constant 192 : index
        %get3A_330 = tpu.vector_load %arg13[%get3A_329] {strides = array<i32>} : memref<320xi32, #tpu.memory_space<vmem>>, vector<16xi32>,
        %get3A_331 = vector.shape_cast %get3A_330 : vector<16xi32> to vector<16xi32>
        %swap3A_332 = arith.constant 2 : i32
        %swap3A_333 = arith.index_cast %swap3A_332 : i32 to index
        %swap3A_334 = arith.constant 32 : index
        %swap3A_335 = tpu.vector_load %arg14[%swap3A_333, %swap3A_334] {strides = array<i32>} : memref<4x80xi32, #tpu.memory_space<vmem>>, vector<1x16xi32>,
        %swap3A_336 = vector.shape_cast %swap3A_335 : vector<1x16xi32> to vector<16xi32>
        %swap3A_337 = vector.shape_cast %get3A_331 : vector<16xi32> to vector<1x16xi32>
        tpu.vector_store %arg14[%swap3A_333, %swap3A_334], %swap3A_337 {strides = array<i32>} : memref<4x80xi32, #tpu.memory_space<vmem>>, vector<1x16xi32>,
        %get3A_338 = arith.constant 208 : index
        %get3A_339 = tpu.vector_load %arg13[%get3A_338] {strides = array<i32>} : memref<320xi32, #tpu.memory_space<vmem>>, vector<16xi32>,
        %get3A_340 = vector.shape_cast %get3A_339 : vector<16xi32> to vector<16xi32>
        %swap3A_341 = arith.constant 2 : i32
        %swap3A_342 = arith.index_cast %swap3A_341 : i32 to index
        %swap3A_343 = arith.constant 48 : index
        %swap3A_344 = tpu.vector_load %arg14[%swap3A_342, %swap3A_343] {strides = array<i32>} : memref<4x80xi32, #tpu.memory_space<vmem>>, vector<1x16xi32>,
        %swap3A_345 = vector.shape_cast %swap3A_344 : vector<1x16xi32> to vector<16xi32>
        %swap3A_346 = vector.shape_cast %get3A_340 : vector<16xi32> to vector<1x16xi32>
        tpu.vector_store %arg14[%swap3A_342, %swap3A_343], %swap3A_346 {strides = array<i32>} : memref<4x80xi32, #tpu.memory_space<vmem>>, vector<1x16xi32>,
        %get3A_347 = arith.constant 224 : index
        %get3A_348 = tpu.vector_load %arg13[%get3A_347] {strides = array<i32>} : memref<320xi32, #tpu.memory_space<vmem>>, vector<16xi32>,
        %get3A_349 = vector.shape_cast %get3A_348 : vector<16xi32> to vector<16xi32>
        %swap3A_350 = arith.constant 2 : i32
        %swap3A_351 = arith.index_cast %swap3A_350 : i32 to index
        %swap3A_352 = arith.constant 64 : index
        %swap3A_353 = tpu.vector_load %arg14[%swap3A_351, %swap3A_352] {strides = array<i32>} : memref<4x80xi32, #tpu.memory_space<vmem>>, vector<1x16xi32>,
        %swap3A_354 = vector.shape_cast %swap3A_353 : vector<1x16xi32> to vector<16xi32>
        %swap3A_355 = vector.shape_cast %get3A_349 : vector<16xi32> to vector<1x16xi32>
        tpu.vector_store %arg14[%swap3A_351, %swap3A_352], %swap3A_355 {strides = array<i32>} : memref<4x80xi32, #tpu.memory_space<vmem>>, vector<1x16xi32>,
        %dma_start3A_356 = arith.constant 2 : i32
        %dma_start3A_357 = arith.constant 2 : i32
        %dma_start3A_358 = arith.constant 2 : i32
        %dma_start3A_359 = arith.constant 0 : i32
        %dma_start3A_360 = arith.constant 0 : i32
        %dma_start3A_361 = tpu.memref_slice %arg15[%dma_start3A_356, %dma_start3A_359, %dma_start3A_360] : memref<4x80x128xf32, #tpu.memory_space<vmem>> -> memref<1x80x128xf32, #tpu.memory_space<vmem>>
        %dma_start3A_362 = tpu.memref_squeeze %dma_start3A_361 : memref<1x80x128xf32, #tpu.memory_space<vmem>> -> memref<80x128xf32, #tpu.memory_space<vmem>>
        %dma_start3A_363 = arith.constant 0 : i32
        %dma_start3A_364 = tpu.memref_slice %arg14[%dma_start3A_357, %dma_start3A_363] : memref<4x80xi32, #tpu.memory_space<vmem>> -> memref<1x80xi32, #tpu.memory_space<vmem>>
        %dma_start3A_365 = tpu.memref_squeeze %dma_start3A_364 : memref<1x80xi32, #tpu.memory_space<vmem>> -> memref<80xi32, #tpu.memory_space<vmem>>
        %dma_start3A_366 = arith.constant 0 : i32
        %dma_start3A_367 = arith.constant 0 : i32
        %dma_start3A_368 = tpu.memref_slice %arg18[%dma_start3A_366, %dma_start3A_367] : memref<10008x128xf32, #tpu.memory_space<vmem_shared>> -> memref<10008x128xf32, #tpu.memory_space<vmem_shared>>
        %dma_start3A_369 = tpu.memref_slice %arg21[%dma_start3A_358] : memref<4x!tpu.dma_semaphore, #tpu.memory_space<semaphore_mem>> -> memref<1x!tpu.dma_semaphore, #tpu.memory_space<semaphore_mem>>
        %dma_start3A_370 = tpu.memref_squeeze %dma_start3A_369 : memref<1x!tpu.dma_semaphore, #tpu.memory_space<semaphore_mem>> -> memref<!tpu.dma_semaphore, #tpu.memory_space<semaphore_mem>>
        tpu.enqueue_indirect_dma source(%dma_start3A_362 : memref<80x128xf32, #tpu.memory_space<vmem>>) target(%dma_start3A_368 : memref<10008x128xf32, #tpu.memory_space<vmem_shared>>) offsets(%dma_start3A_365 : memref<80xi32, #tpu.memory_space<vmem>>) semaphore(%dma_start3A_370 : memref<!tpu.dma_semaphore, #tpu.memory_space<semaphore_mem>>) {add = true}
        %dma_wait3A_371 = arith.constant 3 : i32
        %dma_wait3A_372 = arith.constant 3 : i32
        %dma_wait3A_373 = arith.constant 0 : i32
        %dma_wait3A_374 = arith.constant 0 : i32
        %dma_wait3A_375 = tpu.memref_slice %arg15[%dma_wait3A_371, %dma_wait3A_373, %dma_wait3A_374] : memref<4x80x128xf32, #tpu.memory_space<vmem>> -> memref<1x80x128xf32, #tpu.memory_space<vmem>>
        %dma_wait3A_376 = tpu.memref_squeeze %dma_wait3A_375 : memref<1x80x128xf32, #tpu.memory_space<vmem>> -> memref<80x128xf32, #tpu.memory_space<vmem>>
        %dma_wait3A_377 = arith.constant 240 : i32
        %dma_wait3A_378 = tpu.memref_slice %arg12[%dma_wait3A_377] : memref<320xi32, #tpu.memory_space<vmem>> -> memref<80xi32, #tpu.memory_space<vmem>>
        %dma_wait3A_379 = arith.constant 0 : i32
        %dma_wait3A_380 = arith.constant 0 : i32
        %dma_wait3A_381 = tpu.memref_slice %arg3[%dma_wait3A_379, %dma_wait3A_380] : memref<10000x128xf32, #tpu.memory_space<hbm>> -> memref<10000x128xf32, #tpu.memory_space<hbm>>
        %dma_wait3A_382 = tpu.memref_slice %arg20[%dma_wait3A_372] : memref<4x!tpu.dma_semaphore, #tpu.memory_space<semaphore_mem>> -> memref<1x!tpu.dma_semaphore, #tpu.memory_space<semaphore_mem>>
        %dma_wait3A_383 = tpu.memref_squeeze %dma_wait3A_382 : memref<1x!tpu.dma_semaphore, #tpu.memory_space<semaphore_mem>> -> memref<!tpu.dma_semaphore, #tpu.memory_space<semaphore_mem>>
        tpu.wait_indirect_dma semaphore(%dma_wait3A_383 : memref<!tpu.dma_semaphore, #tpu.memory_space<semaphore_mem>>) src(%dma_wait3A_381 : memref<10000x128xf32, #tpu.memory_space<hbm>>) dst(%dma_wait3A_376 : memref<80x128xf32, #tpu.memory_space<vmem>>)
        %get3A_384 = arith.constant 240 : index
        %get3A_385 = tpu.vector_load %arg13[%get3A_384] {strides = array<i32>} : memref<320xi32, #tpu.memory_space<vmem>>, vector<16xi32>,
        %get3A_386 = vector.shape_cast %get3A_385 : vector<16xi32> to vector<16xi32>
        %swap3A_387 = arith.constant 3 : i32
        %swap3A_388 = arith.index_cast %swap3A_387 : i32 to index
        %swap3A_389 = arith.constant 0 : index
        %swap3A_390 = tpu.vector_load %arg14[%swap3A_388, %swap3A_389] {strides = array<i32>} : memref<4x80xi32, #tpu.memory_space<vmem>>, vector<1x16xi32>,
        %swap3A_391 = vector.shape_cast %swap3A_390 : vector<1x16xi32> to vector<16xi32>
        %swap3A_392 = vector.shape_cast %get3A_386 : vector<16xi32> to vector<1x16xi32>
        tpu.vector_store %arg14[%swap3A_388, %swap3A_389], %swap3A_392 {strides = array<i32>} : memref<4x80xi32, #tpu.memory_space<vmem>>, vector<1x16xi32>,
        %get3A_393 = arith.constant 256 : index
        %get3A_394 = tpu.vector_load %arg13[%get3A_393] {strides = array<i32>} : memref<320xi32, #tpu.memory_space<vmem>>, vector<16xi32>,
        %get3A_395 = vector.shape_cast %get3A_394 : vector<16xi32> to vector<16xi32>
        %swap3A_396 = arith.constant 3 : i32
        %swap3A_397 = arith.index_cast %swap3A_396 : i32 to index
        %swap3A_398 = arith.constant 16 : index
        %swap3A_399 = tpu.vector_load %arg14[%swap3A_397, %swap3A_398] {strides = array<i32>} : memref<4x80xi32, #tpu.memory_space<vmem>>, vector<1x16xi32>,
        %swap3A_400 = vector.shape_cast %swap3A_399 : vector<1x16xi32> to vector<16xi32>
        %swap3A_401 = vector.shape_cast %get3A_395 : vector<16xi32> to vector<1x16xi32>
        tpu.vector_store %arg14[%swap3A_397, %swap3A_398], %swap3A_401 {strides = array<i32>} : memref<4x80xi32, #tpu.memory_space<vmem>>, vector<1x16xi32>,
        %get3A_402 = arith.constant 272 : index
        %get3A_403 = tpu.vector_load %arg13[%get3A_402] {strides = array<i32>} : memref<320xi32, #tpu.memory_space<vmem>>, vector<16xi32>,
        %get3A_404 = vector.shape_cast %get3A_403 : vector<16xi32> to vector<16xi32>
        %swap3A_405 = arith.constant 3 : i32
        %swap3A_406 = arith.index_cast %swap3A_405 : i32 to index
        %swap3A_407 = arith.constant 32 : index
        %swap3A_408 = tpu.vector_load %arg14[%swap3A_406, %swap3A_407] {strides = array<i32>} : memref<4x80xi32, #tpu.memory_space<vmem>>, vector<1x16xi32>,
        %swap3A_409 = vector.shape_cast %swap3A_408 : vector<1x16xi32> to vector<16xi32>
        %swap3A_410 = vector.shape_cast %get3A_404 : vector<16xi32> to vector<1x16xi32>
        tpu.vector_store %arg14[%swap3A_406, %swap3A_407], %swap3A_410 {strides = array<i32>} : memref<4x80xi32, #tpu.memory_space<vmem>>, vector<1x16xi32>,
        %get3A_411 = arith.constant 288 : index
        %get3A_412 = tpu.vector_load %arg13[%get3A_411] {strides = array<i32>} : memref<320xi32, #tpu.memory_space<vmem>>, vector<16xi32>,
        %get3A_413 = vector.shape_cast %get3A_412 : vector<16xi32> to vector<16xi32>
        %swap3A_414 = arith.constant 3 : i32
        %swap3A_415 = arith.index_cast %swap3A_414 : i32 to index
        %swap3A_416 = arith.constant 48 : index
        %swap3A_417 = tpu.vector_load %arg14[%swap3A_415, %swap3A_416] {strides = array<i32>} : memref<4x80xi32, #tpu.memory_space<vmem>>, vector<1x16xi32>,
        %swap3A_418 = vector.shape_cast %swap3A_417 : vector<1x16xi32> to vector<16xi32>
        %swap3A_419 = vector.shape_cast %get3A_413 : vector<16xi32> to vector<1x16xi32>
        tpu.vector_store %arg14[%swap3A_415, %swap3A_416], %swap3A_419 {strides = array<i32>} : memref<4x80xi32, #tpu.memory_space<vmem>>, vector<1x16xi32>,
        %get3A_420 = arith.constant 304 : index
        %get3A_421 = tpu.vector_load %arg13[%get3A_420] {strides = array<i32>} : memref<320xi32, #tpu.memory_space<vmem>>, vector<16xi32>,
        %get3A_422 = vector.shape_cast %get3A_421 : vector<16xi32> to vector<16xi32>
        %swap3A_423 = arith.constant 3 : i32
        %swap3A_424 = arith.index_cast %swap3A_423 : i32 to index
        %swap3A_425 = arith.constant 64 : index
        %swap3A_426 = tpu.vector_load %arg14[%swap3A_424, %swap3A_425] {strides = array<i32>} : memref<4x80xi32, #tpu.memory_space<vmem>>, vector<1x16xi32>,
        %swap3A_427 = vector.shape_cast %swap3A_426 : vector<1x16xi32> to vector<16xi32>
        %swap3A_428 = vector.shape_cast %get3A_422 : vector<16xi32> to vector<1x16xi32>
        tpu.vector_store %arg14[%swap3A_424, %swap3A_425], %swap3A_428 {strides = array<i32>} : memref<4x80xi32, #tpu.memory_space<vmem>>, vector<1x16xi32>,
        %dma_start3A_429 = arith.constant 3 : i32
        %dma_start3A_430 = arith.constant 3 : i32
        %dma_start3A_431 = arith.constant 3 : i32
        %dma_start3A_432 = arith.constant 0 : i32
        %dma_start3A_433 = arith.constant 0 : i32
        %dma_start3A_434 = tpu.memref_slice %arg15[%dma_start3A_429, %dma_start3A_432, %dma_start3A_433] : memref<4x80x128xf32, #tpu.memory_space<vmem>> -> memref<1x80x128xf32, #tpu.memory_space<vmem>>
        %dma_start3A_435 = tpu.memref_squeeze %dma_start3A_434 : memref<1x80x128xf32, #tpu.memory_space<vmem>> -> memref<80x128xf32, #tpu.memory_space<vmem>>
        %dma_start3A_436 = arith.constant 0 : i32
        %dma_start3A_437 = tpu.memref_slice %arg14[%dma_start3A_430, %dma_start3A_436] : memref<4x80xi32, #tpu.memory_space<vmem>> -> memref<1x80xi32, #tpu.memory_space<vmem>>
        %dma_start3A_438 = tpu.memref_squeeze %dma_start3A_437 : memref<1x80xi32, #tpu.memory_space<vmem>> -> memref<80xi32, #tpu.memory_space<vmem>>
        %dma_start3A_439 = arith.constant 0 : i32
        %dma_start3A_440 = arith.constant 0 : i32
        %dma_start3A_441 = tpu.memref_slice %arg18[%dma_start3A_439, %dma_start3A_440] : memref<10008x128xf32, #tpu.memory_space<vmem_shared>> -> memref<10008x128xf32, #tpu.memory_space<vmem_shared>>
        %dma_start3A_442 = tpu.memref_slice %arg21[%dma_start3A_431] : memref<4x!tpu.dma_semaphore, #tpu.memory_space<semaphore_mem>> -> memref<1x!tpu.dma_semaphore, #tpu.memory_space<semaphore_mem>>
        %dma_start3A_443 = tpu.memref_squeeze %dma_start3A_442 : memref<1x!tpu.dma_semaphore, #tpu.memory_space<semaphore_mem>> -> memref<!tpu.dma_semaphore, #tpu.memory_space<semaphore_mem>>
        tpu.enqueue_indirect_dma source(%dma_start3A_435 : memref<80x128xf32, #tpu.memory_space<vmem>>) target(%dma_start3A_441 : memref<10008x128xf32, #tpu.memory_space<vmem_shared>>) offsets(%dma_start3A_438 : memref<80xi32, #tpu.memory_space<vmem>>) semaphore(%dma_start3A_443 : memref<!tpu.dma_semaphore, #tpu.memory_space<semaphore_mem>>) {add = true}
      }
      %scan3A_33 = arith.constant 65 : i32
      %dma_wait3A = arith.constant 0 : i32
      %dma_wait3A_34 = arith.constant 0 : i32
      %dma_wait3A_35 = arith.constant 0 : i32
      %dma_wait3A_36 = arith.constant 0 : i32
      %dma_wait3A_37 = arith.constant 0 : i32
      %dma_wait3A_38 = tpu.memref_slice %arg15[%dma_wait3A, %dma_wait3A_36, %dma_wait3A_37] : memref<4x80x128xf32, #tpu.memory_space<vmem>> -> memref<1x80x128xf32, #tpu.memory_space<vmem>>
      %dma_wait3A_39 = tpu.memref_squeeze %dma_wait3A_38 : memref<1x80x128xf32, #tpu.memory_space<vmem>> -> memref<80x128xf32, #tpu.memory_space<vmem>>
      %dma_wait3A_40 = arith.constant 0 : i32
      %dma_wait3A_41 = tpu.memref_slice %arg14[%dma_wait3A_34, %dma_wait3A_40] : memref<4x80xi32, #tpu.memory_space<vmem>> -> memref<1x80xi32, #tpu.memory_space<vmem>>
      %dma_wait3A_42 = tpu.memref_squeeze %dma_wait3A_41 : memref<1x80xi32, #tpu.memory_space<vmem>> -> memref<80xi32, #tpu.memory_space<vmem>>
      %dma_wait3A_43 = arith.constant 0 : i32
      %dma_wait3A_44 = arith.constant 0 : i32
      %dma_wait3A_45 = tpu.memref_slice %arg18[%dma_wait3A_43, %dma_wait3A_44] : memref<10008x128xf32, #tpu.memory_space<vmem_shared>> -> memref<10008x128xf32, #tpu.memory_space<vmem_shared>>
      %dma_wait3A_46 = tpu.memref_slice %arg21[%dma_wait3A_35] : memref<4x!tpu.dma_semaphore, #tpu.memory_space<semaphore_mem>> -> memref<1x!tpu.dma_semaphore, #tpu.memory_space<semaphore_mem>>
      %dma_wait3A_47 = tpu.memref_squeeze %dma_wait3A_46 : memref<1x!tpu.dma_semaphore, #tpu.memory_space<semaphore_mem>> -> memref<!tpu.dma_semaphore, #tpu.memory_space<semaphore_mem>>
      tpu.wait_indirect_dma semaphore(%dma_wait3A_47 : memref<!tpu.dma_semaphore, #tpu.memory_space<semaphore_mem>>) src(%dma_wait3A_39 : memref<80x128xf32, #tpu.memory_space<vmem>>) dst(%dma_wait3A_45 : memref<10008x128xf32, #tpu.memory_space<vmem_shared>>)
      %dma_wait3A_48 = arith.constant 1 : i32
      %dma_wait3A_49 = arith.constant 1 : i32
      %dma_wait3A_50 = arith.constant 1 : i32
      %dma_wait3A_51 = arith.constant 0 : i32
      %dma_wait3A_52 = arith.constant 0 : i32
      %dma_wait3A_53 = tpu.memref_slice %arg15[%dma_wait3A_48, %dma_wait3A_51, %dma_wait3A_52] : memref<4x80x128xf32, #tpu.memory_space<vmem>> -> memref<1x80x128xf32, #tpu.memory_space<vmem>>
      %dma_wait3A_54 = tpu.memref_squeeze %dma_wait3A_53 : memref<1x80x128xf32, #tpu.memory_space<vmem>> -> memref<80x128xf32, #tpu.memory_space<vmem>>
      %dma_wait3A_55 = arith.constant 0 : i32
      %dma_wait3A_56 = tpu.memref_slice %arg14[%dma_wait3A_49, %dma_wait3A_55] : memref<4x80xi32, #tpu.memory_space<vmem>> -> memref<1x80xi32, #tpu.memory_space<vmem>>
      %dma_wait3A_57 = tpu.memref_squeeze %dma_wait3A_56 : memref<1x80xi32, #tpu.memory_space<vmem>> -> memref<80xi32, #tpu.memory_space<vmem>>
      %dma_wait3A_58 = arith.constant 0 : i32
      %dma_wait3A_59 = arith.constant 0 : i32
      %dma_wait3A_60 = tpu.memref_slice %arg18[%dma_wait3A_58, %dma_wait3A_59] : memref<10008x128xf32, #tpu.memory_space<vmem_shared>> -> memref<10008x128xf32, #tpu.memory_space<vmem_shared>>
      %dma_wait3A_61 = tpu.memref_slice %arg21[%dma_wait3A_50] : memref<4x!tpu.dma_semaphore, #tpu.memory_space<semaphore_mem>> -> memref<1x!tpu.dma_semaphore, #tpu.memory_space<semaphore_mem>>
      %dma_wait3A_62 = tpu.memref_squeeze %dma_wait3A_61 : memref<1x!tpu.dma_semaphore, #tpu.memory_space<semaphore_mem>> -> memref<!tpu.dma_semaphore, #tpu.memory_space<semaphore_mem>>
      tpu.wait_indirect_dma semaphore(%dma_wait3A_62 : memref<!tpu.dma_semaphore, #tpu.memory_space<semaphore_mem>>) src(%dma_wait3A_54 : memref<80x128xf32, #tpu.memory_space<vmem>>) dst(%dma_wait3A_60 : memref<10008x128xf32, #tpu.memory_space<vmem_shared>>)
      %dma_wait3A_63 = arith.constant 2 : i32
      %dma_wait3A_64 = arith.constant 2 : i32
      %dma_wait3A_65 = arith.constant 2 : i32
      %dma_wait3A_66 = arith.constant 0 : i32
      %dma_wait3A_67 = arith.constant 0 : i32
      %dma_wait3A_68 = tpu.memref_slice %arg15[%dma_wait3A_63, %dma_wait3A_66, %dma_wait3A_67] : memref<4x80x128xf32, #tpu.memory_space<vmem>> -> memref<1x80x128xf32, #tpu.memory_space<vmem>>
      %dma_wait3A_69 = tpu.memref_squeeze %dma_wait3A_68 : memref<1x80x128xf32, #tpu.memory_space<vmem>> -> memref<80x128xf32, #tpu.memory_space<vmem>>
      %dma_wait3A_70 = arith.constant 0 : i32
      %dma_wait3A_71 = tpu.memref_slice %arg14[%dma_wait3A_64, %dma_wait3A_70] : memref<4x80xi32, #tpu.memory_space<vmem>> -> memref<1x80xi32, #tpu.memory_space<vmem>>
      %dma_wait3A_72 = tpu.memref_squeeze %dma_wait3A_71 : memref<1x80xi32, #tpu.memory_space<vmem>> -> memref<80xi32, #tpu.memory_space<vmem>>
      %dma_wait3A_73 = arith.constant 0 : i32
      %dma_wait3A_74 = arith.constant 0 : i32
      %dma_wait3A_75 = tpu.memref_slice %arg18[%dma_wait3A_73, %dma_wait3A_74] : memref<10008x128xf32, #tpu.memory_space<vmem_shared>> -> memref<10008x128xf32, #tpu.memory_space<vmem_shared>>
      %dma_wait3A_76 = tpu.memref_slice %arg21[%dma_wait3A_65] : memref<4x!tpu.dma_semaphore, #tpu.memory_space<semaphore_mem>> -> memref<1x!tpu.dma_semaphore, #tpu.memory_space<semaphore_mem>>
      %dma_wait3A_77 = tpu.memref_squeeze %dma_wait3A_76 : memref<1x!tpu.dma_semaphore, #tpu.memory_space<semaphore_mem>> -> memref<!tpu.dma_semaphore, #tpu.memory_space<semaphore_mem>>
      tpu.wait_indirect_dma semaphore(%dma_wait3A_77 : memref<!tpu.dma_semaphore, #tpu.memory_space<semaphore_mem>>) src(%dma_wait3A_69 : memref<80x128xf32, #tpu.memory_space<vmem>>) dst(%dma_wait3A_75 : memref<10008x128xf32, #tpu.memory_space<vmem_shared>>)
      %dma_wait3A_78 = arith.constant 3 : i32
      %dma_wait3A_79 = arith.constant 3 : i32
      %dma_wait3A_80 = arith.constant 3 : i32
      %dma_wait3A_81 = arith.constant 0 : i32
      %dma_wait3A_82 = arith.constant 0 : i32
      %dma_wait3A_83 = tpu.memref_slice %arg15[%dma_wait3A_78, %dma_wait3A_81, %dma_wait3A_82] : memref<4x80x128xf32, #tpu.memory_space<vmem>> -> memref<1x80x128xf32, #tpu.memory_space<vmem>>
      %dma_wait3A_84 = tpu.memref_squeeze %dma_wait3A_83 : memref<1x80x128xf32, #tpu.memory_space<vmem>> -> memref<80x128xf32, #tpu.memory_space<vmem>>
      %dma_wait3A_85 = arith.constant 0 : i32
      %dma_wait3A_86 = tpu.memref_slice %arg14[%dma_wait3A_79, %dma_wait3A_85] : memref<4x80xi32, #tpu.memory_space<vmem>> -> memref<1x80xi32, #tpu.memory_space<vmem>>
      %dma_wait3A_87 = tpu.memref_squeeze %dma_wait3A_86 : memref<1x80xi32, #tpu.memory_space<vmem>> -> memref<80xi32, #tpu.memory_space<vmem>>
      %dma_wait3A_88 = arith.constant 0 : i32
      %dma_wait3A_89 = arith.constant 0 : i32
      %dma_wait3A_90 = tpu.memref_slice %arg18[%dma_wait3A_88, %dma_wait3A_89] : memref<10008x128xf32, #tpu.memory_space<vmem_shared>> -> memref<10008x128xf32, #tpu.memory_space<vmem_shared>>
      %dma_wait3A_91 = tpu.memref_slice %arg21[%dma_wait3A_80] : memref<4x!tpu.dma_semaphore, #tpu.memory_space<semaphore_mem>> -> memref<1x!tpu.dma_semaphore, #tpu.memory_space<semaphore_mem>>
      %dma_wait3A_92 = tpu.memref_squeeze %dma_wait3A_91 : memref<1x!tpu.dma_semaphore, #tpu.memory_space<semaphore_mem>> -> memref<!tpu.dma_semaphore, #tpu.memory_space<semaphore_mem>>
      tpu.wait_indirect_dma semaphore(%dma_wait3A_92 : memref<!tpu.dma_semaphore, #tpu.memory_space<semaphore_mem>>) src(%dma_wait3A_84 : memref<80x128xf32, #tpu.memory_space<vmem>>) dst(%dma_wait3A_90 : memref<10008x128xf32, #tpu.memory_space<vmem_shared>>)
    } else {
    }
    %barrier3A_17 = arith.constant 0 : index
    tpu.barrier barrier_id(%barrier3A_17)
    %mul3A_18 = arith.constant 10000 : i32
    %mul3A_19 = arith.muli %arg0, %mul3A_18 : i32
    %mul3A_20 = arith.constant 624 : i32
    %mul3A_21 = arith.muli %arg1, %mul3A_20 : i32
    %mul3A_22 = arith.constant 624 : i32
    %mul3A_23 = arith.muli %arg1, %mul3A_22 : i32
    %add3A = arith.addi %mul3A_19, %mul3A_23 : i32
    "tpu.region"() ({
      %run_scoped3A = tpu.sem_alloc : memref<!tpu.dma_semaphore, #tpu.memory_space<semaphore_mem>>
      %dma_start3A = arith.constant 0 : i32
      %dma_start3A_29 = tpu.memref_slice %arg10[%add3A, %dma_start3A] : memref<20000x128xf32, #tpu.memory_space<hbm>> -> memref<624x128xf32, #tpu.memory_space<hbm>>
      %dma_start3A_30 = arith.constant 0 : i32
      %dma_start3A_31 = tpu.memref_slice %arg18[%mul3A_21, %dma_start3A_30] : memref<10008x128xf32, #tpu.memory_space<vmem_shared>> -> memref<624x128xf32, #tpu.memory_space<vmem_shared>>
      tpu.enqueue_dma source(%dma_start3A_31 : memref<624x128xf32, #tpu.memory_space<vmem_shared>>) target(%dma_start3A_29 : memref<624x128xf32, #tpu.memory_space<hbm>>) target_semaphore(%run_scoped3A : memref<!tpu.dma_semaphore, #tpu.memory_space<semaphore_mem>>)
      %dma_wait3A = arith.constant 0 : i32
      %dma_wait3A_32 = tpu.memref_slice %arg10[%add3A, %dma_wait3A] : memref<20000x128xf32, #tpu.memory_space<hbm>> -> memref<624x128xf32, #tpu.memory_space<hbm>>
      %dma_wait3A_33 = arith.constant 0 : i32
      %dma_wait3A_34 = tpu.memref_slice %arg18[%mul3A_21, %dma_wait3A_33] : memref<10008x128xf32, #tpu.memory_space<vmem_shared>> -> memref<624x128xf32, #tpu.memory_space<vmem_shared>>
      tpu.wait_dma2 semaphore(%run_scoped3A : memref<!tpu.dma_semaphore, #tpu.memory_space<semaphore_mem>>) src(%dma_wait3A_34 : memref<624x128xf32, #tpu.memory_space<vmem_shared>>) dst(%dma_wait3A_32 : memref<624x128xf32, #tpu.memory_space<hbm>>)
      tpu.yield
    }) : () -> ()
    %eq3A_24 = arith.constant 0 : i32
    %eq3A_25 = arith.cmpi eq, %arg1, %eq3A_24 : i32
    %convert_element_type3A_26 = arith.extui %eq3A_25 : i1 to i32
    %cond3A_27 = arith.constant 0 : i32
    %cond3A_28 = arith.cmpi ne, %convert_element_type3A_26, %cond3A_27 : i32
    scf.if %cond3A_28 {
      %add3A_29 = arith.constant 9984 : i32
      %add3A_30 = arith.addi %mul3A_19, %add3A_29 : i32
      "tpu.region"() ({
        %run_scoped3A = tpu.sem_alloc : memref<!tpu.dma_semaphore, #tpu.memory_space<semaphore_mem>>
        %dma_start3A = arith.constant 0 : i32
        %dma_start3A_31 = tpu.memref_slice %arg10[%add3A_30, %dma_start3A] : memref<20000x128xf32, #tpu.memory_space<hbm>> -> memref<16x128xf32, #tpu.memory_space<hbm>>
        %dma_start3A_32 = arith.constant 9984 : i32
        %dma_start3A_33 = arith.constant 0 : i32
        %dma_start3A_34 = tpu.memref_slice %arg18[%dma_start3A_32, %dma_start3A_33] : memref<10008x128xf32, #tpu.memory_space<vmem_shared>> -> memref<16x128xf32, #tpu.memory_space<vmem_shared>>
        tpu.enqueue_dma source(%dma_start3A_34 : memref<16x128xf32, #tpu.memory_space<vmem_shared>>) target(%dma_start3A_31 : memref<16x128xf32, #tpu.memory_space<hbm>>) target_semaphore(%run_scoped3A : memref<!tpu.dma_semaphore, #tpu.memory_space<semaphore_mem>>)
        %dma_wait3A = arith.constant 0 : i32
        %dma_wait3A_35 = tpu.memref_slice %arg10[%add3A_30, %dma_wait3A] : memref<20000x128xf32, #tpu.memory_space<hbm>> -> memref<16x128xf32, #tpu.memory_space<hbm>>
        %dma_wait3A_36 = arith.constant 9984 : i32
        %dma_wait3A_37 = arith.constant 0 : i32
        %dma_wait3A_38 = tpu.memref_slice %arg18[%dma_wait3A_36, %dma_wait3A_37] : memref<10008x128xf32, #tpu.memory_space<vmem_shared>> -> memref<16x128xf32, #tpu.memory_space<vmem_shared>>
        tpu.wait_dma2 semaphore(%run_scoped3A : memref<!tpu.dma_semaphore, #tpu.memory_space<semaphore_mem>>) src(%dma_wait3A_38 : memref<16x128xf32, #tpu.memory_space<vmem_shared>>) dst(%dma_wait3A_35 : memref<16x128xf32, #tpu.memory_space<hbm>>)
        tpu.yield
      }) : () -> ()
    } else {
    }
    return
  }
}

#map = affine_map<(d0, d1) -> (0)>
module attributes {stable_mosaic.version = 14 : i64} {
  func.func @_pair_gather(%arg0: i32, %arg1: i32, %arg2: memref<20000xf32, #tpu.memory_space<hbm>>, %arg3: memref<32768xi32, #tpu.memory_space<hbm>>, %arg4: memref<32768xi32, #tpu.memory_space<hbm>>, %arg5: memref<32768xf32, #tpu.memory_space<hbm>>, %arg6: memref<1024xi32, #tpu.memory_space<vmem>>, %arg7: memref<1024xi32, #tpu.memory_space<vmem>>, %arg8: memref<1024xf32, #tpu.memory_space<vmem>>, %arg9: memref<1024xf32, #tpu.memory_space<vmem>>, %arg10: memref<20000xf32, #tpu.memory_space<vmem_shared>>) attributes {dimension_semantics = [#tpu.dimension_semantics<core_parallel>, #tpu.dimension_semantics<subcore_parallel>], iteration_bounds = array<i64: 2, 16>, scalar_prefetch = 0 : i64, scratch_operands = 5 : i64, tpu.core_type = #tpu.core_type<sc_vector_subcore>, window_params = [{transform_indices = #map}, {transform_indices = #map}, {transform_indices = #map}, {transform_indices = #map}]} {
    %mul3A = arith.constant 2 : i32
    %mul3A_0 = arith.muli %arg1, %mul3A : i32
    %add3A = arith.addi %mul3A_0, %arg0 : i32
    %mul3A_1 = arith.constant 1024 : i32
    %mul3A_2 = arith.muli %add3A, %mul3A_1 : i32
    %eq3A = arith.constant 0 : i32
    %eq3A_3 = arith.cmpi eq, %arg1, %eq3A : i32
    %convert_element_type3A = arith.extui %eq3A_3 : i1 to i32
    %cond3A = arith.constant 0 : i32
    %cond3A_4 = arith.cmpi ne, %convert_element_type3A, %cond3A : i32
    scf.if %cond3A_4 {
      "tpu.region"() ({
        %run_scoped3A = tpu.sem_alloc : memref<!tpu.dma_semaphore, #tpu.memory_space<semaphore_mem>>
        tpu.enqueue_dma source(%arg2 : memref<20000xf32, #tpu.memory_space<hbm>>) target(%arg10 : memref<20000xf32, #tpu.memory_space<vmem_shared>>) target_semaphore(%run_scoped3A : memref<!tpu.dma_semaphore, #tpu.memory_space<semaphore_mem>>)
        tpu.wait_dma2 semaphore(%run_scoped3A : memref<!tpu.dma_semaphore, #tpu.memory_space<semaphore_mem>>) src(%arg2 : memref<20000xf32, #tpu.memory_space<hbm>>) dst(%arg10 : memref<20000xf32, #tpu.memory_space<vmem_shared>>)
        tpu.yield
      }) : () -> ()
    } else {
    }
    "tpu.region"() ({
      %run_scoped3A = tpu.sem_alloc : memref<!tpu.dma_semaphore, #tpu.memory_space<semaphore_mem>>
      %dma_start3A = tpu.memref_slice %arg3[%mul3A_2] : memref<32768xi32, #tpu.memory_space<hbm>> -> memref<1024xi32, #tpu.memory_space<hbm>>
      %dma_start3A_10 = tpu.memref_slice %arg3[%mul3A_2] : memref<32768xi32, #tpu.memory_space<hbm>> -> memref<1024xi32, #tpu.memory_space<hbm>>
      tpu.enqueue_dma source(%dma_start3A_10 : memref<1024xi32, #tpu.memory_space<hbm>>) target(%arg6 : memref<1024xi32, #tpu.memory_space<vmem>>) target_semaphore(%run_scoped3A : memref<!tpu.dma_semaphore, #tpu.memory_space<semaphore_mem>>)
      %dma_wait3A = tpu.memref_slice %arg3[%mul3A_2] : memref<32768xi32, #tpu.memory_space<hbm>> -> memref<1024xi32, #tpu.memory_space<hbm>>
      %dma_wait3A_11 = tpu.memref_slice %arg3[%mul3A_2] : memref<32768xi32, #tpu.memory_space<hbm>> -> memref<1024xi32, #tpu.memory_space<hbm>>
      tpu.wait_dma2 semaphore(%run_scoped3A : memref<!tpu.dma_semaphore, #tpu.memory_space<semaphore_mem>>) src(%dma_wait3A_11 : memref<1024xi32, #tpu.memory_space<hbm>>) dst(%arg6 : memref<1024xi32, #tpu.memory_space<vmem>>)
      tpu.yield
    }) : () -> ()
    "tpu.region"() ({
      %run_scoped3A = tpu.sem_alloc : memref<!tpu.dma_semaphore, #tpu.memory_space<semaphore_mem>>
      %dma_start3A = tpu.memref_slice %arg4[%mul3A_2] : memref<32768xi32, #tpu.memory_space<hbm>> -> memref<1024xi32, #tpu.memory_space<hbm>>
      %dma_start3A_10 = tpu.memref_slice %arg4[%mul3A_2] : memref<32768xi32, #tpu.memory_space<hbm>> -> memref<1024xi32, #tpu.memory_space<hbm>>
      tpu.enqueue_dma source(%dma_start3A_10 : memref<1024xi32, #tpu.memory_space<hbm>>) target(%arg7 : memref<1024xi32, #tpu.memory_space<vmem>>) target_semaphore(%run_scoped3A : memref<!tpu.dma_semaphore, #tpu.memory_space<semaphore_mem>>)
      %dma_wait3A = tpu.memref_slice %arg4[%mul3A_2] : memref<32768xi32, #tpu.memory_space<hbm>> -> memref<1024xi32, #tpu.memory_space<hbm>>
      %dma_wait3A_11 = tpu.memref_slice %arg4[%mul3A_2] : memref<32768xi32, #tpu.memory_space<hbm>> -> memref<1024xi32, #tpu.memory_space<hbm>>
      tpu.wait_dma2 semaphore(%run_scoped3A : memref<!tpu.dma_semaphore, #tpu.memory_space<semaphore_mem>>) src(%dma_wait3A_11 : memref<1024xi32, #tpu.memory_space<hbm>>) dst(%arg7 : memref<1024xi32, #tpu.memory_space<vmem>>)
      tpu.yield
    }) : () -> ()
    %barrier3A = arith.constant 0 : index
    tpu.barrier barrier_id(%barrier3A)
    "tpu.region"() ({
      %run_scoped3A = tpu.sem_alloc : memref<!tpu.dma_semaphore, #tpu.memory_space<semaphore_mem>>
      %dma_start3A = arith.constant 0 : i32
      %dma_start3A_10 = tpu.memref_slice %arg8[%dma_start3A] : memref<1024xf32, #tpu.memory_space<vmem>> -> memref<128xf32, #tpu.memory_space<vmem>>
      %dma_start3A_11 = arith.constant 0 : i32
      %dma_start3A_12 = tpu.memref_slice %arg6[%dma_start3A_11] : memref<1024xi32, #tpu.memory_space<vmem>> -> memref<128xi32, #tpu.memory_space<vmem>>
      %dma_start3A_13 = arith.constant 0 : i32
      %dma_start3A_14 = tpu.memref_slice %arg10[%dma_start3A_13] : memref<20000xf32, #tpu.memory_space<vmem_shared>> -> memref<20000xf32, #tpu.memory_space<vmem_shared>>
      tpu.enqueue_indirect_dma source(%dma_start3A_14 : memref<20000xf32, #tpu.memory_space<vmem_shared>>) target(%dma_start3A_10 : memref<128xf32, #tpu.memory_space<vmem>>) offsets(%dma_start3A_12 : memref<128xi32, #tpu.memory_space<vmem>>) semaphore(%run_scoped3A : memref<!tpu.dma_semaphore, #tpu.memory_space<semaphore_mem>>)
      %dma_wait3A = arith.constant 0 : i32
      %dma_wait3A_15 = tpu.memref_slice %arg8[%dma_wait3A] : memref<1024xf32, #tpu.memory_space<vmem>> -> memref<128xf32, #tpu.memory_space<vmem>>
      %dma_wait3A_16 = arith.constant 0 : i32
      %dma_wait3A_17 = tpu.memref_slice %arg6[%dma_wait3A_16] : memref<1024xi32, #tpu.memory_space<vmem>> -> memref<128xi32, #tpu.memory_space<vmem>>
      %dma_wait3A_18 = arith.constant 0 : i32
      %dma_wait3A_19 = tpu.memref_slice %arg10[%dma_wait3A_18] : memref<20000xf32, #tpu.memory_space<vmem_shared>> -> memref<20000xf32, #tpu.memory_space<vmem_shared>>
      tpu.wait_indirect_dma semaphore(%run_scoped3A : memref<!tpu.dma_semaphore, #tpu.memory_space<semaphore_mem>>) src(%dma_wait3A_19 : memref<20000xf32, #tpu.memory_space<vmem_shared>>) dst(%dma_wait3A_15 : memref<128xf32, #tpu.memory_space<vmem>>)
      tpu.yield
    }) : () -> ()
    "tpu.region"() ({
      %run_scoped3A = tpu.sem_alloc : memref<!tpu.dma_semaphore, #tpu.memory_space<semaphore_mem>>
      %dma_start3A = arith.constant 0 : i32
      %dma_start3A_10 = tpu.memref_slice %arg9[%dma_start3A] : memref<1024xf32, #tpu.memory_space<vmem>> -> memref<128xf32, #tpu.memory_space<vmem>>
      %dma_start3A_11 = arith.constant 0 : i32
      %dma_start3A_12 = tpu.memref_slice %arg7[%dma_start3A_11] : memref<1024xi32, #tpu.memory_space<vmem>> -> memref<128xi32, #tpu.memory_space<vmem>>
      %dma_start3A_13 = arith.constant 0 : i32
      %dma_start3A_14 = tpu.memref_slice %arg10[%dma_start3A_13] : memref<20000xf32, #tpu.memory_space<vmem_shared>> -> memref<20000xf32, #tpu.memory_space<vmem_shared>>
      tpu.enqueue_indirect_dma source(%dma_start3A_14 : memref<20000xf32, #tpu.memory_space<vmem_shared>>) target(%dma_start3A_10 : memref<128xf32, #tpu.memory_space<vmem>>) offsets(%dma_start3A_12 : memref<128xi32, #tpu.memory_space<vmem>>) semaphore(%run_scoped3A : memref<!tpu.dma_semaphore, #tpu.memory_space<semaphore_mem>>)
      %dma_wait3A = arith.constant 0 : i32
      %dma_wait3A_15 = tpu.memref_slice %arg9[%dma_wait3A] : memref<1024xf32, #tpu.memory_space<vmem>> -> memref<128xf32, #tpu.memory_space<vmem>>
      %dma_wait3A_16 = arith.constant 0 : i32
      %dma_wait3A_17 = tpu.memref_slice %arg7[%dma_wait3A_16] : memref<1024xi32, #tpu.memory_space<vmem>> -> memref<128xi32, #tpu.memory_space<vmem>>
      %dma_wait3A_18 = arith.constant 0 : i32
      %dma_wait3A_19 = tpu.memref_slice %arg10[%dma_wait3A_18] : memref<20000xf32, #tpu.memory_space<vmem_shared>> -> memref<20000xf32, #tpu.memory_space<vmem_shared>>
      tpu.wait_indirect_dma semaphore(%run_scoped3A : memref<!tpu.dma_semaphore, #tpu.memory_space<semaphore_mem>>) src(%dma_wait3A_19 : memref<20000xf32, #tpu.memory_space<vmem_shared>>) dst(%dma_wait3A_15 : memref<128xf32, #tpu.memory_space<vmem>>)
      tpu.yield
    }) : () -> ()
    "tpu.region"() ({
      %run_scoped3A = tpu.sem_alloc : memref<!tpu.dma_semaphore, #tpu.memory_space<semaphore_mem>>
      %dma_start3A = arith.constant 128 : i32
      %dma_start3A_10 = tpu.memref_slice %arg8[%dma_start3A] : memref<1024xf32, #tpu.memory_space<vmem>> -> memref<128xf32, #tpu.memory_space<vmem>>
      %dma_start3A_11 = arith.constant 128 : i32
      %dma_start3A_12 = tpu.memref_slice %arg6[%dma_start3A_11] : memref<1024xi32, #tpu.memory_space<vmem>> -> memref<128xi32, #tpu.memory_space<vmem>>
      %dma_start3A_13 = arith.constant 0 : i32
      %dma_start3A_14 = tpu.memref_slice %arg10[%dma_start3A_13] : memref<20000xf32, #tpu.memory_space<vmem_shared>> -> memref<20000xf32, #tpu.memory_space<vmem_shared>>
      tpu.enqueue_indirect_dma source(%dma_start3A_14 : memref<20000xf32, #tpu.memory_space<vmem_shared>>) target(%dma_start3A_10 : memref<128xf32, #tpu.memory_space<vmem>>) offsets(%dma_start3A_12 : memref<128xi32, #tpu.memory_space<vmem>>) semaphore(%run_scoped3A : memref<!tpu.dma_semaphore, #tpu.memory_space<semaphore_mem>>)
      %dma_wait3A = arith.constant 128 : i32
      %dma_wait3A_15 = tpu.memref_slice %arg8[%dma_wait3A] : memref<1024xf32, #tpu.memory_space<vmem>> -> memref<128xf32, #tpu.memory_space<vmem>>
      %dma_wait3A_16 = arith.constant 128 : i32
      %dma_wait3A_17 = tpu.memref_slice %arg6[%dma_wait3A_16] : memref<1024xi32, #tpu.memory_space<vmem>> -> memref<128xi32, #tpu.memory_space<vmem>>
      %dma_wait3A_18 = arith.constant 0 : i32
      %dma_wait3A_19 = tpu.memref_slice %arg10[%dma_wait3A_18] : memref<20000xf32, #tpu.memory_space<vmem_shared>> -> memref<20000xf32, #tpu.memory_space<vmem_shared>>
      tpu.wait_indirect_dma semaphore(%run_scoped3A : memref<!tpu.dma_semaphore, #tpu.memory_space<semaphore_mem>>) src(%dma_wait3A_19 : memref<20000xf32, #tpu.memory_space<vmem_shared>>) dst(%dma_wait3A_15 : memref<128xf32, #tpu.memory_space<vmem>>)
      tpu.yield
    }) : () -> ()
    "tpu.region"() ({
      %run_scoped3A = tpu.sem_alloc : memref<!tpu.dma_semaphore, #tpu.memory_space<semaphore_mem>>
      %dma_start3A = arith.constant 128 : i32
      %dma_start3A_10 = tpu.memref_slice %arg9[%dma_start3A] : memref<1024xf32, #tpu.memory_space<vmem>> -> memref<128xf32, #tpu.memory_space<vmem>>
      %dma_start3A_11 = arith.constant 128 : i32
      %dma_start3A_12 = tpu.memref_slice %arg7[%dma_start3A_11] : memref<1024xi32, #tpu.memory_space<vmem>> -> memref<128xi32, #tpu.memory_space<vmem>>
      %dma_start3A_13 = arith.constant 0 : i32
      %dma_start3A_14 = tpu.memref_slice %arg10[%dma_start3A_13] : memref<20000xf32, #tpu.memory_space<vmem_shared>> -> memref<20000xf32, #tpu.memory_space<vmem_shared>>
      tpu.enqueue_indirect_dma source(%dma_start3A_14 : memref<20000xf32, #tpu.memory_space<vmem_shared>>) target(%dma_start3A_10 : memref<128xf32, #tpu.memory_space<vmem>>) offsets(%dma_start3A_12 : memref<128xi32, #tpu.memory_space<vmem>>) semaphore(%run_scoped3A : memref<!tpu.dma_semaphore, #tpu.memory_space<semaphore_mem>>)
      %dma_wait3A = arith.constant 128 : i32
      %dma_wait3A_15 = tpu.memref_slice %arg9[%dma_wait3A] : memref<1024xf32, #tpu.memory_space<vmem>> -> memref<128xf32, #tpu.memory_space<vmem>>
      %dma_wait3A_16 = arith.constant 128 : i32
      %dma_wait3A_17 = tpu.memref_slice %arg7[%dma_wait3A_16] : memref<1024xi32, #tpu.memory_space<vmem>> -> memref<128xi32, #tpu.memory_space<vmem>>
      %dma_wait3A_18 = arith.constant 0 : i32
      %dma_wait3A_19 = tpu.memref_slice %arg10[%dma_wait3A_18] : memref<20000xf32, #tpu.memory_space<vmem_shared>> -> memref<20000xf32, #tpu.memory_space<vmem_shared>>
      tpu.wait_indirect_dma semaphore(%run_scoped3A : memref<!tpu.dma_semaphore, #tpu.memory_space<semaphore_mem>>) src(%dma_wait3A_19 : memref<20000xf32, #tpu.memory_space<vmem_shared>>) dst(%dma_wait3A_15 : memref<128xf32, #tpu.memory_space<vmem>>)
      tpu.yield
    }) : () -> ()
    "tpu.region"() ({
      %run_scoped3A = tpu.sem_alloc : memref<!tpu.dma_semaphore, #tpu.memory_space<semaphore_mem>>
      %dma_start3A = arith.constant 256 : i32
      %dma_start3A_10 = tpu.memref_slice %arg8[%dma_start3A] : memref<1024xf32, #tpu.memory_space<vmem>> -> memref<128xf32, #tpu.memory_space<vmem>>
      %dma_start3A_11 = arith.constant 256 : i32
      %dma_start3A_12 = tpu.memref_slice %arg6[%dma_start3A_11] : memref<1024xi32, #tpu.memory_space<vmem>> -> memref<128xi32, #tpu.memory_space<vmem>>
      %dma_start3A_13 = arith.constant 0 : i32
      %dma_start3A_14 = tpu.memref_slice %arg10[%dma_start3A_13] : memref<20000xf32, #tpu.memory_space<vmem_shared>> -> memref<20000xf32, #tpu.memory_space<vmem_shared>>
      tpu.enqueue_indirect_dma source(%dma_start3A_14 : memref<20000xf32, #tpu.memory_space<vmem_shared>>) target(%dma_start3A_10 : memref<128xf32, #tpu.memory_space<vmem>>) offsets(%dma_start3A_12 : memref<128xi32, #tpu.memory_space<vmem>>) semaphore(%run_scoped3A : memref<!tpu.dma_semaphore, #tpu.memory_space<semaphore_mem>>)
      %dma_wait3A = arith.constant 256 : i32
      %dma_wait3A_15 = tpu.memref_slice %arg8[%dma_wait3A] : memref<1024xf32, #tpu.memory_space<vmem>> -> memref<128xf32, #tpu.memory_space<vmem>>
      %dma_wait3A_16 = arith.constant 256 : i32
      %dma_wait3A_17 = tpu.memref_slice %arg6[%dma_wait3A_16] : memref<1024xi32, #tpu.memory_space<vmem>> -> memref<128xi32, #tpu.memory_space<vmem>>
      %dma_wait3A_18 = arith.constant 0 : i32
      %dma_wait3A_19 = tpu.memref_slice %arg10[%dma_wait3A_18] : memref<20000xf32, #tpu.memory_space<vmem_shared>> -> memref<20000xf32, #tpu.memory_space<vmem_shared>>
      tpu.wait_indirect_dma semaphore(%run_scoped3A : memref<!tpu.dma_semaphore, #tpu.memory_space<semaphore_mem>>) src(%dma_wait3A_19 : memref<20000xf32, #tpu.memory_space<vmem_shared>>) dst(%dma_wait3A_15 : memref<128xf32, #tpu.memory_space<vmem>>)
      tpu.yield
    }) : () -> ()
    "tpu.region"() ({
      %run_scoped3A = tpu.sem_alloc : memref<!tpu.dma_semaphore, #tpu.memory_space<semaphore_mem>>
      %dma_start3A = arith.constant 256 : i32
      %dma_start3A_10 = tpu.memref_slice %arg9[%dma_start3A] : memref<1024xf32, #tpu.memory_space<vmem>> -> memref<128xf32, #tpu.memory_space<vmem>>
      %dma_start3A_11 = arith.constant 256 : i32
      %dma_start3A_12 = tpu.memref_slice %arg7[%dma_start3A_11] : memref<1024xi32, #tpu.memory_space<vmem>> -> memref<128xi32, #tpu.memory_space<vmem>>
      %dma_start3A_13 = arith.constant 0 : i32
      %dma_start3A_14 = tpu.memref_slice %arg10[%dma_start3A_13] : memref<20000xf32, #tpu.memory_space<vmem_shared>> -> memref<20000xf32, #tpu.memory_space<vmem_shared>>
      tpu.enqueue_indirect_dma source(%dma_start3A_14 : memref<20000xf32, #tpu.memory_space<vmem_shared>>) target(%dma_start3A_10 : memref<128xf32, #tpu.memory_space<vmem>>) offsets(%dma_start3A_12 : memref<128xi32, #tpu.memory_space<vmem>>) semaphore(%run_scoped3A : memref<!tpu.dma_semaphore, #tpu.memory_space<semaphore_mem>>)
      %dma_wait3A = arith.constant 256 : i32
      %dma_wait3A_15 = tpu.memref_slice %arg9[%dma_wait3A] : memref<1024xf32, #tpu.memory_space<vmem>> -> memref<128xf32, #tpu.memory_space<vmem>>
      %dma_wait3A_16 = arith.constant 256 : i32
      %dma_wait3A_17 = tpu.memref_slice %arg7[%dma_wait3A_16] : memref<1024xi32, #tpu.memory_space<vmem>> -> memref<128xi32, #tpu.memory_space<vmem>>
      %dma_wait3A_18 = arith.constant 0 : i32
      %dma_wait3A_19 = tpu.memref_slice %arg10[%dma_wait3A_18] : memref<20000xf32, #tpu.memory_space<vmem_shared>> -> memref<20000xf32, #tpu.memory_space<vmem_shared>>
      tpu.wait_indirect_dma semaphore(%run_scoped3A : memref<!tpu.dma_semaphore, #tpu.memory_space<semaphore_mem>>) src(%dma_wait3A_19 : memref<20000xf32, #tpu.memory_space<vmem_shared>>) dst(%dma_wait3A_15 : memref<128xf32, #tpu.memory_space<vmem>>)
      tpu.yield
    }) : () -> ()
    "tpu.region"() ({
      %run_scoped3A = tpu.sem_alloc : memref<!tpu.dma_semaphore, #tpu.memory_space<semaphore_mem>>
      %dma_start3A = arith.constant 384 : i32
      %dma_start3A_10 = tpu.memref_slice %arg8[%dma_start3A] : memref<1024xf32, #tpu.memory_space<vmem>> -> memref<128xf32, #tpu.memory_space<vmem>>
      %dma_start3A_11 = arith.constant 384 : i32
      %dma_start3A_12 = tpu.memref_slice %arg6[%dma_start3A_11] : memref<1024xi32, #tpu.memory_space<vmem>> -> memref<128xi32, #tpu.memory_space<vmem>>
      %dma_start3A_13 = arith.constant 0 : i32
      %dma_start3A_14 = tpu.memref_slice %arg10[%dma_start3A_13] : memref<20000xf32, #tpu.memory_space<vmem_shared>> -> memref<20000xf32, #tpu.memory_space<vmem_shared>>
      tpu.enqueue_indirect_dma source(%dma_start3A_14 : memref<20000xf32, #tpu.memory_space<vmem_shared>>) target(%dma_start3A_10 : memref<128xf32, #tpu.memory_space<vmem>>) offsets(%dma_start3A_12 : memref<128xi32, #tpu.memory_space<vmem>>) semaphore(%run_scoped3A : memref<!tpu.dma_semaphore, #tpu.memory_space<semaphore_mem>>)
      %dma_wait3A = arith.constant 384 : i32
      %dma_wait3A_15 = tpu.memref_slice %arg8[%dma_wait3A] : memref<1024xf32, #tpu.memory_space<vmem>> -> memref<128xf32, #tpu.memory_space<vmem>>
      %dma_wait3A_16 = arith.constant 384 : i32
      %dma_wait3A_17 = tpu.memref_slice %arg6[%dma_wait3A_16] : memref<1024xi32, #tpu.memory_space<vmem>> -> memref<128xi32, #tpu.memory_space<vmem>>
      %dma_wait3A_18 = arith.constant 0 : i32
      %dma_wait3A_19 = tpu.memref_slice %arg10[%dma_wait3A_18] : memref<20000xf32, #tpu.memory_space<vmem_shared>> -> memref<20000xf32, #tpu.memory_space<vmem_shared>>
      tpu.wait_indirect_dma semaphore(%run_scoped3A : memref<!tpu.dma_semaphore, #tpu.memory_space<semaphore_mem>>) src(%dma_wait3A_19 : memref<20000xf32, #tpu.memory_space<vmem_shared>>) dst(%dma_wait3A_15 : memref<128xf32, #tpu.memory_space<vmem>>)
      tpu.yield
    }) : () -> ()
    "tpu.region"() ({
      %run_scoped3A = tpu.sem_alloc : memref<!tpu.dma_semaphore, #tpu.memory_space<semaphore_mem>>
      %dma_start3A = arith.constant 384 : i32
      %dma_start3A_10 = tpu.memref_slice %arg9[%dma_start3A] : memref<1024xf32, #tpu.memory_space<vmem>> -> memref<128xf32, #tpu.memory_space<vmem>>
      %dma_start3A_11 = arith.constant 384 : i32
      %dma_start3A_12 = tpu.memref_slice %arg7[%dma_start3A_11] : memref<1024xi32, #tpu.memory_space<vmem>> -> memref<128xi32, #tpu.memory_space<vmem>>
      %dma_start3A_13 = arith.constant 0 : i32
      %dma_start3A_14 = tpu.memref_slice %arg10[%dma_start3A_13] : memref<20000xf32, #tpu.memory_space<vmem_shared>> -> memref<20000xf32, #tpu.memory_space<vmem_shared>>
      tpu.enqueue_indirect_dma source(%dma_start3A_14 : memref<20000xf32, #tpu.memory_space<vmem_shared>>) target(%dma_start3A_10 : memref<128xf32, #tpu.memory_space<vmem>>) offsets(%dma_start3A_12 : memref<128xi32, #tpu.memory_space<vmem>>) semaphore(%run_scoped3A : memref<!tpu.dma_semaphore, #tpu.memory_space<semaphore_mem>>)
      %dma_wait3A = arith.constant 384 : i32
      %dma_wait3A_15 = tpu.memref_slice %arg9[%dma_wait3A] : memref<1024xf32, #tpu.memory_space<vmem>> -> memref<128xf32, #tpu.memory_space<vmem>>
      %dma_wait3A_16 = arith.constant 384 : i32
      %dma_wait3A_17 = tpu.memref_slice %arg7[%dma_wait3A_16] : memref<1024xi32, #tpu.memory_space<vmem>> -> memref<128xi32, #tpu.memory_space<vmem>>
      %dma_wait3A_18 = arith.constant 0 : i32
      %dma_wait3A_19 = tpu.memref_slice %arg10[%dma_wait3A_18] : memref<20000xf32, #tpu.memory_space<vmem_shared>> -> memref<20000xf32, #tpu.memory_space<vmem_shared>>
      tpu.wait_indirect_dma semaphore(%run_scoped3A : memref<!tpu.dma_semaphore, #tpu.memory_space<semaphore_mem>>) src(%dma_wait3A_19 : memref<20000xf32, #tpu.memory_space<vmem_shared>>) dst(%dma_wait3A_15 : memref<128xf32, #tpu.memory_space<vmem>>)
      tpu.yield
    }) : () -> ()
    "tpu.region"() ({
      %run_scoped3A = tpu.sem_alloc : memref<!tpu.dma_semaphore, #tpu.memory_space<semaphore_mem>>
      %dma_start3A = arith.constant 512 : i32
      %dma_start3A_10 = tpu.memref_slice %arg8[%dma_start3A] : memref<1024xf32, #tpu.memory_space<vmem>> -> memref<128xf32, #tpu.memory_space<vmem>>
      %dma_start3A_11 = arith.constant 512 : i32
      %dma_start3A_12 = tpu.memref_slice %arg6[%dma_start3A_11] : memref<1024xi32, #tpu.memory_space<vmem>> -> memref<128xi32, #tpu.memory_space<vmem>>
      %dma_start3A_13 = arith.constant 0 : i32
      %dma_start3A_14 = tpu.memref_slice %arg10[%dma_start3A_13] : memref<20000xf32, #tpu.memory_space<vmem_shared>> -> memref<20000xf32, #tpu.memory_space<vmem_shared>>
      tpu.enqueue_indirect_dma source(%dma_start3A_14 : memref<20000xf32, #tpu.memory_space<vmem_shared>>) target(%dma_start3A_10 : memref<128xf32, #tpu.memory_space<vmem>>) offsets(%dma_start3A_12 : memref<128xi32, #tpu.memory_space<vmem>>) semaphore(%run_scoped3A : memref<!tpu.dma_semaphore, #tpu.memory_space<semaphore_mem>>)
      %dma_wait3A = arith.constant 512 : i32
      %dma_wait3A_15 = tpu.memref_slice %arg8[%dma_wait3A] : memref<1024xf32, #tpu.memory_space<vmem>> -> memref<128xf32, #tpu.memory_space<vmem>>
      %dma_wait3A_16 = arith.constant 512 : i32
      %dma_wait3A_17 = tpu.memref_slice %arg6[%dma_wait3A_16] : memref<1024xi32, #tpu.memory_space<vmem>> -> memref<128xi32, #tpu.memory_space<vmem>>
      %dma_wait3A_18 = arith.constant 0 : i32
      %dma_wait3A_19 = tpu.memref_slice %arg10[%dma_wait3A_18] : memref<20000xf32, #tpu.memory_space<vmem_shared>> -> memref<20000xf32, #tpu.memory_space<vmem_shared>>
      tpu.wait_indirect_dma semaphore(%run_scoped3A : memref<!tpu.dma_semaphore, #tpu.memory_space<semaphore_mem>>) src(%dma_wait3A_19 : memref<20000xf32, #tpu.memory_space<vmem_shared>>) dst(%dma_wait3A_15 : memref<128xf32, #tpu.memory_space<vmem>>)
      tpu.yield
    }) : () -> ()
    "tpu.region"() ({
      %run_scoped3A = tpu.sem_alloc : memref<!tpu.dma_semaphore, #tpu.memory_space<semaphore_mem>>
      %dma_start3A = arith.constant 512 : i32
      %dma_start3A_10 = tpu.memref_slice %arg9[%dma_start3A] : memref<1024xf32, #tpu.memory_space<vmem>> -> memref<128xf32, #tpu.memory_space<vmem>>
      %dma_start3A_11 = arith.constant 512 : i32
      %dma_start3A_12 = tpu.memref_slice %arg7[%dma_start3A_11] : memref<1024xi32, #tpu.memory_space<vmem>> -> memref<128xi32, #tpu.memory_space<vmem>>
      %dma_start3A_13 = arith.constant 0 : i32
      %dma_start3A_14 = tpu.memref_slice %arg10[%dma_start3A_13] : memref<20000xf32, #tpu.memory_space<vmem_shared>> -> memref<20000xf32, #tpu.memory_space<vmem_shared>>
      tpu.enqueue_indirect_dma source(%dma_start3A_14 : memref<20000xf32, #tpu.memory_space<vmem_shared>>) target(%dma_start3A_10 : memref<128xf32, #tpu.memory_space<vmem>>) offsets(%dma_start3A_12 : memref<128xi32, #tpu.memory_space<vmem>>) semaphore(%run_scoped3A : memref<!tpu.dma_semaphore, #tpu.memory_space<semaphore_mem>>)
      %dma_wait3A = arith.constant 512 : i32
      %dma_wait3A_15 = tpu.memref_slice %arg9[%dma_wait3A] : memref<1024xf32, #tpu.memory_space<vmem>> -> memref<128xf32, #tpu.memory_space<vmem>>
      %dma_wait3A_16 = arith.constant 512 : i32
      %dma_wait3A_17 = tpu.memref_slice %arg7[%dma_wait3A_16] : memref<1024xi32, #tpu.memory_space<vmem>> -> memref<128xi32, #tpu.memory_space<vmem>>
      %dma_wait3A_18 = arith.constant 0 : i32
      %dma_wait3A_19 = tpu.memref_slice %arg10[%dma_wait3A_18] : memref<20000xf32, #tpu.memory_space<vmem_shared>> -> memref<20000xf32, #tpu.memory_space<vmem_shared>>
      tpu.wait_indirect_dma semaphore(%run_scoped3A : memref<!tpu.dma_semaphore, #tpu.memory_space<semaphore_mem>>) src(%dma_wait3A_19 : memref<20000xf32, #tpu.memory_space<vmem_shared>>) dst(%dma_wait3A_15 : memref<128xf32, #tpu.memory_space<vmem>>)
      tpu.yield
    }) : () -> ()
    "tpu.region"() ({
      %run_scoped3A = tpu.sem_alloc : memref<!tpu.dma_semaphore, #tpu.memory_space<semaphore_mem>>
      %dma_start3A = arith.constant 640 : i32
      %dma_start3A_10 = tpu.memref_slice %arg8[%dma_start3A] : memref<1024xf32, #tpu.memory_space<vmem>> -> memref<128xf32, #tpu.memory_space<vmem>>
      %dma_start3A_11 = arith.constant 640 : i32
      %dma_start3A_12 = tpu.memref_slice %arg6[%dma_start3A_11] : memref<1024xi32, #tpu.memory_space<vmem>> -> memref<128xi32, #tpu.memory_space<vmem>>
      %dma_start3A_13 = arith.constant 0 : i32
      %dma_start3A_14 = tpu.memref_slice %arg10[%dma_start3A_13] : memref<20000xf32, #tpu.memory_space<vmem_shared>> -> memref<20000xf32, #tpu.memory_space<vmem_shared>>
      tpu.enqueue_indirect_dma source(%dma_start3A_14 : memref<20000xf32, #tpu.memory_space<vmem_shared>>) target(%dma_start3A_10 : memref<128xf32, #tpu.memory_space<vmem>>) offsets(%dma_start3A_12 : memref<128xi32, #tpu.memory_space<vmem>>) semaphore(%run_scoped3A : memref<!tpu.dma_semaphore, #tpu.memory_space<semaphore_mem>>)
      %dma_wait3A = arith.constant 640 : i32
      %dma_wait3A_15 = tpu.memref_slice %arg8[%dma_wait3A] : memref<1024xf32, #tpu.memory_space<vmem>> -> memref<128xf32, #tpu.memory_space<vmem>>
      %dma_wait3A_16 = arith.constant 640 : i32
      %dma_wait3A_17 = tpu.memref_slice %arg6[%dma_wait3A_16] : memref<1024xi32, #tpu.memory_space<vmem>> -> memref<128xi32, #tpu.memory_space<vmem>>
      %dma_wait3A_18 = arith.constant 0 : i32
      %dma_wait3A_19 = tpu.memref_slice %arg10[%dma_wait3A_18] : memref<20000xf32, #tpu.memory_space<vmem_shared>> -> memref<20000xf32, #tpu.memory_space<vmem_shared>>
      tpu.wait_indirect_dma semaphore(%run_scoped3A : memref<!tpu.dma_semaphore, #tpu.memory_space<semaphore_mem>>) src(%dma_wait3A_19 : memref<20000xf32, #tpu.memory_space<vmem_shared>>) dst(%dma_wait3A_15 : memref<128xf32, #tpu.memory_space<vmem>>)
      tpu.yield
    }) : () -> ()
    "tpu.region"() ({
      %run_scoped3A = tpu.sem_alloc : memref<!tpu.dma_semaphore, #tpu.memory_space<semaphore_mem>>
      %dma_start3A = arith.constant 640 : i32
      %dma_start3A_10 = tpu.memref_slice %arg9[%dma_start3A] : memref<1024xf32, #tpu.memory_space<vmem>> -> memref<128xf32, #tpu.memory_space<vmem>>
      %dma_start3A_11 = arith.constant 640 : i32
      %dma_start3A_12 = tpu.memref_slice %arg7[%dma_start3A_11] : memref<1024xi32, #tpu.memory_space<vmem>> -> memref<128xi32, #tpu.memory_space<vmem>>
      %dma_start3A_13 = arith.constant 0 : i32
      %dma_start3A_14 = tpu.memref_slice %arg10[%dma_start3A_13] : memref<20000xf32, #tpu.memory_space<vmem_shared>> -> memref<20000xf32, #tpu.memory_space<vmem_shared>>
      tpu.enqueue_indirect_dma source(%dma_start3A_14 : memref<20000xf32, #tpu.memory_space<vmem_shared>>) target(%dma_start3A_10 : memref<128xf32, #tpu.memory_space<vmem>>) offsets(%dma_start3A_12 : memref<128xi32, #tpu.memory_space<vmem>>) semaphore(%run_scoped3A : memref<!tpu.dma_semaphore, #tpu.memory_space<semaphore_mem>>)
      %dma_wait3A = arith.constant 640 : i32
      %dma_wait3A_15 = tpu.memref_slice %arg9[%dma_wait3A] : memref<1024xf32, #tpu.memory_space<vmem>> -> memref<128xf32, #tpu.memory_space<vmem>>
      %dma_wait3A_16 = arith.constant 640 : i32
      %dma_wait3A_17 = tpu.memref_slice %arg7[%dma_wait3A_16] : memref<1024xi32, #tpu.memory_space<vmem>> -> memref<128xi32, #tpu.memory_space<vmem>>
      %dma_wait3A_18 = arith.constant 0 : i32
      %dma_wait3A_19 = tpu.memref_slice %arg10[%dma_wait3A_18] : memref<20000xf32, #tpu.memory_space<vmem_shared>> -> memref<20000xf32, #tpu.memory_space<vmem_shared>>
      tpu.wait_indirect_dma semaphore(%run_scoped3A : memref<!tpu.dma_semaphore, #tpu.memory_space<semaphore_mem>>) src(%dma_wait3A_19 : memref<20000xf32, #tpu.memory_space<vmem_shared>>) dst(%dma_wait3A_15 : memref<128xf32, #tpu.memory_space<vmem>>)
      tpu.yield
    }) : () -> ()
    "tpu.region"() ({
      %run_scoped3A = tpu.sem_alloc : memref<!tpu.dma_semaphore, #tpu.memory_space<semaphore_mem>>
      %dma_start3A = arith.constant 768 : i32
      %dma_start3A_10 = tpu.memref_slice %arg8[%dma_start3A] : memref<1024xf32, #tpu.memory_space<vmem>> -> memref<128xf32, #tpu.memory_space<vmem>>
      %dma_start3A_11 = arith.constant 768 : i32
      %dma_start3A_12 = tpu.memref_slice %arg6[%dma_start3A_11] : memref<1024xi32, #tpu.memory_space<vmem>> -> memref<128xi32, #tpu.memory_space<vmem>>
      %dma_start3A_13 = arith.constant 0 : i32
      %dma_start3A_14 = tpu.memref_slice %arg10[%dma_start3A_13] : memref<20000xf32, #tpu.memory_space<vmem_shared>> -> memref<20000xf32, #tpu.memory_space<vmem_shared>>
      tpu.enqueue_indirect_dma source(%dma_start3A_14 : memref<20000xf32, #tpu.memory_space<vmem_shared>>) target(%dma_start3A_10 : memref<128xf32, #tpu.memory_space<vmem>>) offsets(%dma_start3A_12 : memref<128xi32, #tpu.memory_space<vmem>>) semaphore(%run_scoped3A : memref<!tpu.dma_semaphore, #tpu.memory_space<semaphore_mem>>)
      %dma_wait3A = arith.constant 768 : i32
      %dma_wait3A_15 = tpu.memref_slice %arg8[%dma_wait3A] : memref<1024xf32, #tpu.memory_space<vmem>> -> memref<128xf32, #tpu.memory_space<vmem>>
      %dma_wait3A_16 = arith.constant 768 : i32
      %dma_wait3A_17 = tpu.memref_slice %arg6[%dma_wait3A_16] : memref<1024xi32, #tpu.memory_space<vmem>> -> memref<128xi32, #tpu.memory_space<vmem>>
      %dma_wait3A_18 = arith.constant 0 : i32
      %dma_wait3A_19 = tpu.memref_slice %arg10[%dma_wait3A_18] : memref<20000xf32, #tpu.memory_space<vmem_shared>> -> memref<20000xf32, #tpu.memory_space<vmem_shared>>
      tpu.wait_indirect_dma semaphore(%run_scoped3A : memref<!tpu.dma_semaphore, #tpu.memory_space<semaphore_mem>>) src(%dma_wait3A_19 : memref<20000xf32, #tpu.memory_space<vmem_shared>>) dst(%dma_wait3A_15 : memref<128xf32, #tpu.memory_space<vmem>>)
      tpu.yield
    }) : () -> ()
    "tpu.region"() ({
      %run_scoped3A = tpu.sem_alloc : memref<!tpu.dma_semaphore, #tpu.memory_space<semaphore_mem>>
      %dma_start3A = arith.constant 768 : i32
      %dma_start3A_10 = tpu.memref_slice %arg9[%dma_start3A] : memref<1024xf32, #tpu.memory_space<vmem>> -> memref<128xf32, #tpu.memory_space<vmem>>
      %dma_start3A_11 = arith.constant 768 : i32
      %dma_start3A_12 = tpu.memref_slice %arg7[%dma_start3A_11] : memref<1024xi32, #tpu.memory_space<vmem>> -> memref<128xi32, #tpu.memory_space<vmem>>
      %dma_start3A_13 = arith.constant 0 : i32
      %dma_start3A_14 = tpu.memref_slice %arg10[%dma_start3A_13] : memref<20000xf32, #tpu.memory_space<vmem_shared>> -> memref<20000xf32, #tpu.memory_space<vmem_shared>>
      tpu.enqueue_indirect_dma source(%dma_start3A_14 : memref<20000xf32, #tpu.memory_space<vmem_shared>>) target(%dma_start3A_10 : memref<128xf32, #tpu.memory_space<vmem>>) offsets(%dma_start3A_12 : memref<128xi32, #tpu.memory_space<vmem>>) semaphore(%run_scoped3A : memref<!tpu.dma_semaphore, #tpu.memory_space<semaphore_mem>>)
      %dma_wait3A = arith.constant 768 : i32
      %dma_wait3A_15 = tpu.memref_slice %arg9[%dma_wait3A] : memref<1024xf32, #tpu.memory_space<vmem>> -> memref<128xf32, #tpu.memory_space<vmem>>
      %dma_wait3A_16 = arith.constant 768 : i32
      %dma_wait3A_17 = tpu.memref_slice %arg7[%dma_wait3A_16] : memref<1024xi32, #tpu.memory_space<vmem>> -> memref<128xi32, #tpu.memory_space<vmem>>
      %dma_wait3A_18 = arith.constant 0 : i32
      %dma_wait3A_19 = tpu.memref_slice %arg10[%dma_wait3A_18] : memref<20000xf32, #tpu.memory_space<vmem_shared>> -> memref<20000xf32, #tpu.memory_space<vmem_shared>>
      tpu.wait_indirect_dma semaphore(%run_scoped3A : memref<!tpu.dma_semaphore, #tpu.memory_space<semaphore_mem>>) src(%dma_wait3A_19 : memref<20000xf32, #tpu.memory_space<vmem_shared>>) dst(%dma_wait3A_15 : memref<128xf32, #tpu.memory_space<vmem>>)
      tpu.yield
    }) : () -> ()
    "tpu.region"() ({
      %run_scoped3A = tpu.sem_alloc : memref<!tpu.dma_semaphore, #tpu.memory_space<semaphore_mem>>
      %dma_start3A = arith.constant 896 : i32
      %dma_start3A_10 = tpu.memref_slice %arg8[%dma_start3A] : memref<1024xf32, #tpu.memory_space<vmem>> -> memref<128xf32, #tpu.memory_space<vmem>>
      %dma_start3A_11 = arith.constant 896 : i32
      %dma_start3A_12 = tpu.memref_slice %arg6[%dma_start3A_11] : memref<1024xi32, #tpu.memory_space<vmem>> -> memref<128xi32, #tpu.memory_space<vmem>>
      %dma_start3A_13 = arith.constant 0 : i32
      %dma_start3A_14 = tpu.memref_slice %arg10[%dma_start3A_13] : memref<20000xf32, #tpu.memory_space<vmem_shared>> -> memref<20000xf32, #tpu.memory_space<vmem_shared>>
      tpu.enqueue_indirect_dma source(%dma_start3A_14 : memref<20000xf32, #tpu.memory_space<vmem_shared>>) target(%dma_start3A_10 : memref<128xf32, #tpu.memory_space<vmem>>) offsets(%dma_start3A_12 : memref<128xi32, #tpu.memory_space<vmem>>) semaphore(%run_scoped3A : memref<!tpu.dma_semaphore, #tpu.memory_space<semaphore_mem>>)
      %dma_wait3A = arith.constant 896 : i32
      %dma_wait3A_15 = tpu.memref_slice %arg8[%dma_wait3A] : memref<1024xf32, #tpu.memory_space<vmem>> -> memref<128xf32, #tpu.memory_space<vmem>>
      %dma_wait3A_16 = arith.constant 896 : i32
      %dma_wait3A_17 = tpu.memref_slice %arg6[%dma_wait3A_16] : memref<1024xi32, #tpu.memory_space<vmem>> -> memref<128xi32, #tpu.memory_space<vmem>>
      %dma_wait3A_18 = arith.constant 0 : i32
      %dma_wait3A_19 = tpu.memref_slice %arg10[%dma_wait3A_18] : memref<20000xf32, #tpu.memory_space<vmem_shared>> -> memref<20000xf32, #tpu.memory_space<vmem_shared>>
      tpu.wait_indirect_dma semaphore(%run_scoped3A : memref<!tpu.dma_semaphore, #tpu.memory_space<semaphore_mem>>) src(%dma_wait3A_19 : memref<20000xf32, #tpu.memory_space<vmem_shared>>) dst(%dma_wait3A_15 : memref<128xf32, #tpu.memory_space<vmem>>)
      tpu.yield
    }) : () -> ()
    "tpu.region"() ({
      %run_scoped3A = tpu.sem_alloc : memref<!tpu.dma_semaphore, #tpu.memory_space<semaphore_mem>>
      %dma_start3A = arith.constant 896 : i32
      %dma_start3A_10 = tpu.memref_slice %arg9[%dma_start3A] : memref<1024xf32, #tpu.memory_space<vmem>> -> memref<128xf32, #tpu.memory_space<vmem>>
      %dma_start3A_11 = arith.constant 896 : i32
      %dma_start3A_12 = tpu.memref_slice %arg7[%dma_start3A_11] : memref<1024xi32, #tpu.memory_space<vmem>> -> memref<128xi32, #tpu.memory_space<vmem>>
      %dma_start3A_13 = arith.constant 0 : i32
      %dma_start3A_14 = tpu.memref_slice %arg10[%dma_start3A_13] : memref<20000xf32, #tpu.memory_space<vmem_shared>> -> memref<20000xf32, #tpu.memory_space<vmem_shared>>
      tpu.enqueue_indirect_dma source(%dma_start3A_14 : memref<20000xf32, #tpu.memory_space<vmem_shared>>) target(%dma_start3A_10 : memref<128xf32, #tpu.memory_space<vmem>>) offsets(%dma_start3A_12 : memref<128xi32, #tpu.memory_space<vmem>>) semaphore(%run_scoped3A : memref<!tpu.dma_semaphore, #tpu.memory_space<semaphore_mem>>)
      %dma_wait3A = arith.constant 896 : i32
      %dma_wait3A_15 = tpu.memref_slice %arg9[%dma_wait3A] : memref<1024xf32, #tpu.memory_space<vmem>> -> memref<128xf32, #tpu.memory_space<vmem>>
      %dma_wait3A_16 = arith.constant 896 : i32
      %dma_wait3A_17 = tpu.memref_slice %arg7[%dma_wait3A_16] : memref<1024xi32, #tpu.memory_space<vmem>> -> memref<128xi32, #tpu.memory_space<vmem>>
      %dma_wait3A_18 = arith.constant 0 : i32
      %dma_wait3A_19 = tpu.memref_slice %arg10[%dma_wait3A_18] : memref<20000xf32, #tpu.memory_space<vmem_shared>> -> memref<20000xf32, #tpu.memory_space<vmem_shared>>
      tpu.wait_indirect_dma semaphore(%run_scoped3A : memref<!tpu.dma_semaphore, #tpu.memory_space<semaphore_mem>>) src(%dma_wait3A_19 : memref<20000xf32, #tpu.memory_space<vmem_shared>>) dst(%dma_wait3A_15 : memref<128xf32, #tpu.memory_space<vmem>>)
      tpu.yield
    }) : () -> ()
    %scan3A = arith.constant 0 : i32
    %scan3A_5 = arith.constant 0 : i32
    %scan3A_6 = arith.constant 64 : i32
    %scan3A_7 = arith.addi %scan3A_5, %scan3A_6 : i32
    %scan3A_8 = arith.constant 1 : i32
    scf.for %scan3A_10 = %scan3A_5 to %scan3A_7 step %scan3A_8  : i32 {
      %mul3A_11 = arith.constant 16 : i32
      %mul3A_12 = arith.muli %scan3A_10, %mul3A_11 : i32
      %get3A = arith.index_cast %mul3A_12 : i32 to index
      %get3A_13 = tpu.vector_load %arg8[%get3A] {strides = array<i32>} : memref<1024xf32, #tpu.memory_space<vmem>>, vector<16xf32>,
      %get3A_14 = vector.shape_cast %get3A_13 : vector<16xf32> to vector<16xf32>
      %mul3A_15 = arith.constant 16 : i32
      %mul3A_16 = arith.muli %scan3A_10, %mul3A_15 : i32
      %get3A_17 = arith.index_cast %mul3A_16 : i32 to index
      %get3A_18 = tpu.vector_load %arg9[%get3A_17] {strides = array<i32>} : memref<1024xf32, #tpu.memory_space<vmem>>, vector<16xf32>,
      %get3A_19 = vector.shape_cast %get3A_18 : vector<16xf32> to vector<16xf32>
      %add3A_20 = arith.addf %get3A_14, %get3A_19 : vector<16xf32>
      %mul3A_21 = arith.constant 16 : i32
      %mul3A_22 = arith.muli %scan3A_10, %mul3A_21 : i32
      %swap3A = arith.index_cast %mul3A_22 : i32 to index
      %swap3A_23 = tpu.vector_load %arg8[%swap3A] {strides = array<i32>} : memref<1024xf32, #tpu.memory_space<vmem>>, vector<16xf32>,
      %swap3A_24 = vector.shape_cast %swap3A_23 : vector<16xf32> to vector<16xf32>
      %swap3A_25 = vector.shape_cast %add3A_20 : vector<16xf32> to vector<16xf32>
      tpu.vector_store %arg8[%swap3A], %swap3A_25 {strides = array<i32>} : memref<1024xf32, #tpu.memory_space<vmem>>, vector<16xf32>,
    }
    %scan3A_9 = arith.constant 64 : i32
    "tpu.region"() ({
      %run_scoped3A = tpu.sem_alloc : memref<!tpu.dma_semaphore, #tpu.memory_space<semaphore_mem>>
      %dma_start3A = tpu.memref_slice %arg5[%mul3A_2] : memref<32768xf32, #tpu.memory_space<hbm>> -> memref<1024xf32, #tpu.memory_space<hbm>>
      %dma_start3A_10 = tpu.memref_slice %arg5[%mul3A_2] : memref<32768xf32, #tpu.memory_space<hbm>> -> memref<1024xf32, #tpu.memory_space<hbm>>
      tpu.enqueue_dma source(%arg8 : memref<1024xf32, #tpu.memory_space<vmem>>) target(%dma_start3A_10 : memref<1024xf32, #tpu.memory_space<hbm>>) target_semaphore(%run_scoped3A : memref<!tpu.dma_semaphore, #tpu.memory_space<semaphore_mem>>)
      %dma_wait3A = tpu.memref_slice %arg5[%mul3A_2] : memref<32768xf32, #tpu.memory_space<hbm>> -> memref<1024xf32, #tpu.memory_space<hbm>>
      %dma_wait3A_11 = tpu.memref_slice %arg5[%mul3A_2] : memref<32768xf32, #tpu.memory_space<hbm>> -> memref<1024xf32, #tpu.memory_space<hbm>>
      tpu.wait_dma2 semaphore(%run_scoped3A : memref<!tpu.dma_semaphore, #tpu.memory_space<semaphore_mem>>) src(%arg8 : memref<1024xf32, #tpu.memory_space<vmem>>) dst(%dma_wait3A_11 : memref<1024xf32, #tpu.memory_space<hbm>>)
      tpu.yield
    }) : () -> ()
    return
  }
}

module attributes {stable_mosaic.version = 14 : i64} {
  func.func @_tc1_body(%arg0: i32, %arg1: memref<1000x128xf32, #tpu.memory_space<vmem>>, %arg2: memref<1000x128xf32, #tpu.memory_space<vmem>>, %arg3: memref<128x128xf32, #tpu.memory_space<vmem>>, %arg4: memref<1x128xf32, #tpu.memory_space<vmem>>, %arg5: memref<128x128xf32, #tpu.memory_space<vmem>>, %arg6: memref<128x128xf32, #tpu.memory_space<vmem>>, %arg7: memref<1000x128xf32, #tpu.memory_space<vmem>>, %arg8: memref<1000x128xf32, #tpu.memory_space<vmem>>, %arg9: memref<1000x128xf32, #tpu.memory_space<vmem>>) attributes {dimension_semantics = [#tpu.dimension_semantics<arbitrary>], iteration_bounds = array<i64: 10>, scalar_prefetch = 0 : i64, scratch_operands = 0 : i64, tpu.core_type = #tpu.core_type<tc>, window_params = [{transform_indices = @transform_0, window_bounds = array<i64: 1000, 128>}, {transform_indices = @transform_1, window_bounds = array<i64: 1000, 128>}, {pipeline_mode = #tpu.pipeline_mode<synchronous>, transform_indices = @transform_2, window_bounds = array<i64: 128, 128>}, {pipeline_mode = #tpu.pipeline_mode<synchronous>, transform_indices = @transform_3, window_bounds = array<i64: 1, 128>}, {pipeline_mode = #tpu.pipeline_mode<synchronous>, transform_indices = @transform_4, window_bounds = array<i64: 128, 128>}, {pipeline_mode = #tpu.pipeline_mode<synchronous>, transform_indices = @transform_5, window_bounds = array<i64: 128, 128>}, {transform_indices = @transform_6, window_bounds = array<i64: 1000, 128>}, {transform_indices = @transform_7, window_bounds = array<i64: 1000, 128>}, {transform_indices = @transform_8, window_bounds = array<i64: 1000, 128>}]} {
    %get3A = arith.constant 0 : index
    %get3A_0 = arith.constant 0 : index
    %get3A_1 = vector.load %arg1[%get3A, %get3A_0] : memref<1000x128xf32, #tpu.memory_space<vmem>>, vector<1000x128xf32>
    %get3A_2 = arith.constant 0 : index
    %get3A_3 = arith.constant 0 : index
    %get3A_4 = vector.load %arg3[%get3A_2, %get3A_3] : memref<128x128xf32, #tpu.memory_space<vmem>>, vector<128x128xf32>
    %dot_general3A = arith.constant dense<0.000000e+00> : vector<1000x128xf32>
    %dot_general3A_5 = tpu.matmul %get3A_1, %get3A_4, %dot_general3A {dimension_numbers = #tpu.dot_dimension_numbers<[1], [0], [0], [1], [0, 0, 1, 1], [], []>, transpose_lhs_hint = false} : vector<1000x128xf32>, vector<128x128xf32>, vector<1000x128xf32> -> vector<1000x128xf32>
    %get3A_6 = arith.constant 0 : index
    %get3A_7 = arith.constant 0 : index
    %get3A_8 = vector.load %arg4[%get3A_6, %get3A_7] : memref<1x128xf32, #tpu.memory_space<vmem>>, vector<1x128xf32>
    %add3A = vector.broadcast %get3A_8 : vector<1x128xf32> to vector<1000x128xf32>
    %add3A_9 = arith.addf %dot_general3A_5, %add3A : vector<1000x128xf32>
    %swap3A = arith.constant 0 : index
    %swap3A_10 = arith.constant 0 : index
    %swap3A_11 = vector.load %arg7[%swap3A, %swap3A_10] : memref<1000x128xf32, #tpu.memory_space<vmem>>, vector<1000x128xf32>
    tpu.vector_store %arg7[%swap3A, %swap3A_10], %add3A_9 {strides = array<i32>} : memref<1000x128xf32, #tpu.memory_space<vmem>>, vector<1000x128xf32>,
    %get3A_12 = arith.constant 0 : index
    %get3A_13 = arith.constant 0 : index
    %get3A_14 = vector.load %arg5[%get3A_12, %get3A_13] : memref<128x128xf32, #tpu.memory_space<vmem>>, vector<128x128xf32>
    %dot_general3A_15 = arith.constant dense<0.000000e+00> : vector<1000x128xf32>
    %dot_general3A_16 = tpu.matmul %add3A_9, %get3A_14, %dot_general3A_15 {dimension_numbers = #tpu.dot_dimension_numbers<[1], [0], [0], [1], [0, 0, 1, 1], [], []>, transpose_lhs_hint = false} : vector<1000x128xf32>, vector<128x128xf32>, vector<1000x128xf32> -> vector<1000x128xf32>
    %swap3A_17 = arith.constant 0 : index
    %swap3A_18 = arith.constant 0 : index
    %swap3A_19 = vector.load %arg8[%swap3A_17, %swap3A_18] : memref<1000x128xf32, #tpu.memory_space<vmem>>, vector<1000x128xf32>
    tpu.vector_store %arg8[%swap3A_17, %swap3A_18], %dot_general3A_16 {strides = array<i32>} : memref<1000x128xf32, #tpu.memory_space<vmem>>, vector<1000x128xf32>,
    %get3A_20 = arith.constant 0 : index
    %get3A_21 = arith.constant 0 : index
    %get3A_22 = vector.load %arg2[%get3A_20, %get3A_21] : memref<1000x128xf32, #tpu.memory_space<vmem>>, vector<1000x128xf32>
    %get3A_23 = arith.constant 0 : index
    %get3A_24 = arith.constant 0 : index
    %get3A_25 = vector.load %arg6[%get3A_23, %get3A_24] : memref<128x128xf32, #tpu.memory_space<vmem>>, vector<128x128xf32>
    %dot_general3A_26 = arith.constant dense<0.000000e+00> : vector<1000x128xf32>
    %dot_general3A_27 = tpu.matmul %get3A_22, %get3A_25, %dot_general3A_26 {dimension_numbers = #tpu.dot_dimension_numbers<[1], [0], [0], [1], [0, 0, 1, 1], [], []>, transpose_lhs_hint = false} : vector<1000x128xf32>, vector<128x128xf32>, vector<1000x128xf32> -> vector<1000x128xf32>
    %swap3A_28 = arith.constant 0 : index
    %swap3A_29 = arith.constant 0 : index
    %swap3A_30 = vector.load %arg9[%swap3A_28, %swap3A_29] : memref<1000x128xf32, #tpu.memory_space<vmem>>, vector<1000x128xf32>
    tpu.vector_store %arg9[%swap3A_28, %swap3A_29], %dot_general3A_27 {strides = array<i32>} : memref<1000x128xf32, #tpu.memory_space<vmem>>, vector<1000x128xf32>,
    return
  }
  func.func @transform_0(%arg0: i32) -> (i32, i32) {
    %c0_i32 = arith.constant 0 : i32
    %c0_i32_0 = arith.constant 0 : i32
    return %arg0, %c0_i32 : i32, i32
  }
  func.func @transform_1(%arg0: i32) -> (i32, i32) {
    %c0_i32 = arith.constant 0 : i32
    %c0_i32_0 = arith.constant 0 : i32
    return %arg0, %c0_i32 : i32, i32
  }
  func.func @transform_2(%arg0: i32) -> (i32, i32) {
    %c0_i32 = arith.constant 0 : i32
    %c0_i32_0 = arith.constant 0 : i32
    %c0_i32_1 = arith.constant 0 : i32
    return %c0_i32, %c0_i32_0 : i32, i32
  }
  func.func @transform_3(%arg0: i32) -> (i32, i32) {
    %c0_i32 = arith.constant 0 : i32
    %c0_i32_0 = arith.constant 0 : i32
    %c0_i32_1 = arith.constant 0 : i32
    return %c0_i32, %c0_i32_0 : i32, i32
  }
  func.func @transform_4(%arg0: i32) -> (i32, i32) {
    %c0_i32 = arith.constant 0 : i32
    %c0_i32_0 = arith.constant 0 : i32
    %c0_i32_1 = arith.constant 0 : i32
    return %c0_i32, %c0_i32_0 : i32, i32
  }
  func.func @transform_5(%arg0: i32) -> (i32, i32) {
    %c0_i32 = arith.constant 0 : i32
    %c0_i32_0 = arith.constant 0 : i32
    %c0_i32_1 = arith.constant 0 : i32
    return %c0_i32, %c0_i32_0 : i32, i32
  }
  func.func @transform_6(%arg0: i32) -> (i32, i32) {
    %c0_i32 = arith.constant 0 : i32
    %c0_i32_0 = arith.constant 0 : i32
    return %arg0, %c0_i32 : i32, i32
  }
  func.func @transform_7(%arg0: i32) -> (i32, i32) {
    %c0_i32 = arith.constant 0 : i32
    %c0_i32_0 = arith.constant 0 : i32
    return %arg0, %c0_i32 : i32, i32
  }
  func.func @transform_8(%arg0: i32) -> (i32, i32) {
    %c0_i32 = arith.constant 0 : i32
    %c0_i32_0 = arith.constant 0 : i32
    return %arg0, %c0_i32 : i32, i32
  }
}

module attributes {stable_mosaic.version = 14 : i64} {
  func.func @_tc2_body(%arg0: i32, %arg1: memref<1000x128xf32, #tpu.memory_space<vmem>>, %arg2: memref<1000x128xf32, #tpu.memory_space<vmem>>, %arg3: memref<1000x1xf32, #tpu.memory_space<vmem>>, %arg4: memref<1000x1xf32, #tpu.memory_space<vmem>>, %arg5: memref<1000x128xf32, #tpu.memory_space<vmem>>, %arg6: memref<1000x128xf32, #tpu.memory_space<vmem>>, %arg7: memref<128x128xf32, #tpu.memory_space<vmem>>, %arg8: memref<128x128xf32, #tpu.memory_space<vmem>>, %arg9: memref<128x128xf32, #tpu.memory_space<vmem>>, %arg10: memref<128x128xf32, #tpu.memory_space<vmem>>, %arg11: memref<1x128xf32, #tpu.memory_space<vmem>>, %arg12: memref<1x128xf32, #tpu.memory_space<vmem>>, %arg13: memref<1000x128xf32, #tpu.memory_space<vmem>>, %arg14: memref<1000x128xf32, #tpu.memory_space<vmem>>, %arg15: memref<1000x128xf32, #tpu.memory_space<vmem>>, %arg16: memref<1000x128xf32, #tpu.memory_space<vmem>>) attributes {dimension_semantics = [#tpu.dimension_semantics<arbitrary>], iteration_bounds = array<i64: 10>, scalar_prefetch = 0 : i64, scratch_operands = 0 : i64, tpu.core_type = #tpu.core_type<tc>, window_params = [{transform_indices = @transform_0, window_bounds = array<i64: 1000, 128>}, {transform_indices = @transform_1, window_bounds = array<i64: 1000, 128>}, {transform_indices = @transform_2, window_bounds = array<i64: 1000, 1>}, {transform_indices = @transform_3, window_bounds = array<i64: 1000, 1>}, {transform_indices = @transform_4, window_bounds = array<i64: 1000, 128>}, {transform_indices = @transform_5, window_bounds = array<i64: 1000, 128>}, {pipeline_mode = #tpu.pipeline_mode<synchronous>, transform_indices = @transform_6, window_bounds = array<i64: 128, 128>}, {pipeline_mode = #tpu.pipeline_mode<synchronous>, transform_indices = @transform_7, window_bounds = array<i64: 128, 128>}, {pipeline_mode = #tpu.pipeline_mode<synchronous>, transform_indices = @transform_8, window_bounds = array<i64: 128, 128>}, {pipeline_mode = #tpu.pipeline_mode<synchronous>, transform_indices = @transform_9, window_bounds = array<i64: 128, 128>}, {pipeline_mode = #tpu.pipeline_mode<synchronous>, transform_indices = @transform_10, window_bounds = array<i64: 1, 128>}, {pipeline_mode = #tpu.pipeline_mode<synchronous>, transform_indices = @transform_11, window_bounds = array<i64: 1, 128>}, {transform_indices = @transform_12, window_bounds = array<i64: 1000, 128>}, {transform_indices = @transform_13, window_bounds = array<i64: 1000, 128>}, {transform_indices = @transform_14, window_bounds = array<i64: 1000, 128>}, {transform_indices = @transform_15, window_bounds = array<i64: 1000, 128>}]} {
    %get3A = arith.constant 0 : index
    %get3A_0 = arith.constant 0 : index
    %get3A_1 = vector.load %arg3[%get3A, %get3A_0] : memref<1000x1xf32, #tpu.memory_space<vmem>>, vector<1000x1xf32>
    %max3A = arith.constant 1.000000e+00 : f32
    %max3A_2 = vector.broadcast %max3A : f32 to vector<1000x1xf32>
    %max3A_3 = arith.maximumf %get3A_1, %max3A_2 : vector<1000x1xf32>
    %get3A_4 = arith.constant 0 : index
    %get3A_5 = arith.constant 0 : index
    %get3A_6 = vector.load %arg4[%get3A_4, %get3A_5] : memref<1000x1xf32, #tpu.memory_space<vmem>>, vector<1000x1xf32>
    %max3A_7 = arith.constant 1.000000e+00 : f32
    %max3A_8 = vector.broadcast %max3A_7 : f32 to vector<1000x1xf32>
    %max3A_9 = arith.maximumf %get3A_6, %max3A_8 : vector<1000x1xf32>
    %get3A_10 = arith.constant 0 : index
    %get3A_11 = arith.constant 0 : index
    %get3A_12 = vector.load %arg1[%get3A_10, %get3A_11] : memref<1000x128xf32, #tpu.memory_space<vmem>>, vector<1000x128xf32>
    %div3A = vector.broadcast %max3A_3 : vector<1000x1xf32> to vector<1000x128xf32>
    %div3A_13 = arith.divf %get3A_12, %div3A : vector<1000x128xf32>
    %get3A_14 = arith.constant 0 : index
    %get3A_15 = arith.constant 0 : index
    %get3A_16 = vector.load %arg11[%get3A_14, %get3A_15] : memref<1x128xf32, #tpu.memory_space<vmem>>, vector<1x128xf32>
    %add3A = vector.broadcast %get3A_16 : vector<1x128xf32> to vector<1000x128xf32>
    %add3A_17 = arith.addf %div3A_13, %add3A : vector<1000x128xf32>
    %get3A_18 = arith.constant 0 : index
    %get3A_19 = arith.constant 0 : index
    %get3A_20 = vector.load %arg5[%get3A_18, %get3A_19] : memref<1000x128xf32, #tpu.memory_space<vmem>>, vector<1000x128xf32>
    %get3A_21 = arith.constant 0 : index
    %get3A_22 = arith.constant 0 : index
    %get3A_23 = vector.load %arg7[%get3A_21, %get3A_22] : memref<128x128xf32, #tpu.memory_space<vmem>>, vector<128x128xf32>
    %dot_general3A = arith.constant dense<0.000000e+00> : vector<1000x128xf32>
    %dot_general3A_24 = tpu.matmul %get3A_20, %get3A_23, %dot_general3A {dimension_numbers = #tpu.dot_dimension_numbers<[1], [0], [0], [1], [0, 0, 1, 1], [], []>, transpose_lhs_hint = false} : vector<1000x128xf32>, vector<128x128xf32>, vector<1000x128xf32> -> vector<1000x128xf32>
    %add3A_25 = arith.addf %add3A_17, %dot_general3A_24 : vector<1000x128xf32>
    %max3A_26 = arith.constant 0.000000e+00 : f32
    %max3A_27 = vector.broadcast %max3A_26 : f32 to vector<1000x128xf32>
    %max3A_28 = arith.maximumf %add3A_25, %max3A_27 : vector<1000x128xf32>
    %get3A_29 = arith.constant 0 : index
    %get3A_30 = arith.constant 0 : index
    %get3A_31 = vector.load %arg2[%get3A_29, %get3A_30] : memref<1000x128xf32, #tpu.memory_space<vmem>>, vector<1000x128xf32>
    %div3A_32 = vector.broadcast %max3A_9 : vector<1000x1xf32> to vector<1000x128xf32>
    %div3A_33 = arith.divf %get3A_31, %div3A_32 : vector<1000x128xf32>
    %get3A_34 = arith.constant 0 : index
    %get3A_35 = arith.constant 0 : index
    %get3A_36 = vector.load %arg12[%get3A_34, %get3A_35] : memref<1x128xf32, #tpu.memory_space<vmem>>, vector<1x128xf32>
    %add3A_37 = vector.broadcast %get3A_36 : vector<1x128xf32> to vector<1000x128xf32>
    %add3A_38 = arith.addf %div3A_33, %add3A_37 : vector<1000x128xf32>
    %get3A_39 = arith.constant 0 : index
    %get3A_40 = arith.constant 0 : index
    %get3A_41 = vector.load %arg6[%get3A_39, %get3A_40] : memref<1000x128xf32, #tpu.memory_space<vmem>>, vector<1000x128xf32>
    %get3A_42 = arith.constant 0 : index
    %get3A_43 = arith.constant 0 : index
    %get3A_44 = vector.load %arg8[%get3A_42, %get3A_43] : memref<128x128xf32, #tpu.memory_space<vmem>>, vector<128x128xf32>
    %dot_general3A_45 = arith.constant dense<0.000000e+00> : vector<1000x128xf32>
    %dot_general3A_46 = tpu.matmul %get3A_41, %get3A_44, %dot_general3A_45 {dimension_numbers = #tpu.dot_dimension_numbers<[1], [0], [0], [1], [0, 0, 1, 1], [], []>, transpose_lhs_hint = false} : vector<1000x128xf32>, vector<128x128xf32>, vector<1000x128xf32> -> vector<1000x128xf32>
    %add3A_47 = arith.addf %add3A_38, %dot_general3A_46 : vector<1000x128xf32>
    %max3A_48 = arith.constant 0.000000e+00 : f32
    %max3A_49 = vector.broadcast %max3A_48 : f32 to vector<1000x128xf32>
    %max3A_50 = arith.maximumf %add3A_47, %max3A_49 : vector<1000x128xf32>
    %swap3A = arith.constant 0 : index
    %swap3A_51 = arith.constant 0 : index
    %swap3A_52 = vector.load %arg13[%swap3A, %swap3A_51] : memref<1000x128xf32, #tpu.memory_space<vmem>>, vector<1000x128xf32>
    tpu.vector_store %arg13[%swap3A, %swap3A_51], %max3A_28 {strides = array<i32>} : memref<1000x128xf32, #tpu.memory_space<vmem>>, vector<1000x128xf32>,
    %swap3A_53 = arith.constant 0 : index
    %swap3A_54 = arith.constant 0 : index
    %swap3A_55 = vector.load %arg14[%swap3A_53, %swap3A_54] : memref<1000x128xf32, #tpu.memory_space<vmem>>, vector<1000x128xf32>
    tpu.vector_store %arg14[%swap3A_53, %swap3A_54], %max3A_50 {strides = array<i32>} : memref<1000x128xf32, #tpu.memory_space<vmem>>, vector<1000x128xf32>,
    %get3A_56 = arith.constant 0 : index
    %get3A_57 = arith.constant 0 : index
    %get3A_58 = vector.load %arg9[%get3A_56, %get3A_57] : memref<128x128xf32, #tpu.memory_space<vmem>>, vector<128x128xf32>
    %dot_general3A_59 = arith.constant dense<0.000000e+00> : vector<1000x128xf32>
    %dot_general3A_60 = tpu.matmul %max3A_50, %get3A_58, %dot_general3A_59 {dimension_numbers = #tpu.dot_dimension_numbers<[1], [0], [0], [1], [0, 0, 1, 1], [], []>, transpose_lhs_hint = false} : vector<1000x128xf32>, vector<128x128xf32>, vector<1000x128xf32> -> vector<1000x128xf32>
    %swap3A_61 = arith.constant 0 : index
    %swap3A_62 = arith.constant 0 : index
    %swap3A_63 = vector.load %arg15[%swap3A_61, %swap3A_62] : memref<1000x128xf32, #tpu.memory_space<vmem>>, vector<1000x128xf32>
    tpu.vector_store %arg15[%swap3A_61, %swap3A_62], %dot_general3A_60 {strides = array<i32>} : memref<1000x128xf32, #tpu.memory_space<vmem>>, vector<1000x128xf32>,
    %get3A_64 = arith.constant 0 : index
    %get3A_65 = arith.constant 0 : index
    %get3A_66 = vector.load %arg10[%get3A_64, %get3A_65] : memref<128x128xf32, #tpu.memory_space<vmem>>, vector<128x128xf32>
    %dot_general3A_67 = arith.constant dense<0.000000e+00> : vector<1000x128xf32>
    %dot_general3A_68 = tpu.matmul %max3A_28, %get3A_66, %dot_general3A_67 {dimension_numbers = #tpu.dot_dimension_numbers<[1], [0], [0], [1], [0, 0, 1, 1], [], []>, transpose_lhs_hint = false} : vector<1000x128xf32>, vector<128x128xf32>, vector<1000x128xf32> -> vector<1000x128xf32>
    %swap3A_69 = arith.constant 0 : index
    %swap3A_70 = arith.constant 0 : index
    %swap3A_71 = vector.load %arg16[%swap3A_69, %swap3A_70] : memref<1000x128xf32, #tpu.memory_space<vmem>>, vector<1000x128xf32>
    tpu.vector_store %arg16[%swap3A_69, %swap3A_70], %dot_general3A_68 {strides = array<i32>} : memref<1000x128xf32, #tpu.memory_space<vmem>>, vector<1000x128xf32>,
    return
  }
  func.func @transform_0(%arg0: i32) -> (i32, i32) {
    %c0_i32 = arith.constant 0 : i32
    %c0_i32_0 = arith.constant 0 : i32
    return %arg0, %c0_i32 : i32, i32
  }
  func.func @transform_1(%arg0: i32) -> (i32, i32) {
    %add3A = arith.constant 10 : i32
    %add3A_0 = arith.addi %arg0, %add3A : i32
    %c0_i32 = arith.constant 0 : i32
    %c0_i32_1 = arith.constant 0 : i32
    return %add3A_0, %c0_i32 : i32, i32
  }
  func.func @transform_2(%arg0: i32) -> (i32, i32) {
    %c0_i32 = arith.constant 0 : i32
    %c0_i32_0 = arith.constant 0 : i32
    return %arg0, %c0_i32 : i32, i32
  }
  func.func @transform_3(%arg0: i32) -> (i32, i32) {
    %add3A = arith.constant 10 : i32
    %add3A_0 = arith.addi %arg0, %add3A : i32
    %c0_i32 = arith.constant 0 : i32
    %c0_i32_1 = arith.constant 0 : i32
    return %add3A_0, %c0_i32 : i32, i32
  }
  func.func @transform_4(%arg0: i32) -> (i32, i32) {
    %c0_i32 = arith.constant 0 : i32
    %c0_i32_0 = arith.constant 0 : i32
    return %arg0, %c0_i32 : i32, i32
  }
  func.func @transform_5(%arg0: i32) -> (i32, i32) {
    %c0_i32 = arith.constant 0 : i32
    %c0_i32_0 = arith.constant 0 : i32
    return %arg0, %c0_i32 : i32, i32
  }
  func.func @transform_6(%arg0: i32) -> (i32, i32) {
    %c0_i32 = arith.constant 0 : i32
    %c0_i32_0 = arith.constant 0 : i32
    %c0_i32_1 = arith.constant 0 : i32
    return %c0_i32, %c0_i32_0 : i32, i32
  }
  func.func @transform_7(%arg0: i32) -> (i32, i32) {
    %c0_i32 = arith.constant 0 : i32
    %c0_i32_0 = arith.constant 0 : i32
    %c0_i32_1 = arith.constant 0 : i32
    return %c0_i32, %c0_i32_0 : i32, i32
  }
  func.func @transform_8(%arg0: i32) -> (i32, i32) {
    %c0_i32 = arith.constant 0 : i32
    %c0_i32_0 = arith.constant 0 : i32
    %c0_i32_1 = arith.constant 0 : i32
    return %c0_i32, %c0_i32_0 : i32, i32
  }
  func.func @transform_9(%arg0: i32) -> (i32, i32) {
    %c0_i32 = arith.constant 0 : i32
    %c0_i32_0 = arith.constant 0 : i32
    %c0_i32_1 = arith.constant 0 : i32
    return %c0_i32, %c0_i32_0 : i32, i32
  }
  func.func @transform_10(%arg0: i32) -> (i32, i32) {
    %c0_i32 = arith.constant 0 : i32
    %c0_i32_0 = arith.constant 0 : i32
    %c0_i32_1 = arith.constant 0 : i32
    return %c0_i32, %c0_i32_0 : i32, i32
  }
  func.func @transform_11(%arg0: i32) -> (i32, i32) {
    %c0_i32 = arith.constant 0 : i32
    %c0_i32_0 = arith.constant 0 : i32
    %c0_i32_1 = arith.constant 0 : i32
    return %c0_i32, %c0_i32_0 : i32, i32
  }
  func.func @transform_12(%arg0: i32) -> (i32, i32) {
    %c0_i32 = arith.constant 0 : i32
    %c0_i32_0 = arith.constant 0 : i32
    return %arg0, %c0_i32 : i32, i32
  }
  func.func @transform_13(%arg0: i32) -> (i32, i32) {
    %c0_i32 = arith.constant 0 : i32
    %c0_i32_0 = arith.constant 0 : i32
    return %arg0, %c0_i32 : i32, i32
  }
  func.func @transform_14(%arg0: i32) -> (i32, i32) {
    %c0_i32 = arith.constant 0 : i32
    %c0_i32_0 = arith.constant 0 : i32
    return %arg0, %c0_i32 : i32, i32
  }
  func.func @transform_15(%arg0: i32) -> (i32, i32) {
    %c0_i32 = arith.constant 0 : i32
    %c0_i32_0 = arith.constant 0 : i32
    return %arg0, %c0_i32 : i32, i32
  }
}

module attributes {stable_mosaic.version = 14 : i64} {
  func.func @_tc3_body(%arg0: i32, %arg1: memref<1000x128xf32, #tpu.memory_space<vmem>>, %arg2: memref<1000x128xf32, #tpu.memory_space<vmem>>, %arg3: memref<1000x1xf32, #tpu.memory_space<vmem>>, %arg4: memref<1000x1xf32, #tpu.memory_space<vmem>>, %arg5: memref<1000x128xf32, #tpu.memory_space<vmem>>, %arg6: memref<1000x128xf32, #tpu.memory_space<vmem>>, %arg7: memref<128x128xf32, #tpu.memory_space<vmem>>, %arg8: memref<128x128xf32, #tpu.memory_space<vmem>>, %arg9: memref<1x128xf32, #tpu.memory_space<vmem>>, %arg10: memref<1x128xf32, #tpu.memory_space<vmem>>, %arg11: memref<128x1xf32, #tpu.memory_space<vmem>>, %arg12: memref<128x1xf32, #tpu.memory_space<vmem>>, %arg13: memref<1x1xf32, #tpu.memory_space<vmem>>, %arg14: memref<1000x1xf32, #tpu.memory_space<vmem>>, %arg15: memref<1000x1xf32, #tpu.memory_space<vmem>>) attributes {dimension_semantics = [#tpu.dimension_semantics<arbitrary>], iteration_bounds = array<i64: 10>, scalar_prefetch = 0 : i64, scratch_operands = 0 : i64, tpu.core_type = #tpu.core_type<tc>, window_params = [{transform_indices = @transform_0, window_bounds = array<i64: 1000, 128>}, {transform_indices = @transform_1, window_bounds = array<i64: 1000, 128>}, {transform_indices = @transform_2, window_bounds = array<i64: 1000, 1>}, {transform_indices = @transform_3, window_bounds = array<i64: 1000, 1>}, {transform_indices = @transform_4, window_bounds = array<i64: 1000, 128>}, {transform_indices = @transform_5, window_bounds = array<i64: 1000, 128>}, {pipeline_mode = #tpu.pipeline_mode<synchronous>, transform_indices = @transform_6, window_bounds = array<i64: 128, 128>}, {pipeline_mode = #tpu.pipeline_mode<synchronous>, transform_indices = @transform_7, window_bounds = array<i64: 128, 128>}, {pipeline_mode = #tpu.pipeline_mode<synchronous>, transform_indices = @transform_8, window_bounds = array<i64: 1, 128>}, {pipeline_mode = #tpu.pipeline_mode<synchronous>, transform_indices = @transform_9, window_bounds = array<i64: 1, 128>}, {pipeline_mode = #tpu.pipeline_mode<synchronous>, transform_indices = @transform_10, window_bounds = array<i64: 128, 1>}, {pipeline_mode = #tpu.pipeline_mode<synchronous>, transform_indices = @transform_11, window_bounds = array<i64: 128, 1>}, {pipeline_mode = #tpu.pipeline_mode<synchronous>, transform_indices = @transform_12, window_bounds = array<i64: 1, 1>}, {transform_indices = @transform_13, window_bounds = array<i64: 1000, 1>}, {transform_indices = @transform_14, window_bounds = array<i64: 1000, 1>}]} {
    %get3A = arith.constant 0 : index
    %get3A_0 = arith.constant 0 : index
    %get3A_1 = vector.load %arg3[%get3A, %get3A_0] : memref<1000x1xf32, #tpu.memory_space<vmem>>, vector<1000x1xf32>
    %max3A = arith.constant 1.000000e+00 : f32
    %max3A_2 = vector.broadcast %max3A : f32 to vector<1000x1xf32>
    %max3A_3 = arith.maximumf %get3A_1, %max3A_2 : vector<1000x1xf32>
    %get3A_4 = arith.constant 0 : index
    %get3A_5 = arith.constant 0 : index
    %get3A_6 = vector.load %arg4[%get3A_4, %get3A_5] : memref<1000x1xf32, #tpu.memory_space<vmem>>, vector<1000x1xf32>
    %max3A_7 = arith.constant 1.000000e+00 : f32
    %max3A_8 = vector.broadcast %max3A_7 : f32 to vector<1000x1xf32>
    %max3A_9 = arith.maximumf %get3A_6, %max3A_8 : vector<1000x1xf32>
    %get3A_10 = arith.constant 0 : index
    %get3A_11 = arith.constant 0 : index
    %get3A_12 = vector.load %arg1[%get3A_10, %get3A_11] : memref<1000x128xf32, #tpu.memory_space<vmem>>, vector<1000x128xf32>
    %div3A = vector.broadcast %max3A_3 : vector<1000x1xf32> to vector<1000x128xf32>
    %div3A_13 = arith.divf %get3A_12, %div3A : vector<1000x128xf32>
    %get3A_14 = arith.constant 0 : index
    %get3A_15 = arith.constant 0 : index
    %get3A_16 = vector.load %arg9[%get3A_14, %get3A_15] : memref<1x128xf32, #tpu.memory_space<vmem>>, vector<1x128xf32>
    %add3A = vector.broadcast %get3A_16 : vector<1x128xf32> to vector<1000x128xf32>
    %add3A_17 = arith.addf %div3A_13, %add3A : vector<1000x128xf32>
    %get3A_18 = arith.constant 0 : index
    %get3A_19 = arith.constant 0 : index
    %get3A_20 = vector.load %arg5[%get3A_18, %get3A_19] : memref<1000x128xf32, #tpu.memory_space<vmem>>, vector<1000x128xf32>
    %get3A_21 = arith.constant 0 : index
    %get3A_22 = arith.constant 0 : index
    %get3A_23 = vector.load %arg7[%get3A_21, %get3A_22] : memref<128x128xf32, #tpu.memory_space<vmem>>, vector<128x128xf32>
    %dot_general3A = arith.constant dense<0.000000e+00> : vector<1000x128xf32>
    %dot_general3A_24 = tpu.matmul %get3A_20, %get3A_23, %dot_general3A {dimension_numbers = #tpu.dot_dimension_numbers<[1], [0], [0], [1], [0, 0, 1, 1], [], []>, transpose_lhs_hint = false} : vector<1000x128xf32>, vector<128x128xf32>, vector<1000x128xf32> -> vector<1000x128xf32>
    %add3A_25 = arith.addf %add3A_17, %dot_general3A_24 : vector<1000x128xf32>
    %get3A_26 = arith.constant 0 : index
    %get3A_27 = arith.constant 0 : index
    %get3A_28 = vector.load %arg2[%get3A_26, %get3A_27] : memref<1000x128xf32, #tpu.memory_space<vmem>>, vector<1000x128xf32>
    %div3A_29 = vector.broadcast %max3A_9 : vector<1000x1xf32> to vector<1000x128xf32>
    %div3A_30 = arith.divf %get3A_28, %div3A_29 : vector<1000x128xf32>
    %get3A_31 = arith.constant 0 : index
    %get3A_32 = arith.constant 0 : index
    %get3A_33 = vector.load %arg10[%get3A_31, %get3A_32] : memref<1x128xf32, #tpu.memory_space<vmem>>, vector<1x128xf32>
    %add3A_34 = vector.broadcast %get3A_33 : vector<1x128xf32> to vector<1000x128xf32>
    %add3A_35 = arith.addf %div3A_30, %add3A_34 : vector<1000x128xf32>
    %get3A_36 = arith.constant 0 : index
    %get3A_37 = arith.constant 0 : index
    %get3A_38 = vector.load %arg6[%get3A_36, %get3A_37] : memref<1000x128xf32, #tpu.memory_space<vmem>>, vector<1000x128xf32>
    %get3A_39 = arith.constant 0 : index
    %get3A_40 = arith.constant 0 : index
    %get3A_41 = vector.load %arg8[%get3A_39, %get3A_40] : memref<128x128xf32, #tpu.memory_space<vmem>>, vector<128x128xf32>
    %dot_general3A_42 = arith.constant dense<0.000000e+00> : vector<1000x128xf32>
    %dot_general3A_43 = tpu.matmul %get3A_38, %get3A_41, %dot_general3A_42 {dimension_numbers = #tpu.dot_dimension_numbers<[1], [0], [0], [1], [0, 0, 1, 1], [], []>, transpose_lhs_hint = false} : vector<1000x128xf32>, vector<128x128xf32>, vector<1000x128xf32> -> vector<1000x128xf32>
    %add3A_44 = arith.addf %add3A_35, %dot_general3A_43 : vector<1000x128xf32>
    %get3A_45 = arith.constant 0 : index
    %get3A_46 = arith.constant 0 : index
    %get3A_47 = vector.load %arg11[%get3A_45, %get3A_46] : memref<128x1xf32, #tpu.memory_space<vmem>>, vector<128x1xf32>
    %dot_general3A_48 = arith.constant dense<0.000000e+00> : vector<1000x1xf32>
    %dot_general3A_49 = tpu.matmul %add3A_44, %get3A_47, %dot_general3A_48 {dimension_numbers = #tpu.dot_dimension_numbers<[1], [0], [0], [1], [0, 0, 1, 1], [], []>, transpose_lhs_hint = false} : vector<1000x128xf32>, vector<128x1xf32>, vector<1000x1xf32> -> vector<1000x1xf32>
    %get3A_50 = arith.constant 0 : index
    %get3A_51 = arith.constant 0 : index
    %get3A_52 = vector.load %arg13[%get3A_50, %get3A_51] : memref<1x1xf32, #tpu.memory_space<vmem>>, vector<1x1xf32>
    %add3A_53 = vector.broadcast %get3A_52 : vector<1x1xf32> to vector<1000x1xf32>
    %add3A_54 = arith.addf %dot_general3A_49, %add3A_53 : vector<1000x1xf32>
    %swap3A = arith.constant 0 : index
    %swap3A_55 = arith.constant 0 : index
    %swap3A_56 = vector.load %arg14[%swap3A, %swap3A_55] : memref<1000x1xf32, #tpu.memory_space<vmem>>, vector<1000x1xf32>
    tpu.vector_store %arg14[%swap3A, %swap3A_55], %add3A_54 {strides = array<i32>} : memref<1000x1xf32, #tpu.memory_space<vmem>>, vector<1000x1xf32>,
    %get3A_57 = arith.constant 0 : index
    %get3A_58 = arith.constant 0 : index
    %get3A_59 = vector.load %arg12[%get3A_57, %get3A_58] : memref<128x1xf32, #tpu.memory_space<vmem>>, vector<128x1xf32>
    %dot_general3A_60 = arith.constant dense<0.000000e+00> : vector<1000x1xf32>
    %dot_general3A_61 = tpu.matmul %add3A_25, %get3A_59, %dot_general3A_60 {dimension_numbers = #tpu.dot_dimension_numbers<[1], [0], [0], [1], [0, 0, 1, 1], [], []>, transpose_lhs_hint = false} : vector<1000x128xf32>, vector<128x1xf32>, vector<1000x1xf32> -> vector<1000x1xf32>
    %swap3A_62 = arith.constant 0 : index
    %swap3A_63 = arith.constant 0 : index
    %swap3A_64 = vector.load %arg15[%swap3A_62, %swap3A_63] : memref<1000x1xf32, #tpu.memory_space<vmem>>, vector<1000x1xf32>
    tpu.vector_store %arg15[%swap3A_62, %swap3A_63], %dot_general3A_61 {strides = array<i32>} : memref<1000x1xf32, #tpu.memory_space<vmem>>, vector<1000x1xf32>,
    return
  }
  func.func @transform_0(%arg0: i32) -> (i32, i32) {
    %c0_i32 = arith.constant 0 : i32
    %c0_i32_0 = arith.constant 0 : i32
    return %arg0, %c0_i32 : i32, i32
  }
  func.func @transform_1(%arg0: i32) -> (i32, i32) {
    %add3A = arith.constant 10 : i32
    %add3A_0 = arith.addi %arg0, %add3A : i32
    %c0_i32 = arith.constant 0 : i32
    %c0_i32_1 = arith.constant 0 : i32
    return %add3A_0, %c0_i32 : i32, i32
  }
  func.func @transform_2(%arg0: i32) -> (i32, i32) {
    %c0_i32 = arith.constant 0 : i32
    %c0_i32_0 = arith.constant 0 : i32
    return %arg0, %c0_i32 : i32, i32
  }
  func.func @transform_3(%arg0: i32) -> (i32, i32) {
    %add3A = arith.constant 10 : i32
    %add3A_0 = arith.addi %arg0, %add3A : i32
    %c0_i32 = arith.constant 0 : i32
    %c0_i32_1 = arith.constant 0 : i32
    return %add3A_0, %c0_i32 : i32, i32
  }
  func.func @transform_4(%arg0: i32) -> (i32, i32) {
    %c0_i32 = arith.constant 0 : i32
    %c0_i32_0 = arith.constant 0 : i32
    return %arg0, %c0_i32 : i32, i32
  }
  func.func @transform_5(%arg0: i32) -> (i32, i32) {
    %c0_i32 = arith.constant 0 : i32
    %c0_i32_0 = arith.constant 0 : i32
    return %arg0, %c0_i32 : i32, i32
  }
  func.func @transform_6(%arg0: i32) -> (i32, i32) {
    %c0_i32 = arith.constant 0 : i32
    %c0_i32_0 = arith.constant 0 : i32
    %c0_i32_1 = arith.constant 0 : i32
    return %c0_i32, %c0_i32_0 : i32, i32
  }
  func.func @transform_7(%arg0: i32) -> (i32, i32) {
    %c0_i32 = arith.constant 0 : i32
    %c0_i32_0 = arith.constant 0 : i32
    %c0_i32_1 = arith.constant 0 : i32
    return %c0_i32, %c0_i32_0 : i32, i32
  }
  func.func @transform_8(%arg0: i32) -> (i32, i32) {
    %c0_i32 = arith.constant 0 : i32
    %c0_i32_0 = arith.constant 0 : i32
    %c0_i32_1 = arith.constant 0 : i32
    return %c0_i32, %c0_i32_0 : i32, i32
  }
  func.func @transform_9(%arg0: i32) -> (i32, i32) {
    %c0_i32 = arith.constant 0 : i32
    %c0_i32_0 = arith.constant 0 : i32
    %c0_i32_1 = arith.constant 0 : i32
    return %c0_i32, %c0_i32_0 : i32, i32
  }
  func.func @transform_10(%arg0: i32) -> (i32, i32) {
    %c0_i32 = arith.constant 0 : i32
    %c0_i32_0 = arith.constant 0 : i32
    %c0_i32_1 = arith.constant 0 : i32
    return %c0_i32, %c0_i32_0 : i32, i32
  }
  func.func @transform_11(%arg0: i32) -> (i32, i32) {
    %c0_i32 = arith.constant 0 : i32
    %c0_i32_0 = arith.constant 0 : i32
    %c0_i32_1 = arith.constant 0 : i32
    return %c0_i32, %c0_i32_0 : i32, i32
  }
  func.func @transform_12(%arg0: i32) -> (i32, i32) {
    %c0_i32 = arith.constant 0 : i32
    %c0_i32_0 = arith.constant 0 : i32
    %c0_i32_1 = arith.constant 0 : i32
    return %c0_i32, %c0_i32_0 : i32, i32
  }
  func.func @transform_13(%arg0: i32) -> (i32, i32) {
    %c0_i32 = arith.constant 0 : i32
    %c0_i32_0 = arith.constant 0 : i32
    return %arg0, %c0_i32 : i32, i32
  }
  func.func @transform_14(%arg0: i32) -> (i32, i32) {
    %c0_i32 = arith.constant 0 : i32
    %c0_i32_0 = arith.constant 0 : i32
    return %arg0, %c0_i32 : i32, i32
  }
}

</mosaic_0001>

<sc_bundles>
// kernel: kernel.11.cloned.1.call-start
scs
__scs_entry_jumppad:
0x0: {  	(pc) =	sbr.rel $0x88, $3  }
0x1: {  	(tag) =	ssettag $0x0;
	lr =	simm.s32 $0x1  }
0x2: {  	[smem:$0x3F8D] =	sst lr;
	_ =	strace $0xD0000000  }
0x3: {  	_ = 	snop  }
0x4: {  	_ = 	snop  }
0x5: {  	_ = 	snop  }
0x6: {  	_ = 	snop  }
0x7: {  	_ = 	snop  }
__scs_overlays_trampoline_lowered:
0x8: {  	[smem:$0x3F9C] =	sst s0  }
0x9: {  	[smem:$0x3F9D] =	sst s1  }
0xa: {  	[smem:$0x3F9E] =	sst s2  }
0xb: {  	[smem:$0x3F9F] =	sst s3  }
0xc: {  	[smem:$0x3FA0] =	sst s4  }
0xd: {  	[smem:$0x3FA1] =	sst s5  }
0xe: {  	[smem:$0x3FA2] =	sst s6  }
0xf: {  	[smem:$0x3FA3] =	sst s7  }
0x10: {  	[smem:$0x3FA4] =	sst s8  }
0x11: {  	[smem:$0x3FA5] =	sst s9;
	s0 =	simm.s32 @!p0 $0x0  }
0x12: {  	s1 =	sld [smem:$0x3F8B];
	s0 =	simm.s32 @p0 $0x1  }
0x13: {  	[smem:$0x3FA6] =	sst s0;
	s0 =	simm.s32 @!p1 $0x0  }
0x14: {  	s2 =	sld [smem:$0x3F8A];
	s0 =	simm.s32 @p1 $0x1  }
0x15: {  	[smem:$0x3FA7] =	sst s0;
	s0 =	simm.s32 @!p2 $0x0  }
0x16: {  	s3 =	sld [smem:$0x3FDB];
	s0 =	simm.s32 @p2 $0x1  }
0x17: {  	s4 =	simm.s32 $0x1BF5;
	[smem:$0x3FA9] =	sst s0  }
0x18: {  	s0 =	sld [smem:$0x3F8C];
	_ =	swait.ge [sflag:s4], $0x0  }
0x19: {  	s7 =	sld [smem:$0x3F8D]  }
0x1a: {  	s8 =	sadd.s32 $0xFFFFE003, lr  }
0x1b: {  	s9 =	sadd.s32 $0xFFFFFEF7, lr;
	s5 =	simm.s32 $0xFFFFFFFF;
	p2 =	slt.u32 s8, $0xFFFFF086  }
0x1c: {  	p1 =	slt.u32 s9, $0xF7A;
	s5 =	simm.s32 @!p2 $0x0  }
0x1d: {  	s5 =	simm.s32 @p1 $0x1;
	p0 =	seq.s32 s7, s2  }
0x1e: {  	s7 =	smul.u32 @!p0 $0xF7A, s2;
	p2 =	seq.s32 @!p0 s5, $0x0  }
0x1f: {  	s9 =	smul.u32 $0xF7A, s1;
	s8 =	simm.s32 @!p0 $0x1BF5;
	p2 =	por !p2, p0  }
0x20: {  	[sflag:s8] =	ssyncset.s32 @!p0 $0xFFFFF086;
	s6 =	sadd.s32 @!p0 s3, s7;
	s7 =	simm.s32 @!p0 $0x108  }
0x21: {  	s3 =	sadd.s32 s3, s9;
	s6 =	sadd.s32 @!p0 $0x88, s6;
	s7 =	simm.s32 @p2 $0x1082  }
0x22: {  	[simem:s7], [sflag:s8] =	dma.local @!p0 [hbm:s6], $0xF7A  }
0x23: {  	s9 =	sor.u32 $0xD0000000, s2;
	s6 =	simm.s32 $0x108;
	_ =	swait.ge @!p0 [sflag:s8], $0x0  }
0x24: {  	s3 =	sadd.s32 $0x88, s3;
	s6 =	simm.s32 @!p1 $0x1082;
	[sflag:s4] =	ssyncset.s32 $0xFFFFF086  }
0x25: {  	[simem:s6], [sflag:s4] =	dma.local [hbm:s3], $0xF7A  }
0x26: {  	[smem:$0x3F8D] =	sst s1;
	(tag) =	ssettag s2;
	_ =	strace s9  }
0x27: {  	s1 =	sld [smem:$0x3F9D]  }
0x28: {  	s2 =	sld [smem:$0x3F9E]  }
0x29: {  	s4 =	sld [smem:$0x3FA0]  }
0x2a: {  	p0 =	seq.s32 s5, $0x0;
	s5 =	sld [smem:$0x3FA1]  }
0x2b: {  	s6 =	sld [smem:$0x3FA2]  }
0x2c: {  	s7 =	sld [smem:$0x3FA3]  }
0x2d: {  	s3 =	simm.s32 $0x108;
	s8 =	sld [smem:$0x3FA4]  }
0x2e: {  	s3 =	simm.s32 @!p0 $0x1082;
	s9 =	sld [smem:$0x3FA5]  }
0x2f: {  	lr =	sadd.s32 s0, s3;
	s0 =	sld [smem:$0x3F9C]  }
0x30: {  	s3 =	sld [smem:$0x3F9F]  }
0x31: {  	[smem:$0x3FA8] =	sst s10  }
0x32: {  	s10 =	sld [smem:$0x3FA6];
	_ =	sdelay $0x3  }
0x33: {  	p0 =	seq.s32 s10, $0x1;
	s10 =	sld [smem:$0x3FA8];
	_ =	sdelay $0x3  }
0x34: {  	[smem:$0x3FA8] =	sst s10  }
0x35: {  	s10 =	sld [smem:$0x3FA7];
	_ =	sdelay $0x3  }
0x36: {  	p1 =	seq.s32 s10, $0x1;
	s10 =	sld [smem:$0x3FA8];
	_ =	sdelay $0x3  }
0x37: {  	[smem:$0x3FA8] =	sst s10  }
0x38: {  	s10 =	sld [smem:$0x3FA9]  }
0x39: {  	_ = 	snop;
	(pc) =	sbr.ind lr, $3  }
0x3a: {  	_ = 	snop  }
0x3b: {  	_ = 	snop  }
0x3c: {  	p2 =	seq.s32 s10, $0x1;
	s10 =	sld [smem:$0x3FA8]  }
0x3d: {  	_ =	shalt  }
0x3e: {  	_ =	shalt  }
0x3f: {  	_ =	shalt  }
0x40: {  	_ =	shalt  }
0x41: {  	_ =	shalt  }
0x42: {  	_ =	shalt  }
0x43: {  	_ =	shalt  }
0x44: {  	_ =	shalt  }
0x45: {  	_ =	shalt  }
0x46: {  	_ =	shalt  }
0x47: {  	_ =	shalt  }
0x48: {  	_ =	shalt  }
0x49: {  	_ =	shalt  }
0x4a: {  	_ =	shalt  }
0x4b: {  	_ =	shalt  }
0x4c: {  	_ =	shalt  }
0x4d: {  	_ =	shalt  }
0x4e: {  	_ =	shalt  }
0x4f: {  	_ =	shalt  }
0x50: {  	_ =	shalt  }
0x51: {  	_ =	shalt  }
0x52: {  	_ =	shalt  }
0x53: {  	_ =	shalt  }
0x54: {  	_ =	shalt  }
0x55: {  	_ =	shalt  }
0x56: {  	_ =	shalt  }
0x57: {  	_ =	shalt  }
0x58: {  	_ =	shalt  }
0x59: {  	_ =	shalt  }
0x5a: {  	_ =	shalt  }
0x5b: {  	_ =	shalt  }
0x5c: {  	_ =	shalt  }
0x5d: {  	_ =	shalt  }
0x5e: {  	_ =	shalt  }
0x5f: {  	_ =	shalt  }
0x60: {  	_ =	shalt  }
0x61: {  	_ =	shalt  }
0x62: {  	_ =	shalt  }
0x63: {  	_ =	shalt  }
0x64: {  	_ =	shalt  }
0x65: {  	_ =	shalt  }
0x66: {  	_ =	shalt  }
0x67: {  	_ =	shalt  }
0x68: {  	_ =	shalt  }
0x69: {  	_ =	shalt  }
0x6a: {  	_ =	shalt  }
0x6b: {  	_ =	shalt  }
0x6c: {  	_ =	shalt  }
0x6d: {  	_ =	shalt  }
0x6e: {  	_ =	shalt  }
0x6f: {  	_ =	shalt  }
0x70: {  	_ =	shalt  }
0x71: {  	_ =	shalt  }
0x72: {  	_ =	shalt  }
0x73: {  	_ =	shalt  }
0x74: {  	_ =	shalt  }
0x75: {  	_ =	shalt  }
0x76: {  	_ =	shalt  }
0x77: {  	_ =	shalt  }
0x78: {  	_ =	shalt  }
0x79: {  	_ =	shalt  }
0x7a: {  	_ =	shalt  }
0x7b: {  	_ =	shalt  }
0x7c: {  	_ =	shalt  }
0x7d: {  	_ =	shalt  }
0x7e: {  	_ =	shalt  }
0x7f: {  	_ =	shalt  }
0x80: {  	_ =	shalt  }
0x81: {  	_ =	shalt  }
0x82: {  	_ =	shalt  }
0x83: {  	_ =	shalt  }
0x84: {  	_ =	shalt  }
0x85: {  	_ =	shalt  }
0x86: {  	_ =	shalt  }
0x87: {  	_ =	shalt  }
.Lfunc_end0:
.L_simem_size_0:
called_computation.1_lowered:
.L_overlay_start_0:
0x88: {  	s2 =	sld [smem:$0x3FD9]  }
0x89: {  	s3 =	sld [smem:$0x3FFE];
	_ =	sdelay $0x1  }
0x8a: {  	s1 =	srdreg.scid  }
0x8b: {  	s0 =	sand.u32 $0x1, s1  }
0x8c: {  	s16 =	sshll.u32 s0, $0xA;
	s2 =	sadd.s32 s3, s2  }
0x8d: {  	s2 =	sadd.s32 s2, s16  }
0x8e: {  	[smem:$0x3FB4] =	sst s2  }
0x8f: {  	_ = 	snop  }
0x90: {  	(tm) =	ssettm $0x1  }
0x91: {  	s17 =	sld [smem:$0x3FFB];
	_ =	sdelay $0x3  }
0x92: {  	_ =	strace s17  }
0x93: {  	s2 =	sld [smem:$0x3FFC];
	_ =	sdelay $0x3  }
0x94: {  	_ =	strace s2  }
0x95: {  	s2 =	sld [smem:$0x3FFD];
	_ =	sdelay $0x3  }
0x96: {  	_ =	strace s2  }
0x97: {  	_ =	strace $0x8FFFFFFF  }
0x98: {  	s18 =	sld [smem:$0x3FDB];
	_ =	sdelay $0x1  }
0x99: {  	s19 =	simm.s32 $_scs_section_size  }
0x9a: {  	s4 =	simm.s32 $_size__tile_overlayer_lowered;
	s5 =	simm.s32 $_tile_overlayer_lowered  }
0x9b: {  	s22 =	simm.s32 $0x1BFF;
	s21 =	sshll.u32 s5, $0x1;
	s2 =	sadd.s32 s19, s18  }
0x9c: {  	s6 =	simm.s32 $0x0;
	s20 =	sshll.u32 s4, $0x1;
	s4 =	sadd.s32 s21, s2  }
0x9d: {  	[timem:s6], [sflag:s22] =	dma.local [hbm:s4], s20  }
0x9e: {  	_ =	swait.ge [sflag:s22], s20  }
0x9f: {  	s3 =	ssub.s32 $0x0, s20;
	[sflag:s22] =	ssyncset.done $0x0  }
0xa0: {  	[sflag:s22] =	ssyncadd.s32 s3;
	_ =	sdelay $0x1  }
0xa1: {  	s23 =	simm.s32 $0x1B8B  }
0xa2: {  	_ =	swait.ge [sflag:s23], $0x1  }
0xa3: {  	[sflag:s23] =	ssyncset.done $0x0  }
0xa4: {  	s25 =	simm.s32 $0x1B8E;
	s24 =	sld [smem:$0x3FFE];
	[sflag:s23] =	ssyncadd.s32 $0xFFFFFFFF  }
0xa5: {  	s26 =	simm.s32 $execute0_lowered;
	[smem:$0x3FD2] =	sst s25  }
0xa6: {  	s4 =	sshll.u32 s26, $0x1;
	_ =	strace $0x80000049;
	[dreg:$0x1] =	wrdreg $0xFFFFFFFF  }
0xa7: {  	s28 =	simm.s32 $_size_execute0_lowered;
	s2 =	sadd.s32 s2, s4;
	[dreg:$0x0] =	wrdreg $0x0  }
0xa8: {  	s4 =	sshll.u32 s28, $0x1;
	[dreg:$0x2] =	wrdreg s2  }
0xa9: {  	[dreg:$0x3] =	wrdreg s4  }
0xaa: {  	[dreg:$0x4] =	wrdreg $0xC0  }
0xab: {  	_ =	task [dreg:s6], $0x5FFFF  }
0xac: {  	[dreg:$0x1] =	wrdreg $0xFFFFFFFF  }
0xad: {  	[dreg:$0x0] =	wrdreg $0x60  }
0xae: {  	[dreg:$0x2] =	wrdreg s24  }
0xaf: {  	[dreg:$0x3] =	wrdreg $0xA5000  }
0xb0: {  	[dreg:$0x4] =	wrdreg $0x9  }
0xb1: {  	_ =	task.clear_ibuf [dreg:s6], $0x5FFFF;
	_ =	strace $0x90000049  }
0xb2: {  	s29 =	simm.s32 $0x9;
	_ =	strace $0x8000004B  }
0xb3: {  	_ =	swait.ge [sflag:s29], $0x1  }
0xb4: {  	[sflag:s29] =	ssyncadd.s32 $0xFFFFFFFF  }
0xb5: {  	_ =	strace $0x9000004B  }
0xb6: {  	_ =	sfence  }
0xb7: {  	s30 =	sld [smem:$0x0];
	_ =	sdelay $0x2  }
0xb8: {  	s31 =	sshll.u32 s1, $0xD;
	s1 =	sshrl.u32 s1, $0x2  }
0xb9: {  	s3 =	sand.u32 $0x4000, s31;
	s1 =	sadd.s32 s1, s30  }
0xba: {  	s0 =	sor.u32 s3, s0;
	s1 =	sshll.u32 s1, $0x11  }
0xbb: {  	s0 =	sor.u32 s1, s0  }
0xbc: {  	s0 =	sadd.s32 $0x8F2B, s0  }
0xbd: {  	[sflag:s0] =	ssyncadd.remote.s32 $0x1  }
0xbe: {  	_ =	sfence.sel $0xFFFF  }
0xbf: {  	[dreg:$0x0] =	wrdreg $0xFFFFFFFF;
	(pc) =	sbr.abs _section_cstart, $3  }
0xc0: {  	[dreg:$0x1] =	wrdreg $0xFFFFFFFF  }
0xc1: {  	_ =	task.clear_ibuf [dreg:s6], $0x2FFFF;
	_ =	strace $0x9FFFFFFF  }
0xc2: {  	(tm) =	ssettm $0x7FFFFFFF  }
0xc3: {  	_ =	shalt  }
tec
execute0_lowered:
.L_overlay_start_1:
0x0: {  	(tag) =	ssettag $0x1  }
0x1: {  	s0 =	rddreg [dreg:$0x0]  }
0x2: {  	s1 =	rddreg [dreg:$0x1]  }
0x3: {  	s2 =	simm.s32 $0x0;
	s5 =	stileid.u32;
	s8 =	srdreg.scid  }
0x4: {  	s16 =	simm.s32 $0x9;
	s18 =	simm.s32 $0x180;
	s19 =	simm.s32 $0x50  }
0x5: {  	s28 =	simm.s32 $0x300;
	s29 =	simm.s32 $0x2;
	s30 =	simm.s32 $0x380  }
0x6: {  	s31 =	simm.s32 $0x3;
	[smem:$0x7FF] =	sst s2;
	s6 =	smul.u32 $0xA28, s5  }
0x7: {  	s3 =	sadd.s32 $0xC9C00, s0;
	s7 =	smul.u32 $0x2700, s5;
	s4 =	sadd.s32 $0x2CE00, s0  }
0x8: {  	s8 =	sand.u32 $0x1, s8;
	s9 =	smul.u32 $0x4E000, s5;
	s12 =	sadd.s32 $0x54000, s0  }
0x9: {  	s22 =	sshll.u32 s5, $0x6;
	s17 =	sadd.s32 $0x138000, s1;
	p1 =	sne.s32 s5, $0x0  }
0xa: {  	s5 =	simm.s32 $0x4;
	_ =	strace $0x8000004A;
	s21 =	smul.u32 $0x138800, s8  }
0xb: {  	s11 =	ssub.s32 $0x2, s8;
	s14 =	smul.u32 $0x27100, s8;
	p0 =	seq.s32 s8, $0x1  }
0xc: {  	s17 =	sshrl.u32 @!p1 s17, $0x3;
	s10 =	sadd.s32 s6, s0;
	s20 =	sadd.s32 s7, s0  }
0xd: {  	s13 =	sshrl.u32 s11, $0x1;
	s9 =	sshrl.u32 s9, $0x2;
	s0 =	sadd.s32 $0xC9400, s0  }
0xe: {  	[dreg:$0x9] =	wrdreg s17;
	s11 =	ssub.s32 s11, s13;
	s9 =	sadd.s32 s9, s1  }
0xf: {  	s6 =	sadd.s32 $0xA2400, s20;
	s13 =	sshrl.u32 s21, $0x3;
	[dreg:$0x4] =	wrdreg s0  }
0x10: {  	s23 =	sadd.s32 s7, s14;
	s14 =	sadd.s32 $0x3E00, s10;
	s20 =	simm.s32 $0x500  }
0x11: {  	s21 =	simm.s32 $0x2D00;
	s7 =	simm.s32 $0x480;
	[dreg:$0x3] =	wrdreg s6  }
0x12: {  	s6 =	sor.u32 $0x1C09, s22;
	s24 =	sadd.s32 s12, s13;
	s0 =	sadd.s32 s12, s23  }
0x13: {  	s26 =	smax.u32 s11, $0x1;
	s11 =	sadd.s32 $0xE200, s10;
	s12 =	sadd.s32 $0x18600, s10  }
.Ltmp0:
0x14: {  	s13 =	sadd.s32 $0x22A00, s10;
	s15 =	sshrl.u32 s9, $0x3;
	(pc) =	sbr.rel .LBB2_1-.Ltmp0, $4  }
0x15: {  	s22 =	simm.s32 $0xA0;
	s23 =	simm.s32 $0x5500;
	[dreg:$0x5] =	wrdreg s0  }
0x16: {  	s9 =	simm.s32 $0x0;
	s25 =	sadd.s32 $0x27000, s24;
	[dreg:$0x7] =	wrdreg s26  }
0x17: {  	s24 =	simm.s32 $0xF0;
	s26 =	simm.s32 $0x1;
	[dreg:$0x8] =	wrdreg s15  }
0x18: {  	s0 =	simm.s32 $0x400;
	[dreg:$0x6] =	wrdreg s25;
	s25 =	simm.s32 $0x7D00  }
.LBB2_7:
0x19: {  	[tilespmem:$0x400] =	vst v4  }
0x1a: {  	[tilespmem:$0x410] =	vst v0  }
0x1b: {  	[tilespmem:$0x420] =	vst v1  }
0x1c: {  	[tilespmem:$0x440] =	vst v2  }
0x1d: {  	[tilespmem:$0x430] =	vst v3  }
0x1e: {  	[spmem:s1] =	stream.indirect.scatter.add.f32 [tilespmem:s23], [sflag:$0x7], $0x80, s0, s19, $0xb8;
	[tilespmem:$0x1DDC0] =	vst v63  }
0x1f: {  	_ =	swait.ge [sflag:s5], $0x2800  }
0x20: {  	[sflag:s5] =	ssyncset.done $0x0  }
0x21: {  	[sflag:s5] =	ssyncadd.s32 $0xFFFFD800  }
0x22: {  	v59 =	vld [tilespmem:$0x270]  }
0x23: {  	v60 =	vld [tilespmem:$0x2B0]  }
0x24: {  	v61 =	vld [tilespmem:$0x290]  }
0x25: {  	v62 =	vld [tilespmem:$0x2A0]  }
0x26: {  	v63 =	vld [tilespmem:$0x280]  }
0x27: {  	[tilespmem:$0x480] =	vst v59  }
0x28: {  	[tilespmem:$0x4C0] =	vst v60  }
0x29: {  	[tilespmem:$0x4A0] =	vst v61  }
0x2a: {  	[tilespmem:$0x4B0] =	vst v62  }
0x2b: {  	[tilespmem:$0x490] =	vst v63  }
0x2c: {  	[spmem:s1] =	stream.indirect.scatter.add.f32 [tilespmem:s25], [sflag:$0x8], $0x80, s7, s19, $0xb8;
	[tilespmem:$0x1DDC0] =	vst v63  }
.LBB2_8:
0x2d: {  	s8 =	simm.s32 $0x5  }
0x2e: {  	_ =	swait.ge [sflag:s8], $0x2800  }
0x2f: {  	[sflag:s8] =	ssyncset.done $0x0  }
0x30: {  	s17 =	simm.s32 $0x6;
	[sflag:s8] =	ssyncadd.s32 $0xFFFFD800  }
0x31: {  	_ =	swait.ge [sflag:s17], $0x2800  }
0x32: {  	[sflag:s17] =	ssyncset.done $0x0  }
0x33: {  	s10 =	simm.s32 $0x7;
	[sflag:s17] =	ssyncadd.s32 $0xFFFFD800  }
0x34: {  	_ =	swait.ge [sflag:s10], $0x2800  }
0x35: {  	[sflag:s10] =	ssyncset.done $0x0  }
0x36: {  	s15 =	simm.s32 $0x8;
	[sflag:s10] =	ssyncadd.s32 $0xFFFFD800  }
0x37: {  	_ =	swait.ge [sflag:s15], $0x2800  }
0x38: {  	[sflag:s15] =	ssyncset.done $0x0  }
0x39: {  	[sflag:s15] =	ssyncadd.s32 $0xFFFFD800  }
0x3a: {  	[bflag:$0x0] =	sbarrier.arrive $0xFFFF  }
0x3b: {  	s17 =	rddreg [dreg:$0x5]  }
0x3c: {  	s15 =	rddreg [dreg:$0x8]  }
0x3d: {  	[hbm:s17], [sflag:s6] =	dma.local [spmem:s15], $0x2700  }
0x3e: {  	_ =	swait.ge [sflag:s16], $0x2700  }
0x3f: {  	[sflag:s16] =	ssyncset.done $0x0;
	s8 =	rddreg [dreg:$0x6]  }
0x40: {  	s17 =	rddreg [dreg:$0x9];
	[sflag:s16] =	ssyncadd.s32 $0xFFFFD900  }
0x41: {  	[hbm:s8], [sflag:s6] =	dma.local @!p1 [spmem:s17], $0x100  }
0x42: {  	s8 =	simm.s32 @!p1 $0x9  }
0x43: {  	_ =	swait.ge @!p1 [sflag:s8], $0x100  }
0x44: {  	s9 =	sadd.s32 $0x1, s9;
	s10 =	rddreg [dreg:$0x7]  }
0x45: {  	p2 =	sne.s32 s9, s10  }
.Ltmp1:
0x46: {  	_ = 	snop;
	(pc) =	sbr.rel @!p2 .LBB2_9-.Ltmp1, $3  }
0x47: {  	_ =	sdelay $0x1  }
0x48: {  	[sflag:s8] =	ssyncset.done @!p1 $0x0  }
0x49: {  	[sflag:s8] =	ssyncadd.s32 @!p1 $0xFFFFFF00  }
.LBB2_1:
0x4a: {  	s8 =	rddreg [dreg:$0x3]  }
0x4b: {  	[spmem:s15], [sflag:s6] =	dma.local [hbm:s8], $0x2700  }
0x4c: {  	_ =	swait.ge [sflag:s16], $0x2700  }
0x4d: {  	[sflag:s16] =	ssyncset.done $0x0  }
0x4e: {  	s8 =	rddreg [dreg:$0x4];
	[sflag:s16] =	ssyncadd.s32 $0xFFFFD900  }
0x4f: {  	[spmem:s17], [sflag:s6] =	dma.local @!p1 [hbm:s8], $0x100  }
0x50: {  	s8 =	simm.s32 @!p1 $0x9  }
.Ltmp2:
0x51: {  	_ =	swait.ge @!p1 [sflag:s8], $0x100;
	(pc) =	sbr.rel @!p0 .LBB2_2-.Ltmp2, $4  }
0x52: {  	[sflag:s8] =	ssyncset.done @!p1 $0x0  }
0x53: {  	[sflag:s8] =	ssyncadd.s32 @!p1 $0xFFFFFF00  }
0x54: {  	[bflag:$0x0] =	sbarrier.arrive $0xFFFF  }
0x55: {  	p2 =	por $0x1, $0x1  }
0x56: {  	s8 =	simm.s32 @!p2 $0x5  }
0x57: {  	_ =	swait.ge @!p2 [sflag:s8], $0x2800  }
0x58: {  	[sflag:s8] =	ssyncset.done @!p2 $0x0  }
0x59: {  	[sflag:s8] =	ssyncadd.s32 @!p2 $0xFFFFD800;
	s8 =	simm.s32 @!p2 $0x6  }
0x5a: {  	_ =	swait.ge @!p2 [sflag:s8], $0x2800  }
0x5b: {  	[sflag:s8] =	ssyncset.done @!p2 $0x0  }
0x5c: {  	s10 =	simm.s32 @!p2 $0x7;
	[sflag:s8] =	ssyncadd.s32 @!p2 $0xFFFFD800  }
0x5d: {  	_ =	swait.ge @!p2 [sflag:s10], $0x2800  }
0x5e: {  	[sflag:s10] =	ssyncset.done @!p2 $0x0  }
0x5f: {  	s8 =	simm.s32 @!p2 $0x8;
	[sflag:s10] =	ssyncadd.s32 @!p2 $0xFFFFD800  }
0x60: {  	_ =	swait.ge @!p2 [sflag:s8], $0x2800  }
0x61: {  	[sflag:s8] =	ssyncset.done @!p2 $0x0  }
0x62: {  	s15 =	sadd.s32 $0x0, s14;
	[sflag:s8] =	ssyncadd.s32 @!p2 $0xFFFFD800  }
0x63: {  	[tilespmem:s2], [sflag:$0x9] =	stream.linear.gather [hbm4b:s15+s2], $0x140, $0x38;
	[tilespmem:$0x1DDC0] =	vst v63  }
0x64: {  	_ =	swait.ge [sflag:s16], $0x140  }
0x65: {  	[sflag:s16] =	ssyncset.done $0x0  }
0x66: {  	s17 =	sadd.s32 $0x0, s13;
	[sflag:s16] =	ssyncadd.s32 $0xFFFFFEC0  }
0x67: {  	[tilespmem:s18], [sflag:$0x9] =	stream.linear.gather [hbm4b:s17+s2], $0x140, $0x38;
	[tilespmem:$0x1DDC0] =	vst v63  }
0x68: {  	_ =	swait.ge [sflag:s16], $0x140  }
0x69: {  	[sflag:s16] =	ssyncset.done $0x0  }
0x6a: {  	[sflag:s16] =	ssyncadd.s32 $0xFFFFFEC0  }
0x6b: {  	[tilespmem:s20], [sflag:$0x1] =	stream.indirect.gather [hbm4b:s4+s19], $0x80, s2, s19, $0xb8;
	[tilespmem:$0x1DDC0] =	vst v63  }
0x6c: {  	_ = 	snop  }
0x6d: {  	[tilespmem:s21], [sflag:$0x2] =	stream.indirect.gather [hbm4b:s4+s19], $0x80, s19, s19, $0xb8;
	[tilespmem:$0x1DDC0] =	vst v63  }
0x6e: {  	_ = 	snop  }
0x6f: {  	[tilespmem:s23], [sflag:$0x3] =	stream.indirect.gather [hbm4b:s4+s19], $0x80, s22, s19, $0xb8;
	[tilespmem:$0x1DDC0] =	vst v63  }
0x70: {  	_ = 	snop  }
0x71: {  	[tilespmem:s25], [sflag:$0x4] =	stream.indirect.gather [hbm4b:s4+s19], $0x80, s24, s19, $0xb8;
	[tilespmem:$0x1DDC0] =	vst v63  }
0x72: {  	_ =	swait.ge [sflag:s26], $0x2800  }
0x73: {  	[sflag:s26] =	ssyncset.done $0x0  }
0x74: {  	[sflag:s26] =	ssyncadd.s32 $0xFFFFD800  }
0x75: {  	v0 =	vld [tilespmem:$0x1C0]  }
0x76: {  	v1 =	vld [tilespmem:$0x1B0]  }
0x77: {  	v2 =	vld [tilespmem:$0x180]  }
0x78: {  	v3 =	vld [tilespmem:$0x1A0]  }
0x79: {  	v4 =	vld [tilespmem:$0x190]  }
0x7a: {  	[tilespmem:$0x340] =	vst v0  }
0x7b: {  	[tilespmem:$0x330] =	vst v1  }
0x7c: {  	[tilespmem:$0x300] =	vst v2  }
0x7d: {  	[tilespmem:$0x320] =	vst v3  }
0x7e: {  	[tilespmem:$0x310] =	vst v4  }
0x7f: {  	[spmem:s1] =	stream.indirect.scatter.add.f32 [tilespmem:s20], [sflag:$0x5], $0x80, s28, s19, $0xb8;
	[tilespmem:$0x1DDC0] =	vst v63  }
0x80: {  	_ =	swait.ge [sflag:s29], $0x2800  }
0x81: {  	[sflag:s29] =	ssyncset.done $0x0  }
0x82: {  	[sflag:s29] =	ssyncadd.s32 $0xFFFFD800  }
0x83: {  	v0 =	vld [tilespmem:$0x200]  }
0x84: {  	v1 =	vld [tilespmem:$0x1D0]  }
0x85: {  	v2 =	vld [tilespmem:$0x1E0]  }
0x86: {  	v3 =	vld [tilespmem:$0x210]  }
0x87: {  	v4 =	vld [tilespmem:$0x1F0]  }
0x88: {  	[tilespmem:$0x3B0] =	vst v0  }
0x89: {  	[tilespmem:$0x380] =	vst v1  }
0x8a: {  	[tilespmem:$0x390] =	vst v2  }
0x8b: {  	[tilespmem:$0x3C0] =	vst v3  }
0x8c: {  	[tilespmem:$0x3A0] =	vst v4  }
0x8d: {  	[spmem:s1] =	stream.indirect.scatter.add.f32 [tilespmem:s21], [sflag:$0x6], $0x80, s30, s19, $0xb8;
	[tilespmem:$0x1DDC0] =	vst v63  }
0x8e: {  	_ =	swait.ge [sflag:s31], $0x2800  }
0x8f: {  	[sflag:s31] =	ssyncset.done $0x0  }
0x90: {  	[sflag:s31] =	ssyncadd.s32 $0xFFFFD800  }
0x91: {  	v4 =	vld [tilespmem:$0x220]  }
0x92: {  	v0 =	vld [tilespmem:$0x230]  }
0x93: {  	v1 =	vld [tilespmem:$0x240]  }
0x94: {  	v2 =	vld [tilespmem:$0x260]  }
0x95: {  	s10 =	simm.s32 $0x28;
	v3 =	vld [tilespmem:$0x250]  }
.LBB2_6:
0x96: {  	[tilespmem:$0x400] =	vst v4;
	s8 =	smov.u32 s10;
	s10 =	sadd.s32 $0x28, s10  }
0x97: {  	p2 =	sne.s32 s10, $0xA28;
	[tilespmem:$0x410] =	vst v0  }
0x98: {  	[tilespmem:$0x420] =	vst v1  }
0x99: {  	[tilespmem:$0x440] =	vst v2  }
0x9a: {  	[tilespmem:$0x430] =	vst v3  }
0x9b: {  	[spmem:s1] =	stream.indirect.scatter.add.f32 [tilespmem:s23], [sflag:$0x7], $0x80, s0, s19, $0xb8;
	[tilespmem:$0x1DDC0] =	vst v63  }
0x9c: {  	_ =	swait.ge [sflag:s5], $0x2800  }
0x9d: {  	[sflag:s5] =	ssyncset.done $0x0  }
0x9e: {  	[sflag:s5] =	ssyncadd.s32 $0xFFFFD800  }
0x9f: {  	v0 =	vld [tilespmem:$0x270]  }
0xa0: {  	v1 =	vld [tilespmem:$0x2B0]  }
0xa1: {  	v2 =	vld [tilespmem:$0x290]  }
0xa2: {  	v3 =	vld [tilespmem:$0x2A0]  }
0xa3: {  	v4 =	vld [tilespmem:$0x280]  }
0xa4: {  	[tilespmem:$0x480] =	vst v0  }
0xa5: {  	[tilespmem:$0x4C0] =	vst v1  }
0xa6: {  	[tilespmem:$0x4A0] =	vst v2  }
0xa7: {  	p3 =	seq.s32 s8, $0x0;
	[tilespmem:$0x4B0] =	vst v3  }
0xa8: {  	s15 =	simm.s32 @!p3 $0x5;
	[tilespmem:$0x490] =	vst v4  }
0xa9: {  	[spmem:s1] =	stream.indirect.scatter.add.f32 [tilespmem:s25], [sflag:$0x8], $0x80, s7, s19, $0xb8;
	[tilespmem:$0x1DDC0] =	vst v63  }
0xaa: {  	_ =	swait.ge @!p3 [sflag:s15], $0x2800  }
0xab: {  	[sflag:s15] =	ssyncset.done @!p3 $0x0  }
0xac: {  	s17 =	simm.s32 @!p3 $0x7;
	[sflag:s15] =	ssyncadd.s32 @!p3 $0xFFFFD800;
	s15 =	simm.s32 @!p3 $0x6  }
0xad: {  	_ =	swait.ge @!p3 [sflag:s15], $0x2800  }
0xae: {  	[sflag:s15] =	ssyncset.done @!p3 $0x0  }
0xaf: {  	[sflag:s15] =	ssyncadd.s32 @!p3 $0xFFFFD800  }
0xb0: {  	_ =	swait.ge @!p3 [sflag:s17], $0x2800  }
0xb1: {  	[sflag:s17] =	ssyncset.done @!p3 $0x0  }
0xb2: {  	s15 =	simm.s32 @!p3 $0x8;
	[sflag:s17] =	ssyncadd.s32 @!p3 $0xFFFFD800  }
0xb3: {  	_ =	swait.ge @!p3 [sflag:s15], $0x2800  }
0xb4: {  	[sflag:s15] =	ssyncset.done @!p3 $0x0  }
0xb5: {  	[sflag:s15] =	ssyncadd.s32 @!p3 $0xFFFFD800;
	s15 =	sadd.s32 s8, s14  }
0xb6: {  	[tilespmem:s2], [sflag:$0x9] =	stream.linear.gather [hbm4b:s15+s2], $0x140, $0x38;
	[tilespmem:$0x1DDC0] =	vst v63  }
0xb7: {  	_ =	swait.ge [sflag:s16], $0x140  }
0xb8: {  	[sflag:s16] =	ssyncset.done $0x0  }
0xb9: {  	s8 =	sadd.s32 s8, s13;
	[sflag:s16] =	ssyncadd.s32 $0xFFFFFEC0  }
0xba: {  	[tilespmem:s18], [sflag:$0x9] =	stream.linear.gather [hbm4b:s8+s2], $0x140, $0x38;
	[tilespmem:$0x1DDC0] =	vst v63  }
0xbb: {  	_ =	swait.ge [sflag:s16], $0x140  }
0xbc: {  	[sflag:s16] =	ssyncset.done $0x0  }
0xbd: {  	[sflag:s16] =	ssyncadd.s32 $0xFFFFFEC0  }
0xbe: {  	[tilespmem:s20], [sflag:$0x1] =	stream.indirect.gather [hbm4b:s4+s19], $0x80, s2, s19, $0xb8;
	[tilespmem:$0x1DDC0] =	vst v63  }
0xbf: {  	_ = 	snop  }
0xc0: {  	[tilespmem:s21], [sflag:$0x2] =	stream.indirect.gather [hbm4b:s4+s19], $0x80, s19, s19, $0xb8;
	[tilespmem:$0x1DDC0] =	vst v63  }
0xc1: {  	_ = 	snop  }
0xc2: {  	[tilespmem:s23], [sflag:$0x3] =	stream.indirect.gather [hbm4b:s4+s19], $0x80, s22, s19, $0xb8;
	[tilespmem:$0x1DDC0] =	vst v63  }
0xc3: {  	_ = 	snop  }
0xc4: {  	[tilespmem:s25], [sflag:$0x4] =	stream.indirect.gather [hbm4b:s4+s19], $0x80, s24, s19, $0xb8;
	[tilespmem:$0x1DDC0] =	vst v63  }
0xc5: {  	_ =	swait.ge [sflag:s26], $0x2800  }
0xc6: {  	[sflag:s26] =	ssyncset.done $0x0  }
0xc7: {  	[sflag:s26] =	ssyncadd.s32 $0xFFFFD800  }
0xc8: {  	v0 =	vld [tilespmem:$0x1C0]  }
0xc9: {  	v1 =	vld [tilespmem:$0x1B0]  }
0xca: {  	v2 =	vld [tilespmem:$0x180]  }
0xcb: {  	v3 =	vld [tilespmem:$0x1A0]  }
0xcc: {  	v4 =	vld [tilespmem:$0x190]  }
0xcd: {  	[tilespmem:$0x340] =	vst v0  }
0xce: {  	[tilespmem:$0x330] =	vst v1  }
0xcf: {  	[tilespmem:$0x300] =	vst v2  }
0xd0: {  	[tilespmem:$0x320] =	vst v3  }
0xd1: {  	[tilespmem:$0x310] =	vst v4  }
0xd2: {  	[spmem:s1] =	stream.indirect.scatter.add.f32 [tilespmem:s20], [sflag:$0x5], $0x80, s28, s19, $0xb8;
	[tilespmem:$0x1DDC0] =	vst v63  }
0xd3: {  	_ =	swait.ge [sflag:s29], $0x2800  }
0xd4: {  	[sflag:s29] =	ssyncset.done $0x0  }
0xd5: {  	[sflag:s29] =	ssyncadd.s32 $0xFFFFD800  }
0xd6: {  	v0 =	vld [tilespmem:$0x200]  }
0xd7: {  	v1 =	vld [tilespmem:$0x1D0]  }
0xd8: {  	v2 =	vld [tilespmem:$0x1E0]  }
0xd9: {  	v3 =	vld [tilespmem:$0x210]  }
0xda: {  	v4 =	vld [tilespmem:$0x1F0]  }
0xdb: {  	[tilespmem:$0x3B0] =	vst v0  }
0xdc: {  	[tilespmem:$0x380] =	vst v1  }
0xdd: {  	[tilespmem:$0x390] =	vst v2  }
0xde: {  	[tilespmem:$0x3C0] =	vst v3  }
0xdf: {  	[tilespmem:$0x3A0] =	vst v4  }
0xe0: {  	[spmem:s1] =	stream.indirect.scatter.add.f32 [tilespmem:s21], [sflag:$0x6], $0x80, s30, s19, $0xb8;
	[tilespmem:$0x1DDC0] =	vst v63  }
0xe1: {  	_ =	swait.ge [sflag:s31], $0x2800  }
0xe2: {  	[sflag:s31] =	ssyncset.done $0x0  }
0xe3: {  	[sflag:s31] =	ssyncadd.s32 $0xFFFFD800  }
.Ltmp3:
0xe4: {  	v4 =	vld [tilespmem:$0x220];
	(pc) =	sbr.rel @p2 .LBB2_6-.Ltmp3, $4  }
0xe5: {  	v0 =	vld [tilespmem:$0x230]  }
0xe6: {  	v1 =	vld [tilespmem:$0x240]  }
0xe7: {  	v2 =	vld [tilespmem:$0x260]  }
0xe8: {  	v3 =	vld [tilespmem:$0x250]  }
.Ltmp4:
0xe9: {  	_ = 	snop;
	(pc) =	sbr.rel .LBB2_7-.Ltmp4, $1  }
0xea: {  	_ =	sdelay $0x3  }
.LBB2_2:
0xeb: {  	s8 =	simm.s32 @!p2 $0x5  }
0xec: {  	_ =	swait.ge @!p2 [sflag:s8], $0x2800  }
0xed: {  	[sflag:s8] =	ssyncset.done @!p2 $0x0  }
0xee: {  	[sflag:s8] =	ssyncadd.s32 @!p2 $0xFFFFD800;
	s8 =	simm.s32 @!p2 $0x6  }
0xef: {  	_ =	swait.ge @!p2 [sflag:s8], $0x2800  }
0xf0: {  	[sflag:s8] =	ssyncset.done @!p2 $0x0  }
0xf1: {  	s10 =	simm.s32 @!p2 $0x7;
	[sflag:s8] =	ssyncadd.s32 @!p2 $0xFFFFD800  }
0xf2: {  	_ =	swait.ge @!p2 [sflag:s10], $0x2800  }
0xf3: {  	[sflag:s10] =	ssyncset.done @!p2 $0x0  }
0xf4: {  	s8 =	simm.s32 @!p2 $0x8;
	[sflag:s10] =	ssyncadd.s32 @!p2 $0xFFFFD800  }
0xf5: {  	_ =	swait.ge @!p2 [sflag:s8], $0x2800  }
0xf6: {  	[sflag:s8] =	ssyncset.done @!p2 $0x0  }
0xf7: {  	s15 =	sadd.s32 $0x0, s12;
	[sflag:s8] =	ssyncadd.s32 @!p2 $0xFFFFD800  }
0xf8: {  	[tilespmem:s2], [sflag:$0x9] =	stream.linear.gather [hbm4b:s15+s2], $0x140, $0x38;
	[tilespmem:$0x1DDC0] =	vst v63  }
0xf9: {  	_ =	swait.ge [sflag:s16], $0x140  }
0xfa: {  	[sflag:s16] =	ssyncset.done $0x0  }
0xfb: {  	s17 =	sadd.s32 $0x0, s11;
	[sflag:s16] =	ssyncadd.s32 $0xFFFFFEC0  }
0xfc: {  	[tilespmem:s18], [sflag:$0x9] =	stream.linear.gather [hbm4b:s17+s2], $0x140, $0x38;
	[tilespmem:$0x1DDC0] =	vst v63  }
0xfd: {  	_ =	swait.ge [sflag:s16], $0x140  }
0xfe: {  	[sflag:s16] =	ssyncset.done $0x0  }
0xff: {  	[sflag:s16] =	ssyncadd.s32 $0xFFFFFEC0  }
0x100: {  	[tilespmem:s20], [sflag:$0x1] =	stream.indirect.gather [hbm4b:s3+s19], $0x80, s2, s19, $0xb8;
	[tilespmem:$0x1DDC0] =	vst v63  }
0x101: {  	_ = 	snop  }
0x102: {  	[tilespmem:s21], [sflag:$0x2] =	stream.indirect.gather [hbm4b:s3+s19], $0x80, s19, s19, $0xb8;
	[tilespmem:$0x1DDC0] =	vst v63  }
0x103: {  	_ = 	snop  }
0x104: {  	[tilespmem:s23], [sflag:$0x3] =	stream.indirect.gather [hbm4b:s3+s19], $0x80, s22, s19, $0xb8;
	[tilespmem:$0x1DDC0] =	vst v63  }
0x105: {  	_ = 	snop  }
0x106: {  	[tilespmem:s25], [sflag:$0x4] =	stream.indirect.gather [hbm4b:s3+s19], $0x80, s24, s19, $0xb8;
	[tilespmem:$0x1DDC0] =	vst v63  }
0x107: {  	_ =	swait.ge [sflag:s26], $0x2800  }
0x108: {  	[sflag:s26] =	ssyncset.done $0x0  }
0x109: {  	[sflag:s26] =	ssyncadd.s32 $0xFFFFD800  }
0x10a: {  	v0 =	vld [tilespmem:$0x1C0]  }
0x10b: {  	v1 =	vld [tilespmem:$0x1B0]  }
0x10c: {  	v2 =	vld [tilespmem:$0x180]  }
0x10d: {  	v3 =	vld [tilespmem:$0x1A0]  }
0x10e: {  	v4 =	vld [tilespmem:$0x190]  }
0x10f: {  	[tilespmem:$0x340] =	vst v0  }
0x110: {  	[tilespmem:$0x330] =	vst v1  }
0x111: {  	[tilespmem:$0x300] =	vst v2  }
0x112: {  	[tilespmem:$0x320] =	vst v3  }
0x113: {  	[tilespmem:$0x310] =	vst v4  }
0x114: {  	[spmem:s1] =	stream.indirect.scatter.add.f32 [tilespmem:s20], [sflag:$0x5], $0x80, s28, s19, $0xb8;
	[tilespmem:$0x1DDC0] =	vst v63  }
0x115: {  	_ =	swait.ge [sflag:s29], $0x2800  }
0x116: {  	[sflag:s29] =	ssyncset.done $0x0  }
0x117: {  	[sflag:s29] =	ssyncadd.s32 $0xFFFFD800  }
0x118: {  	v0 =	vld [tilespmem:$0x200]  }
0x119: {  	v1 =	vld [tilespmem:$0x1D0]  }
0x11a: {  	v2 =	vld [tilespmem:$0x1E0]  }
0x11b: {  	v3 =	vld [tilespmem:$0x210]  }
0x11c: {  	v4 =	vld [tilespmem:$0x1F0]  }
0x11d: {  	[tilespmem:$0x3B0] =	vst v0  }
0x11e: {  	[tilespmem:$0x380] =	vst v1  }
0x11f: {  	[tilespmem:$0x390] =	vst v2  }
0x120: {  	[tilespmem:$0x3C0] =	vst v3  }
0x121: {  	[tilespmem:$0x3A0] =	vst v4  }
0x122: {  	[spmem:s1] =	stream.indirect.scatter.add.f32 [tilespmem:s21], [sflag:$0x6], $0x80, s30, s19, $0xb8;
	[tilespmem:$0x1DDC0] =	vst v63  }
0x123: {  	_ =	swait.ge [sflag:s31], $0x2800  }
0x124: {  	[sflag:s31] =	ssyncset.done $0x0  }
0x125: {  	[sflag:s31] =	ssyncadd.s32 $0xFFFFD800  }
0x126: {  	v4 =	vld [tilespmem:$0x220]  }
0x127: {  	v0 =	vld [tilespmem:$0x230]  }
0x128: {  	v1 =	vld [tilespmem:$0x240]  }
0x129: {  	v2 =	vld [tilespmem:$0x260]  }
0x12a: {  	s10 =	simm.s32 $0x28;
	v3 =	vld [tilespmem:$0x250]  }
.LBB2_3:
0x12b: {  	[tilespmem:$0x400] =	vst v4;
	s8 =	smov.u32 s10;
	s10 =	sadd.s32 $0x28, s10  }
0x12c: {  	p2 =	seq.s32 s10, $0xA28;
	[tilespmem:$0x410] =	vst v0  }
0x12d: {  	[tilespmem:$0x420] =	vst v1  }
0x12e: {  	[tilespmem:$0x440] =	vst v2  }
0x12f: {  	[tilespmem:$0x430] =	vst v3  }
0x130: {  	[spmem:s1] =	stream.indirect.scatter.add.f32 [tilespmem:s23], [sflag:$0x7], $0x80, s0, s19, $0xb8;
	[tilespmem:$0x1DDC0] =	vst v63  }
0x131: {  	_ =	swait.ge [sflag:s5], $0x2800  }
0x132: {  	[sflag:s5] =	ssyncset.done $0x0  }
0x133: {  	[sflag:s5] =	ssyncadd.s32 $0xFFFFD800  }
0x134: {  	v0 =	vld [tilespmem:$0x270]  }
0x135: {  	v1 =	vld [tilespmem:$0x2B0]  }
0x136: {  	v2 =	vld [tilespmem:$0x290]  }
0x137: {  	v3 =	vld [tilespmem:$0x2A0]  }
0x138: {  	v4 =	vld [tilespmem:$0x280]  }
0x139: {  	[tilespmem:$0x480] =	vst v0  }
0x13a: {  	[tilespmem:$0x4C0] =	vst v1  }
0x13b: {  	[tilespmem:$0x4A0] =	vst v2  }
0x13c: {  	p3 =	seq.s32 s8, $0x0;
	[tilespmem:$0x4B0] =	vst v3  }
0x13d: {  	s15 =	simm.s32 @!p3 $0x5;
	[tilespmem:$0x490] =	vst v4  }
0x13e: {  	[spmem:s1] =	stream.indirect.scatter.add.f32 [tilespmem:s25], [sflag:$0x8], $0x80, s7, s19, $0xb8;
	[tilespmem:$0x1DDC0] =	vst v63  }
0x13f: {  	_ =	swait.ge @!p3 [sflag:s15], $0x2800  }
0x140: {  	[sflag:s15] =	ssyncset.done @!p3 $0x0  }
0x141: {  	s17 =	simm.s32 @!p3 $0x7;
	[sflag:s15] =	ssyncadd.s32 @!p3 $0xFFFFD800;
	s15 =	simm.s32 @!p3 $0x6  }
0x142: {  	_ =	swait.ge @!p3 [sflag:s15], $0x2800  }
0x143: {  	[sflag:s15] =	ssyncset.done @!p3 $0x0  }
0x144: {  	[sflag:s15] =	ssyncadd.s32 @!p3 $0xFFFFD800  }
0x145: {  	_ =	swait.ge @!p3 [sflag:s17], $0x2800  }
0x146: {  	[sflag:s17] =	ssyncset.done @!p3 $0x0  }
0x147: {  	s15 =	simm.s32 @!p3 $0x8;
	[sflag:s17] =	ssyncadd.s32 @!p3 $0xFFFFD800  }
0x148: {  	_ =	swait.ge @!p3 [sflag:s15], $0x2800  }
0x149: {  	[sflag:s15] =	ssyncset.done @!p3 $0x0  }
0x14a: {  	[sflag:s15] =	ssyncadd.s32 @!p3 $0xFFFFD800;
	s15 =	sadd.s32 s8, s12  }
0x14b: {  	[tilespmem:s2], [sflag:$0x9] =	stream.linear.gather [hbm4b:s15+s2], $0x140, $0x38;
	[tilespmem:$0x1DDC0] =	vst v63  }
0x14c: {  	_ =	swait.ge [sflag:s16], $0x140  }
0x14d: {  	[sflag:s16] =	ssyncset.done $0x0  }
0x14e: {  	s8 =	sadd.s32 s8, s11;
	[sflag:s16] =	ssyncadd.s32 $0xFFFFFEC0  }
0x14f: {  	[tilespmem:s18], [sflag:$0x9] =	stream.linear.gather [hbm4b:s8+s2], $0x140, $0x38;
	[tilespmem:$0x1DDC0] =	vst v63  }
0x150: {  	_ =	swait.ge [sflag:s16], $0x140  }
0x151: {  	[sflag:s16] =	ssyncset.done $0x0  }
0x152: {  	[sflag:s16] =	ssyncadd.s32 $0xFFFFFEC0  }
0x153: {  	[tilespmem:s20], [sflag:$0x1] =	stream.indirect.gather [hbm4b:s3+s19], $0x80, s2, s19, $0xb8;
	[tilespmem:$0x1DDC0] =	vst v63  }
0x154: {  	_ = 	snop  }
0x155: {  	[tilespmem:s21], [sflag:$0x2] =	stream.indirect.gather [hbm4b:s3+s19], $0x80, s19, s19, $0xb8;
	[tilespmem:$0x1DDC0] =	vst v63  }
0x156: {  	_ = 	snop  }
0x157: {  	[tilespmem:s23], [sflag:$0x3] =	stream.indirect.gather [hbm4b:s3+s19], $0x80, s22, s19, $0xb8;
	[tilespmem:$0x1DDC0] =	vst v63  }
0x158: {  	_ = 	snop  }
0x159: {  	[tilespmem:s25], [sflag:$0x4] =	stream.indirect.gather [hbm4b:s3+s19], $0x80, s24, s19, $0xb8;
	[tilespmem:$0x1DDC0] =	vst v63  }
0x15a: {  	_ =	swait.ge [sflag:s26], $0x2800  }
0x15b: {  	[sflag:s26] =	ssyncset.done $0x0  }
0x15c: {  	[sflag:s26] =	ssyncadd.s32 $0xFFFFD800  }
0x15d: {  	v0 =	vld [tilespmem:$0x1C0]  }
0x15e: {  	v1 =	vld [tilespmem:$0x1B0]  }
0x15f: {  	v2 =	vld [tilespmem:$0x180]  }
0x160: {  	v3 =	vld [tilespmem:$0x1A0]  }
0x161: {  	v4 =	vld [tilespmem:$0x190]  }
0x162: {  	[tilespmem:$0x340] =	vst v0  }
0x163: {  	[tilespmem:$0x330] =	vst v1  }
0x164: {  	[tilespmem:$0x300] =	vst v2  }
0x165: {  	[tilespmem:$0x320] =	vst v3  }
0x166: {  	[tilespmem:$0x310] =	vst v4  }
0x167: {  	[spmem:s1] =	stream.indirect.scatter.add.f32 [tilespmem:s20], [sflag:$0x5], $0x80, s28, s19, $0xb8;
	[tilespmem:$0x1DDC0] =	vst v63  }
0x168: {  	_ =	swait.ge [sflag:s29], $0x2800  }
0x169: {  	[sflag:s29] =	ssyncset.done $0x0  }
0x16a: {  	[sflag:s29] =	ssyncadd.s32 $0xFFFFD800  }
0x16b: {  	v0 =	vld [tilespmem:$0x200]  }
0x16c: {  	v1 =	vld [tilespmem:$0x1D0]  }
0x16d: {  	v2 =	vld [tilespmem:$0x1E0]  }
0x16e: {  	v3 =	vld [tilespmem:$0x210]  }
0x16f: {  	v4 =	vld [tilespmem:$0x1F0]  }
0x170: {  	[tilespmem:$0x3B0] =	vst v0  }
0x171: {  	[tilespmem:$0x380] =	vst v1  }
0x172: {  	[tilespmem:$0x390] =	vst v2  }
0x173: {  	[tilespmem:$0x3C0] =	vst v3  }
0x174: {  	[tilespmem:$0x3A0] =	vst v4  }
0x175: {  	[spmem:s1] =	stream.indirect.scatter.add.f32 [tilespmem:s21], [sflag:$0x6], $0x80, s30, s19, $0xb8;
	[tilespmem:$0x1DDC0] =	vst v63  }
0x176: {  	_ =	swait.ge [sflag:s31], $0x2800  }
0x177: {  	[sflag:s31] =	ssyncset.done $0x0  }
0x178: {  	[sflag:s31] =	ssyncadd.s32 $0xFFFFD800  }
.Ltmp5:
0x179: {  	v4 =	vld [tilespmem:$0x220];
	(pc) =	sbr.rel @!p2 .LBB2_3-.Ltmp5, $4  }
0x17a: {  	v0 =	vld [tilespmem:$0x230]  }
0x17b: {  	v1 =	vld [tilespmem:$0x240]  }
0x17c: {  	v2 =	vld [tilespmem:$0x260]  }
0x17d: {  	v3 =	vld [tilespmem:$0x250]  }
0x17e: {  	[tilespmem:$0x400] =	vst v4  }
0x17f: {  	[tilespmem:$0x410] =	vst v0  }
0x180: {  	[tilespmem:$0x420] =	vst v1  }
0x181: {  	[tilespmem:$0x440] =	vst v2  }
0x182: {  	[tilespmem:$0x430] =	vst v3  }
0x183: {  	[spmem:s1] =	stream.indirect.scatter.add.f32 [tilespmem:s23], [sflag:$0x7], $0x80, s0, s19, $0xb8;
	[tilespmem:$0x1DDC0] =	vst v63  }
0x184: {  	_ =	swait.ge [sflag:s5], $0x2800  }
0x185: {  	[sflag:s5] =	ssyncset.done $0x0  }
0x186: {  	[sflag:s5] =	ssyncadd.s32 $0xFFFFD800  }
0x187: {  	v59 =	vld [tilespmem:$0x270]  }
0x188: {  	v60 =	vld [tilespmem:$0x2B0]  }
0x189: {  	v61 =	vld [tilespmem:$0x290]  }
0x18a: {  	v62 =	vld [tilespmem:$0x2A0]  }
0x18b: {  	v63 =	vld [tilespmem:$0x280]  }
0x18c: {  	[tilespmem:$0x480] =	vst v59  }
.Ltmp6:
0x18d: {  	[tilespmem:$0x4C0] =	vst v60;
	(pc) =	sbr.rel .LBB2_8-.Ltmp6, $4  }
0x18e: {  	[tilespmem:$0x4A0] =	vst v61  }
0x18f: {  	[tilespmem:$0x4B0] =	vst v62  }
0x190: {  	[tilespmem:$0x490] =	vst v63  }
0x191: {  	[spmem:s1] =	stream.indirect.scatter.add.f32 [tilespmem:s25], [sflag:$0x8], $0x80, s7, s19, $0xb8;
	[tilespmem:$0x1DDC0] =	vst v63  }
.LBB2_9:
0x192: {  	_ =	sfence.sel $0x180000  }
0x193: {  	[bflag:$0x0] =	sbarrier.arrive $0xFFFF  }
0x194: {  	_ =	strace $0x9000004A  }
0x195: {  	[bflag:$0x2] =	sbarrier.arrive $0xFFFF  }
0x196: {  	s0 =	rddreg [dreg:$0x2]  }
0x197: {  	s0 =	sadd.s32 @!p1 $0x100000, s0  }
0x198: {  	[sflag:s0] =	ssyncadd.tile.s32 @!p1 $0x1;
	_ =	shalt  }
.Lfunc_end2:
_tile_overlayer_lowered:
.L_overlay_start_2:
0x199: {  	(tag) =	ssettag $0x2  }
0x19a: {  	s0 =	rddreg [dreg:$0x0];
	s2 =	stileid.u32  }
0x19b: {  	s1 =	rddreg [dreg:$0x1];
	p0 =	sne.s32 s2, $0x0  }
0x19c: {  	s3 =	rddreg [dreg:$0x2];
	[bflag:$0x3] =	sbarrier.arrive $0xFFFF;
	s2 =	simm.s32 @!p0 $0x1C09  }
0x19d: {  	[timem:s3], [sflag:s2] =	dma.local @!p0 [hbm:s0], s1  }
0x19e: {  	s0 =	simm.s32 @!p0 $0x9  }
0x19f: {  	_ =	swait.ge @!p0 [sflag:s0], s1  }
0x1a0: {  	s1 =	ssub.s32 @!p0 $0x0, s1;
	[sflag:s0] =	ssyncset.done @!p0 $0x0  }
0x1a1: {  	[sflag:s0] =	ssyncadd.s32 @!p0 s1  }
0x1a2: {  	[bflag:$0x3] =	sbarrier.arrive $0xFFFF  }
0x1a3: {  	_ =	shalt  }

// kernel: kernel.14.cloned.1.call-start
scs
__scs_entry_jumppad:
0x0: {  	(pc) =	sbr.rel $0x88, $3  }
0x1: {  	(tag) =	ssettag $0x0;
	lr =	simm.s32 $0x1  }
0x2: {  	[smem:$0x3F8D] =	sst lr;
	_ =	strace $0xD0000000  }
0x3: {  	_ = 	snop  }
0x4: {  	_ = 	snop  }
0x5: {  	_ = 	snop  }
0x6: {  	_ = 	snop  }
0x7: {  	_ = 	snop  }
__scs_overlays_trampoline_lowered:
0x8: {  	[smem:$0x3F9C] =	sst s0  }
0x9: {  	[smem:$0x3F9D] =	sst s1  }
0xa: {  	[smem:$0x3F9E] =	sst s2  }
0xb: {  	[smem:$0x3F9F] =	sst s3  }
0xc: {  	[smem:$0x3FA0] =	sst s4  }
0xd: {  	[smem:$0x3FA1] =	sst s5  }
0xe: {  	[smem:$0x3FA2] =	sst s6  }
0xf: {  	[smem:$0x3FA3] =	sst s7  }
0x10: {  	[smem:$0x3FA4] =	sst s8  }
0x11: {  	[smem:$0x3FA5] =	sst s9;
	s0 =	simm.s32 @!p0 $0x0  }
0x12: {  	s1 =	sld [smem:$0x3F8B];
	s0 =	simm.s32 @p0 $0x1  }
0x13: {  	[smem:$0x3FA6] =	sst s0;
	s0 =	simm.s32 @!p1 $0x0  }
0x14: {  	s2 =	sld [smem:$0x3F8A];
	s0 =	simm.s32 @p1 $0x1  }
0x15: {  	[smem:$0x3FA7] =	sst s0;
	s0 =	simm.s32 @!p2 $0x0  }
0x16: {  	s3 =	sld [smem:$0x3FDB];
	s0 =	simm.s32 @p2 $0x1  }
0x17: {  	s4 =	simm.s32 $0x1BF5;
	[smem:$0x3FA9] =	sst s0  }
0x18: {  	s0 =	sld [smem:$0x3F8C];
	_ =	swait.ge [sflag:s4], $0x0  }
0x19: {  	s7 =	sld [smem:$0x3F8D]  }
0x1a: {  	s8 =	sadd.s32 $0xFFFFE003, lr  }
0x1b: {  	s9 =	sadd.s32 $0xFFFFFEF7, lr;
	s5 =	simm.s32 $0xFFFFFFFF;
	p2 =	slt.u32 s8, $0xFFFFF086  }
0x1c: {  	p1 =	slt.u32 s9, $0xF7A;
	s5 =	simm.s32 @!p2 $0x0  }
0x1d: {  	s5 =	simm.s32 @p1 $0x1;
	p0 =	seq.s32 s7, s2  }
0x1e: {  	s7 =	smul.u32 @!p0 $0xF7A, s2;
	p2 =	seq.s32 @!p0 s5, $0x0  }
0x1f: {  	s9 =	smul.u32 $0xF7A, s1;
	s8 =	simm.s32 @!p0 $0x1BF5;
	p2 =	por !p2, p0  }
0x20: {  	[sflag:s8] =	ssyncset.s32 @!p0 $0xFFFFF086;
	s6 =	sadd.s32 @!p0 s3, s7;
	s7 =	simm.s32 @!p0 $0x108  }
0x21: {  	s3 =	sadd.s32 s3, s9;
	s6 =	sadd.s32 @!p0 $0x88, s6;
	s7 =	simm.s32 @p2 $0x1082  }
0x22: {  	[simem:s7], [sflag:s8] =	dma.local @!p0 [hbm:s6], $0xF7A  }
0x23: {  	s9 =	sor.u32 $0xD0000000, s2;
	s6 =	simm.s32 $0x108;
	_ =	swait.ge @!p0 [sflag:s8], $0x0  }
0x24: {  	s3 =	sadd.s32 $0x88, s3;
	s6 =	simm.s32 @!p1 $0x1082;
	[sflag:s4] =	ssyncset.s32 $0xFFFFF086  }
0x25: {  	[simem:s6], [sflag:s4] =	dma.local [hbm:s3], $0xF7A  }
0x26: {  	[smem:$0x3F8D] =	sst s1;
	(tag) =	ssettag s2;
	_ =	strace s9  }
0x27: {  	s1 =	sld [smem:$0x3F9D]  }
0x28: {  	s2 =	sld [smem:$0x3F9E]  }
0x29: {  	s4 =	sld [smem:$0x3FA0]  }
0x2a: {  	p0 =	seq.s32 s5, $0x0;
	s5 =	sld [smem:$0x3FA1]  }
0x2b: {  	s6 =	sld [smem:$0x3FA2]  }
0x2c: {  	s7 =	sld [smem:$0x3FA3]  }
0x2d: {  	s3 =	simm.s32 $0x108;
	s8 =	sld [smem:$0x3FA4]  }
0x2e: {  	s3 =	simm.s32 @!p0 $0x1082;
	s9 =	sld [smem:$0x3FA5]  }
0x2f: {  	lr =	sadd.s32 s0, s3;
	s0 =	sld [smem:$0x3F9C]  }
0x30: {  	s3 =	sld [smem:$0x3F9F]  }
0x31: {  	[smem:$0x3FA8] =	sst s10  }
0x32: {  	s10 =	sld [smem:$0x3FA6];
	_ =	sdelay $0x3  }
0x33: {  	p0 =	seq.s32 s10, $0x1;
	s10 =	sld [smem:$0x3FA8];
	_ =	sdelay $0x3  }
0x34: {  	[smem:$0x3FA8] =	sst s10  }
0x35: {  	s10 =	sld [smem:$0x3FA7];
	_ =	sdelay $0x3  }
0x36: {  	p1 =	seq.s32 s10, $0x1;
	s10 =	sld [smem:$0x3FA8];
	_ =	sdelay $0x3  }
0x37: {  	[smem:$0x3FA8] =	sst s10  }
0x38: {  	s10 =	sld [smem:$0x3FA9]  }
0x39: {  	_ = 	snop;
	(pc) =	sbr.ind lr, $3  }
0x3a: {  	_ = 	snop  }
0x3b: {  	_ = 	snop  }
0x3c: {  	p2 =	seq.s32 s10, $0x1;
	s10 =	sld [smem:$0x3FA8]  }
0x3d: {  	_ =	shalt  }
0x3e: {  	_ =	shalt  }
0x3f: {  	_ =	shalt  }
0x40: {  	_ =	shalt  }
0x41: {  	_ =	shalt  }
0x42: {  	_ =	shalt  }
0x43: {  	_ =	shalt  }
0x44: {  	_ =	shalt  }
0x45: {  	_ =	shalt  }
0x46: {  	_ =	shalt  }
0x47: {  	_ =	shalt  }
0x48: {  	_ =	shalt  }
0x49: {  	_ =	shalt  }
0x4a: {  	_ =	shalt  }
0x4b: {  	_ =	shalt  }
0x4c: {  	_ =	shalt  }
0x4d: {  	_ =	shalt  }
0x4e: {  	_ =	shalt  }
0x4f: {  	_ =	shalt  }
0x50: {  	_ =	shalt  }
0x51: {  	_ =	shalt  }
0x52: {  	_ =	shalt  }
0x53: {  	_ =	shalt  }
0x54: {  	_ =	shalt  }
0x55: {  	_ =	shalt  }
0x56: {  	_ =	shalt  }
0x57: {  	_ =	shalt  }
0x58: {  	_ =	shalt  }
0x59: {  	_ =	shalt  }
0x5a: {  	_ =	shalt  }
0x5b: {  	_ =	shalt  }
0x5c: {  	_ =	shalt  }
0x5d: {  	_ =	shalt  }
0x5e: {  	_ =	shalt  }
0x5f: {  	_ =	shalt  }
0x60: {  	_ =	shalt  }
0x61: {  	_ =	shalt  }
0x62: {  	_ =	shalt  }
0x63: {  	_ =	shalt  }
0x64: {  	_ =	shalt  }
0x65: {  	_ =	shalt  }
0x66: {  	_ =	shalt  }
0x67: {  	_ =	shalt  }
0x68: {  	_ =	shalt  }
0x69: {  	_ =	shalt  }
0x6a: {  	_ =	shalt  }
0x6b: {  	_ =	shalt  }
0x6c: {  	_ =	shalt  }
0x6d: {  	_ =	shalt  }
0x6e: {  	_ =	shalt  }
0x6f: {  	_ =	shalt  }
0x70: {  	_ =	shalt  }
0x71: {  	_ =	shalt  }
0x72: {  	_ =	shalt  }
0x73: {  	_ =	shalt  }
0x74: {  	_ =	shalt  }
0x75: {  	_ =	shalt  }
0x76: {  	_ =	shalt  }
0x77: {  	_ =	shalt  }
0x78: {  	_ =	shalt  }
0x79: {  	_ =	shalt  }
0x7a: {  	_ =	shalt  }
0x7b: {  	_ =	shalt  }
0x7c: {  	_ =	shalt  }
0x7d: {  	_ =	shalt  }
0x7e: {  	_ =	shalt  }
0x7f: {  	_ =	shalt  }
0x80: {  	_ =	shalt  }
0x81: {  	_ =	shalt  }
0x82: {  	_ =	shalt  }
0x83: {  	_ =	shalt  }
0x84: {  	_ =	shalt  }
0x85: {  	_ =	shalt  }
0x86: {  	_ =	shalt  }
0x87: {  	_ =	shalt  }
.Lfunc_end0:
.L_simem_size_0:
called_computation.2_lowered:
.L_overlay_start_0:
0x88: {  	s2 =	sld [smem:$0x3FD9]  }
0x89: {  	s3 =	sld [smem:$0x3FFE];
	_ =	sdelay $0x1  }
0x8a: {  	s1 =	srdreg.scid  }
0x8b: {  	s0 =	sand.u32 $0x1, s1  }
0x8c: {  	s17 =	sshll.u32 s0, $0xA;
	s2 =	sadd.s32 s3, s2  }
0x8d: {  	s2 =	sadd.s32 s2, s17  }
0x8e: {  	[smem:$0x3FB4] =	sst s2  }
0x8f: {  	_ = 	snop  }
0x90: {  	s2 =	sld [smem:$0x3FD0];
	(tm) =	ssettm $0x1  }
0x91: {  	s18 =	sld [smem:$0x3FFB];
	_ =	sdelay $0x3  }
0x92: {  	_ =	strace s18  }
0x93: {  	s3 =	sld [smem:$0x3FFC];
	_ =	sdelay $0x3  }
0x94: {  	_ =	strace s3  }
0x95: {  	s3 =	sld [smem:$0x3FFD];
	_ =	sdelay $0x3  }
0x96: {  	_ =	strace s3  }
0x97: {  	_ =	strace $0x8FFFFFFF  }
0x98: {  	s19 =	sld [smem:$0x3FDB];
	_ =	sdelay $0x1  }
0x99: {  	s4 =	simm.s32 $_scs_section_size  }
0x9a: {  	s5 =	simm.s32 $_size__tile_overlayer_lowered;
	s6 =	simm.s32 $_tile_overlayer_lowered  }
0x9b: {  	s22 =	simm.s32 $0x1BFF;
	s21 =	sshll.u32 s6, $0x1;
	s3 =	sadd.s32 s4, s19  }
0x9c: {  	s7 =	simm.s32 $0x0;
	s20 =	sshll.u32 s5, $0x1;
	s5 =	sadd.s32 s21, s3  }
0x9d: {  	[timem:s7], [sflag:s22] =	dma.local [hbm:s5], s20  }
0x9e: {  	_ =	swait.ge [sflag:s22], s20  }
0x9f: {  	s4 =	ssub.s32 $0x0, s20;
	[sflag:s22] =	ssyncset.done $0x0  }
0xa0: {  	[sflag:s22] =	ssyncadd.s32 s4;
	_ =	sdelay $0x1  }
0xa1: {  	s23 =	simm.s32 $0x1B8B  }
0xa2: {  	_ =	swait.ge [sflag:s23], $0x1  }
0xa3: {  	[sflag:s23] =	ssyncset.done $0x0  }
0xa4: {  	s25 =	simm.s32 $0x1B8E;
	s24 =	sld [smem:$0x3FFE];
	[sflag:s23] =	ssyncadd.s32 $0xFFFFFFFF  }
0xa5: {  	s26 =	simm.s32 $execute0_lowered;
	[smem:$0x3FD2] =	sst s25  }
0xa6: {  	s5 =	sshll.u32 s26, $0x1;
	_ =	strace $0x8000004C;
	[dreg:$0x1] =	wrdreg $0xFFFFFFFF  }
0xa7: {  	s28 =	simm.s32 $_size_execute0_lowered;
	s3 =	sadd.s32 s3, s5;
	[dreg:$0x0] =	wrdreg $0x0  }
0xa8: {  	s5 =	sshll.u32 s28, $0x1;
	[dreg:$0x2] =	wrdreg s3  }
0xa9: {  	[dreg:$0x3] =	wrdreg s5  }
0xaa: {  	[dreg:$0x4] =	wrdreg $0xC0  }
0xab: {  	_ =	task [dreg:s7], $0x5FFFF  }
0xac: {  	[dreg:$0x1] =	wrdreg $0xFFFFFFFF  }
0xad: {  	[dreg:$0x0] =	wrdreg $0x60  }
0xae: {  	[dreg:$0x2] =	wrdreg s24  }
0xaf: {  	[dreg:$0x3] =	wrdreg s2  }
0xb0: {  	[dreg:$0x4] =	wrdreg $0x10000  }
0xb1: {  	[dreg:$0x5] =	wrdreg $0x9  }
0xb2: {  	_ =	task.clear_ibuf [dreg:s7], $0x6FFFF;
	_ =	strace $0x9000004C  }
0xb3: {  	s29 =	simm.s32 $0x9;
	_ =	strace $0x8000004E  }
0xb4: {  	_ =	swait.ge [sflag:s29], $0x1  }
0xb5: {  	[sflag:s29] =	ssyncadd.s32 $0xFFFFFFFF  }
0xb6: {  	_ =	strace $0x9000004E  }
0xb7: {  	_ =	sfence  }
0xb8: {  	s30 =	sld [smem:$0x0];
	_ =	sdelay $0x2  }
0xb9: {  	s31 =	sshll.u32 s1, $0xD;
	s1 =	sshrl.u32 s1, $0x2  }
0xba: {  	s3 =	sand.u32 $0x4000, s31;
	s1 =	sadd.s32 s1, s30  }
0xbb: {  	s0 =	sor.u32 s3, s0;
	s1 =	sshll.u32 s1, $0x11  }
0xbc: {  	s0 =	sor.u32 s1, s0  }
0xbd: {  	s0 =	sadd.s32 $0x8F2B, s0  }
0xbe: {  	[sflag:s0] =	ssyncadd.remote.s32 $0x1  }
0xbf: {  	_ =	sfence.sel $0xFFFF  }
0xc0: {  	[dreg:$0x0] =	wrdreg $0xFFFFFFFF;
	(pc) =	sbr.abs _section_cstart, $3  }
0xc1: {  	[dreg:$0x1] =	wrdreg $0xFFFFFFFF  }
0xc2: {  	_ =	task.clear_ibuf [dreg:s7], $0x2FFFF;
	_ =	strace $0x9FFFFFFF  }
0xc3: {  	(tm) =	ssettm $0x7FFFFFFF  }
tec
execute0_lowered:
.L_overlay_start_1:
0x0: {  	(tag) =	ssettag $0x1  }
0x1: {  	s0 =	rddreg [dreg:$0x0]  }
0x2: {  	s6 =	rddreg [dreg:$0x1]  }
0x3: {  	s1 =	rddreg [dreg:$0x2];
	s2 =	simm.s32 $0x0  }
0x4: {  	s3 =	srdreg.scid;
	s7 =	stileid.u32;
	s10 =	simm.s32 $0x400  }
0x5: {  	s11 =	simm.s32 $0x80;
	s12 =	simm.s32 $0x800;
	s28 =	simm.s32 $0x600  }
0x6: {  	s29 =	simm.s32 $0xE00;
	s30 =	simm.s32 $0x280;
	s31 =	simm.s32 $0xA80  }
0x7: {  	s13 =	simm.s32 $0xE80;
	s14 =	simm.s32 $0x300;
	s15 =	simm.s32 $0xB00  }
0x8: {  	s16 =	simm.s32 $0x700;
	s17 =	simm.s32 $0xF00;
	s18 =	simm.s32 $0x380  }
0x9: {  	s19 =	simm.s32 $0xB80;
	s20 =	simm.s32 $0x780;
	s21 =	simm.s32 $0xF80  }
0xa: {  	s22 =	simm.s32 $0x0;
	[smem:$0x7FF] =	sst s2;
	s3 =	sand.u32 $0x1, s3  }
0xb: {  	s4 =	sshll.u32 s7, $0x8;
	p0 =	sne.s32 s7, $0x0;
	s5 =	sshll.u32 s3, $0x7  }
0xc: {  	s8 =	ssub.s32 $0x2, s3;
	_ =	strace $0x8000004D;
	s9 =	sor.u32 s5, s4  }
0xd: {  	s3 =	sadd.s32 $0x3E00, s0;
	s26 =	sshrl.u32 s8, $0x1;
	s0 =	sadd.s32 s9, s0  }
0xe: {  	s8 =	ssub.s32 s8, s26;
	s6 =	sadd.s32 s6, s9;
	s9 =	simm.s32 $0x1  }
0xf: {  	s26 =	simm.s32 $0xA00;
	s4 =	sadd.s32 $0xF1E00, s0;
	s5 =	sadd.s32 $0xF0E00, s0  }
0x10: {  	s7 =	smax.u32 s8, $0x1;
	s8 =	sshrl.u32 @!p0 s1, $0x3;
	s0 =	simm.s32 $0x680  }
.LBB2_1:
0x11: {  	s23 =	simm.s32 @!p0 $0x1C01  }
0x12: {  	[spmem:s8], [sflag:s23] =	dma.local @!p0 [hbm:s3], $0x9D0  }
0x13: {  	s23 =	simm.s32 @!p0 $0x1  }
0x14: {  	_ =	swait.ge @!p0 [sflag:s23], $0x9D0  }
0x15: {  	[sflag:s23] =	ssyncset.done @!p0 $0x0  }
0x16: {  	[sflag:s23] =	ssyncadd.s32 @!p0 $0xFFFFF630  }
0x17: {  	[tilespmem:s2], [sflag:$0x1] =	stream.linear.gather [hbm4b:s4+s2], $0x400, $0x38;
	[tilespmem:$0x14E8] =	vst v63  }
0x18: {  	_ =	swait.ge [sflag:s9], $0x400  }
0x19: {  	[sflag:s9] =	ssyncset.done $0x0  }
0x1a: {  	[sflag:s9] =	ssyncadd.s32 $0xFFFFFC00  }
0x1b: {  	[tilespmem:s10], [sflag:$0x1] =	stream.linear.gather [hbm4b:s5+s2], $0x400, $0x38;
	[tilespmem:$0x14E8] =	vst v63  }
0x1c: {  	_ =	swait.ge [sflag:s9], $0x400  }
0x1d: {  	[sflag:s9] =	ssyncset.done $0x0  }
0x1e: {  	[sflag:s9] =	ssyncadd.s32 $0xFFFFFC00  }
0x1f: {  	[bflag:$0x0] =	sbarrier.arrive $0xFFFF  }
0x20: {  	[tilespmem:s12], [sflag:$0x1] =	stream.indirect.gather [spmem:s1], $0x1, s2, s11, $0xb8;
	[tilespmem:$0x14E8] =	vst v63  }
0x21: {  	_ =	swait.ge [sflag:s9], $0x80  }
0x22: {  	[sflag:s9] =	ssyncset.done $0x0  }
0x23: {  	s25 =	simm.s32 $0xC00;
	[sflag:s9] =	ssyncadd.s32 $0xFFFFFF80  }
0x24: {  	[tilespmem:s25], [sflag:$0x1] =	stream.indirect.gather [spmem:s1], $0x1, s10, s11, $0xb8;
	[tilespmem:$0x14E8] =	vst v63  }
0x25: {  	_ =	swait.ge [sflag:s9], $0x80  }
0x26: {  	[sflag:s9] =	ssyncset.done $0x0  }
0x27: {  	s24 =	simm.s32 $0x880;
	[sflag:s9] =	ssyncadd.s32 $0xFFFFFF80  }
0x28: {  	[tilespmem:s24], [sflag:$0x1] =	stream.indirect.gather [spmem:s1], $0x1, s11, s11, $0xb8;
	[tilespmem:$0x14E8] =	vst v63  }
0x29: {  	_ =	swait.ge [sflag:s9], $0x80  }
0x2a: {  	[sflag:s9] =	ssyncset.done $0x0  }
0x2b: {  	s25 =	simm.s32 $0x480;
	s24 =	simm.s32 $0xC80;
	[sflag:s9] =	ssyncadd.s32 $0xFFFFFF80  }
0x2c: {  	[tilespmem:s24], [sflag:$0x1] =	stream.indirect.gather [spmem:s1], $0x1, s25, s11, $0xb8;
	[tilespmem:$0x14E8] =	vst v63  }
0x2d: {  	_ =	swait.ge [sflag:s9], $0x80  }
0x2e: {  	[sflag:s9] =	ssyncset.done $0x0  }
0x2f: {  	s24 =	simm.s32 $0x100;
	s25 =	simm.s32 $0x900;
	[sflag:s9] =	ssyncadd.s32 $0xFFFFFF80  }
0x30: {  	[tilespmem:s25], [sflag:$0x1] =	stream.indirect.gather [spmem:s1], $0x1, s24, s11, $0xb8;
	[tilespmem:$0x14E8] =	vst v63  }
0x31: {  	_ =	swait.ge [sflag:s9], $0x80  }
0x32: {  	[sflag:s9] =	ssyncset.done $0x0  }
0x33: {  	s24 =	simm.s32 $0x500;
	s25 =	simm.s32 $0xD00;
	[sflag:s9] =	ssyncadd.s32 $0xFFFFFF80  }
0x34: {  	[tilespmem:s25], [sflag:$0x1] =	stream.indirect.gather [spmem:s1], $0x1, s24, s11, $0xb8;
	[tilespmem:$0x14E8] =	vst v63  }
0x35: {  	_ =	swait.ge [sflag:s9], $0x80  }
0x36: {  	[sflag:s9] =	ssyncset.done $0x0  }
0x37: {  	s24 =	simm.s32 $0x180;
	s25 =	simm.s32 $0x980;
	[sflag:s9] =	ssyncadd.s32 $0xFFFFFF80  }
0x38: {  	[tilespmem:s25], [sflag:$0x1] =	stream.indirect.gather [spmem:s1], $0x1, s24, s11, $0xb8;
	[tilespmem:$0x14E8] =	vst v63  }
0x39: {  	_ =	swait.ge [sflag:s9], $0x80  }
0x3a: {  	[sflag:s9] =	ssyncset.done $0x0  }
0x3b: {  	s24 =	simm.s32 $0x580;
	s25 =	simm.s32 $0xD80;
	[sflag:s9] =	ssyncadd.s32 $0xFFFFFF80  }
0x3c: {  	[tilespmem:s25], [sflag:$0x1] =	stream.indirect.gather [spmem:s1], $0x1, s24, s11, $0xb8;
	[tilespmem:$0x14E8] =	vst v63  }
0x3d: {  	_ =	swait.ge [sflag:s9], $0x80  }
0x3e: {  	[sflag:s9] =	ssyncset.done $0x0  }
0x3f: {  	s25 =	simm.s32 $0x200;
	[sflag:s9] =	ssyncadd.s32 $0xFFFFFF80  }
0x40: {  	[tilespmem:s26], [sflag:$0x1] =	stream.indirect.gather [spmem:s1], $0x1, s25, s11, $0xb8;
	[tilespmem:$0x14E8] =	vst v63  }
0x41: {  	_ =	swait.ge [sflag:s9], $0x80  }
0x42: {  	[sflag:s9] =	ssyncset.done $0x0  }
0x43: {  	[sflag:s9] =	ssyncadd.s32 $0xFFFFFF80  }
0x44: {  	[tilespmem:s29], [sflag:$0x1] =	stream.indirect.gather [spmem:s1], $0x1, s28, s11, $0xb8;
	[tilespmem:$0x14E8] =	vst v63  }
0x45: {  	_ =	swait.ge [sflag:s9], $0x80  }
0x46: {  	[sflag:s9] =	ssyncset.done $0x0  }
0x47: {  	[sflag:s9] =	ssyncadd.s32 $0xFFFFFF80  }
0x48: {  	[tilespmem:s31], [sflag:$0x1] =	stream.indirect.gather [spmem:s1], $0x1, s30, s11, $0xb8;
	[tilespmem:$0x14E8] =	vst v63  }
0x49: {  	_ =	swait.ge [sflag:s9], $0x80  }
0x4a: {  	[sflag:s9] =	ssyncset.done $0x0  }
0x4b: {  	[sflag:s9] =	ssyncadd.s32 $0xFFFFFF80  }
0x4c: {  	[tilespmem:s13], [sflag:$0x1] =	stream.indirect.gather [spmem:s1], $0x1, s0, s11, $0xb8;
	[tilespmem:$0x14E8] =	vst v63  }
0x4d: {  	_ =	swait.ge [sflag:s9], $0x80  }
0x4e: {  	[sflag:s9] =	ssyncset.done $0x0  }
0x4f: {  	[sflag:s9] =	ssyncadd.s32 $0xFFFFFF80  }
0x50: {  	[tilespmem:s15], [sflag:$0x1] =	stream.indirect.gather [spmem:s1], $0x1, s14, s11, $0xb8;
	[tilespmem:$0x14E8] =	vst v63  }
0x51: {  	_ =	swait.ge [sflag:s9], $0x80  }
0x52: {  	[sflag:s9] =	ssyncset.done $0x0  }
0x53: {  	[sflag:s9] =	ssyncadd.s32 $0xFFFFFF80  }
0x54: {  	[tilespmem:s17], [sflag:$0x1] =	stream.indirect.gather [spmem:s1], $0x1, s16, s11, $0xb8;
	[tilespmem:$0x14E8] =	vst v63  }
0x55: {  	_ =	swait.ge [sflag:s9], $0x80  }
0x56: {  	[sflag:s9] =	ssyncset.done $0x0  }
0x57: {  	[sflag:s9] =	ssyncadd.s32 $0xFFFFFF80  }
0x58: {  	[tilespmem:s19], [sflag:$0x1] =	stream.indirect.gather [spmem:s1], $0x1, s18, s11, $0xb8;
	[tilespmem:$0x14E8] =	vst v63  }
0x59: {  	_ =	swait.ge [sflag:s9], $0x80  }
0x5a: {  	[sflag:s9] =	ssyncset.done $0x0  }
0x5b: {  	[sflag:s9] =	ssyncadd.s32 $0xFFFFFF80  }
0x5c: {  	[tilespmem:s21], [sflag:$0x1] =	stream.indirect.gather [spmem:s1], $0x1, s20, s11, $0xb8;
	[tilespmem:$0x14E8] =	vst v63  }
0x5d: {  	_ =	swait.ge [sflag:s9], $0x80  }
0x5e: {  	[sflag:s9] =	ssyncset.done $0x0  }
0x5f: {  	s23 =	simm.s32 $0x0;
	[sflag:s9] =	ssyncadd.s32 $0xFFFFFF80  }
0x60: {  	s24 =	simm.s32 $0x40;
	v0 =	vld [tilespmem:s23+$0xC00]  }
.LBB2_2:
0x61: {  	p1 =	sne.s32 s24, $0xFC0;
	v1 =	vld [tilespmem:s23+$0x800];
	_ =	sdelay $0x2  }
.Ltmp0:
0x62: {  	(pc) =	sbr.rel @p1 .LBB2_2-.Ltmp0, $4  }
0x63: {  	_ = 	snop  }
0x64: {  	v1 =	vadd.f32 v0, v1  }
0x65: {  	s25 =	sshra.s32 s24, $0x2  }
0x66: {  	s24 =	sadd.s32 $0x40, s24;
	v0 =	vld [tilespmem:s25+$0xC00];
	[tilespmem:s23+$0x800] =	vst v1;
	s23 =	smov.u32 s25  }
0x67: {  	v1 =	vld [tilespmem:s23+$0x800];
	_ =	sdelay $0x4  }
0x68: {  	s22 =	sadd.s32 $0x1, s22;
	v0 =	vadd.f32 v0, v1  }
0x69: {  	p1 =	sne.s32 s22, s7  }
.Ltmp1:
0x6a: {  	[tilespmem:s23+$0x800] =	vst v0;
	(pc) =	sbr.rel @p1 .LBB2_1-.Ltmp1, $4  }
0x6b: {  	[hbm4b:s6+s2] =	stream.linear.scatter [tilespmem:s12], [sflag:$0x1], $0x400, $0x38;
	[tilespmem:$0x14E8] =	vst v63  }
0x6c: {  	_ =	swait.ge [sflag:s9], $0x400  }
0x6d: {  	[sflag:s9] =	ssyncset.done $0x0  }
0x6e: {  	[sflag:s9] =	ssyncadd.s32 $0xFFFFFC00  }
0x6f: {  	_ =	sfence.sel $0x180000  }
0x70: {  	[bflag:$0x0] =	sbarrier.arrive $0xFFFF  }
0x71: {  	_ =	strace $0x9000004D  }
0x72: {  	[bflag:$0x2] =	sbarrier.arrive $0xFFFF  }
0x73: {  	s0 =	rddreg [dreg:$0x3]  }
0x74: {  	s0 =	sadd.s32 @!p0 $0x100000, s0  }
0x75: {  	[sflag:s0] =	ssyncadd.tile.s32 @!p0 $0x1;
	_ =	shalt  }
.Lfunc_end2:
_tile_overlayer_lowered:
.L_overlay_start_2:
0x76: {  	(tag) =	ssettag $0x2  }
0x77: {  	s0 =	rddreg [dreg:$0x0];
	s2 =	stileid.u32  }
0x78: {  	s1 =	rddreg [dreg:$0x1];
	p0 =	sne.s32 s2, $0x0  }
0x79: {  	s3 =	rddreg [dreg:$0x2];
	[bflag:$0x3] =	sbarrier.arrive $0xFFFF;
	s2 =	simm.s32 @!p0 $0x1C01  }
0x7a: {  	[timem:s3], [sflag:s2] =	dma.local @!p0 [hbm:s0], s1  }
0x7b: {  	s0 =	simm.s32 @!p0 $0x1  }
0x7c: {  	_ =	swait.ge @!p0 [sflag:s0], s1  }
0x7d: {  	s1 =	ssub.s32 @!p0 $0x0, s1;
	[sflag:s0] =	ssyncset.done @!p0 $0x0  }
0x7e: {  	[sflag:s0] =	ssyncadd.s32 @!p0 s1  }
0x7f: {  	[bflag:$0x3] =	sbarrier.arrive $0xFFFF  }
0x80: {  	_ =	shalt  }

// kernel: kernel.8.cloned.1.call-start
scs
__scs_entry_jumppad:
0x0: {  	(pc) =	sbr.rel $0x88, $3  }
0x1: {  	(tag) =	ssettag $0x0;
	lr =	simm.s32 $0x1  }
0x2: {  	[smem:$0x3F8D] =	sst lr;
	_ =	strace $0xD0000000  }
0x3: {  	_ = 	snop  }
0x4: {  	_ = 	snop  }
0x5: {  	_ = 	snop  }
0x6: {  	_ = 	snop  }
0x7: {  	_ = 	snop  }
__scs_overlays_trampoline_lowered:
0x8: {  	[smem:$0x3F9C] =	sst s0  }
0x9: {  	[smem:$0x3F9D] =	sst s1  }
0xa: {  	[smem:$0x3F9E] =	sst s2  }
0xb: {  	[smem:$0x3F9F] =	sst s3  }
0xc: {  	[smem:$0x3FA0] =	sst s4  }
0xd: {  	[smem:$0x3FA1] =	sst s5  }
0xe: {  	[smem:$0x3FA2] =	sst s6  }
0xf: {  	[smem:$0x3FA3] =	sst s7  }
0x10: {  	[smem:$0x3FA4] =	sst s8  }
0x11: {  	[smem:$0x3FA5] =	sst s9;
	s0 =	simm.s32 @!p0 $0x0  }
0x12: {  	s1 =	sld [smem:$0x3F8B];
	s0 =	simm.s32 @p0 $0x1  }
0x13: {  	[smem:$0x3FA6] =	sst s0;
	s0 =	simm.s32 @!p1 $0x0  }
0x14: {  	s2 =	sld [smem:$0x3F8A];
	s0 =	simm.s32 @p1 $0x1  }
0x15: {  	[smem:$0x3FA7] =	sst s0;
	s0 =	simm.s32 @!p2 $0x0  }
0x16: {  	s3 =	sld [smem:$0x3FDB];
	s0 =	simm.s32 @p2 $0x1  }
0x17: {  	s4 =	simm.s32 $0x1BF5;
	[smem:$0x3FA9] =	sst s0  }
0x18: {  	s0 =	sld [smem:$0x3F8C];
	_ =	swait.ge [sflag:s4], $0x0  }
0x19: {  	s7 =	sld [smem:$0x3F8D]  }
0x1a: {  	s8 =	sadd.s32 $0xFFFFE003, lr  }
0x1b: {  	s9 =	sadd.s32 $0xFFFFFEF7, lr;
	s5 =	simm.s32 $0xFFFFFFFF;
	p2 =	slt.u32 s8, $0xFFFFF086  }
0x1c: {  	p1 =	slt.u32 s9, $0xF7A;
	s5 =	simm.s32 @!p2 $0x0  }
0x1d: {  	s5 =	simm.s32 @p1 $0x1;
	p0 =	seq.s32 s7, s2  }
0x1e: {  	s7 =	smul.u32 @!p0 $0xF7A, s2;
	p2 =	seq.s32 @!p0 s5, $0x0  }
0x1f: {  	s9 =	smul.u32 $0xF7A, s1;
	s8 =	simm.s32 @!p0 $0x1BF5;
	p2 =	por !p2, p0  }
0x20: {  	[sflag:s8] =	ssyncset.s32 @!p0 $0xFFFFF086;
	s6 =	sadd.s32 @!p0 s3, s7;
	s7 =	simm.s32 @!p0 $0x108  }
0x21: {  	s3 =	sadd.s32 s3, s9;
	s6 =	sadd.s32 @!p0 $0x88, s6;
	s7 =	simm.s32 @p2 $0x1082  }
0x22: {  	[simem:s7], [sflag:s8] =	dma.local @!p0 [hbm:s6], $0xF7A  }
0x23: {  	s9 =	sor.u32 $0xD0000000, s2;
	s6 =	simm.s32 $0x108;
	_ =	swait.ge @!p0 [sflag:s8], $0x0  }
0x24: {  	s3 =	sadd.s32 $0x88, s3;
	s6 =	simm.s32 @!p1 $0x1082;
	[sflag:s4] =	ssyncset.s32 $0xFFFFF086  }
0x25: {  	[simem:s6], [sflag:s4] =	dma.local [hbm:s3], $0xF7A  }
0x26: {  	[smem:$0x3F8D] =	sst s1;
	(tag) =	ssettag s2;
	_ =	strace s9  }
0x27: {  	s1 =	sld [smem:$0x3F9D]  }
0x28: {  	s2 =	sld [smem:$0x3F9E]  }
0x29: {  	s4 =	sld [smem:$0x3FA0]  }
0x2a: {  	p0 =	seq.s32 s5, $0x0;
	s5 =	sld [smem:$0x3FA1]  }
0x2b: {  	s6 =	sld [smem:$0x3FA2]  }
0x2c: {  	s7 =	sld [smem:$0x3FA3]  }
0x2d: {  	s3 =	simm.s32 $0x108;
	s8 =	sld [smem:$0x3FA4]  }
0x2e: {  	s3 =	simm.s32 @!p0 $0x1082;
	s9 =	sld [smem:$0x3FA5]  }
0x2f: {  	lr =	sadd.s32 s0, s3;
	s0 =	sld [smem:$0x3F9C]  }
0x30: {  	s3 =	sld [smem:$0x3F9F]  }
0x31: {  	[smem:$0x3FA8] =	sst s10  }
0x32: {  	s10 =	sld [smem:$0x3FA6];
	_ =	sdelay $0x3  }
0x33: {  	p0 =	seq.s32 s10, $0x1;
	s10 =	sld [smem:$0x3FA8];
	_ =	sdelay $0x3  }
0x34: {  	[smem:$0x3FA8] =	sst s10  }
0x35: {  	s10 =	sld [smem:$0x3FA7];
	_ =	sdelay $0x3  }
0x36: {  	p1 =	seq.s32 s10, $0x1;
	s10 =	sld [smem:$0x3FA8];
	_ =	sdelay $0x3  }
0x37: {  	[smem:$0x3FA8] =	sst s10  }
0x38: {  	s10 =	sld [smem:$0x3FA9]  }
0x39: {  	_ = 	snop;
	(pc) =	sbr.ind lr, $3  }
0x3a: {  	_ = 	snop  }
0x3b: {  	_ = 	snop  }
0x3c: {  	p2 =	seq.s32 s10, $0x1;
	s10 =	sld [smem:$0x3FA8]  }
0x3d: {  	_ =	shalt  }
0x3e: {  	_ =	shalt  }
0x3f: {  	_ =	shalt  }
0x40: {  	_ =	shalt  }
0x41: {  	_ =	shalt  }
0x42: {  	_ =	shalt  }
0x43: {  	_ =	shalt  }
0x44: {  	_ =	shalt  }
0x45: {  	_ =	shalt  }
0x46: {  	_ =	shalt  }
0x47: {  	_ =	shalt  }
0x48: {  	_ =	shalt  }
0x49: {  	_ =	shalt  }
0x4a: {  	_ =	shalt  }
0x4b: {  	_ =	shalt  }
0x4c: {  	_ =	shalt  }
0x4d: {  	_ =	shalt  }
0x4e: {  	_ =	shalt  }
0x4f: {  	_ =	shalt  }
0x50: {  	_ =	shalt  }
0x51: {  	_ =	shalt  }
0x52: {  	_ =	shalt  }
0x53: {  	_ =	shalt  }
0x54: {  	_ =	shalt  }
0x55: {  	_ =	shalt  }
0x56: {  	_ =	shalt  }
0x57: {  	_ =	shalt  }
0x58: {  	_ =	shalt  }
0x59: {  	_ =	shalt  }
0x5a: {  	_ =	shalt  }
0x5b: {  	_ =	shalt  }
0x5c: {  	_ =	shalt  }
0x5d: {  	_ =	shalt  }
0x5e: {  	_ =	shalt  }
0x5f: {  	_ =	shalt  }
0x60: {  	_ =	shalt  }
0x61: {  	_ =	shalt  }
0x62: {  	_ =	shalt  }
0x63: {  	_ =	shalt  }
0x64: {  	_ =	shalt  }
0x65: {  	_ =	shalt  }
0x66: {  	_ =	shalt  }
0x67: {  	_ =	shalt  }
0x68: {  	_ =	shalt  }
0x69: {  	_ =	shalt  }
0x6a: {  	_ =	shalt  }
0x6b: {  	_ =	shalt  }
0x6c: {  	_ =	shalt  }
0x6d: {  	_ =	shalt  }
0x6e: {  	_ =	shalt  }
0x6f: {  	_ =	shalt  }
0x70: {  	_ =	shalt  }
0x71: {  	_ =	shalt  }
0x72: {  	_ =	shalt  }
0x73: {  	_ =	shalt  }
0x74: {  	_ =	shalt  }
0x75: {  	_ =	shalt  }
0x76: {  	_ =	shalt  }
0x77: {  	_ =	shalt  }
0x78: {  	_ =	shalt  }
0x79: {  	_ =	shalt  }
0x7a: {  	_ =	shalt  }
0x7b: {  	_ =	shalt  }
0x7c: {  	_ =	shalt  }
0x7d: {  	_ =	shalt  }
0x7e: {  	_ =	shalt  }
0x7f: {  	_ =	shalt  }
0x80: {  	_ =	shalt  }
0x81: {  	_ =	shalt  }
0x82: {  	_ =	shalt  }
0x83: {  	_ =	shalt  }
0x84: {  	_ =	shalt  }
0x85: {  	_ =	shalt  }
0x86: {  	_ =	shalt  }
0x87: {  	_ =	shalt  }
.Lfunc_end0:
.L_simem_size_0:
called_computation_lowered:
.L_overlay_start_0:
0x88: {  	s2 =	sld [smem:$0x3FD9]  }
0x89: {  	s3 =	sld [smem:$0x3FFE];
	_ =	sdelay $0x1  }
0x8a: {  	s1 =	srdreg.scid  }
0x8b: {  	s0 =	sand.u32 $0x1, s1  }
0x8c: {  	s17 =	sshll.u32 s0, $0xA;
	s2 =	sadd.s32 s3, s2  }
0x8d: {  	s2 =	sadd.s32 s2, s17  }
0x8e: {  	[smem:$0x3FB4] =	sst s2  }
0x8f: {  	_ = 	snop  }
0x90: {  	s2 =	sld [smem:$0x3FD0];
	(tm) =	ssettm $0x1  }
0x91: {  	s18 =	sld [smem:$0x3FFB];
	_ =	sdelay $0x3  }
0x92: {  	_ =	strace s18  }
0x93: {  	s3 =	sld [smem:$0x3FFC];
	_ =	sdelay $0x3  }
0x94: {  	_ =	strace s3  }
0x95: {  	s3 =	sld [smem:$0x3FFD];
	_ =	sdelay $0x3  }
0x96: {  	_ =	strace s3  }
0x97: {  	_ =	strace $0x8FFFFFFF  }
0x98: {  	s19 =	sld [smem:$0x3FDB];
	_ =	sdelay $0x1  }
0x99: {  	s4 =	simm.s32 $_scs_section_size  }
0x9a: {  	s5 =	simm.s32 $_size__tile_overlayer_lowered;
	s6 =	simm.s32 $_tile_overlayer_lowered  }
0x9b: {  	s22 =	simm.s32 $0x1BFF;
	s21 =	sshll.u32 s6, $0x1;
	s3 =	sadd.s32 s4, s19  }
0x9c: {  	s7 =	simm.s32 $0x0;
	s20 =	sshll.u32 s5, $0x1;
	s5 =	sadd.s32 s21, s3  }
0x9d: {  	[timem:s7], [sflag:s22] =	dma.local [hbm:s5], s20  }
0x9e: {  	_ =	swait.ge [sflag:s22], s20  }
0x9f: {  	s4 =	ssub.s32 $0x0, s20;
	[sflag:s22] =	ssyncset.done $0x0  }
0xa0: {  	[sflag:s22] =	ssyncadd.s32 s4;
	_ =	sdelay $0x1  }
0xa1: {  	s23 =	simm.s32 $0x1B8B  }
0xa2: {  	_ =	swait.ge [sflag:s23], $0x1  }
0xa3: {  	[sflag:s23] =	ssyncset.done $0x0  }
0xa4: {  	s25 =	simm.s32 $0x1B8E;
	s24 =	sld [smem:$0x3FFE];
	[sflag:s23] =	ssyncadd.s32 $0xFFFFFFFF  }
0xa5: {  	s26 =	simm.s32 $execute0_lowered;
	[smem:$0x3FD2] =	sst s25  }
0xa6: {  	s5 =	sshll.u32 s26, $0x1;
	_ =	strace $0x80000046;
	[dreg:$0x1] =	wrdreg $0xFFFFFFFF  }
0xa7: {  	s28 =	simm.s32 $_size_execute0_lowered;
	s3 =	sadd.s32 s3, s5;
	[dreg:$0x0] =	wrdreg $0x0  }
0xa8: {  	s5 =	sshll.u32 s28, $0x1;
	[dreg:$0x2] =	wrdreg s3  }
0xa9: {  	[dreg:$0x3] =	wrdreg s5  }
0xaa: {  	[dreg:$0x4] =	wrdreg $0xC0  }
0xab: {  	_ =	task [dreg:s7], $0x5FFFF  }
0xac: {  	[dreg:$0x1] =	wrdreg $0xFFFFFFFF  }
0xad: {  	[dreg:$0x0] =	wrdreg $0x60  }
0xae: {  	[dreg:$0x2] =	wrdreg s24  }
0xaf: {  	[dreg:$0x3] =	wrdreg s2  }
0xb0: {  	[dreg:$0x4] =	wrdreg $0xA8000  }
0xb1: {  	[dreg:$0x5] =	wrdreg $0x1E0C00  }
0xb2: {  	[dreg:$0x6] =	wrdreg $0x9  }
0xb3: {  	_ =	task.clear_ibuf [dreg:s7], $0x7FFFF;
	_ =	strace $0x90000046  }
0xb4: {  	s29 =	simm.s32 $0x9;
	_ =	strace $0x80000048  }
0xb5: {  	_ =	swait.ge [sflag:s29], $0x1  }
0xb6: {  	[sflag:s29] =	ssyncadd.s32 $0xFFFFFFFF  }
0xb7: {  	_ =	strace $0x90000048  }
0xb8: {  	_ =	sfence  }
0xb9: {  	s30 =	sld [smem:$0x0];
	_ =	sdelay $0x2  }
0xba: {  	s31 =	sshll.u32 s1, $0xD;
	s1 =	sshrl.u32 s1, $0x2  }
0xbb: {  	s3 =	sand.u32 $0x4000, s31;
	s1 =	sadd.s32 s1, s30  }
0xbc: {  	s0 =	sor.u32 s3, s0;
	s1 =	sshll.u32 s1, $0x11  }
0xbd: {  	s0 =	sor.u32 s1, s0  }
0xbe: {  	s0 =	sadd.s32 $0x8F2B, s0  }
0xbf: {  	[sflag:s0] =	ssyncadd.remote.s32 $0x1  }
0xc0: {  	_ =	sfence.sel $0xFFFF  }
0xc1: {  	[dreg:$0x0] =	wrdreg $0xFFFFFFFF;
	(pc) =	sbr.abs _section_cstart, $3  }
0xc2: {  	[dreg:$0x1] =	wrdreg $0xFFFFFFFF  }
0xc3: {  	_ =	task.clear_ibuf [dreg:s7], $0x2FFFF;
	_ =	strace $0x9FFFFFFF  }
0xc4: {  	(tm) =	ssettm $0x7FFFFFFF  }
0xc5: {  	_ =	shalt  }
tec
execute0_lowered:
.L_overlay_start_1:
0x0: {  	(tag) =	ssettag $0x1  }
0x1: {  	s0 =	rddreg [dreg:$0x0]  }
0x2: {  	s6 =	rddreg [dreg:$0x1]  }
0x3: {  	s1 =	rddreg [dreg:$0x2]  }
0x4: {  	s2 =	rddreg [dreg:$0x3];
	s3 =	simm.s32 $0x0  }
0x5: {  	s7 =	stileid.u32;
	s10 =	srdreg.scid;
	s28 =	simm.s32 $0xA0  }
0x6: {  	s29 =	simm.s32 $0x5500;
	s30 =	simm.s32 $0xF0;
	s31 =	simm.s32 $0x7D00  }
0x7: {  	[smem:$0x7FF] =	sst s3;
	s4 =	sadd.s32 $0x7B200, s0;
	s8 =	smul.u32 $0xA28, s7  }
0x8: {  	s5 =	sadd.s32 $0x2CE00, s0;
	s9 =	smul.u32 $0x2700, s7;
	s10 =	sand.u32 $0x1, s10  }
0x9: {  	s11 =	smul.u32 $0x4E000, s7;
	s12 =	sadd.s32 $0xC9600, s0;
	s13 =	sadd.s32 $0xC9C00, s0  }
0xa: {  	s26 =	smul.u32 $0x270, s7;
	s15 =	sshll.u32 s7, $0x6;
	s17 =	sadd.s32 $0x2700, s2  }
0xb: {  	p1 =	sne.s32 s7, $0x0;
	s7 =	simm.s32 $0xA500;
	_ =	strace $0x80000047  }
0xc: {  	[dreg:$0x7] =	wrdreg s12;
	s25 =	ssub.s32 $0x2, s10;
	s16 =	smul.u32 $0x2710, s10  }
0xd: {  	p0 =	seq.s32 s10, $0x1;
	[dreg:$0xd] =	wrdreg s17;
	s8 =	sadd.s32 s8, s0  }
0xe: {  	s9 =	sadd.s32 s9, s0;
	s14 =	sshrl.u32 s25, $0x1;
	s11 =	sshrl.u32 s11, $0x2  }
0xf: {  	s22 =	sadd.s32 s26, s2;
	s0 =	sadd.s32 $0xC9400, s0;
	s12 =	ssub.s32 s25, s14  }
0x10: {  	s11 =	sadd.s32 s11, s1;
	s9 =	sadd.s32 $0xA2400, s9;
	[dreg:$0xc] =	wrdreg s0  }
0x11: {  	s18 =	sadd.s32 s26, s16;
	s25 =	sadd.s32 $0xE200, s8;
	[dreg:$0xa] =	wrdreg s22  }
0x12: {  	s26 =	sadd.s32 $0x22A00, s8;
	s14 =	simm.s32 $0x400;
	[dreg:$0x8] =	wrdreg s11  }
0x13: {  	[dreg:$0x9] =	wrdreg s9;
	s9 =	sor.u32 $0x1C09, s15;
	s15 =	sadd.s32 $0x138000, s1  }
0x14: {  	s19 =	sshll.u32 s18, $0x4;
	s11 =	sadd.s32 $0x2700, s16;
	[dreg:$0x5] =	wrdreg s25  }
0x15: {  	s0 =	sshrl.u32 s18, $0x3;
	s24 =	smax.u32 s12, $0x1;
	[dreg:$0x6] =	wrdreg s26  }
0x16: {  	s25 =	simm.s32 $0x500;
	s26 =	simm.s32 $0x2D00;
	s12 =	simm.s32 $0x3  }
0x17: {  	s16 =	simm.s32 $0x480;
	s18 =	simm.s32 $0x0;
	[dreg:$0x14] =	wrdreg s9  }
0x18: {  	[dreg:$0xb] =	wrdreg s15;
	s10 =	sadd.s32 s13, s19;
	s20 =	sshll.u32 s11, $0x4  }
0x19: {  	s0 =	sadd.s32 s6, s0;
	s23 =	sshrl.u32 s11, $0x3;
	[dreg:$0x12] =	wrdreg s24  }
0x1a: {  	s19 =	sadd.s32 $0x18600, s8;
	s24 =	simm.s32 $0x50;
	s11 =	simm.s32 $0x380  }
.Ltmp0:
0x1b: {  	s15 =	simm.s32 $0x4;
	[dreg:$0xe] =	wrdreg s10;
	(pc) =	sbr.rel .LBB2_1-.Ltmp0, $4  }
0x1c: {  	[dreg:$0xf] =	wrdreg s0;
	s21 =	sadd.s32 s13, s20;
	s0 =	sadd.s32 s6, s23  }
0x1d: {  	s20 =	sadd.s32 $0x3E00, s8;
	s13 =	simm.s32 $0xA580;
	s23 =	simm.s32 $0x180  }
0x1e: {  	s6 =	simm.s32 $0x300;
	s8 =	simm.s32 $0x2;
	[dreg:$0x10] =	wrdreg s21  }
0x1f: {  	v0 =	vimm.f32 $1.000000000e+00;
	[dreg:$0x11] =	wrdreg s0;
	s21 =	simm.s32 $0x9;
	s0 =	simm.s32 $0x1  }
.LBB2_7:
0x20: {  	[tilespmem:$0x430] =	vst v5  }
0x21: {  	[tilespmem:$0x440] =	vst v1  }
0x22: {  	[tilespmem:$0x410] =	vst v2  }
0x23: {  	[tilespmem:$0x400] =	vst v3  }
0x24: {  	[tilespmem:$0x420] =	vst v4  }
0x25: {  	[spmem:s1] =	stream.indirect.scatter.add.f32 [tilespmem:s29], [sflag:$0x7], $0x80, s14, s24, $0xb8;
	[tilespmem:$0x1E338] =	vst v63  }
0x26: {  	_ = 	snop  }
0x27: {  	[spmem:s2] =	stream.indirect.scatter.add.f32 [tilespmem:s7], [sflag:$0x7], $0x1, s14, s24, $0xb8;
	[tilespmem:$0x1E338] =	vst v63  }
0x28: {  	_ =	swait.ge [sflag:s15], $0x2800  }
0x29: {  	[sflag:s15] =	ssyncset.done $0x0  }
0x2a: {  	[sflag:s15] =	ssyncadd.s32 $0xFFFFD800  }
0x2b: {  	v1 =	vld [tilespmem:$0x270]  }
0x2c: {  	v2 =	vld [tilespmem:$0x280]  }
0x2d: {  	v3 =	vld [tilespmem:$0x2A0]  }
0x2e: {  	v62 =	vld [tilespmem:$0x2B0]  }
0x2f: {  	v63 =	vld [tilespmem:$0x290]  }
0x30: {  	[tilespmem:$0x480] =	vst v1  }
0x31: {  	[tilespmem:$0x490] =	vst v2  }
0x32: {  	[tilespmem:$0x4B0] =	vst v3  }
0x33: {  	[tilespmem:$0x4C0] =	vst v62  }
0x34: {  	[tilespmem:$0x4A0] =	vst v63  }
0x35: {  	[spmem:s1] =	stream.indirect.scatter.add.f32 [tilespmem:s31], [sflag:$0x8], $0x80, s16, s24, $0xb8;
	[tilespmem:$0x1E338] =	vst v63  }
0x36: {  	_ = 	snop  }
0x37: {  	[spmem:s2] =	stream.indirect.scatter.add.f32 [tilespmem:s7], [sflag:$0x8], $0x1, s16, s24, $0xb8;
	[tilespmem:$0x1E338] =	vst v63  }
.LBB2_8:
0x38: {  	s10 =	simm.s32 $0x5  }
0x39: {  	_ =	swait.ge [sflag:s10], $0x2800  }
0x3a: {  	[sflag:s10] =	ssyncset.done $0x0  }
0x3b: {  	[sflag:s10] =	ssyncadd.s32 $0xFFFFD800  }
0x3c: {  	_ =	swait.ge [sflag:s10], $0x50  }
0x3d: {  	[sflag:s10] =	ssyncset.done $0x0  }
0x3e: {  	s17 =	simm.s32 $0x6;
	[sflag:s10] =	ssyncadd.s32 $0xFFFFFFB0  }
0x3f: {  	_ =	swait.ge [sflag:s17], $0x2800  }
0x40: {  	[sflag:s17] =	ssyncset.done $0x0  }
0x41: {  	[sflag:s17] =	ssyncadd.s32 $0xFFFFD800  }
0x42: {  	_ =	swait.ge [sflag:s17], $0x50  }
0x43: {  	[sflag:s17] =	ssyncset.done $0x0  }
0x44: {  	s18 =	simm.s32 $0x7;
	[sflag:s17] =	ssyncadd.s32 $0xFFFFFFB0  }
0x45: {  	_ =	swait.ge [sflag:s18], $0x2800  }
0x46: {  	[sflag:s18] =	ssyncset.done $0x0  }
0x47: {  	[sflag:s18] =	ssyncadd.s32 $0xFFFFD800  }
0x48: {  	_ =	swait.ge [sflag:s18], $0x50  }
0x49: {  	[sflag:s18] =	ssyncset.done $0x0  }
0x4a: {  	s22 =	simm.s32 $0x8;
	[sflag:s18] =	ssyncadd.s32 $0xFFFFFFB0  }
0x4b: {  	_ =	swait.ge [sflag:s22], $0x2800  }
0x4c: {  	[sflag:s22] =	ssyncset.done $0x0  }
0x4d: {  	[sflag:s22] =	ssyncadd.s32 $0xFFFFD800  }
0x4e: {  	_ =	swait.ge [sflag:s22], $0x50  }
0x4f: {  	[sflag:s22] =	ssyncset.done $0x0  }
0x50: {  	[sflag:s22] =	ssyncadd.s32 $0xFFFFFFB0  }
0x51: {  	[bflag:$0x0] =	sbarrier.arrive $0xFFFF  }
0x52: {  	s9 =	rddreg [dreg:$0xe]  }
0x53: {  	s13 =	rddreg [dreg:$0x13]  }
0x54: {  	s17 =	rddreg [dreg:$0x14]  }
0x55: {  	[hbm:s9], [sflag:s17] =	dma.local [spmem:s13], $0x2700  }
0x56: {  	_ =	swait.ge [sflag:s21], $0x2700  }
0x57: {  	[sflag:s21] =	ssyncset.done $0x0  }
0x58: {  	s18 =	simm.s32 $0xA580;
	s9 =	rddreg [dreg:$0xa];
	[sflag:s21] =	ssyncadd.s32 $0xFFFFD900  }
0x59: {  	[tilespmem:s18], [sflag:$0x9] =	stream.linear.gather [spmem:s9], $0x270, $0x38;
	[tilespmem:$0x1E338] =	vst v63  }
0x5a: {  	_ =	swait.ge [sflag:s21], $0x270  }
0x5b: {  	[sflag:s21] =	ssyncset.done $0x0  }
0x5c: {  	s22 =	rddreg [dreg:$0xf];
	[sflag:s21] =	ssyncadd.s32 $0xFFFFFD90  }
0x5d: {  	[hbm4b:s22+s3] =	stream.linear.scatter [tilespmem:s18], [sflag:$0x9], $0x270, $0x38;
	[tilespmem:$0x1E338] =	vst v63  }
0x5e: {  	_ =	swait.ge [sflag:s21], $0x270  }
0x5f: {  	[sflag:s21] =	ssyncset.done $0x0;
	s10 =	rddreg [dreg:$0x10]  }
0x60: {  	s13 =	rddreg [dreg:$0x15];
	[sflag:s21] =	ssyncadd.s32 $0xFFFFFD90  }
0x61: {  	[hbm:s10], [sflag:s17] =	dma.local @!p1 [spmem:s13], $0x100  }
0x62: {  	s10 =	simm.s32 @!p1 $0x9  }
0x63: {  	_ =	swait.ge @!p1 [sflag:s10], $0x100  }
0x64: {  	[sflag:s10] =	ssyncset.done @!p1 $0x0  }
0x65: {  	s13 =	simm.s32 @!p1 $0xA580;
	s18 =	rddreg [dreg:$0xd];
	[sflag:s10] =	ssyncadd.s32 @!p1 $0xFFFFFF00  }
0x66: {  	[tilespmem:s13], [sflag:$0x9] =	stream.linear.gather @!p1 [spmem:s18], $0x10, $0x38;
	[tilespmem:$0x1E338] =	vst v63  }
0x67: {  	_ =	swait.ge @!p1 [sflag:s10], $0x10  }
0x68: {  	s22 =	simm.s32 @!p1 $0xA580;
	[sflag:s10] =	ssyncset.done @!p1 $0x0  }
0x69: {  	s17 =	simm.s32 @!p1 $0x0;
	s13 =	rddreg [dreg:$0x11];
	[sflag:s10] =	ssyncadd.s32 @!p1 $0xFFFFFFF0  }
0x6a: {  	[hbm4b:s13+s17] =	stream.linear.scatter @!p1 [tilespmem:s22], [sflag:$0x9], $0x10, $0x38;
	[tilespmem:$0x1E338] =	vst v63  }
0x6b: {  	_ =	swait.ge @!p1 [sflag:s10], $0x10  }
0x6c: {  	s13 =	rddreg [dreg:$0x16]  }
0x6d: {  	s17 =	rddreg [dreg:$0x12];
	s18 =	sadd.s32 $0x1, s13  }
0x6e: {  	p2 =	sne.s32 s18, s17  }
.Ltmp1:
0x6f: {  	_ = 	snop;
	(pc) =	sbr.rel @!p2 .LBB2_9-.Ltmp1, $3  }
0x70: {  	_ =	sdelay $0x1  }
0x71: {  	[sflag:s10] =	ssyncset.done @!p1 $0x0  }
0x72: {  	s22 =	smov.u32 s9;
	s13 =	simm.s32 $0xA580;
	[sflag:s10] =	ssyncadd.s32 @!p1 $0xFFFFFFF0  }
.LBB2_1:
0x73: {  	[tilespmem:$0xA500] =	vst v0  }
0x74: {  	[tilespmem:$0xA510] =	vst v0;
	s10 =	rddreg [dreg:$0x8]  }
0x75: {  	[tilespmem:$0xA520] =	vst v0;
	s17 =	rddreg [dreg:$0x14]  }
0x76: {  	[tilespmem:$0xA530] =	vst v0;
	s9 =	sshrl.u32 s10, $0x3;
	s10 =	rddreg [dreg:$0x9]  }
0x77: {  	[tilespmem:$0xA540] =	vst v0;
	[dreg:$0x13] =	wrdreg s9  }
0x78: {  	[spmem:s9], [sflag:s17] =	dma.local [hbm:s10], $0x2700  }
0x79: {  	_ =	swait.ge [sflag:s21], $0x2700  }
0x7a: {  	[sflag:s21] =	ssyncset.done $0x0  }
0x7b: {  	s9 =	rddreg [dreg:$0x7];
	[sflag:s21] =	ssyncadd.s32 $0xFFFFD900  }
0x7c: {  	[tilespmem:s13], [sflag:$0x9] =	stream.linear.gather [hbm4b:s9+s3], $0x270, $0x38;
	[tilespmem:$0x1E338] =	vst v63  }
0x7d: {  	_ =	swait.ge [sflag:s21], $0x270  }
0x7e: {  	[sflag:s21] =	ssyncset.done $0x0  }
0x7f: {  	[sflag:s21] =	ssyncadd.s32 $0xFFFFFD90  }
0x80: {  	[spmem:s22] =	stream.linear.scatter [tilespmem:s13], [sflag:$0x9], $0x270, $0x38;
	[tilespmem:$0x1E338] =	vst v63  }
0x81: {  	_ =	swait.ge [sflag:s21], $0x270  }
0x82: {  	s10 =	rddreg [dreg:$0xb]  }
0x83: {  	[sflag:s21] =	ssyncset.done $0x0;
	s9 =	sshrl.u32 @!p1 s10, $0x3;
	s10 =	rddreg [dreg:$0xc]  }
0x84: {  	[sflag:s21] =	ssyncadd.s32 $0xFFFFFD90;
	[dreg:$0x15] =	wrdreg s9  }
0x85: {  	[spmem:s9], [sflag:s17] =	dma.local @!p1 [hbm:s10], $0x100  }
0x86: {  	s10 =	simm.s32 @!p1 $0x9  }
0x87: {  	_ =	swait.ge @!p1 [sflag:s10], $0x100  }
0x88: {  	[sflag:s10] =	ssyncset.done @!p1 $0x0  }
0x89: {  	s13 =	simm.s32 @!p1 $0xA580;
	s9 =	rddreg [dreg:$0xd];
	[sflag:s10] =	ssyncadd.s32 @!p1 $0xFFFFFF00  }
0x8a: {  	[spmem:s9] =	stream.linear.scatter @!p1 [tilespmem:s13], [sflag:$0x9], $0x10, $0x38;
	[tilespmem:$0x1E338] =	vst v63  }
.Ltmp2:
0x8b: {  	_ =	swait.ge @!p1 [sflag:s10], $0x10;
	(pc) =	sbr.rel @!p0 .LBB2_2-.Ltmp2, $4  }
0x8c: {  	[sflag:s10] =	ssyncset.done @!p1 $0x0  }
0x8d: {  	[sflag:s10] =	ssyncadd.s32 @!p1 $0xFFFFFFF0  }
0x8e: {  	[bflag:$0x0] =	sbarrier.arrive $0xFFFF  }
0x8f: {  	p2 =	por $0x1, $0x1;
	[dreg:$0x16] =	wrdreg s18  }
0x90: {  	s10 =	simm.s32 @!p2 $0x5  }
0x91: {  	_ =	swait.ge @!p2 [sflag:s10], $0x2800  }
0x92: {  	[sflag:s10] =	ssyncset.done @!p2 $0x0  }
0x93: {  	[sflag:s10] =	ssyncadd.s32 @!p2 $0xFFFFD800  }
0x94: {  	_ =	swait.ge @!p2 [sflag:s10], $0x50  }
0x95: {  	[sflag:s10] =	ssyncset.done @!p2 $0x0  }
0x96: {  	[sflag:s10] =	ssyncadd.s32 @!p2 $0xFFFFFFB0;
	s10 =	simm.s32 @!p2 $0x6  }
0x97: {  	_ =	swait.ge @!p2 [sflag:s10], $0x2800  }
0x98: {  	[sflag:s10] =	ssyncset.done @!p2 $0x0  }
0x99: {  	[sflag:s10] =	ssyncadd.s32 @!p2 $0xFFFFD800  }
0x9a: {  	_ =	swait.ge @!p2 [sflag:s10], $0x50  }
0x9b: {  	[sflag:s10] =	ssyncset.done @!p2 $0x0  }
0x9c: {  	[sflag:s10] =	ssyncadd.s32 @!p2 $0xFFFFFFB0;
	s10 =	simm.s32 @!p2 $0x7  }
0x9d: {  	_ =	swait.ge @!p2 [sflag:s10], $0x2800  }
0x9e: {  	[sflag:s10] =	ssyncset.done @!p2 $0x0  }
0x9f: {  	[sflag:s10] =	ssyncadd.s32 @!p2 $0xFFFFD800  }
0xa0: {  	_ =	swait.ge @!p2 [sflag:s10], $0x50  }
0xa1: {  	[sflag:s10] =	ssyncset.done @!p2 $0x0  }
0xa2: {  	[sflag:s10] =	ssyncadd.s32 @!p2 $0xFFFFFFB0;
	s10 =	simm.s32 @!p2 $0x8  }
0xa3: {  	_ =	swait.ge @!p2 [sflag:s10], $0x2800  }
0xa4: {  	[sflag:s10] =	ssyncset.done @!p2 $0x0  }
0xa5: {  	[sflag:s10] =	ssyncadd.s32 @!p2 $0xFFFFD800  }
0xa6: {  	_ =	swait.ge @!p2 [sflag:s10], $0x50  }
0xa7: {  	[sflag:s10] =	ssyncset.done @!p2 $0x0  }
0xa8: {  	s18 =	sadd.s32 $0x0, s20;
	[sflag:s10] =	ssyncadd.s32 @!p2 $0xFFFFFFB0  }
0xa9: {  	[tilespmem:s3], [sflag:$0x9] =	stream.linear.gather [hbm4b:s18+s3], $0x140, $0x38;
	[tilespmem:$0x1E338] =	vst v63  }
0xaa: {  	_ =	swait.ge [sflag:s21], $0x140  }
0xab: {  	s22 =	rddreg [dreg:$0x6];
	[sflag:s21] =	ssyncset.done $0x0  }
0xac: {  	[sflag:s21] =	ssyncadd.s32 $0xFFFFFEC0;
	s10 =	sadd.s32 $0x0, s22  }
0xad: {  	[tilespmem:s23], [sflag:$0x9] =	stream.linear.gather [hbm4b:s10+s3], $0x140, $0x38;
	[tilespmem:$0x1E338] =	vst v63  }
0xae: {  	_ =	swait.ge [sflag:s21], $0x140  }
0xaf: {  	[sflag:s21] =	ssyncset.done $0x0  }
0xb0: {  	[sflag:s21] =	ssyncadd.s32 $0xFFFFFEC0  }
0xb1: {  	[tilespmem:s25], [sflag:$0x1] =	stream.indirect.gather [hbm4b:s5+s24], $0x80, s3, s24, $0xb8;
	[tilespmem:$0x1E338] =	vst v63  }
0xb2: {  	_ = 	snop  }
0xb3: {  	[tilespmem:s26], [sflag:$0x2] =	stream.indirect.gather [hbm4b:s5+s24], $0x80, s24, s24, $0xb8;
	[tilespmem:$0x1E338] =	vst v63  }
0xb4: {  	_ = 	snop  }
0xb5: {  	[tilespmem:s29], [sflag:$0x3] =	stream.indirect.gather [hbm4b:s5+s24], $0x80, s28, s24, $0xb8;
	[tilespmem:$0x1E338] =	vst v63  }
0xb6: {  	_ = 	snop  }
0xb7: {  	[tilespmem:s31], [sflag:$0x4] =	stream.indirect.gather [hbm4b:s5+s24], $0x80, s30, s24, $0xb8;
	[tilespmem:$0x1E338] =	vst v63  }
0xb8: {  	_ =	swait.ge [sflag:s0], $0x2800  }
0xb9: {  	[sflag:s0] =	ssyncset.done $0x0  }
0xba: {  	[sflag:s0] =	ssyncadd.s32 $0xFFFFD800  }
0xbb: {  	v1 =	vld [tilespmem:$0x1C0]  }
0xbc: {  	v2 =	vld [tilespmem:$0x1B0]  }
0xbd: {  	v3 =	vld [tilespmem:$0x180]  }
0xbe: {  	v4 =	vld [tilespmem:$0x1A0]  }
0xbf: {  	v5 =	vld [tilespmem:$0x190]  }
0xc0: {  	[tilespmem:$0x340] =	vst v1  }
0xc1: {  	[tilespmem:$0x330] =	vst v2  }
0xc2: {  	[tilespmem:$0x300] =	vst v3  }
0xc3: {  	[tilespmem:$0x320] =	vst v4  }
0xc4: {  	[tilespmem:$0x310] =	vst v5  }
0xc5: {  	[spmem:s1] =	stream.indirect.scatter.add.f32 [tilespmem:s25], [sflag:$0x5], $0x80, s6, s24, $0xb8;
	[tilespmem:$0x1E338] =	vst v63  }
0xc6: {  	_ = 	snop  }
0xc7: {  	[spmem:s2] =	stream.indirect.scatter.add.f32 [tilespmem:s7], [sflag:$0x5], $0x1, s6, s24, $0xb8;
	[tilespmem:$0x1E338] =	vst v63  }
0xc8: {  	_ =	swait.ge [sflag:s8], $0x2800  }
0xc9: {  	[sflag:s8] =	ssyncset.done $0x0  }
0xca: {  	[sflag:s8] =	ssyncadd.s32 $0xFFFFD800  }
0xcb: {  	v1 =	vld [tilespmem:$0x1D0]  }
0xcc: {  	v2 =	vld [tilespmem:$0x1E0]  }
0xcd: {  	v3 =	vld [tilespmem:$0x1F0]  }
0xce: {  	v4 =	vld [tilespmem:$0x200]  }
0xcf: {  	v5 =	vld [tilespmem:$0x210]  }
0xd0: {  	[tilespmem:$0x380] =	vst v1  }
0xd1: {  	[tilespmem:$0x390] =	vst v2  }
0xd2: {  	[tilespmem:$0x3A0] =	vst v3  }
0xd3: {  	[tilespmem:$0x3B0] =	vst v4  }
0xd4: {  	[tilespmem:$0x3C0] =	vst v5  }
0xd5: {  	[spmem:s1] =	stream.indirect.scatter.add.f32 [tilespmem:s26], [sflag:$0x6], $0x80, s11, s24, $0xb8;
	[tilespmem:$0x1E338] =	vst v63  }
0xd6: {  	_ = 	snop  }
0xd7: {  	[spmem:s2] =	stream.indirect.scatter.add.f32 [tilespmem:s7], [sflag:$0x6], $0x1, s11, s24, $0xb8;
	[tilespmem:$0x1E338] =	vst v63  }
0xd8: {  	_ =	swait.ge [sflag:s12], $0x2800  }
0xd9: {  	[sflag:s12] =	ssyncset.done $0x0  }
0xda: {  	[sflag:s12] =	ssyncadd.s32 $0xFFFFD800  }
0xdb: {  	v5 =	vld [tilespmem:$0x250]  }
0xdc: {  	v1 =	vld [tilespmem:$0x260]  }
0xdd: {  	v2 =	vld [tilespmem:$0x230]  }
0xde: {  	v3 =	vld [tilespmem:$0x220]  }
0xdf: {  	s10 =	simm.s32 $0x28;
	v4 =	vld [tilespmem:$0x240]  }
.LBB2_6:
0xe0: {  	[tilespmem:$0x430] =	vst v5  }
0xe1: {  	[tilespmem:$0x440] =	vst v1  }
0xe2: {  	[tilespmem:$0x410] =	vst v2  }
0xe3: {  	[tilespmem:$0x400] =	vst v3  }
0xe4: {  	[tilespmem:$0x420] =	vst v4  }
0xe5: {  	[spmem:s1] =	stream.indirect.scatter.add.f32 [tilespmem:s29], [sflag:$0x7], $0x80, s14, s24, $0xb8;
	[tilespmem:$0x1E338] =	vst v63  }
0xe6: {  	_ = 	snop  }
0xe7: {  	[spmem:s2] =	stream.indirect.scatter.add.f32 [tilespmem:s7], [sflag:$0x7], $0x1, s14, s24, $0xb8;
	[tilespmem:$0x1E338] =	vst v63  }
0xe8: {  	_ =	swait.ge [sflag:s15], $0x2800  }
0xe9: {  	[sflag:s15] =	ssyncset.done $0x0  }
0xea: {  	[sflag:s15] =	ssyncadd.s32 $0xFFFFD800  }
0xeb: {  	v1 =	vld [tilespmem:$0x270];
	_ =	sdelay $0x1  }
0xec: {  	v2 =	vld [tilespmem:$0x280]  }
0xed: {  	v3 =	vld [tilespmem:$0x2A0]  }
0xee: {  	v4 =	vld [tilespmem:$0x2B0]  }
0xef: {  	[tilespmem:$0x480] =	vst v1;
	v1 =	vld [tilespmem:$0x290];
	_ =	sdelay $0x1  }
0xf0: {  	[tilespmem:$0x490] =	vst v2  }
0xf1: {  	[tilespmem:$0x4B0] =	vst v3  }
0xf2: {  	s13 =	smov.u32 s10;
	[tilespmem:$0x4C0] =	vst v4  }
0xf3: {  	p3 =	seq.s32 s13, $0x0;
	[tilespmem:$0x4A0] =	vst v1  }
0xf4: {  	[spmem:s1] =	stream.indirect.scatter.add.f32 [tilespmem:s31], [sflag:$0x8], $0x80, s16, s24, $0xb8;
	[tilespmem:$0x1E338] =	vst v63  }
0xf5: {  	s17 =	simm.s32 @!p3 $0x5  }
0xf6: {  	[spmem:s2] =	stream.indirect.scatter.add.f32 [tilespmem:s7], [sflag:$0x8], $0x1, s16, s24, $0xb8;
	[tilespmem:$0x1E338] =	vst v63  }
0xf7: {  	_ =	swait.ge @!p3 [sflag:s17], $0x2800  }
0xf8: {  	[sflag:s17] =	ssyncset.done @!p3 $0x0  }
0xf9: {  	[sflag:s17] =	ssyncadd.s32 @!p3 $0xFFFFD800  }
0xfa: {  	_ =	swait.ge @!p3 [sflag:s17], $0x50  }
0xfb: {  	[sflag:s17] =	ssyncset.done @!p3 $0x0  }
0xfc: {  	[sflag:s17] =	ssyncadd.s32 @!p3 $0xFFFFFFB0;
	s17 =	simm.s32 @!p3 $0x6  }
0xfd: {  	_ =	swait.ge @!p3 [sflag:s17], $0x2800  }
0xfe: {  	[sflag:s17] =	ssyncset.done @!p3 $0x0  }
0xff: {  	[sflag:s17] =	ssyncadd.s32 @!p3 $0xFFFFD800  }
0x100: {  	_ =	swait.ge @!p3 [sflag:s17], $0x50  }
0x101: {  	[sflag:s17] =	ssyncset.done @!p3 $0x0  }
0x102: {  	[sflag:s17] =	ssyncadd.s32 @!p3 $0xFFFFFFB0;
	s17 =	simm.s32 @!p3 $0x7  }
0x103: {  	_ =	swait.ge @!p3 [sflag:s17], $0x2800  }
0x104: {  	[sflag:s17] =	ssyncset.done @!p3 $0x0  }
0x105: {  	[sflag:s17] =	ssyncadd.s32 @!p3 $0xFFFFD800  }
0x106: {  	_ =	swait.ge @!p3 [sflag:s17], $0x50  }
0x107: {  	[sflag:s17] =	ssyncset.done @!p3 $0x0  }
0x108: {  	[sflag:s17] =	ssyncadd.s32 @!p3 $0xFFFFFFB0;
	s17 =	simm.s32 @!p3 $0x8  }
0x109: {  	_ =	swait.ge @!p3 [sflag:s17], $0x2800  }
0x10a: {  	[sflag:s17] =	ssyncset.done @!p3 $0x0  }
0x10b: {  	[sflag:s17] =	ssyncadd.s32 @!p3 $0xFFFFD800  }
0x10c: {  	_ =	swait.ge @!p3 [sflag:s17], $0x50  }
0x10d: {  	[sflag:s17] =	ssyncset.done @!p3 $0x0  }
0x10e: {  	s18 =	sadd.s32 s13, s20;
	[sflag:s17] =	ssyncadd.s32 @!p3 $0xFFFFFFB0  }
0x10f: {  	[tilespmem:s3], [sflag:$0x9] =	stream.linear.gather [hbm4b:s18+s3], $0x140, $0x38;
	[tilespmem:$0x1E338] =	vst v63  }
0x110: {  	_ =	swait.ge [sflag:s21], $0x140  }
0x111: {  	s22 =	rddreg [dreg:$0x6];
	[sflag:s21] =	ssyncset.done $0x0  }
0x112: {  	[sflag:s21] =	ssyncadd.s32 $0xFFFFFEC0;
	s13 =	sadd.s32 s13, s22  }
0x113: {  	[tilespmem:s23], [sflag:$0x9] =	stream.linear.gather [hbm4b:s13+s3], $0x140, $0x38;
	[tilespmem:$0x1E338] =	vst v63  }
0x114: {  	_ =	swait.ge [sflag:s21], $0x140  }
0x115: {  	[sflag:s21] =	ssyncset.done $0x0  }
0x116: {  	[sflag:s21] =	ssyncadd.s32 $0xFFFFFEC0  }
0x117: {  	[tilespmem:s25], [sflag:$0x1] =	stream.indirect.gather [hbm4b:s5+s24], $0x80, s3, s24, $0xb8;
	[tilespmem:$0x1E338] =	vst v63  }
0x118: {  	_ = 	snop  }
0x119: {  	[tilespmem:s26], [sflag:$0x2] =	stream.indirect.gather [hbm4b:s5+s24], $0x80, s24, s24, $0xb8;
	[tilespmem:$0x1E338] =	vst v63  }
0x11a: {  	_ = 	snop  }
0x11b: {  	[tilespmem:s29], [sflag:$0x3] =	stream.indirect.gather [hbm4b:s5+s24], $0x80, s28, s24, $0xb8;
	[tilespmem:$0x1E338] =	vst v63  }
0x11c: {  	_ = 	snop  }
0x11d: {  	[tilespmem:s31], [sflag:$0x4] =	stream.indirect.gather [hbm4b:s5+s24], $0x80, s30, s24, $0xb8;
	[tilespmem:$0x1E338] =	vst v63  }
0x11e: {  	_ =	swait.ge [sflag:s0], $0x2800  }
0x11f: {  	[sflag:s0] =	ssyncset.done $0x0  }
0x120: {  	[sflag:s0] =	ssyncadd.s32 $0xFFFFD800  }
0x121: {  	v1 =	vld [tilespmem:$0x1C0]  }
0x122: {  	v2 =	vld [tilespmem:$0x1B0]  }
0x123: {  	v3 =	vld [tilespmem:$0x180]  }
0x124: {  	v4 =	vld [tilespmem:$0x1A0]  }
0x125: {  	v5 =	vld [tilespmem:$0x190]  }
0x126: {  	[tilespmem:$0x340] =	vst v1  }
0x127: {  	[tilespmem:$0x330] =	vst v2  }
0x128: {  	[tilespmem:$0x300] =	vst v3  }
0x129: {  	[tilespmem:$0x320] =	vst v4  }
0x12a: {  	[tilespmem:$0x310] =	vst v5  }
0x12b: {  	[spmem:s1] =	stream.indirect.scatter.add.f32 [tilespmem:s25], [sflag:$0x5], $0x80, s6, s24, $0xb8;
	[tilespmem:$0x1E338] =	vst v63  }
0x12c: {  	_ = 	snop  }
0x12d: {  	[spmem:s2] =	stream.indirect.scatter.add.f32 [tilespmem:s7], [sflag:$0x5], $0x1, s6, s24, $0xb8;
	[tilespmem:$0x1E338] =	vst v63  }
0x12e: {  	_ =	swait.ge [sflag:s8], $0x2800  }
0x12f: {  	[sflag:s8] =	ssyncset.done $0x0  }
0x130: {  	[sflag:s8] =	ssyncadd.s32 $0xFFFFD800  }
0x131: {  	v1 =	vld [tilespmem:$0x1D0]  }
0x132: {  	v2 =	vld [tilespmem:$0x1E0]  }
0x133: {  	v3 =	vld [tilespmem:$0x1F0]  }
0x134: {  	v4 =	vld [tilespmem:$0x200]  }
0x135: {  	v5 =	vld [tilespmem:$0x210]  }
0x136: {  	[tilespmem:$0x380] =	vst v1  }
0x137: {  	[tilespmem:$0x390] =	vst v2  }
0x138: {  	[tilespmem:$0x3A0] =	vst v3  }
0x139: {  	[tilespmem:$0x3B0] =	vst v4  }
0x13a: {  	[tilespmem:$0x3C0] =	vst v5  }
0x13b: {  	[spmem:s1] =	stream.indirect.scatter.add.f32 [tilespmem:s26], [sflag:$0x6], $0x80, s11, s24, $0xb8;
	[tilespmem:$0x1E338] =	vst v63  }
0x13c: {  	_ = 	snop  }
0x13d: {  	[spmem:s2] =	stream.indirect.scatter.add.f32 [tilespmem:s7], [sflag:$0x6], $0x1, s11, s24, $0xb8;
	[tilespmem:$0x1E338] =	vst v63  }
0x13e: {  	_ =	swait.ge [sflag:s12], $0x2800  }
0x13f: {  	s10 =	sadd.s32 $0x28, s10;
	[sflag:s12] =	ssyncset.done $0x0  }
0x140: {  	p2 =	sne.s32 s10, $0xA28;
	[sflag:s12] =	ssyncadd.s32 $0xFFFFD800  }
.Ltmp3:
0x141: {  	v5 =	vld [tilespmem:$0x250];
	(pc) =	sbr.rel @p2 .LBB2_6-.Ltmp3, $4  }
0x142: {  	v1 =	vld [tilespmem:$0x260]  }
0x143: {  	v2 =	vld [tilespmem:$0x230]  }
0x144: {  	v3 =	vld [tilespmem:$0x220]  }
0x145: {  	v4 =	vld [tilespmem:$0x240]  }
.Ltmp4:
0x146: {  	_ = 	snop;
	(pc) =	sbr.rel .LBB2_7-.Ltmp4, $1  }
0x147: {  	_ =	sdelay $0x3  }
.LBB2_2:
0x148: {  	s10 =	simm.s32 @!p2 $0x5  }
0x149: {  	_ =	swait.ge @!p2 [sflag:s10], $0x2800  }
0x14a: {  	[sflag:s10] =	ssyncset.done @!p2 $0x0  }
0x14b: {  	[sflag:s10] =	ssyncadd.s32 @!p2 $0xFFFFD800  }
0x14c: {  	_ =	swait.ge @!p2 [sflag:s10], $0x50  }
0x14d: {  	[sflag:s10] =	ssyncset.done @!p2 $0x0  }
0x14e: {  	[sflag:s10] =	ssyncadd.s32 @!p2 $0xFFFFFFB0;
	s10 =	simm.s32 @!p2 $0x6  }
0x14f: {  	_ =	swait.ge @!p2 [sflag:s10], $0x2800  }
0x150: {  	[sflag:s10] =	ssyncset.done @!p2 $0x0  }
0x151: {  	[sflag:s10] =	ssyncadd.s32 @!p2 $0xFFFFD800  }
0x152: {  	_ =	swait.ge @!p2 [sflag:s10], $0x50  }
0x153: {  	[sflag:s10] =	ssyncset.done @!p2 $0x0  }
0x154: {  	[sflag:s10] =	ssyncadd.s32 @!p2 $0xFFFFFFB0;
	s10 =	simm.s32 @!p2 $0x7  }
0x155: {  	_ =	swait.ge @!p2 [sflag:s10], $0x2800  }
0x156: {  	[sflag:s10] =	ssyncset.done @!p2 $0x0  }
0x157: {  	[sflag:s10] =	ssyncadd.s32 @!p2 $0xFFFFD800  }
0x158: {  	_ =	swait.ge @!p2 [sflag:s10], $0x50  }
0x159: {  	[sflag:s10] =	ssyncset.done @!p2 $0x0  }
0x15a: {  	[sflag:s10] =	ssyncadd.s32 @!p2 $0xFFFFFFB0;
	s10 =	simm.s32 @!p2 $0x8  }
0x15b: {  	_ =	swait.ge @!p2 [sflag:s10], $0x2800  }
0x15c: {  	[sflag:s10] =	ssyncset.done @!p2 $0x0  }
0x15d: {  	[sflag:s10] =	ssyncadd.s32 @!p2 $0xFFFFD800  }
0x15e: {  	_ =	swait.ge @!p2 [sflag:s10], $0x50  }
0x15f: {  	[sflag:s10] =	ssyncset.done @!p2 $0x0  }
0x160: {  	s18 =	sadd.s32 $0x0, s19;
	[sflag:s10] =	ssyncadd.s32 @!p2 $0xFFFFFFB0  }
0x161: {  	[tilespmem:s3], [sflag:$0x9] =	stream.linear.gather [hbm4b:s18+s3], $0x140, $0x38;
	[tilespmem:$0x1E338] =	vst v63  }
0x162: {  	_ =	swait.ge [sflag:s21], $0x140  }
0x163: {  	s22 =	rddreg [dreg:$0x5];
	[sflag:s21] =	ssyncset.done $0x0  }
0x164: {  	[sflag:s21] =	ssyncadd.s32 $0xFFFFFEC0;
	s10 =	sadd.s32 $0x0, s22  }
0x165: {  	[tilespmem:s23], [sflag:$0x9] =	stream.linear.gather [hbm4b:s10+s3], $0x140, $0x38;
	[tilespmem:$0x1E338] =	vst v63  }
0x166: {  	_ =	swait.ge [sflag:s21], $0x140  }
0x167: {  	[sflag:s21] =	ssyncset.done $0x0  }
0x168: {  	[sflag:s21] =	ssyncadd.s32 $0xFFFFFEC0  }
0x169: {  	[tilespmem:s25], [sflag:$0x1] =	stream.indirect.gather [hbm4b:s4+s24], $0x80, s3, s24, $0xb8;
	[tilespmem:$0x1E338] =	vst v63  }
0x16a: {  	_ = 	snop  }
0x16b: {  	[tilespmem:s26], [sflag:$0x2] =	stream.indirect.gather [hbm4b:s4+s24], $0x80, s24, s24, $0xb8;
	[tilespmem:$0x1E338] =	vst v63  }
0x16c: {  	_ = 	snop  }
0x16d: {  	[tilespmem:s29], [sflag:$0x3] =	stream.indirect.gather [hbm4b:s4+s24], $0x80, s28, s24, $0xb8;
	[tilespmem:$0x1E338] =	vst v63  }
0x16e: {  	_ = 	snop  }
0x16f: {  	[tilespmem:s31], [sflag:$0x4] =	stream.indirect.gather [hbm4b:s4+s24], $0x80, s30, s24, $0xb8;
	[tilespmem:$0x1E338] =	vst v63  }
0x170: {  	_ =	swait.ge [sflag:s0], $0x2800  }
0x171: {  	[sflag:s0] =	ssyncset.done $0x0  }
0x172: {  	[sflag:s0] =	ssyncadd.s32 $0xFFFFD800  }
0x173: {  	v1 =	vld [tilespmem:$0x1C0]  }
0x174: {  	v2 =	vld [tilespmem:$0x1B0]  }
0x175: {  	v3 =	vld [tilespmem:$0x180]  }
0x176: {  	v4 =	vld [tilespmem:$0x1A0]  }
0x177: {  	v5 =	vld [tilespmem:$0x190]  }
0x178: {  	[tilespmem:$0x340] =	vst v1  }
0x179: {  	[tilespmem:$0x330] =	vst v2  }
0x17a: {  	[tilespmem:$0x300] =	vst v3  }
0x17b: {  	[tilespmem:$0x320] =	vst v4  }
0x17c: {  	[tilespmem:$0x310] =	vst v5  }
0x17d: {  	[spmem:s1] =	stream.indirect.scatter.add.f32 [tilespmem:s25], [sflag:$0x5], $0x80, s6, s24, $0xb8;
	[tilespmem:$0x1E338] =	vst v63  }
0x17e: {  	_ = 	snop  }
0x17f: {  	[spmem:s2] =	stream.indirect.scatter.add.f32 [tilespmem:s7], [sflag:$0x5], $0x1, s6, s24, $0xb8;
	[tilespmem:$0x1E338] =	vst v63  }
0x180: {  	_ =	swait.ge [sflag:s8], $0x2800  }
0x181: {  	[sflag:s8] =	ssyncset.done $0x0  }
0x182: {  	[sflag:s8] =	ssyncadd.s32 $0xFFFFD800  }
0x183: {  	v1 =	vld [tilespmem:$0x1D0]  }
0x184: {  	v2 =	vld [tilespmem:$0x1E0]  }
0x185: {  	v3 =	vld [tilespmem:$0x1F0]  }
0x186: {  	v4 =	vld [tilespmem:$0x200]  }
0x187: {  	v5 =	vld [tilespmem:$0x210]  }
0x188: {  	[tilespmem:$0x380] =	vst v1  }
0x189: {  	[tilespmem:$0x390] =	vst v2  }
0x18a: {  	[tilespmem:$0x3A0] =	vst v3  }
0x18b: {  	[tilespmem:$0x3B0] =	vst v4  }
0x18c: {  	[tilespmem:$0x3C0] =	vst v5  }
0x18d: {  	[spmem:s1] =	stream.indirect.scatter.add.f32 [tilespmem:s26], [sflag:$0x6], $0x80, s11, s24, $0xb8;
	[tilespmem:$0x1E338] =	vst v63  }
0x18e: {  	_ = 	snop  }
0x18f: {  	[spmem:s2] =	stream.indirect.scatter.add.f32 [tilespmem:s7], [sflag:$0x6], $0x1, s11, s24, $0xb8;
	[tilespmem:$0x1E338] =	vst v63  }
0x190: {  	_ =	swait.ge [sflag:s12], $0x2800  }
0x191: {  	[sflag:s12] =	ssyncset.done $0x0  }
0x192: {  	[sflag:s12] =	ssyncadd.s32 $0xFFFFD800  }
0x193: {  	v5 =	vld [tilespmem:$0x250]  }
0x194: {  	v1 =	vld [tilespmem:$0x260]  }
0x195: {  	v2 =	vld [tilespmem:$0x230]  }
0x196: {  	v3 =	vld [tilespmem:$0x220]  }
0x197: {  	s10 =	simm.s32 $0x28;
	v4 =	vld [tilespmem:$0x240]  }
.LBB2_3:
0x198: {  	[tilespmem:$0x430] =	vst v5  }
0x199: {  	[tilespmem:$0x440] =	vst v1  }
0x19a: {  	[tilespmem:$0x410] =	vst v2  }
0x19b: {  	[tilespmem:$0x400] =	vst v3  }
0x19c: {  	[tilespmem:$0x420] =	vst v4  }
0x19d: {  	[spmem:s1] =	stream.indirect.scatter.add.f32 [tilespmem:s29], [sflag:$0x7], $0x80, s14, s24, $0xb8;
	[tilespmem:$0x1E338] =	vst v63  }
0x19e: {  	_ = 	snop  }
0x19f: {  	[spmem:s2] =	stream.indirect.scatter.add.f32 [tilespmem:s7], [sflag:$0x7], $0x1, s14, s24, $0xb8;
	[tilespmem:$0x1E338] =	vst v63  }
0x1a0: {  	_ =	swait.ge [sflag:s15], $0x2800  }
0x1a1: {  	[sflag:s15] =	ssyncset.done $0x0  }
0x1a2: {  	[sflag:s15] =	ssyncadd.s32 $0xFFFFD800  }
0x1a3: {  	v1 =	vld [tilespmem:$0x270];
	_ =	sdelay $0x1  }
0x1a4: {  	v2 =	vld [tilespmem:$0x280]  }
0x1a5: {  	v3 =	vld [tilespmem:$0x2A0]  }
0x1a6: {  	v4 =	vld [tilespmem:$0x2B0]  }
0x1a7: {  	[tilespmem:$0x480] =	vst v1;
	v1 =	vld [tilespmem:$0x290];
	_ =	sdelay $0x1  }
0x1a8: {  	[tilespmem:$0x490] =	vst v2  }
0x1a9: {  	[tilespmem:$0x4B0] =	vst v3  }
0x1aa: {  	s13 =	smov.u32 s10;
	[tilespmem:$0x4C0] =	vst v4  }
0x1ab: {  	p3 =	seq.s32 s13, $0x0;
	[tilespmem:$0x4A0] =	vst v1  }
0x1ac: {  	[spmem:s1] =	stream.indirect.scatter.add.f32 [tilespmem:s31], [sflag:$0x8], $0x80, s16, s24, $0xb8;
	[tilespmem:$0x1E338] =	vst v63  }
0x1ad: {  	s17 =	simm.s32 @!p3 $0x5  }
0x1ae: {  	[spmem:s2] =	stream.indirect.scatter.add.f32 [tilespmem:s7], [sflag:$0x8], $0x1, s16, s24, $0xb8;
	[tilespmem:$0x1E338] =	vst v63  }
0x1af: {  	_ =	swait.ge @!p3 [sflag:s17], $0x2800  }
0x1b0: {  	[sflag:s17] =	ssyncset.done @!p3 $0x0  }
0x1b1: {  	[sflag:s17] =	ssyncadd.s32 @!p3 $0xFFFFD800  }
0x1b2: {  	_ =	swait.ge @!p3 [sflag:s17], $0x50  }
0x1b3: {  	[sflag:s17] =	ssyncset.done @!p3 $0x0  }
0x1b4: {  	[sflag:s17] =	ssyncadd.s32 @!p3 $0xFFFFFFB0;
	s17 =	simm.s32 @!p3 $0x6  }
0x1b5: {  	_ =	swait.ge @!p3 [sflag:s17], $0x2800  }
0x1b6: {  	[sflag:s17] =	ssyncset.done @!p3 $0x0  }
0x1b7: {  	[sflag:s17] =	ssyncadd.s32 @!p3 $0xFFFFD800  }
0x1b8: {  	_ =	swait.ge @!p3 [sflag:s17], $0x50  }
0x1b9: {  	[sflag:s17] =	ssyncset.done @!p3 $0x0  }
0x1ba: {  	[sflag:s17] =	ssyncadd.s32 @!p3 $0xFFFFFFB0;
	s17 =	simm.s32 @!p3 $0x7  }
0x1bb: {  	_ =	swait.ge @!p3 [sflag:s17], $0x2800  }
0x1bc: {  	[sflag:s17] =	ssyncset.done @!p3 $0x0  }
0x1bd: {  	[sflag:s17] =	ssyncadd.s32 @!p3 $0xFFFFD800  }
0x1be: {  	_ =	swait.ge @!p3 [sflag:s17], $0x50  }
0x1bf: {  	[sflag:s17] =	ssyncset.done @!p3 $0x0  }
0x1c0: {  	[sflag:s17] =	ssyncadd.s32 @!p3 $0xFFFFFFB0;
	s17 =	simm.s32 @!p3 $0x8  }
0x1c1: {  	_ =	swait.ge @!p3 [sflag:s17], $0x2800  }
0x1c2: {  	[sflag:s17] =	ssyncset.done @!p3 $0x0  }
0x1c3: {  	[sflag:s17] =	ssyncadd.s32 @!p3 $0xFFFFD800  }
0x1c4: {  	_ =	swait.ge @!p3 [sflag:s17], $0x50  }
0x1c5: {  	[sflag:s17] =	ssyncset.done @!p3 $0x0  }
0x1c6: {  	s18 =	sadd.s32 s13, s19;
	[sflag:s17] =	ssyncadd.s32 @!p3 $0xFFFFFFB0  }
0x1c7: {  	[tilespmem:s3], [sflag:$0x9] =	stream.linear.gather [hbm4b:s18+s3], $0x140, $0x38;
	[tilespmem:$0x1E338] =	vst v63  }
0x1c8: {  	_ =	swait.ge [sflag:s21], $0x140  }
0x1c9: {  	s22 =	rddreg [dreg:$0x5];
	[sflag:s21] =	ssyncset.done $0x0  }
0x1ca: {  	[sflag:s21] =	ssyncadd.s32 $0xFFFFFEC0;
	s13 =	sadd.s32 s13, s22  }
0x1cb: {  	[tilespmem:s23], [sflag:$0x9] =	stream.linear.gather [hbm4b:s13+s3], $0x140, $0x38;
	[tilespmem:$0x1E338] =	vst v63  }
0x1cc: {  	_ =	swait.ge [sflag:s21], $0x140  }
0x1cd: {  	[sflag:s21] =	ssyncset.done $0x0  }
0x1ce: {  	[sflag:s21] =	ssyncadd.s32 $0xFFFFFEC0  }
0x1cf: {  	[tilespmem:s25], [sflag:$0x1] =	stream.indirect.gather [hbm4b:s4+s24], $0x80, s3, s24, $0xb8;
	[tilespmem:$0x1E338] =	vst v63  }
0x1d0: {  	_ = 	snop  }
0x1d1: {  	[tilespmem:s26], [sflag:$0x2] =	stream.indirect.gather [hbm4b:s4+s24], $0x80, s24, s24, $0xb8;
	[tilespmem:$0x1E338] =	vst v63  }
0x1d2: {  	_ = 	snop  }
0x1d3: {  	[tilespmem:s29], [sflag:$0x3] =	stream.indirect.gather [hbm4b:s4+s24], $0x80, s28, s24, $0xb8;
	[tilespmem:$0x1E338] =	vst v63  }
0x1d4: {  	_ = 	snop  }
0x1d5: {  	[tilespmem:s31], [sflag:$0x4] =	stream.indirect.gather [hbm4b:s4+s24], $0x80, s30, s24, $0xb8;
	[tilespmem:$0x1E338] =	vst v63  }
0x1d6: {  	_ =	swait.ge [sflag:s0], $0x2800  }
0x1d7: {  	[sflag:s0] =	ssyncset.done $0x0  }
0x1d8: {  	[sflag:s0] =	ssyncadd.s32 $0xFFFFD800  }
0x1d9: {  	v1 =	vld [tilespmem:$0x1C0]  }
0x1da: {  	v2 =	vld [tilespmem:$0x1B0]  }
0x1db: {  	v3 =	vld [tilespmem:$0x180]  }
0x1dc: {  	v4 =	vld [tilespmem:$0x1A0]  }
0x1dd: {  	v5 =	vld [tilespmem:$0x190]  }
0x1de: {  	[tilespmem:$0x340] =	vst v1  }
0x1df: {  	[tilespmem:$0x330] =	vst v2  }
0x1e0: {  	[tilespmem:$0x300] =	vst v3  }
0x1e1: {  	[tilespmem:$0x320] =	vst v4  }
0x1e2: {  	[tilespmem:$0x310] =	vst v5  }
0x1e3: {  	[spmem:s1] =	stream.indirect.scatter.add.f32 [tilespmem:s25], [sflag:$0x5], $0x80, s6, s24, $0xb8;
	[tilespmem:$0x1E338] =	vst v63  }
0x1e4: {  	_ = 	snop  }
0x1e5: {  	[spmem:s2] =	stream.indirect.scatter.add.f32 [tilespmem:s7], [sflag:$0x5], $0x1, s6, s24, $0xb8;
	[tilespmem:$0x1E338] =	vst v63  }
0x1e6: {  	_ =	swait.ge [sflag:s8], $0x2800  }
0x1e7: {  	[sflag:s8] =	ssyncset.done $0x0  }
0x1e8: {  	[sflag:s8] =	ssyncadd.s32 $0xFFFFD800  }
0x1e9: {  	v1 =	vld [tilespmem:$0x1D0]  }
0x1ea: {  	v2 =	vld [tilespmem:$0x1E0]  }
0x1eb: {  	v3 =	vld [tilespmem:$0x1F0]  }
0x1ec: {  	v4 =	vld [tilespmem:$0x200]  }
0x1ed: {  	v5 =	vld [tilespmem:$0x210]  }
0x1ee: {  	[tilespmem:$0x380] =	vst v1  }
0x1ef: {  	[tilespmem:$0x390] =	vst v2  }
0x1f0: {  	[tilespmem:$0x3A0] =	vst v3  }
0x1f1: {  	[tilespmem:$0x3B0] =	vst v4  }
0x1f2: {  	[tilespmem:$0x3C0] =	vst v5  }
0x1f3: {  	[spmem:s1] =	stream.indirect.scatter.add.f32 [tilespmem:s26], [sflag:$0x6], $0x80, s11, s24, $0xb8;
	[tilespmem:$0x1E338] =	vst v63  }
0x1f4: {  	_ = 	snop  }
0x1f5: {  	[spmem:s2] =	stream.indirect.scatter.add.f32 [tilespmem:s7], [sflag:$0x6], $0x1, s11, s24, $0xb8;
	[tilespmem:$0x1E338] =	vst v63  }
0x1f6: {  	_ =	swait.ge [sflag:s12], $0x2800  }
0x1f7: {  	s10 =	sadd.s32 $0x28, s10;
	[sflag:s12] =	ssyncset.done $0x0  }
0x1f8: {  	p2 =	seq.s32 s10, $0xA28;
	[sflag:s12] =	ssyncadd.s32 $0xFFFFD800  }
.Ltmp5:
0x1f9: {  	v5 =	vld [tilespmem:$0x250];
	(pc) =	sbr.rel @!p2 .LBB2_3-.Ltmp5, $4  }
0x1fa: {  	v1 =	vld [tilespmem:$0x260]  }
0x1fb: {  	v2 =	vld [tilespmem:$0x230]  }
0x1fc: {  	v3 =	vld [tilespmem:$0x220]  }
0x1fd: {  	v4 =	vld [tilespmem:$0x240]  }
0x1fe: {  	[tilespmem:$0x430] =	vst v5  }
0x1ff: {  	[tilespmem:$0x440] =	vst v1  }
0x200: {  	[tilespmem:$0x410] =	vst v2  }
0x201: {  	[tilespmem:$0x400] =	vst v3  }
0x202: {  	[tilespmem:$0x420] =	vst v4  }
0x203: {  	[spmem:s1] =	stream.indirect.scatter.add.f32 [tilespmem:s29], [sflag:$0x7], $0x80, s14, s24, $0xb8;
	[tilespmem:$0x1E338] =	vst v63  }
0x204: {  	_ = 	snop  }
0x205: {  	[spmem:s2] =	stream.indirect.scatter.add.f32 [tilespmem:s7], [sflag:$0x7], $0x1, s14, s24, $0xb8;
	[tilespmem:$0x1E338] =	vst v63  }
0x206: {  	_ =	swait.ge [sflag:s15], $0x2800  }
0x207: {  	[sflag:s15] =	ssyncset.done $0x0  }
0x208: {  	[sflag:s15] =	ssyncadd.s32 $0xFFFFD800  }
0x209: {  	v1 =	vld [tilespmem:$0x270]  }
0x20a: {  	v2 =	vld [tilespmem:$0x280]  }
0x20b: {  	v3 =	vld [tilespmem:$0x2A0]  }
0x20c: {  	v62 =	vld [tilespmem:$0x2B0]  }
0x20d: {  	v63 =	vld [tilespmem:$0x290]  }
0x20e: {  	[tilespmem:$0x480] =	vst v1  }
0x20f: {  	[tilespmem:$0x490] =	vst v2  }
0x210: {  	[tilespmem:$0x4B0] =	vst v3  }
.Ltmp6:
0x211: {  	[tilespmem:$0x4C0] =	vst v62;
	(pc) =	sbr.rel .LBB2_8-.Ltmp6, $4  }
0x212: {  	[tilespmem:$0x4A0] =	vst v63  }
0x213: {  	[spmem:s1] =	stream.indirect.scatter.add.f32 [tilespmem:s31], [sflag:$0x8], $0x80, s16, s24, $0xb8;
	[tilespmem:$0x1E338] =	vst v63  }
0x214: {  	_ = 	snop  }
0x215: {  	[spmem:s2] =	stream.indirect.scatter.add.f32 [tilespmem:s7], [sflag:$0x8], $0x1, s16, s24, $0xb8;
	[tilespmem:$0x1E338] =	vst v63  }
.LBB2_9:
0x216: {  	_ =	sfence.sel $0x180000  }
0x217: {  	[bflag:$0x0] =	sbarrier.arrive $0xFFFF  }
0x218: {  	_ =	strace $0x90000047  }
0x219: {  	[bflag:$0x2] =	sbarrier.arrive $0xFFFF  }
0x21a: {  	s0 =	rddreg [dreg:$0x4]  }
0x21b: {  	s0 =	sadd.s32 @!p1 $0x100000, s0  }
0x21c: {  	[sflag:s0] =	ssyncadd.tile.s32 @!p1 $0x1;
	_ =	shalt  }
.Lfunc_end2:
_tile_overlayer_lowered:
.L_overlay_start_2:
0x21d: {  	(tag) =	ssettag $0x2  }
0x21e: {  	s0 =	rddreg [dreg:$0x0];
	s2 =	stileid.u32  }
0x21f: {  	s1 =	rddreg [dreg:$0x1];
	p0 =	sne.s32 s2, $0x0  }
0x220: {  	s3 =	rddreg [dreg:$0x2];
	[bflag:$0x3] =	sbarrier.arrive $0xFFFF;
	s2 =	simm.s32 @!p0 $0x1C09  }
0x221: {  	[timem:s3], [sflag:s2] =	dma.local @!p0 [hbm:s0], s1  }
0x222: {  	s0 =	simm.s32 @!p0 $0x9  }
0x223: {  	_ =	swait.ge @!p0 [sflag:s0], s1  }
0x224: {  	s1 =	ssub.s32 @!p0 $0x0, s1;
	[sflag:s0] =	ssyncset.done @!p0 $0x0  }
0x225: {  	[sflag:s0] =	ssyncadd.s32 @!p0 s1  }
0x226: {  	[bflag:$0x3] =	sbarrier.arrive $0xFFFF  }
0x227: {  	_ =	shalt  }

</sc_bundles>
